<compile_context>
chip_gen: v7x
topology: tpu7x:2x2x1
jax: 0.10.2.dev20260603
libtpu: 0.0.44.dev20260713+nightly
codegen_flags: <defaults>
</compile_context>

<pallas_src>
import functools

import jax
import jax.numpy as jnp
from jax import lax
from jax.experimental import pallas as pl
from jax.experimental.pallas import tpu as pltpu
from jax.experimental.pallas import tpu_sc as plsc

N = 10000
E = 320000
H1 = 256
H2 = 16
BN_EPS = 1e-5

NC = 2
NS = 16
TILES = NC * NS
EDGES_PER_TILE = E // TILES
C = 80
K = EDGES_PER_TILE // C


def _sc1_body(x_hbm, src_hbm, dst_hbm, ew_hbm, zeros_hbm, out_hbm,
              x_v, src_v, dst_v, ew_v, msg_v, acc_sh, sem):
    c = lax.axis_index("c")
    s = lax.axis_index("s")
    row = c * NS + s

    pltpu.sync_copy(x_hbm, x_v)
    pltpu.sync_copy(src_hbm.at[row], src_v)
    pltpu.sync_copy(dst_hbm.at[row], dst_v)
    pltpu.sync_copy(ew_hbm.at[row], ew_v)

    @pl.when(s == 0)
    def _():
        pltpu.sync_copy(zeros_hbm, acc_sh)

    plsc.subcore_barrier()

    def chunk(j, carry):
        for g in range(C // 16):
            idx = src_v[j, pl.ds(g * 16, 16)]
            ew16 = ew_v[j, pl.ds(g * 16, 16)]
            vals = plsc.load_gather(x_v, [idx])
            msg_v[j, pl.ds(g * 16, 16)] = vals * ew16
        pltpu.async_copy(msg_v.at[j], acc_sh.at[dst_v.at[j]], sem, add=True)
        return carry

    lax.fori_loop(0, K, chunk, 0)

    def drain(j, carry):
        pltpu.make_async_copy(msg_v.at[j], acc_sh.at[dst_v.at[j]], sem).wait()
        return carry

    lax.fori_loop(0, K, drain, 0)

    plsc.subcore_barrier()

    @pl.when(s == 0)
    def _():
        pltpu.sync_copy(acc_sh, out_hbm.at[c])


_SC_PARAMS = pltpu.CompilerParams(
    needs_layout_passes=False, use_tc_tiling_on_sc=False)

_sc1 = functools.partial(
    pl.kernel,
    out_type=jax.ShapeDtypeStruct((NC, N), jnp.float32),
    mesh=plsc.VectorSubcoreMesh(core_axis_name="c", subcore_axis_name="s"),
    compiler_params=_SC_PARAMS,
    scratch_types=[
        pltpu.VMEM((N,), jnp.float32),
        pltpu.VMEM((K, C), jnp.int32),
        pltpu.VMEM((K, C), jnp.int32),
        pltpu.VMEM((K, C), jnp.float32),
        pltpu.VMEM((K, C), jnp.float32),
        pltpu.VMEM_SHARED((N,), jnp.float32),
        pltpu.SemaphoreType.DMA,
    ],
)(_sc1_body)


def _sc2_body(p_hbm, src_hbm, dst_hbm, ew_hbm, zeros_hbm, out_hbm,
              src_v, dst_v, ew_v, rows0_v, rows1_v, acc_sh, gsem0, gsem1):
    c = lax.axis_index("c")
    s = lax.axis_index("s")
    row = c * NS + s

    pltpu.sync_copy(src_hbm.at[row], src_v)
    pltpu.sync_copy(dst_hbm.at[row], dst_v)
    pltpu.sync_copy(ew_hbm.at[row], ew_v)

    @pl.when(s == 0)
    def _():
        pltpu.sync_copy(zeros_hbm, acc_sh)

    plsc.subcore_barrier()

    def start_gather(j, rows_v, gsem):
        pltpu.async_copy(p_hbm.at[src_v.at[j]], rows_v, gsem)

    def wait_gather(j, rows_v, gsem):
        pltpu.make_async_copy(p_hbm.at[src_v.at[j]], rows_v, gsem).wait()

    def scale_and_scatter(j, rows_v):
        for g in range(C // 16):
            ew16 = ew_v[j, pl.ds(g * 16, 16)]
            for l in range(16):
                e = g * 16 + l
                scale = lax.gather(
                    ew16, jnp.full((16, 1), l, jnp.int32),
                    dimension_numbers=lax.GatherDimensionNumbers(
                        offset_dims=(), collapsed_slice_dims=(0,),
                        start_index_map=(0,)),
                    slice_sizes=(1,),
                    mode=lax.GatherScatterMode.PROMISE_IN_BOUNDS)
                rows_v[e, :] = rows_v[e, :] * scale
        pltpu.sync_copy(rows_v, acc_sh.at[dst_v.at[j]], add=True)

    start_gather(0, rows0_v, gsem0)

    def chunk2(j2, carry):
        j = 2 * j2
        wait_gather(j, rows0_v, gsem0)
        start_gather(j + 1, rows1_v, gsem1)
        scale_and_scatter(j, rows0_v)
        wait_gather(j + 1, rows1_v, gsem1)
        start_gather(j + 2, rows0_v, gsem0)
        scale_and_scatter(j + 1, rows1_v)
        return carry

    lax.fori_loop(0, (K - 1) // 2, chunk2, 0)
    wait_gather(K - 1, rows0_v, gsem0)
    scale_and_scatter(K - 1, rows0_v)

    plsc.subcore_barrier()

    @pl.when(s == 0)
    def _():
        pltpu.sync_copy(acc_sh, out_hbm.at[c])


_sc2 = functools.partial(
    pl.kernel,
    out_type=jax.ShapeDtypeStruct((NC, N, H2), jnp.float32),
    mesh=plsc.VectorSubcoreMesh(core_axis_name="c", subcore_axis_name="s"),
    compiler_params=_SC_PARAMS,
    scratch_types=[
        pltpu.VMEM((K, C), jnp.int32),
        pltpu.VMEM((K, C), jnp.int32),
        pltpu.VMEM((K, C), jnp.float32),
        pltpu.VMEM((C, H2), jnp.float32),
        pltpu.VMEM((C, H2), jnp.float32),
        pltpu.VMEM_SHARED((N, H2), jnp.float32),
        pltpu.SemaphoreType.DMA,
        pltpu.SemaphoreType.DMA,
    ],
)(_sc2_body)


R1 = N


def _tc1_body(parts_ref, x_ref, uvwt_ref, w2rel_ref, w2root_ref, p_ref, r_ref):
    a1 = parts_ref[0:1, :] + parts_ref[1:2, :]
    ones = jnp.ones((1, R1), dtype=jnp.float32)
    at = jnp.concatenate([a1, x_ref[...], ones], axis=0)
    ht = jnp.maximum(
        jnp.dot(uvwt_ref[...], at, preferred_element_type=jnp.float32), 0.0
    )
    dn = (((0,), (0,)), ((), ()))
    p_ref[...] = lax.dot_general(ht, w2rel_ref[...], dn,
                                 preferred_element_type=jnp.float32)
    r_ref[...] = lax.dot_general(ht, w2root_ref[...], dn,
                                 preferred_element_type=jnp.float32)


def _tc1(parts, x_row, uvwt, w2rel, w2root):
    return pl.pallas_call(
        _tc1_body,
        grid=(1,),
        in_specs=[
            pl.BlockSpec((NC, R1), lambda i: (0, i)),
            pl.BlockSpec((1, R1), lambda i: (0, i)),
            pl.BlockSpec((H1, 3), lambda i: (0, 0)),
            pl.BlockSpec((H1, H2), lambda i: (0, 0)),
            pl.BlockSpec((H1, H2), lambda i: (0, 0)),
        ],
        out_specs=[
            pl.BlockSpec((R1, H2), lambda i: (i, 0)),
            pl.BlockSpec((R1, H2), lambda i: (i, 0)),
        ],
        out_shape=[
            jax.ShapeDtypeStruct((N, H2), jnp.float32),
            jax.ShapeDtypeStruct((N, H2), jnp.float32),
        ],
    )(parts, x_row, uvwt, w2rel, w2root)


NR = N // 8


def _tc2_body(parts_ref, r_ref, b2t_ref, wlk_ref, bl8_ref, out_ref):
    z = jnp.maximum(
        parts_ref[0] + parts_ref[1] + r_ref[...] + b2t_ref[...], 0.0)
    out_ref[...] = (
        jnp.dot(z, wlk_ref[...], preferred_element_type=jnp.float32)
        + bl8_ref[...])


def _tc2(parts2, r_flat, b2t, wlk, bl8):
    return pl.pallas_call(
        _tc2_body,
        grid=(1,),
        in_specs=[
            pl.BlockSpec((NC, NR, 128), lambda i: (0, 0, 0)),
            pl.BlockSpec((NR, 128), lambda i: (0, 0)),
            pl.BlockSpec((1, 128), lambda i: (0, 0)),
            pl.BlockSpec((128, 8), lambda i: (0, 0)),
            pl.BlockSpec((1, 8), lambda i: (0, 0)),
        ],
        out_specs=pl.BlockSpec((NR, 8), lambda i: (0, 0)),
        out_shape=jax.ShapeDtypeStruct((NR, 8), jnp.float32),
    )(parts2, r_flat, b2t, wlk, bl8)


def kernel(x, edge_index, edge_weight, W1_rel, b1_rel, W1_root,
           bn_gamma, bn_beta, bn_mean, bn_var,
           W2_rel, b2_rel, W2_root, Wl, bl):
    f32 = jnp.float32
    bn_scale = bn_gamma * lax.rsqrt(bn_var + BN_EPS)
    u = W1_rel[0] * bn_scale
    v = W1_root[0] * bn_scale
    w = (b1_rel - bn_mean) * bn_scale + bn_beta
    uvwt = jnp.stack([u, v, w], axis=1).astype(f32)

    src3 = edge_index[0].reshape(TILES, K, C)
    dst3 = edge_index[1].reshape(TILES, K, C)
    ew3 = edge_weight.reshape(TILES, K, C).astype(f32)

    x_flat = x.reshape(N).astype(f32)
    zeros_n = jnp.zeros((N,), f32)
    zeros_nh = jnp.zeros((N, H2), f32)

    parts1 = _sc1(x_flat, src3, dst3, ew3, zeros_n)
    p, r = _tc1(parts1, x_flat.reshape(1, N), uvwt, W2_rel, W2_root)
    parts2 = _sc2(p, src3, dst3, ew3, zeros_nh)

    b2t = jnp.tile(b2_rel, 8).reshape(1, 128)
    wlk = jnp.kron(jnp.eye(8, dtype=f32), Wl)
    bl8 = jnp.tile(bl, 8).reshape(1, 8)
    out = _tc2(parts2.reshape(NC, NR, 128), r.reshape(NR, 128),
               b2t, wlk, bl8)
    return out.reshape(N, 1)

# --- scband reference (transcript-rebuilt; emitter-appended) ---
"""Pipeline reference for scband-gnn-15341623181990 (READ-ONLY COPY).

The authoritative reference and input builder live on the scoring server;
editing this copy changes nothing except your own understanding.
"""

import jax, jax.numpy as jnp
import numpy as np

N = 10000
E = 320000
H1 = 256
H2 = 16
BN_EPS = 1e-5


def setup_inputs(seed: int = 0) -> dict:
    key = jax.random.key(seed)
    ks = jax.random.split(key, 16)
    x = jax.random.normal(ks[0], (N, 1), dtype=jnp.float32)
    edge_index = jax.random.randint(ks[1], (2, E), 0, N, dtype=jnp.int32)
    edge_weight = jax.random.uniform(ks[2], (E,), dtype=jnp.float32)
    # GraphConv(1 -> H1): lin_rel (weight+bias), lin_root (weight only)
    W1_rel = jax.random.normal(ks[3], (1, H1), dtype=jnp.float32) * 0.5
    b1_rel = jnp.zeros((H1,), dtype=jnp.float32)
    W1_root = jax.random.normal(ks[4], (1, H1), dtype=jnp.float32) * 0.5
    # BatchNorm(H1) params + running stats (eval mode)
    bn_gamma = jnp.ones((H1,), dtype=jnp.float32)
    bn_beta = jnp.zeros((H1,), dtype=jnp.float32)
    bn_mean = jnp.zeros((H1,), dtype=jnp.float32)
    bn_var = jnp.ones((H1,), dtype=jnp.float32)
    # GraphConv(H1 -> H2)
    W2_rel = jax.random.normal(ks[5], (H1, H2), dtype=jnp.float32) * (1.0 / np.sqrt(H1))
    b2_rel = jnp.zeros((H2,), dtype=jnp.float32)
    W2_root = jax.random.normal(ks[6], (H1, H2), dtype=jnp.float32) * (1.0 / np.sqrt(H1))
    # Linear(H2 -> 1)
    Wl = jax.random.normal(ks[7], (H2, 1), dtype=jnp.float32) * (1.0 / np.sqrt(H2))
    bl = jnp.zeros((1,), dtype=jnp.float32)
    return {
        "x": x, "edge_index": edge_index, "edge_weight": edge_weight,
        "W1_rel": W1_rel, "b1_rel": b1_rel, "W1_root": W1_root,
        "bn_gamma": bn_gamma, "bn_beta": bn_beta, "bn_mean": bn_mean, "bn_var": bn_var,
        "W2_rel": W2_rel, "b2_rel": b2_rel, "W2_root": W2_root,
        "Wl": Wl, "bl": bl,
    }


def _graph_conv(h, src, dst, edge_weight, W_rel, b_rel, W_root):
    # PyG GraphConv with aggr='add': out = lin_rel(sum_j w_ij * x_j) + lin_root(x_i)
    msg = h[src] * edge_weight[:, None]
    agg = jax.ops.segment_sum(msg, dst, num_segments=N)
    return agg @ W_rel + b_rel + h @ W_root


def reference(x, edge_index, edge_weight, W1_rel, b1_rel, W1_root,
              bn_gamma, bn_beta, bn_mean, bn_var,
              W2_rel, b2_rel, W2_root, Wl, bl):
    src = edge_index[0]
    dst = edge_index[1]
    h = _graph_conv(x, src, dst, edge_weight, W1_rel, b1_rel, W1_root)
    h = jax.nn.relu(h)
    # BatchNorm1d in eval mode (running stats); dropout is identity in eval
    h = (h - bn_mean) / jnp.sqrt(bn_var + BN_EPS) * bn_gamma + bn_beta
    h = _graph_conv(h, src, dst, edge_weight, W2_rel, b2_rel, W2_root)
    h = jax.nn.relu(h)
    out = h @ Wl + bl
    return out

if __name__ == "__main__":
    import jax
    _d = setup_inputs()
    print(jax.jit(kernel)(*tuple(_d.values())))

</pallas_src>

<mosaic_0001>
#map = affine_map<(d0, d1) -> (0)>
#map1 = affine_map<(d0, d1) -> (0, 0, 0)>
#map2 = affine_map<(d0, d1) -> (0, 0)>
module attributes {stable_mosaic.version = 14 : i64} {
  func.func @_sc1_body(%arg0: i32, %arg1: i32, %arg2: memref<10000xf32, #tpu.memory_space<hbm>>, %arg3: memref<32x125x80xi32, #tpu.memory_space<hbm>>, %arg4: memref<32x125x80xi32, #tpu.memory_space<hbm>>, %arg5: memref<32x125x80xf32, #tpu.memory_space<hbm>>, %arg6: memref<10000xf32, #tpu.memory_space<hbm>>, %arg7: memref<2x10000xf32, #tpu.memory_space<hbm>>, %arg8: memref<10000xf32, #tpu.memory_space<vmem>>, %arg9: memref<125x80xi32, #tpu.memory_space<vmem>>, %arg10: memref<125x80xi32, #tpu.memory_space<vmem>>, %arg11: memref<125x80xf32, #tpu.memory_space<vmem>>, %arg12: memref<125x80xf32, #tpu.memory_space<vmem>>, %arg13: memref<10000xf32, #tpu.memory_space<vmem_shared>>, %arg14: memref<!tpu.dma_semaphore, #tpu.memory_space<semaphore_mem>>) attributes {dimension_semantics = [#tpu.dimension_semantics<core_parallel>, #tpu.dimension_semantics<subcore_parallel>], iteration_bounds = array<i64: 2, 16>, scalar_prefetch = 0 : i64, scratch_operands = 7 : i64, tpu.core_type = #tpu.core_type<sc_vector_subcore>, window_params = [{transform_indices = #map}, {transform_indices = #map1}, {transform_indices = #map1}, {transform_indices = #map1}, {transform_indices = #map}, {transform_indices = #map2}]} {
    %mul3A = arith.constant 16 : i32
    %mul3A_0 = arith.muli %arg0, %mul3A : i32
    %add3A = arith.addi %mul3A_0, %arg1 : i32
    "tpu.region"() ({
      %run_scoped3A = tpu.sem_alloc : memref<!tpu.dma_semaphore, #tpu.memory_space<semaphore_mem>>
      tpu.enqueue_dma source(%arg2 : memref<10000xf32, #tpu.memory_space<hbm>>) target(%arg8 : memref<10000xf32, #tpu.memory_space<vmem>>) target_semaphore(%run_scoped3A : memref<!tpu.dma_semaphore, #tpu.memory_space<semaphore_mem>>)
      tpu.wait_dma2 semaphore(%run_scoped3A : memref<!tpu.dma_semaphore, #tpu.memory_space<semaphore_mem>>) src(%arg2 : memref<10000xf32, #tpu.memory_space<hbm>>) dst(%arg8 : memref<10000xf32, #tpu.memory_space<vmem>>)
      tpu.yield
    }) : () -> ()
    "tpu.region"() ({
      %run_scoped3A = tpu.sem_alloc : memref<!tpu.dma_semaphore, #tpu.memory_space<semaphore_mem>>
      %dma_start3A = arith.constant 0 : i32
      %dma_start3A_20 = arith.constant 0 : i32
      %dma_start3A_21 = tpu.memref_slice %arg3[%add3A, %dma_start3A, %dma_start3A_20] : memref<32x125x80xi32, #tpu.memory_space<hbm>> -> memref<1x125x80xi32, #tpu.memory_space<hbm>>
      %dma_start3A_22 = tpu.memref_squeeze %dma_start3A_21 : memref<1x125x80xi32, #tpu.memory_space<hbm>> -> memref<125x80xi32, #tpu.memory_space<hbm>>
      %dma_start3A_23 = arith.constant 0 : i32
      %dma_start3A_24 = arith.constant 0 : i32
      %dma_start3A_25 = tpu.memref_slice %arg3[%add3A, %dma_start3A_23, %dma_start3A_24] : memref<32x125x80xi32, #tpu.memory_space<hbm>> -> memref<1x125x80xi32, #tpu.memory_space<hbm>>
      %dma_start3A_26 = tpu.memref_squeeze %dma_start3A_25 : memref<1x125x80xi32, #tpu.memory_space<hbm>> -> memref<125x80xi32, #tpu.memory_space<hbm>>
      tpu.enqueue_dma source(%dma_start3A_26 : memref<125x80xi32, #tpu.memory_space<hbm>>) target(%arg9 : memref<125x80xi32, #tpu.memory_space<vmem>>) target_semaphore(%run_scoped3A : memref<!tpu.dma_semaphore, #tpu.memory_space<semaphore_mem>>)
      %dma_wait3A = arith.constant 0 : i32
      %dma_wait3A_27 = arith.constant 0 : i32
      %dma_wait3A_28 = tpu.memref_slice %arg3[%add3A, %dma_wait3A, %dma_wait3A_27] : memref<32x125x80xi32, #tpu.memory_space<hbm>> -> memref<1x125x80xi32, #tpu.memory_space<hbm>>
      %dma_wait3A_29 = tpu.memref_squeeze %dma_wait3A_28 : memref<1x125x80xi32, #tpu.memory_space<hbm>> -> memref<125x80xi32, #tpu.memory_space<hbm>>
      %dma_wait3A_30 = arith.constant 0 : i32
      %dma_wait3A_31 = arith.constant 0 : i32
      %dma_wait3A_32 = tpu.memref_slice %arg3[%add3A, %dma_wait3A_30, %dma_wait3A_31] : memref<32x125x80xi32, #tpu.memory_space<hbm>> -> memref<1x125x80xi32, #tpu.memory_space<hbm>>
      %dma_wait3A_33 = tpu.memref_squeeze %dma_wait3A_32 : memref<1x125x80xi32, #tpu.memory_space<hbm>> -> memref<125x80xi32, #tpu.memory_space<hbm>>
      tpu.wait_dma2 semaphore(%run_scoped3A : memref<!tpu.dma_semaphore, #tpu.memory_space<semaphore_mem>>) src(%dma_wait3A_33 : memref<125x80xi32, #tpu.memory_space<hbm>>) dst(%arg9 : memref<125x80xi32, #tpu.memory_space<vmem>>)
      tpu.yield
    }) : () -> ()
    "tpu.region"() ({
      %run_scoped3A = tpu.sem_alloc : memref<!tpu.dma_semaphore, #tpu.memory_space<semaphore_mem>>
      %dma_start3A = arith.constant 0 : i32
      %dma_start3A_20 = arith.constant 0 : i32
      %dma_start3A_21 = tpu.memref_slice %arg4[%add3A, %dma_start3A, %dma_start3A_20] : memref<32x125x80xi32, #tpu.memory_space<hbm>> -> memref<1x125x80xi32, #tpu.memory_space<hbm>>
      %dma_start3A_22 = tpu.memref_squeeze %dma_start3A_21 : memref<1x125x80xi32, #tpu.memory_space<hbm>> -> memref<125x80xi32, #tpu.memory_space<hbm>>
      %dma_start3A_23 = arith.constant 0 : i32
      %dma_start3A_24 = arith.constant 0 : i32
      %dma_start3A_25 = tpu.memref_slice %arg4[%add3A, %dma_start3A_23, %dma_start3A_24] : memref<32x125x80xi32, #tpu.memory_space<hbm>> -> memref<1x125x80xi32, #tpu.memory_space<hbm>>
      %dma_start3A_26 = tpu.memref_squeeze %dma_start3A_25 : memref<1x125x80xi32, #tpu.memory_space<hbm>> -> memref<125x80xi32, #tpu.memory_space<hbm>>
      tpu.enqueue_dma source(%dma_start3A_26 : memref<125x80xi32, #tpu.memory_space<hbm>>) target(%arg10 : memref<125x80xi32, #tpu.memory_space<vmem>>) target_semaphore(%run_scoped3A : memref<!tpu.dma_semaphore, #tpu.memory_space<semaphore_mem>>)
      %dma_wait3A = arith.constant 0 : i32
      %dma_wait3A_27 = arith.constant 0 : i32
      %dma_wait3A_28 = tpu.memref_slice %arg4[%add3A, %dma_wait3A, %dma_wait3A_27] : memref<32x125x80xi32, #tpu.memory_space<hbm>> -> memref<1x125x80xi32, #tpu.memory_space<hbm>>
      %dma_wait3A_29 = tpu.memref_squeeze %dma_wait3A_28 : memref<1x125x80xi32, #tpu.memory_space<hbm>> -> memref<125x80xi32, #tpu.memory_space<hbm>>
      %dma_wait3A_30 = arith.constant 0 : i32
      %dma_wait3A_31 = arith.constant 0 : i32
      %dma_wait3A_32 = tpu.memref_slice %arg4[%add3A, %dma_wait3A_30, %dma_wait3A_31] : memref<32x125x80xi32, #tpu.memory_space<hbm>> -> memref<1x125x80xi32, #tpu.memory_space<hbm>>
      %dma_wait3A_33 = tpu.memref_squeeze %dma_wait3A_32 : memref<1x125x80xi32, #tpu.memory_space<hbm>> -> memref<125x80xi32, #tpu.memory_space<hbm>>
      tpu.wait_dma2 semaphore(%run_scoped3A : memref<!tpu.dma_semaphore, #tpu.memory_space<semaphore_mem>>) src(%dma_wait3A_33 : memref<125x80xi32, #tpu.memory_space<hbm>>) dst(%arg10 : memref<125x80xi32, #tpu.memory_space<vmem>>)
      tpu.yield
    }) : () -> ()
    "tpu.region"() ({
      %run_scoped3A = tpu.sem_alloc : memref<!tpu.dma_semaphore, #tpu.memory_space<semaphore_mem>>
      %dma_start3A = arith.constant 0 : i32
      %dma_start3A_20 = arith.constant 0 : i32
      %dma_start3A_21 = tpu.memref_slice %arg5[%add3A, %dma_start3A, %dma_start3A_20] : memref<32x125x80xf32, #tpu.memory_space<hbm>> -> memref<1x125x80xf32, #tpu.memory_space<hbm>>
      %dma_start3A_22 = tpu.memref_squeeze %dma_start3A_21 : memref<1x125x80xf32, #tpu.memory_space<hbm>> -> memref<125x80xf32, #tpu.memory_space<hbm>>
      %dma_start3A_23 = arith.constant 0 : i32
      %dma_start3A_24 = arith.constant 0 : i32
      %dma_start3A_25 = tpu.memref_slice %arg5[%add3A, %dma_start3A_23, %dma_start3A_24] : memref<32x125x80xf32, #tpu.memory_space<hbm>> -> memref<1x125x80xf32, #tpu.memory_space<hbm>>
      %dma_start3A_26 = tpu.memref_squeeze %dma_start3A_25 : memref<1x125x80xf32, #tpu.memory_space<hbm>> -> memref<125x80xf32, #tpu.memory_space<hbm>>
      tpu.enqueue_dma source(%dma_start3A_26 : memref<125x80xf32, #tpu.memory_space<hbm>>) target(%arg11 : memref<125x80xf32, #tpu.memory_space<vmem>>) target_semaphore(%run_scoped3A : memref<!tpu.dma_semaphore, #tpu.memory_space<semaphore_mem>>)
      %dma_wait3A = arith.constant 0 : i32
      %dma_wait3A_27 = arith.constant 0 : i32
      %dma_wait3A_28 = tpu.memref_slice %arg5[%add3A, %dma_wait3A, %dma_wait3A_27] : memref<32x125x80xf32, #tpu.memory_space<hbm>> -> memref<1x125x80xf32, #tpu.memory_space<hbm>>
      %dma_wait3A_29 = tpu.memref_squeeze %dma_wait3A_28 : memref<1x125x80xf32, #tpu.memory_space<hbm>> -> memref<125x80xf32, #tpu.memory_space<hbm>>
      %dma_wait3A_30 = arith.constant 0 : i32
      %dma_wait3A_31 = arith.constant 0 : i32
      %dma_wait3A_32 = tpu.memref_slice %arg5[%add3A, %dma_wait3A_30, %dma_wait3A_31] : memref<32x125x80xf32, #tpu.memory_space<hbm>> -> memref<1x125x80xf32, #tpu.memory_space<hbm>>
      %dma_wait3A_33 = tpu.memref_squeeze %dma_wait3A_32 : memref<1x125x80xf32, #tpu.memory_space<hbm>> -> memref<125x80xf32, #tpu.memory_space<hbm>>
      tpu.wait_dma2 semaphore(%run_scoped3A : memref<!tpu.dma_semaphore, #tpu.memory_space<semaphore_mem>>) src(%dma_wait3A_33 : memref<125x80xf32, #tpu.memory_space<hbm>>) dst(%arg11 : memref<125x80xf32, #tpu.memory_space<vmem>>)
      tpu.yield
    }) : () -> ()
    %eq3A = arith.constant 0 : i32
    %eq3A_1 = arith.cmpi eq, %arg1, %eq3A : i32
    %convert_element_type3A = arith.extui %eq3A_1 : i1 to i32
    %cond3A = arith.constant 0 : i32
    %cond3A_2 = arith.cmpi ne, %convert_element_type3A, %cond3A : i32
    scf.if %cond3A_2 {
      "tpu.region"() ({
        %run_scoped3A = tpu.sem_alloc : memref<!tpu.dma_semaphore, #tpu.memory_space<semaphore_mem>>
        tpu.enqueue_dma source(%arg6 : memref<10000xf32, #tpu.memory_space<hbm>>) target(%arg13 : memref<10000xf32, #tpu.memory_space<vmem_shared>>) target_semaphore(%run_scoped3A : memref<!tpu.dma_semaphore, #tpu.memory_space<semaphore_mem>>)
        tpu.wait_dma2 semaphore(%run_scoped3A : memref<!tpu.dma_semaphore, #tpu.memory_space<semaphore_mem>>) src(%arg6 : memref<10000xf32, #tpu.memory_space<hbm>>) dst(%arg13 : memref<10000xf32, #tpu.memory_space<vmem_shared>>)
        tpu.yield
      }) : () -> ()
    } else {
    }
    %barrier3A = arith.constant 0 : index
    tpu.barrier barrier_id(%barrier3A)
    %scan3A = arith.constant 0 : i32
    %scan3A_3 = arith.constant 0 : i32
    %scan3A_4 = arith.constant 125 : i32
    %scan3A_5 = arith.addi %scan3A_3, %scan3A_4 : i32
    %scan3A_6 = arith.constant 1 : i32
    scf.for %scan3A_20 = %scan3A_3 to %scan3A_5 step %scan3A_6  : i32 {
      %get3A = arith.index_cast %scan3A_20 : i32 to index
      %get3A_21 = arith.constant 0 : index
      %get3A_22 = tpu.vector_load %arg9[%get3A, %get3A_21] {strides = array<i32>} : memref<125x80xi32, #tpu.memory_space<vmem>>, vector<16xi32>,
      %get3A_23 = arith.index_cast %scan3A_20 : i32 to index
      %get3A_24 = arith.constant 0 : index
      %get3A_25 = tpu.vector_load %arg11[%get3A_23, %get3A_24] {strides = array<i32>} : memref<125x80xf32, #tpu.memory_space<vmem>>, vector<16xf32>,
      %gather3A = tpu.vector_load_idx %arg8[%get3A_22] : memref<10000xf32, #tpu.memory_space<vmem>>[vector<16xi32>], vector<16xf32>,
      %mul3A_26 = arith.mulf %gather3A, %get3A_25 : vector<16xf32>
      %swap3A = arith.index_cast %scan3A_20 : i32 to index
      %swap3A_27 = arith.constant 0 : index
      %swap3A_28 = tpu.vector_load %arg12[%swap3A, %swap3A_27] {strides = array<i32>} : memref<125x80xf32, #tpu.memory_space<vmem>>, vector<16xf32>,
      tpu.vector_store %arg12[%swap3A, %swap3A_27], %mul3A_26 {strides = array<i32>} : memref<125x80xf32, #tpu.memory_space<vmem>>, vector<16xf32>,
      %get3A_29 = arith.index_cast %scan3A_20 : i32 to index
      %get3A_30 = arith.constant 16 : index
      %get3A_31 = tpu.vector_load %arg9[%get3A_29, %get3A_30] {strides = array<i32>} : memref<125x80xi32, #tpu.memory_space<vmem>>, vector<16xi32>,
      %get3A_32 = arith.index_cast %scan3A_20 : i32 to index
      %get3A_33 = arith.constant 16 : index
      %get3A_34 = tpu.vector_load %arg11[%get3A_32, %get3A_33] {strides = array<i32>} : memref<125x80xf32, #tpu.memory_space<vmem>>, vector<16xf32>,
      %gather3A_35 = tpu.vector_load_idx %arg8[%get3A_31] : memref<10000xf32, #tpu.memory_space<vmem>>[vector<16xi32>], vector<16xf32>,
      %mul3A_36 = arith.mulf %gather3A_35, %get3A_34 : vector<16xf32>
      %swap3A_37 = arith.index_cast %scan3A_20 : i32 to index
      %swap3A_38 = arith.constant 16 : index
      %swap3A_39 = tpu.vector_load %arg12[%swap3A_37, %swap3A_38] {strides = array<i32>} : memref<125x80xf32, #tpu.memory_space<vmem>>, vector<16xf32>,
      tpu.vector_store %arg12[%swap3A_37, %swap3A_38], %mul3A_36 {strides = array<i32>} : memref<125x80xf32, #tpu.memory_space<vmem>>, vector<16xf32>,
      %get3A_40 = arith.index_cast %scan3A_20 : i32 to index
      %get3A_41 = arith.constant 32 : index
      %get3A_42 = tpu.vector_load %arg9[%get3A_40, %get3A_41] {strides = array<i32>} : memref<125x80xi32, #tpu.memory_space<vmem>>, vector<16xi32>,
      %get3A_43 = arith.index_cast %scan3A_20 : i32 to index
      %get3A_44 = arith.constant 32 : index
      %get3A_45 = tpu.vector_load %arg11[%get3A_43, %get3A_44] {strides = array<i32>} : memref<125x80xf32, #tpu.memory_space<vmem>>, vector<16xf32>,
      %gather3A_46 = tpu.vector_load_idx %arg8[%get3A_42] : memref<10000xf32, #tpu.memory_space<vmem>>[vector<16xi32>], vector<16xf32>,
      %mul3A_47 = arith.mulf %gather3A_46, %get3A_45 : vector<16xf32>
      %swap3A_48 = arith.index_cast %scan3A_20 : i32 to index
      %swap3A_49 = arith.constant 32 : index
      %swap3A_50 = tpu.vector_load %arg12[%swap3A_48, %swap3A_49] {strides = array<i32>} : memref<125x80xf32, #tpu.memory_space<vmem>>, vector<16xf32>,
      tpu.vector_store %arg12[%swap3A_48, %swap3A_49], %mul3A_47 {strides = array<i32>} : memref<125x80xf32, #tpu.memory_space<vmem>>, vector<16xf32>,
      %get3A_51 = arith.index_cast %scan3A_20 : i32 to index
      %get3A_52 = arith.constant 48 : index
      %get3A_53 = tpu.vector_load %arg9[%get3A_51, %get3A_52] {strides = array<i32>} : memref<125x80xi32, #tpu.memory_space<vmem>>, vector<16xi32>,
      %get3A_54 = arith.index_cast %scan3A_20 : i32 to index
      %get3A_55 = arith.constant 48 : index
      %get3A_56 = tpu.vector_load %arg11[%get3A_54, %get3A_55] {strides = array<i32>} : memref<125x80xf32, #tpu.memory_space<vmem>>, vector<16xf32>,
      %gather3A_57 = tpu.vector_load_idx %arg8[%get3A_53] : memref<10000xf32, #tpu.memory_space<vmem>>[vector<16xi32>], vector<16xf32>,
      %mul3A_58 = arith.mulf %gather3A_57, %get3A_56 : vector<16xf32>
      %swap3A_59 = arith.index_cast %scan3A_20 : i32 to index
      %swap3A_60 = arith.constant 48 : index
      %swap3A_61 = tpu.vector_load %arg12[%swap3A_59, %swap3A_60] {strides = array<i32>} : memref<125x80xf32, #tpu.memory_space<vmem>>, vector<16xf32>,
      tpu.vector_store %arg12[%swap3A_59, %swap3A_60], %mul3A_58 {strides = array<i32>} : memref<125x80xf32, #tpu.memory_space<vmem>>, vector<16xf32>,
      %get3A_62 = arith.index_cast %scan3A_20 : i32 to index
      %get3A_63 = arith.constant 64 : index
      %get3A_64 = tpu.vector_load %arg9[%get3A_62, %get3A_63] {strides = array<i32>} : memref<125x80xi32, #tpu.memory_space<vmem>>, vector<16xi32>,
      %get3A_65 = arith.index_cast %scan3A_20 : i32 to index
      %get3A_66 = arith.constant 64 : index
      %get3A_67 = tpu.vector_load %arg11[%get3A_65, %get3A_66] {strides = array<i32>} : memref<125x80xf32, #tpu.memory_space<vmem>>, vector<16xf32>,
      %gather3A_68 = tpu.vector_load_idx %arg8[%get3A_64] : memref<10000xf32, #tpu.memory_space<vmem>>[vector<16xi32>], vector<16xf32>,
      %mul3A_69 = arith.mulf %gather3A_68, %get3A_67 : vector<16xf32>
      %swap3A_70 = arith.index_cast %scan3A_20 : i32 to index
      %swap3A_71 = arith.constant 64 : index
      %swap3A_72 = tpu.vector_load %arg12[%swap3A_70, %swap3A_71] {strides = array<i32>} : memref<125x80xf32, #tpu.memory_space<vmem>>, vector<16xf32>,
      tpu.vector_store %arg12[%swap3A_70, %swap3A_71], %mul3A_69 {strides = array<i32>} : memref<125x80xf32, #tpu.memory_space<vmem>>, vector<16xf32>,
      %dma_start3A = arith.constant 0 : i32
      %dma_start3A_73 = tpu.memref_slice %arg12[%scan3A_20, %dma_start3A] : memref<125x80xf32, #tpu.memory_space<vmem>> -> memref<1x80xf32, #tpu.memory_space<vmem>>
      %dma_start3A_74 = tpu.memref_squeeze %dma_start3A_73 : memref<1x80xf32, #tpu.memory_space<vmem>> -> memref<80xf32, #tpu.memory_space<vmem>>
      %dma_start3A_75 = arith.constant 0 : i32
      %dma_start3A_76 = tpu.memref_slice %arg10[%scan3A_20, %dma_start3A_75] : memref<125x80xi32, #tpu.memory_space<vmem>> -> memref<1x80xi32, #tpu.memory_space<vmem>>
      %dma_start3A_77 = tpu.memref_squeeze %dma_start3A_76 : memref<1x80xi32, #tpu.memory_space<vmem>> -> memref<80xi32, #tpu.memory_space<vmem>>
      %dma_start3A_78 = arith.constant 0 : i32
      %dma_start3A_79 = tpu.memref_slice %arg13[%dma_start3A_78] : memref<10000xf32, #tpu.memory_space<vmem_shared>> -> memref<10000xf32, #tpu.memory_space<vmem_shared>>
      tpu.enqueue_indirect_dma source(%dma_start3A_74 : memref<80xf32, #tpu.memory_space<vmem>>) target(%dma_start3A_79 : memref<10000xf32, #tpu.memory_space<vmem_shared>>) offsets(%dma_start3A_77 : memref<80xi32, #tpu.memory_space<vmem>>) semaphore(%arg14 : memref<!tpu.dma_semaphore, #tpu.memory_space<semaphore_mem>>) {add = true}
    }
    %scan3A_7 = arith.constant 125 : i32
    %scan3A_8 = arith.constant 0 : i32
    %scan3A_9 = arith.constant 0 : i32
    %scan3A_10 = arith.constant 125 : i32
    %scan3A_11 = arith.addi %scan3A_9, %scan3A_10 : i32
    %scan3A_12 = arith.constant 1 : i32
    scf.for %scan3A_20 = %scan3A_9 to %scan3A_11 step %scan3A_12  : i32 {
      %dma_wait3A = arith.constant 0 : i32
      %dma_wait3A_21 = tpu.memref_slice %arg12[%scan3A_20, %dma_wait3A] : memref<125x80xf32, #tpu.memory_space<vmem>> -> memref<1x80xf32, #tpu.memory_space<vmem>>
      %dma_wait3A_22 = tpu.memref_squeeze %dma_wait3A_21 : memref<1x80xf32, #tpu.memory_space<vmem>> -> memref<80xf32, #tpu.memory_space<vmem>>
      %dma_wait3A_23 = arith.constant 0 : i32
      %dma_wait3A_24 = tpu.memref_slice %arg10[%scan3A_20, %dma_wait3A_23] : memref<125x80xi32, #tpu.memory_space<vmem>> -> memref<1x80xi32, #tpu.memory_space<vmem>>
      %dma_wait3A_25 = tpu.memref_squeeze %dma_wait3A_24 : memref<1x80xi32, #tpu.memory_space<vmem>> -> memref<80xi32, #tpu.memory_space<vmem>>
      %dma_wait3A_26 = arith.constant 0 : i32
      %dma_wait3A_27 = tpu.memref_slice %arg13[%dma_wait3A_26] : memref<10000xf32, #tpu.memory_space<vmem_shared>> -> memref<10000xf32, #tpu.memory_space<vmem_shared>>
      tpu.wait_indirect_dma semaphore(%arg14 : memref<!tpu.dma_semaphore, #tpu.memory_space<semaphore_mem>>) src(%dma_wait3A_22 : memref<80xf32, #tpu.memory_space<vmem>>) dst(%dma_wait3A_27 : memref<10000xf32, #tpu.memory_space<vmem_shared>>)
    }
    %scan3A_13 = arith.constant 125 : i32
    %barrier3A_14 = arith.constant 0 : index
    tpu.barrier barrier_id(%barrier3A_14)
    %eq3A_15 = arith.constant 0 : i32
    %eq3A_16 = arith.cmpi eq, %arg1, %eq3A_15 : i32
    %convert_element_type3A_17 = arith.extui %eq3A_16 : i1 to i32
    %cond3A_18 = arith.constant 0 : i32
    %cond3A_19 = arith.cmpi ne, %convert_element_type3A_17, %cond3A_18 : i32
    scf.if %cond3A_19 {
      "tpu.region"() ({
        %run_scoped3A = tpu.sem_alloc : memref<!tpu.dma_semaphore, #tpu.memory_space<semaphore_mem>>
        %dma_start3A = arith.constant 0 : i32
        %dma_start3A_20 = tpu.memref_slice %arg7[%arg0, %dma_start3A] : memref<2x10000xf32, #tpu.memory_space<hbm>> -> memref<1x10000xf32, #tpu.memory_space<hbm>>
        %dma_start3A_21 = tpu.memref_squeeze %dma_start3A_20 : memref<1x10000xf32, #tpu.memory_space<hbm>> -> memref<10000xf32, #tpu.memory_space<hbm>>
        tpu.enqueue_dma source(%arg13 : memref<10000xf32, #tpu.memory_space<vmem_shared>>) target(%dma_start3A_21 : memref<10000xf32, #tpu.memory_space<hbm>>) target_semaphore(%run_scoped3A : memref<!tpu.dma_semaphore, #tpu.memory_space<semaphore_mem>>)
        %dma_wait3A = arith.constant 0 : i32
        %dma_wait3A_22 = tpu.memref_slice %arg7[%arg0, %dma_wait3A] : memref<2x10000xf32, #tpu.memory_space<hbm>> -> memref<1x10000xf32, #tpu.memory_space<hbm>>
        %dma_wait3A_23 = tpu.memref_squeeze %dma_wait3A_22 : memref<1x10000xf32, #tpu.memory_space<hbm>> -> memref<10000xf32, #tpu.memory_space<hbm>>
        tpu.wait_dma2 semaphore(%run_scoped3A : memref<!tpu.dma_semaphore, #tpu.memory_space<semaphore_mem>>) src(%arg13 : memref<10000xf32, #tpu.memory_space<vmem_shared>>) dst(%dma_wait3A_23 : memref<10000xf32, #tpu.memory_space<hbm>>)
        tpu.yield
      }) : () -> ()
    } else {
    }
    return
  }
}

#map = affine_map<(d0, d1) -> (0, 0)>
#map1 = affine_map<(d0, d1) -> (0, 0, 0)>
module attributes {stable_mosaic.version = 14 : i64} {
  func.func @_sc2_body(%arg0: i32, %arg1: i32, %arg2: memref<10000x16xf32, #tpu.memory_space<hbm>>, %arg3: memref<32x125x80xi32, #tpu.memory_space<hbm>>, %arg4: memref<32x125x80xi32, #tpu.memory_space<hbm>>, %arg5: memref<32x125x80xf32, #tpu.memory_space<hbm>>, %arg6: memref<10000x16xf32, #tpu.memory_space<hbm>>, %arg7: memref<2x10000x16xf32, #tpu.memory_space<hbm>>, %arg8: memref<125x80xi32, #tpu.memory_space<vmem>>, %arg9: memref<125x80xi32, #tpu.memory_space<vmem>>, %arg10: memref<125x80xf32, #tpu.memory_space<vmem>>, %arg11: memref<80x16xf32, #tpu.memory_space<vmem>>, %arg12: memref<80x16xf32, #tpu.memory_space<vmem>>, %arg13: memref<10000x16xf32, #tpu.memory_space<vmem_shared>>, %arg14: memref<!tpu.dma_semaphore, #tpu.memory_space<semaphore_mem>>, %arg15: memref<!tpu.dma_semaphore, #tpu.memory_space<semaphore_mem>>) attributes {dimension_semantics = [#tpu.dimension_semantics<core_parallel>, #tpu.dimension_semantics<subcore_parallel>], iteration_bounds = array<i64: 2, 16>, scalar_prefetch = 0 : i64, scratch_operands = 8 : i64, tpu.core_type = #tpu.core_type<sc_vector_subcore>, window_params = [{transform_indices = #map}, {transform_indices = #map1}, {transform_indices = #map1}, {transform_indices = #map1}, {transform_indices = #map}, {transform_indices = #map1}]} {
    %mul3A = arith.constant 16 : i32
    %mul3A_0 = arith.muli %arg0, %mul3A : i32
    %add3A = arith.addi %mul3A_0, %arg1 : i32
    "tpu.region"() ({
      %run_scoped3A_1082 = tpu.sem_alloc : memref<!tpu.dma_semaphore, #tpu.memory_space<semaphore_mem>>
      %dma_start3A_1083 = arith.constant 0 : i32
      %dma_start3A_1084 = arith.constant 0 : i32
      %dma_start3A_1085 = tpu.memref_slice %arg3[%add3A, %dma_start3A_1083, %dma_start3A_1084] : memref<32x125x80xi32, #tpu.memory_space<hbm>> -> memref<1x125x80xi32, #tpu.memory_space<hbm>>
      %dma_start3A_1086 = tpu.memref_squeeze %dma_start3A_1085 : memref<1x125x80xi32, #tpu.memory_space<hbm>> -> memref<125x80xi32, #tpu.memory_space<hbm>>
      %dma_start3A_1087 = arith.constant 0 : i32
      %dma_start3A_1088 = arith.constant 0 : i32
      %dma_start3A_1089 = tpu.memref_slice %arg3[%add3A, %dma_start3A_1087, %dma_start3A_1088] : memref<32x125x80xi32, #tpu.memory_space<hbm>> -> memref<1x125x80xi32, #tpu.memory_space<hbm>>
      %dma_start3A_1090 = tpu.memref_squeeze %dma_start3A_1089 : memref<1x125x80xi32, #tpu.memory_space<hbm>> -> memref<125x80xi32, #tpu.memory_space<hbm>>
      tpu.enqueue_dma source(%dma_start3A_1090 : memref<125x80xi32, #tpu.memory_space<hbm>>) target(%arg8 : memref<125x80xi32, #tpu.memory_space<vmem>>) target_semaphore(%run_scoped3A_1082 : memref<!tpu.dma_semaphore, #tpu.memory_space<semaphore_mem>>)
      %dma_wait3A_1091 = arith.constant 0 : i32
      %dma_wait3A_1092 = arith.constant 0 : i32
      %dma_wait3A_1093 = tpu.memref_slice %arg3[%add3A, %dma_wait3A_1091, %dma_wait3A_1092] : memref<32x125x80xi32, #tpu.memory_space<hbm>> -> memref<1x125x80xi32, #tpu.memory_space<hbm>>
      %dma_wait3A_1094 = tpu.memref_squeeze %dma_wait3A_1093 : memref<1x125x80xi32, #tpu.memory_space<hbm>> -> memref<125x80xi32, #tpu.memory_space<hbm>>
      %dma_wait3A_1095 = arith.constant 0 : i32
      %dma_wait3A_1096 = arith.constant 0 : i32
      %dma_wait3A_1097 = tpu.memref_slice %arg3[%add3A, %dma_wait3A_1095, %dma_wait3A_1096] : memref<32x125x80xi32, #tpu.memory_space<hbm>> -> memref<1x125x80xi32, #tpu.memory_space<hbm>>
      %dma_wait3A_1098 = tpu.memref_squeeze %dma_wait3A_1097 : memref<1x125x80xi32, #tpu.memory_space<hbm>> -> memref<125x80xi32, #tpu.memory_space<hbm>>
      tpu.wait_dma2 semaphore(%run_scoped3A_1082 : memref<!tpu.dma_semaphore, #tpu.memory_space<semaphore_mem>>) src(%dma_wait3A_1098 : memref<125x80xi32, #tpu.memory_space<hbm>>) dst(%arg8 : memref<125x80xi32, #tpu.memory_space<vmem>>)
      tpu.yield
    }) : () -> ()
    "tpu.region"() ({
      %run_scoped3A_1082 = tpu.sem_alloc : memref<!tpu.dma_semaphore, #tpu.memory_space<semaphore_mem>>
      %dma_start3A_1083 = arith.constant 0 : i32
      %dma_start3A_1084 = arith.constant 0 : i32
      %dma_start3A_1085 = tpu.memref_slice %arg4[%add3A, %dma_start3A_1083, %dma_start3A_1084] : memref<32x125x80xi32, #tpu.memory_space<hbm>> -> memref<1x125x80xi32, #tpu.memory_space<hbm>>
      %dma_start3A_1086 = tpu.memref_squeeze %dma_start3A_1085 : memref<1x125x80xi32, #tpu.memory_space<hbm>> -> memref<125x80xi32, #tpu.memory_space<hbm>>
      %dma_start3A_1087 = arith.constant 0 : i32
      %dma_start3A_1088 = arith.constant 0 : i32
      %dma_start3A_1089 = tpu.memref_slice %arg4[%add3A, %dma_start3A_1087, %dma_start3A_1088] : memref<32x125x80xi32, #tpu.memory_space<hbm>> -> memref<1x125x80xi32, #tpu.memory_space<hbm>>
      %dma_start3A_1090 = tpu.memref_squeeze %dma_start3A_1089 : memref<1x125x80xi32, #tpu.memory_space<hbm>> -> memref<125x80xi32, #tpu.memory_space<hbm>>
      tpu.enqueue_dma source(%dma_start3A_1090 : memref<125x80xi32, #tpu.memory_space<hbm>>) target(%arg9 : memref<125x80xi32, #tpu.memory_space<vmem>>) target_semaphore(%run_scoped3A_1082 : memref<!tpu.dma_semaphore, #tpu.memory_space<semaphore_mem>>)
      %dma_wait3A_1091 = arith.constant 0 : i32
      %dma_wait3A_1092 = arith.constant 0 : i32
      %dma_wait3A_1093 = tpu.memref_slice %arg4[%add3A, %dma_wait3A_1091, %dma_wait3A_1092] : memref<32x125x80xi32, #tpu.memory_space<hbm>> -> memref<1x125x80xi32, #tpu.memory_space<hbm>>
      %dma_wait3A_1094 = tpu.memref_squeeze %dma_wait3A_1093 : memref<1x125x80xi32, #tpu.memory_space<hbm>> -> memref<125x80xi32, #tpu.memory_space<hbm>>
      %dma_wait3A_1095 = arith.constant 0 : i32
      %dma_wait3A_1096 = arith.constant 0 : i32
      %dma_wait3A_1097 = tpu.memref_slice %arg4[%add3A, %dma_wait3A_1095, %dma_wait3A_1096] : memref<32x125x80xi32, #tpu.memory_space<hbm>> -> memref<1x125x80xi32, #tpu.memory_space<hbm>>
      %dma_wait3A_1098 = tpu.memref_squeeze %dma_wait3A_1097 : memref<1x125x80xi32, #tpu.memory_space<hbm>> -> memref<125x80xi32, #tpu.memory_space<hbm>>
      tpu.wait_dma2 semaphore(%run_scoped3A_1082 : memref<!tpu.dma_semaphore, #tpu.memory_space<semaphore_mem>>) src(%dma_wait3A_1098 : memref<125x80xi32, #tpu.memory_space<hbm>>) dst(%arg9 : memref<125x80xi32, #tpu.memory_space<vmem>>)
      tpu.yield
    }) : () -> ()
    "tpu.region"() ({
      %run_scoped3A_1082 = tpu.sem_alloc : memref<!tpu.dma_semaphore, #tpu.memory_space<semaphore_mem>>
      %dma_start3A_1083 = arith.constant 0 : i32
      %dma_start3A_1084 = arith.constant 0 : i32
      %dma_start3A_1085 = tpu.memref_slice %arg5[%add3A, %dma_start3A_1083, %dma_start3A_1084] : memref<32x125x80xf32, #tpu.memory_space<hbm>> -> memref<1x125x80xf32, #tpu.memory_space<hbm>>
      %dma_start3A_1086 = tpu.memref_squeeze %dma_start3A_1085 : memref<1x125x80xf32, #tpu.memory_space<hbm>> -> memref<125x80xf32, #tpu.memory_space<hbm>>
      %dma_start3A_1087 = arith.constant 0 : i32
      %dma_start3A_1088 = arith.constant 0 : i32
      %dma_start3A_1089 = tpu.memref_slice %arg5[%add3A, %dma_start3A_1087, %dma_start3A_1088] : memref<32x125x80xf32, #tpu.memory_space<hbm>> -> memref<1x125x80xf32, #tpu.memory_space<hbm>>
      %dma_start3A_1090 = tpu.memref_squeeze %dma_start3A_1089 : memref<1x125x80xf32, #tpu.memory_space<hbm>> -> memref<125x80xf32, #tpu.memory_space<hbm>>
      tpu.enqueue_dma source(%dma_start3A_1090 : memref<125x80xf32, #tpu.memory_space<hbm>>) target(%arg10 : memref<125x80xf32, #tpu.memory_space<vmem>>) target_semaphore(%run_scoped3A_1082 : memref<!tpu.dma_semaphore, #tpu.memory_space<semaphore_mem>>)
      %dma_wait3A_1091 = arith.constant 0 : i32
      %dma_wait3A_1092 = arith.constant 0 : i32
      %dma_wait3A_1093 = tpu.memref_slice %arg5[%add3A, %dma_wait3A_1091, %dma_wait3A_1092] : memref<32x125x80xf32, #tpu.memory_space<hbm>> -> memref<1x125x80xf32, #tpu.memory_space<hbm>>
      %dma_wait3A_1094 = tpu.memref_squeeze %dma_wait3A_1093 : memref<1x125x80xf32, #tpu.memory_space<hbm>> -> memref<125x80xf32, #tpu.memory_space<hbm>>
      %dma_wait3A_1095 = arith.constant 0 : i32
      %dma_wait3A_1096 = arith.constant 0 : i32
      %dma_wait3A_1097 = tpu.memref_slice %arg5[%add3A, %dma_wait3A_1095, %dma_wait3A_1096] : memref<32x125x80xf32, #tpu.memory_space<hbm>> -> memref<1x125x80xf32, #tpu.memory_space<hbm>>
      %dma_wait3A_1098 = tpu.memref_squeeze %dma_wait3A_1097 : memref<1x125x80xf32, #tpu.memory_space<hbm>> -> memref<125x80xf32, #tpu.memory_space<hbm>>
      tpu.wait_dma2 semaphore(%run_scoped3A_1082 : memref<!tpu.dma_semaphore, #tpu.memory_space<semaphore_mem>>) src(%dma_wait3A_1098 : memref<125x80xf32, #tpu.memory_space<hbm>>) dst(%arg10 : memref<125x80xf32, #tpu.memory_space<vmem>>)
      tpu.yield
    }) : () -> ()
    %eq3A = arith.constant 0 : i32
    %eq3A_1 = arith.cmpi eq, %arg1, %eq3A : i32
    %convert_element_type3A = arith.extui %eq3A_1 : i1 to i32
    %cond3A = arith.constant 0 : i32
    %cond3A_2 = arith.cmpi ne, %convert_element_type3A, %cond3A : i32
    scf.if %cond3A_2 {
      "tpu.region"() ({
        %run_scoped3A_1082 = tpu.sem_alloc : memref<!tpu.dma_semaphore, #tpu.memory_space<semaphore_mem>>
        tpu.enqueue_dma source(%arg6 : memref<10000x16xf32, #tpu.memory_space<hbm>>) target(%arg13 : memref<10000x16xf32, #tpu.memory_space<vmem_shared>>) target_semaphore(%run_scoped3A_1082 : memref<!tpu.dma_semaphore, #tpu.memory_space<semaphore_mem>>)
        tpu.wait_dma2 semaphore(%run_scoped3A_1082 : memref<!tpu.dma_semaphore, #tpu.memory_space<semaphore_mem>>) src(%arg6 : memref<10000x16xf32, #tpu.memory_space<hbm>>) dst(%arg13 : memref<10000x16xf32, #tpu.memory_space<vmem_shared>>)
        tpu.yield
      }) : () -> ()
    } else {
    }
    %barrier3A = arith.constant 0 : index
    tpu.barrier barrier_id(%barrier3A)
    %dma_start3A = arith.constant 0 : i32
    %dma_start3A_3 = arith.constant 0 : i32
    %dma_start3A_4 = tpu.memref_slice %arg8[%dma_start3A, %dma_start3A_3] : memref<125x80xi32, #tpu.memory_space<vmem>> -> memref<1x80xi32, #tpu.memory_space<vmem>>
    %dma_start3A_5 = tpu.memref_squeeze %dma_start3A_4 : memref<1x80xi32, #tpu.memory_space<vmem>> -> memref<80xi32, #tpu.memory_space<vmem>>
    %dma_start3A_6 = arith.constant 0 : i32
    %dma_start3A_7 = arith.constant 0 : i32
    %dma_start3A_8 = tpu.memref_slice %arg2[%dma_start3A_6, %dma_start3A_7] : memref<10000x16xf32, #tpu.memory_space<hbm>> -> memref<10000x16xf32, #tpu.memory_space<hbm>>
    tpu.enqueue_indirect_dma source(%dma_start3A_8 : memref<10000x16xf32, #tpu.memory_space<hbm>>) target(%arg11 : memref<80x16xf32, #tpu.memory_space<vmem>>) offsets(%dma_start3A_5 : memref<80xi32, #tpu.memory_space<vmem>>) semaphore(%arg14 : memref<!tpu.dma_semaphore, #tpu.memory_space<semaphore_mem>>)
    %scan3A = arith.constant 0 : i32
    %scan3A_9 = arith.constant 0 : i32
    %scan3A_10 = arith.constant 62 : i32
    %scan3A_11 = arith.addi %scan3A_9, %scan3A_10 : i32
    %scan3A_12 = arith.constant 1 : i32
    scf.for %scan3A_1082 = %scan3A_9 to %scan3A_11 step %scan3A_12  : i32 {
      %mul3A_1083 = arith.constant 2 : i32
      %mul3A_1084 = arith.muli %mul3A_1083, %scan3A_1082 : i32
      %dma_wait3A_1085 = arith.constant 0 : i32
      %dma_wait3A_1086 = tpu.memref_slice %arg8[%mul3A_1084, %dma_wait3A_1085] : memref<125x80xi32, #tpu.memory_space<vmem>> -> memref<1x80xi32, #tpu.memory_space<vmem>>
      %dma_wait3A_1087 = tpu.memref_squeeze %dma_wait3A_1086 : memref<1x80xi32, #tpu.memory_space<vmem>> -> memref<80xi32, #tpu.memory_space<vmem>>
      %dma_wait3A_1088 = arith.constant 0 : i32
      %dma_wait3A_1089 = arith.constant 0 : i32
      %dma_wait3A_1090 = tpu.memref_slice %arg2[%dma_wait3A_1088, %dma_wait3A_1089] : memref<10000x16xf32, #tpu.memory_space<hbm>> -> memref<10000x16xf32, #tpu.memory_space<hbm>>
      tpu.wait_indirect_dma semaphore(%arg14 : memref<!tpu.dma_semaphore, #tpu.memory_space<semaphore_mem>>) src(%dma_wait3A_1090 : memref<10000x16xf32, #tpu.memory_space<hbm>>) dst(%arg11 : memref<80x16xf32, #tpu.memory_space<vmem>>)
      %add3A_1091 = arith.constant 1 : i32
      %add3A_1092 = arith.addi %mul3A_1084, %add3A_1091 : i32
      %dma_start3A_1093 = arith.constant 0 : i32
      %dma_start3A_1094 = tpu.memref_slice %arg8[%add3A_1092, %dma_start3A_1093] : memref<125x80xi32, #tpu.memory_space<vmem>> -> memref<1x80xi32, #tpu.memory_space<vmem>>
      %dma_start3A_1095 = tpu.memref_squeeze %dma_start3A_1094 : memref<1x80xi32, #tpu.memory_space<vmem>> -> memref<80xi32, #tpu.memory_space<vmem>>
      %dma_start3A_1096 = arith.constant 0 : i32
      %dma_start3A_1097 = arith.constant 0 : i32
      %dma_start3A_1098 = tpu.memref_slice %arg2[%dma_start3A_1096, %dma_start3A_1097] : memref<10000x16xf32, #tpu.memory_space<hbm>> -> memref<10000x16xf32, #tpu.memory_space<hbm>>
      tpu.enqueue_indirect_dma source(%dma_start3A_1098 : memref<10000x16xf32, #tpu.memory_space<hbm>>) target(%arg12 : memref<80x16xf32, #tpu.memory_space<vmem>>) offsets(%dma_start3A_1095 : memref<80xi32, #tpu.memory_space<vmem>>) semaphore(%arg15 : memref<!tpu.dma_semaphore, #tpu.memory_space<semaphore_mem>>)
      %get3A_1099 = arith.index_cast %mul3A_1084 : i32 to index
      %get3A_1100 = arith.constant 0 : index
      %get3A_1101 = tpu.vector_load %arg10[%get3A_1099, %get3A_1100] {strides = array<i32>} : memref<125x80xf32, #tpu.memory_space<vmem>>, vector<16xf32>,
      %broadcast_in_dim3A_1102 = arith.constant 0 : i32
      %broadcast_in_dim3A_1103 = vector.broadcast %broadcast_in_dim3A_1102 : i32 to vector<16x1xi32>
      %gather3A_1104 = vector.shape_cast %broadcast_in_dim3A_1103 : vector<16x1xi32> to vector<16xi32>
      %gather3A_1105 = tpu.dynamic_gather %get3A_1101[%gather3A_1104] in [0] : vector<16xf32>, vector<16xi32> -> vector<16xf32>
      %get3A_1106 = arith.constant 0 : i32
      %get3A_1107 = arith.index_cast %get3A_1106 : i32 to index
      %get3A_1108 = arith.constant 0 : index
      %get3A_1109 = tpu.vector_load %arg11[%get3A_1107, %get3A_1108] {strides = array<i32>} : memref<80x16xf32, #tpu.memory_space<vmem>>, vector<16xf32>,
      %mul3A_1110 = arith.mulf %get3A_1109, %gather3A_1105 : vector<16xf32>
      %swap3A_1111 = arith.constant 0 : i32
      %swap3A_1112 = arith.index_cast %swap3A_1111 : i32 to index
      %swap3A_1113 = arith.constant 0 : index
      %swap3A_1114 = tpu.vector_load %arg11[%swap3A_1112, %swap3A_1113] {strides = array<i32>} : memref<80x16xf32, #tpu.memory_space<vmem>>, vector<16xf32>,
      tpu.vector_store %arg11[%swap3A_1112, %swap3A_1113], %mul3A_1110 {strides = array<i32>} : memref<80x16xf32, #tpu.memory_space<vmem>>, vector<16xf32>,
      %broadcast_in_dim3A_1115 = arith.constant 1 : i32
      %broadcast_in_dim3A_1116 = vector.broadcast %broadcast_in_dim3A_1115 : i32 to vector<16x1xi32>
      %gather3A_1117 = vector.shape_cast %broadcast_in_dim3A_1116 : vector<16x1xi32> to vector<16xi32>
      %gather3A_1118 = tpu.dynamic_gather %get3A_1101[%gather3A_1117] in [0] : vector<16xf32>, vector<16xi32> -> vector<16xf32>
      %get3A_1119 = arith.constant 1 : i32
      %get3A_1120 = arith.index_cast %get3A_1119 : i32 to index
      %get3A_1121 = arith.constant 0 : index
      %get3A_1122 = tpu.vector_load %arg11[%get3A_1120, %get3A_1121] {strides = array<i32>} : memref<80x16xf32, #tpu.memory_space<vmem>>, vector<16xf32>,
      %mul3A_1123 = arith.mulf %get3A_1122, %gather3A_1118 : vector<16xf32>
      %swap3A_1124 = arith.constant 1 : i32
      %swap3A_1125 = arith.index_cast %swap3A_1124 : i32 to index
      %swap3A_1126 = arith.constant 0 : index
      %swap3A_1127 = tpu.vector_load %arg11[%swap3A_1125, %swap3A_1126] {strides = array<i32>} : memref<80x16xf32, #tpu.memory_space<vmem>>, vector<16xf32>,
      tpu.vector_store %arg11[%swap3A_1125, %swap3A_1126], %mul3A_1123 {strides = array<i32>} : memref<80x16xf32, #tpu.memory_space<vmem>>, vector<16xf32>,
      %broadcast_in_dim3A_1128 = arith.constant 2 : i32
      %broadcast_in_dim3A_1129 = vector.broadcast %broadcast_in_dim3A_1128 : i32 to vector<16x1xi32>
      %gather3A_1130 = vector.shape_cast %broadcast_in_dim3A_1129 : vector<16x1xi32> to vector<16xi32>
      %gather3A_1131 = tpu.dynamic_gather %get3A_1101[%gather3A_1130] in [0] : vector<16xf32>, vector<16xi32> -> vector<16xf32>
      %get3A_1132 = arith.constant 2 : i32
      %get3A_1133 = arith.index_cast %get3A_1132 : i32 to index
      %get3A_1134 = arith.constant 0 : index
      %get3A_1135 = tpu.vector_load %arg11[%get3A_1133, %get3A_1134] {strides = array<i32>} : memref<80x16xf32, #tpu.memory_space<vmem>>, vector<16xf32>,
      %mul3A_1136 = arith.mulf %get3A_1135, %gather3A_1131 : vector<16xf32>
      %swap3A_1137 = arith.constant 2 : i32
      %swap3A_1138 = arith.index_cast %swap3A_1137 : i32 to index
      %swap3A_1139 = arith.constant 0 : index
      %swap3A_1140 = tpu.vector_load %arg11[%swap3A_1138, %swap3A_1139] {strides = array<i32>} : memref<80x16xf32, #tpu.memory_space<vmem>>, vector<16xf32>,
      tpu.vector_store %arg11[%swap3A_1138, %swap3A_1139], %mul3A_1136 {strides = array<i32>} : memref<80x16xf32, #tpu.memory_space<vmem>>, vector<16xf32>,
      %broadcast_in_dim3A_1141 = arith.constant 3 : i32
      %broadcast_in_dim3A_1142 = vector.broadcast %broadcast_in_dim3A_1141 : i32 to vector<16x1xi32>
      %gather3A_1143 = vector.shape_cast %broadcast_in_dim3A_1142 : vector<16x1xi32> to vector<16xi32>
      %gather3A_1144 = tpu.dynamic_gather %get3A_1101[%gather3A_1143] in [0] : vector<16xf32>, vector<16xi32> -> vector<16xf32>
      %get3A_1145 = arith.constant 3 : i32
      %get3A_1146 = arith.index_cast %get3A_1145 : i32 to index
      %get3A_1147 = arith.constant 0 : index
      %get3A_1148 = tpu.vector_load %arg11[%get3A_1146, %get3A_1147] {strides = array<i32>} : memref<80x16xf32, #tpu.memory_space<vmem>>, vector<16xf32>,
      %mul3A_1149 = arith.mulf %get3A_1148, %gather3A_1144 : vector<16xf32>
      %swap3A_1150 = arith.constant 3 : i32
      %swap3A_1151 = arith.index_cast %swap3A_1150 : i32 to index
      %swap3A_1152 = arith.constant 0 : index
      %swap3A_1153 = tpu.vector_load %arg11[%swap3A_1151, %swap3A_1152] {strides = array<i32>} : memref<80x16xf32, #tpu.memory_space<vmem>>, vector<16xf32>,
      tpu.vector_store %arg11[%swap3A_1151, %swap3A_1152], %mul3A_1149 {strides = array<i32>} : memref<80x16xf32, #tpu.memory_space<vmem>>, vector<16xf32>,
      %broadcast_in_dim3A_1154 = arith.constant 4 : i32
      %broadcast_in_dim3A_1155 = vector.broadcast %broadcast_in_dim3A_1154 : i32 to vector<16x1xi32>
      %gather3A_1156 = vector.shape_cast %broadcast_in_dim3A_1155 : vector<16x1xi32> to vector<16xi32>
      %gather3A_1157 = tpu.dynamic_gather %get3A_1101[%gather3A_1156] in [0] : vector<16xf32>, vector<16xi32> -> vector<16xf32>
      %get3A_1158 = arith.constant 4 : i32
      %get3A_1159 = arith.index_cast %get3A_1158 : i32 to index
      %get3A_1160 = arith.constant 0 : index
      %get3A_1161 = tpu.vector_load %arg11[%get3A_1159, %get3A_1160] {strides = array<i32>} : memref<80x16xf32, #tpu.memory_space<vmem>>, vector<16xf32>,
      %mul3A_1162 = arith.mulf %get3A_1161, %gather3A_1157 : vector<16xf32>
      %swap3A_1163 = arith.constant 4 : i32
      %swap3A_1164 = arith.index_cast %swap3A_1163 : i32 to index
      %swap3A_1165 = arith.constant 0 : index
      %swap3A_1166 = tpu.vector_load %arg11[%swap3A_1164, %swap3A_1165] {strides = array<i32>} : memref<80x16xf32, #tpu.memory_space<vmem>>, vector<16xf32>,
      tpu.vector_store %arg11[%swap3A_1164, %swap3A_1165], %mul3A_1162 {strides = array<i32>} : memref<80x16xf32, #tpu.memory_space<vmem>>, vector<16xf32>,
      %broadcast_in_dim3A_1167 = arith.constant 5 : i32
      %broadcast_in_dim3A_1168 = vector.broadcast %broadcast_in_dim3A_1167 : i32 to vector<16x1xi32>
      %gather3A_1169 = vector.shape_cast %broadcast_in_dim3A_1168 : vector<16x1xi32> to vector<16xi32>
      %gather3A_1170 = tpu.dynamic_gather %get3A_1101[%gather3A_1169] in [0] : vector<16xf32>, vector<16xi32> -> vector<16xf32>
      %get3A_1171 = arith.constant 5 : i32
      %get3A_1172 = arith.index_cast %get3A_1171 : i32 to index
      %get3A_1173 = arith.constant 0 : index
      %get3A_1174 = tpu.vector_load %arg11[%get3A_1172, %get3A_1173] {strides = array<i32>} : memref<80x16xf32, #tpu.memory_space<vmem>>, vector<16xf32>,
      %mul3A_1175 = arith.mulf %get3A_1174, %gather3A_1170 : vector<16xf32>
      %swap3A_1176 = arith.constant 5 : i32
      %swap3A_1177 = arith.index_cast %swap3A_1176 : i32 to index
      %swap3A_1178 = arith.constant 0 : index
      %swap3A_1179 = tpu.vector_load %arg11[%swap3A_1177, %swap3A_1178] {strides = array<i32>} : memref<80x16xf32, #tpu.memory_space<vmem>>, vector<16xf32>,
      tpu.vector_store %arg11[%swap3A_1177, %swap3A_1178], %mul3A_1175 {strides = array<i32>} : memref<80x16xf32, #tpu.memory_space<vmem>>, vector<16xf32>,
      %broadcast_in_dim3A_1180 = arith.constant 6 : i32
      %broadcast_in_dim3A_1181 = vector.broadcast %broadcast_in_dim3A_1180 : i32 to vector<16x1xi32>
      %gather3A_1182 = vector.shape_cast %broadcast_in_dim3A_1181 : vector<16x1xi32> to vector<16xi32>
      %gather3A_1183 = tpu.dynamic_gather %get3A_1101[%gather3A_1182] in [0] : vector<16xf32>, vector<16xi32> -> vector<16xf32>
      %get3A_1184 = arith.constant 6 : i32
      %get3A_1185 = arith.index_cast %get3A_1184 : i32 to index
      %get3A_1186 = arith.constant 0 : index
      %get3A_1187 = tpu.vector_load %arg11[%get3A_1185, %get3A_1186] {strides = array<i32>} : memref<80x16xf32, #tpu.memory_space<vmem>>, vector<16xf32>,
      %mul3A_1188 = arith.mulf %get3A_1187, %gather3A_1183 : vector<16xf32>
      %swap3A_1189 = arith.constant 6 : i32
      %swap3A_1190 = arith.index_cast %swap3A_1189 : i32 to index
      %swap3A_1191 = arith.constant 0 : index
      %swap3A_1192 = tpu.vector_load %arg11[%swap3A_1190, %swap3A_1191] {strides = array<i32>} : memref<80x16xf32, #tpu.memory_space<vmem>>, vector<16xf32>,
      tpu.vector_store %arg11[%swap3A_1190, %swap3A_1191], %mul3A_1188 {strides = array<i32>} : memref<80x16xf32, #tpu.memory_space<vmem>>, vector<16xf32>,
      %broadcast_in_dim3A_1193 = arith.constant 7 : i32
      %broadcast_in_dim3A_1194 = vector.broadcast %broadcast_in_dim3A_1193 : i32 to vector<16x1xi32>
      %gather3A_1195 = vector.shape_cast %broadcast_in_dim3A_1194 : vector<16x1xi32> to vector<16xi32>
      %gather3A_1196 = tpu.dynamic_gather %get3A_1101[%gather3A_1195] in [0] : vector<16xf32>, vector<16xi32> -> vector<16xf32>
      %get3A_1197 = arith.constant 7 : i32
      %get3A_1198 = arith.index_cast %get3A_1197 : i32 to index
      %get3A_1199 = arith.constant 0 : index
      %get3A_1200 = tpu.vector_load %arg11[%get3A_1198, %get3A_1199] {strides = array<i32>} : memref<80x16xf32, #tpu.memory_space<vmem>>, vector<16xf32>,
      %mul3A_1201 = arith.mulf %get3A_1200, %gather3A_1196 : vector<16xf32>
      %swap3A_1202 = arith.constant 7 : i32
      %swap3A_1203 = arith.index_cast %swap3A_1202 : i32 to index
      %swap3A_1204 = arith.constant 0 : index
      %swap3A_1205 = tpu.vector_load %arg11[%swap3A_1203, %swap3A_1204] {strides = array<i32>} : memref<80x16xf32, #tpu.memory_space<vmem>>, vector<16xf32>,
      tpu.vector_store %arg11[%swap3A_1203, %swap3A_1204], %mul3A_1201 {strides = array<i32>} : memref<80x16xf32, #tpu.memory_space<vmem>>, vector<16xf32>,
      %broadcast_in_dim3A_1206 = arith.constant 8 : i32
      %broadcast_in_dim3A_1207 = vector.broadcast %broadcast_in_dim3A_1206 : i32 to vector<16x1xi32>
      %gather3A_1208 = vector.shape_cast %broadcast_in_dim3A_1207 : vector<16x1xi32> to vector<16xi32>
      %gather3A_1209 = tpu.dynamic_gather %get3A_1101[%gather3A_1208] in [0] : vector<16xf32>, vector<16xi32> -> vector<16xf32>
      %get3A_1210 = arith.constant 8 : i32
      %get3A_1211 = arith.index_cast %get3A_1210 : i32 to index
      %get3A_1212 = arith.constant 0 : index
      %get3A_1213 = tpu.vector_load %arg11[%get3A_1211, %get3A_1212] {strides = array<i32>} : memref<80x16xf32, #tpu.memory_space<vmem>>, vector<16xf32>,
      %mul3A_1214 = arith.mulf %get3A_1213, %gather3A_1209 : vector<16xf32>
      %swap3A_1215 = arith.constant 8 : i32
      %swap3A_1216 = arith.index_cast %swap3A_1215 : i32 to index
      %swap3A_1217 = arith.constant 0 : index
      %swap3A_1218 = tpu.vector_load %arg11[%swap3A_1216, %swap3A_1217] {strides = array<i32>} : memref<80x16xf32, #tpu.memory_space<vmem>>, vector<16xf32>,
      tpu.vector_store %arg11[%swap3A_1216, %swap3A_1217], %mul3A_1214 {strides = array<i32>} : memref<80x16xf32, #tpu.memory_space<vmem>>, vector<16xf32>,
      %broadcast_in_dim3A_1219 = arith.constant 9 : i32
      %broadcast_in_dim3A_1220 = vector.broadcast %broadcast_in_dim3A_1219 : i32 to vector<16x1xi32>
      %gather3A_1221 = vector.shape_cast %broadcast_in_dim3A_1220 : vector<16x1xi32> to vector<16xi32>
      %gather3A_1222 = tpu.dynamic_gather %get3A_1101[%gather3A_1221] in [0] : vector<16xf32>, vector<16xi32> -> vector<16xf32>
      %get3A_1223 = arith.constant 9 : i32
      %get3A_1224 = arith.index_cast %get3A_1223 : i32 to index
      %get3A_1225 = arith.constant 0 : index
      %get3A_1226 = tpu.vector_load %arg11[%get3A_1224, %get3A_1225] {strides = array<i32>} : memref<80x16xf32, #tpu.memory_space<vmem>>, vector<16xf32>,
      %mul3A_1227 = arith.mulf %get3A_1226, %gather3A_1222 : vector<16xf32>
      %swap3A_1228 = arith.constant 9 : i32
      %swap3A_1229 = arith.index_cast %swap3A_1228 : i32 to index
      %swap3A_1230 = arith.constant 0 : index
      %swap3A_1231 = tpu.vector_load %arg11[%swap3A_1229, %swap3A_1230] {strides = array<i32>} : memref<80x16xf32, #tpu.memory_space<vmem>>, vector<16xf32>,
      tpu.vector_store %arg11[%swap3A_1229, %swap3A_1230], %mul3A_1227 {strides = array<i32>} : memref<80x16xf32, #tpu.memory_space<vmem>>, vector<16xf32>,
      %broadcast_in_dim3A_1232 = arith.constant 10 : i32
      %broadcast_in_dim3A_1233 = vector.broadcast %broadcast_in_dim3A_1232 : i32 to vector<16x1xi32>
      %gather3A_1234 = vector.shape_cast %broadcast_in_dim3A_1233 : vector<16x1xi32> to vector<16xi32>
      %gather3A_1235 = tpu.dynamic_gather %get3A_1101[%gather3A_1234] in [0] : vector<16xf32>, vector<16xi32> -> vector<16xf32>
      %get3A_1236 = arith.constant 10 : i32
      %get3A_1237 = arith.index_cast %get3A_1236 : i32 to index
      %get3A_1238 = arith.constant 0 : index
      %get3A_1239 = tpu.vector_load %arg11[%get3A_1237, %get3A_1238] {strides = array<i32>} : memref<80x16xf32, #tpu.memory_space<vmem>>, vector<16xf32>,
      %mul3A_1240 = arith.mulf %get3A_1239, %gather3A_1235 : vector<16xf32>
      %swap3A_1241 = arith.constant 10 : i32
      %swap3A_1242 = arith.index_cast %swap3A_1241 : i32 to index
      %swap3A_1243 = arith.constant 0 : index
      %swap3A_1244 = tpu.vector_load %arg11[%swap3A_1242, %swap3A_1243] {strides = array<i32>} : memref<80x16xf32, #tpu.memory_space<vmem>>, vector<16xf32>,
      tpu.vector_store %arg11[%swap3A_1242, %swap3A_1243], %mul3A_1240 {strides = array<i32>} : memref<80x16xf32, #tpu.memory_space<vmem>>, vector<16xf32>,
      %broadcast_in_dim3A_1245 = arith.constant 11 : i32
      %broadcast_in_dim3A_1246 = vector.broadcast %broadcast_in_dim3A_1245 : i32 to vector<16x1xi32>
      %gather3A_1247 = vector.shape_cast %broadcast_in_dim3A_1246 : vector<16x1xi32> to vector<16xi32>
      %gather3A_1248 = tpu.dynamic_gather %get3A_1101[%gather3A_1247] in [0] : vector<16xf32>, vector<16xi32> -> vector<16xf32>
      %get3A_1249 = arith.constant 11 : i32
      %get3A_1250 = arith.index_cast %get3A_1249 : i32 to index
      %get3A_1251 = arith.constant 0 : index
      %get3A_1252 = tpu.vector_load %arg11[%get3A_1250, %get3A_1251] {strides = array<i32>} : memref<80x16xf32, #tpu.memory_space<vmem>>, vector<16xf32>,
      %mul3A_1253 = arith.mulf %get3A_1252, %gather3A_1248 : vector<16xf32>
      %swap3A_1254 = arith.constant 11 : i32
      %swap3A_1255 = arith.index_cast %swap3A_1254 : i32 to index
      %swap3A_1256 = arith.constant 0 : index
      %swap3A_1257 = tpu.vector_load %arg11[%swap3A_1255, %swap3A_1256] {strides = array<i32>} : memref<80x16xf32, #tpu.memory_space<vmem>>, vector<16xf32>,
      tpu.vector_store %arg11[%swap3A_1255, %swap3A_1256], %mul3A_1253 {strides = array<i32>} : memref<80x16xf32, #tpu.memory_space<vmem>>, vector<16xf32>,
      %broadcast_in_dim3A_1258 = arith.constant 12 : i32
      %broadcast_in_dim3A_1259 = vector.broadcast %broadcast_in_dim3A_1258 : i32 to vector<16x1xi32>
      %gather3A_1260 = vector.shape_cast %broadcast_in_dim3A_1259 : vector<16x1xi32> to vector<16xi32>
      %gather3A_1261 = tpu.dynamic_gather %get3A_1101[%gather3A_1260] in [0] : vector<16xf32>, vector<16xi32> -> vector<16xf32>
      %get3A_1262 = arith.constant 12 : i32
      %get3A_1263 = arith.index_cast %get3A_1262 : i32 to index
      %get3A_1264 = arith.constant 0 : index
      %get3A_1265 = tpu.vector_load %arg11[%get3A_1263, %get3A_1264] {strides = array<i32>} : memref<80x16xf32, #tpu.memory_space<vmem>>, vector<16xf32>,
      %mul3A_1266 = arith.mulf %get3A_1265, %gather3A_1261 : vector<16xf32>
      %swap3A_1267 = arith.constant 12 : i32
      %swap3A_1268 = arith.index_cast %swap3A_1267 : i32 to index
      %swap3A_1269 = arith.constant 0 : index
      %swap3A_1270 = tpu.vector_load %arg11[%swap3A_1268, %swap3A_1269] {strides = array<i32>} : memref<80x16xf32, #tpu.memory_space<vmem>>, vector<16xf32>,
      tpu.vector_store %arg11[%swap3A_1268, %swap3A_1269], %mul3A_1266 {strides = array<i32>} : memref<80x16xf32, #tpu.memory_space<vmem>>, vector<16xf32>,
      %broadcast_in_dim3A_1271 = arith.constant 13 : i32
      %broadcast_in_dim3A_1272 = vector.broadcast %broadcast_in_dim3A_1271 : i32 to vector<16x1xi32>
      %gather3A_1273 = vector.shape_cast %broadcast_in_dim3A_1272 : vector<16x1xi32> to vector<16xi32>
      %gather3A_1274 = tpu.dynamic_gather %get3A_1101[%gather3A_1273] in [0] : vector<16xf32>, vector<16xi32> -> vector<16xf32>
      %get3A_1275 = arith.constant 13 : i32
      %get3A_1276 = arith.index_cast %get3A_1275 : i32 to index
      %get3A_1277 = arith.constant 0 : index
      %get3A_1278 = tpu.vector_load %arg11[%get3A_1276, %get3A_1277] {strides = array<i32>} : memref<80x16xf32, #tpu.memory_space<vmem>>, vector<16xf32>,
      %mul3A_1279 = arith.mulf %get3A_1278, %gather3A_1274 : vector<16xf32>
      %swap3A_1280 = arith.constant 13 : i32
      %swap3A_1281 = arith.index_cast %swap3A_1280 : i32 to index
      %swap3A_1282 = arith.constant 0 : index
      %swap3A_1283 = tpu.vector_load %arg11[%swap3A_1281, %swap3A_1282] {strides = array<i32>} : memref<80x16xf32, #tpu.memory_space<vmem>>, vector<16xf32>,
      tpu.vector_store %arg11[%swap3A_1281, %swap3A_1282], %mul3A_1279 {strides = array<i32>} : memref<80x16xf32, #tpu.memory_space<vmem>>, vector<16xf32>,
      %broadcast_in_dim3A_1284 = arith.constant 14 : i32
      %broadcast_in_dim3A_1285 = vector.broadcast %broadcast_in_dim3A_1284 : i32 to vector<16x1xi32>
      %gather3A_1286 = vector.shape_cast %broadcast_in_dim3A_1285 : vector<16x1xi32> to vector<16xi32>
      %gather3A_1287 = tpu.dynamic_gather %get3A_1101[%gather3A_1286] in [0] : vector<16xf32>, vector<16xi32> -> vector<16xf32>
      %get3A_1288 = arith.constant 14 : i32
      %get3A_1289 = arith.index_cast %get3A_1288 : i32 to index
      %get3A_1290 = arith.constant 0 : index
      %get3A_1291 = tpu.vector_load %arg11[%get3A_1289, %get3A_1290] {strides = array<i32>} : memref<80x16xf32, #tpu.memory_space<vmem>>, vector<16xf32>,
      %mul3A_1292 = arith.mulf %get3A_1291, %gather3A_1287 : vector<16xf32>
      %swap3A_1293 = arith.constant 14 : i32
      %swap3A_1294 = arith.index_cast %swap3A_1293 : i32 to index
      %swap3A_1295 = arith.constant 0 : index
      %swap3A_1296 = tpu.vector_load %arg11[%swap3A_1294, %swap3A_1295] {strides = array<i32>} : memref<80x16xf32, #tpu.memory_space<vmem>>, vector<16xf32>,
      tpu.vector_store %arg11[%swap3A_1294, %swap3A_1295], %mul3A_1292 {strides = array<i32>} : memref<80x16xf32, #tpu.memory_space<vmem>>, vector<16xf32>,
      %broadcast_in_dim3A_1297 = arith.constant 15 : i32
      %broadcast_in_dim3A_1298 = vector.broadcast %broadcast_in_dim3A_1297 : i32 to vector<16x1xi32>
      %gather3A_1299 = vector.shape_cast %broadcast_in_dim3A_1298 : vector<16x1xi32> to vector<16xi32>
      %gather3A_1300 = tpu.dynamic_gather %get3A_1101[%gather3A_1299] in [0] : vector<16xf32>, vector<16xi32> -> vector<16xf32>
      %get3A_1301 = arith.constant 15 : i32
      %get3A_1302 = arith.index_cast %get3A_1301 : i32 to index
      %get3A_1303 = arith.constant 0 : index
      %get3A_1304 = tpu.vector_load %arg11[%get3A_1302, %get3A_1303] {strides = array<i32>} : memref<80x16xf32, #tpu.memory_space<vmem>>, vector<16xf32>,
      %mul3A_1305 = arith.mulf %get3A_1304, %gather3A_1300 : vector<16xf32>
      %swap3A_1306 = arith.constant 15 : i32
      %swap3A_1307 = arith.index_cast %swap3A_1306 : i32 to index
      %swap3A_1308 = arith.constant 0 : index
      %swap3A_1309 = tpu.vector_load %arg11[%swap3A_1307, %swap3A_1308] {strides = array<i32>} : memref<80x16xf32, #tpu.memory_space<vmem>>, vector<16xf32>,
      tpu.vector_store %arg11[%swap3A_1307, %swap3A_1308], %mul3A_1305 {strides = array<i32>} : memref<80x16xf32, #tpu.memory_space<vmem>>, vector<16xf32>,
      %get3A_1310 = arith.index_cast %mul3A_1084 : i32 to index
      %get3A_1311 = arith.constant 16 : index
      %get3A_1312 = tpu.vector_load %arg10[%get3A_1310, %get3A_1311] {strides = array<i32>} : memref<125x80xf32, #tpu.memory_space<vmem>>, vector<16xf32>,
      %broadcast_in_dim3A_1313 = arith.constant 0 : i32
      %broadcast_in_dim3A_1314 = vector.broadcast %broadcast_in_dim3A_1313 : i32 to vector<16x1xi32>
      %gather3A_1315 = vector.shape_cast %broadcast_in_dim3A_1314 : vector<16x1xi32> to vector<16xi32>
      %gather3A_1316 = tpu.dynamic_gather %get3A_1312[%gather3A_1315] in [0] : vector<16xf32>, vector<16xi32> -> vector<16xf32>
      %get3A_1317 = arith.constant 16 : i32
      %get3A_1318 = arith.index_cast %get3A_1317 : i32 to index
      %get3A_1319 = arith.constant 0 : index
      %get3A_1320 = tpu.vector_load %arg11[%get3A_1318, %get3A_1319] {strides = array<i32>} : memref<80x16xf32, #tpu.memory_space<vmem>>, vector<16xf32>,
      %mul3A_1321 = arith.mulf %get3A_1320, %gather3A_1316 : vector<16xf32>
      %swap3A_1322 = arith.constant 16 : i32
      %swap3A_1323 = arith.index_cast %swap3A_1322 : i32 to index
      %swap3A_1324 = arith.constant 0 : index
      %swap3A_1325 = tpu.vector_load %arg11[%swap3A_1323, %swap3A_1324] {strides = array<i32>} : memref<80x16xf32, #tpu.memory_space<vmem>>, vector<16xf32>,
      tpu.vector_store %arg11[%swap3A_1323, %swap3A_1324], %mul3A_1321 {strides = array<i32>} : memref<80x16xf32, #tpu.memory_space<vmem>>, vector<16xf32>,
      %broadcast_in_dim3A_1326 = arith.constant 1 : i32
      %broadcast_in_dim3A_1327 = vector.broadcast %broadcast_in_dim3A_1326 : i32 to vector<16x1xi32>
      %gather3A_1328 = vector.shape_cast %broadcast_in_dim3A_1327 : vector<16x1xi32> to vector<16xi32>
      %gather3A_1329 = tpu.dynamic_gather %get3A_1312[%gather3A_1328] in [0] : vector<16xf32>, vector<16xi32> -> vector<16xf32>
      %get3A_1330 = arith.constant 17 : i32
      %get3A_1331 = arith.index_cast %get3A_1330 : i32 to index
      %get3A_1332 = arith.constant 0 : index
      %get3A_1333 = tpu.vector_load %arg11[%get3A_1331, %get3A_1332] {strides = array<i32>} : memref<80x16xf32, #tpu.memory_space<vmem>>, vector<16xf32>,
      %mul3A_1334 = arith.mulf %get3A_1333, %gather3A_1329 : vector<16xf32>
      %swap3A_1335 = arith.constant 17 : i32
      %swap3A_1336 = arith.index_cast %swap3A_1335 : i32 to index
      %swap3A_1337 = arith.constant 0 : index
      %swap3A_1338 = tpu.vector_load %arg11[%swap3A_1336, %swap3A_1337] {strides = array<i32>} : memref<80x16xf32, #tpu.memory_space<vmem>>, vector<16xf32>,
      tpu.vector_store %arg11[%swap3A_1336, %swap3A_1337], %mul3A_1334 {strides = array<i32>} : memref<80x16xf32, #tpu.memory_space<vmem>>, vector<16xf32>,
      %broadcast_in_dim3A_1339 = arith.constant 2 : i32
      %broadcast_in_dim3A_1340 = vector.broadcast %broadcast_in_dim3A_1339 : i32 to vector<16x1xi32>
      %gather3A_1341 = vector.shape_cast %broadcast_in_dim3A_1340 : vector<16x1xi32> to vector<16xi32>
      %gather3A_1342 = tpu.dynamic_gather %get3A_1312[%gather3A_1341] in [0] : vector<16xf32>, vector<16xi32> -> vector<16xf32>
      %get3A_1343 = arith.constant 18 : i32
      %get3A_1344 = arith.index_cast %get3A_1343 : i32 to index
      %get3A_1345 = arith.constant 0 : index
      %get3A_1346 = tpu.vector_load %arg11[%get3A_1344, %get3A_1345] {strides = array<i32>} : memref<80x16xf32, #tpu.memory_space<vmem>>, vector<16xf32>,
      %mul3A_1347 = arith.mulf %get3A_1346, %gather3A_1342 : vector<16xf32>
      %swap3A_1348 = arith.constant 18 : i32
      %swap3A_1349 = arith.index_cast %swap3A_1348 : i32 to index
      %swap3A_1350 = arith.constant 0 : index
      %swap3A_1351 = tpu.vector_load %arg11[%swap3A_1349, %swap3A_1350] {strides = array<i32>} : memref<80x16xf32, #tpu.memory_space<vmem>>, vector<16xf32>,
      tpu.vector_store %arg11[%swap3A_1349, %swap3A_1350], %mul3A_1347 {strides = array<i32>} : memref<80x16xf32, #tpu.memory_space<vmem>>, vector<16xf32>,
      %broadcast_in_dim3A_1352 = arith.constant 3 : i32
      %broadcast_in_dim3A_1353 = vector.broadcast %broadcast_in_dim3A_1352 : i32 to vector<16x1xi32>
      %gather3A_1354 = vector.shape_cast %broadcast_in_dim3A_1353 : vector<16x1xi32> to vector<16xi32>
      %gather3A_1355 = tpu.dynamic_gather %get3A_1312[%gather3A_1354] in [0] : vector<16xf32>, vector<16xi32> -> vector<16xf32>
      %get3A_1356 = arith.constant 19 : i32
      %get3A_1357 = arith.index_cast %get3A_1356 : i32 to index
      %get3A_1358 = arith.constant 0 : index
      %get3A_1359 = tpu.vector_load %arg11[%get3A_1357, %get3A_1358] {strides = array<i32>} : memref<80x16xf32, #tpu.memory_space<vmem>>, vector<16xf32>,
      %mul3A_1360 = arith.mulf %get3A_1359, %gather3A_1355 : vector<16xf32>
      %swap3A_1361 = arith.constant 19 : i32
      %swap3A_1362 = arith.index_cast %swap3A_1361 : i32 to index
      %swap3A_1363 = arith.constant 0 : index
      %swap3A_1364 = tpu.vector_load %arg11[%swap3A_1362, %swap3A_1363] {strides = array<i32>} : memref<80x16xf32, #tpu.memory_space<vmem>>, vector<16xf32>,
      tpu.vector_store %arg11[%swap3A_1362, %swap3A_1363], %mul3A_1360 {strides = array<i32>} : memref<80x16xf32, #tpu.memory_space<vmem>>, vector<16xf32>,
      %broadcast_in_dim3A_1365 = arith.constant 4 : i32
      %broadcast_in_dim3A_1366 = vector.broadcast %broadcast_in_dim3A_1365 : i32 to vector<16x1xi32>
      %gather3A_1367 = vector.shape_cast %broadcast_in_dim3A_1366 : vector<16x1xi32> to vector<16xi32>
      %gather3A_1368 = tpu.dynamic_gather %get3A_1312[%gather3A_1367] in [0] : vector<16xf32>, vector<16xi32> -> vector<16xf32>
      %get3A_1369 = arith.constant 20 : i32
      %get3A_1370 = arith.index_cast %get3A_1369 : i32 to index
      %get3A_1371 = arith.constant 0 : index
      %get3A_1372 = tpu.vector_load %arg11[%get3A_1370, %get3A_1371] {strides = array<i32>} : memref<80x16xf32, #tpu.memory_space<vmem>>, vector<16xf32>,
      %mul3A_1373 = arith.mulf %get3A_1372, %gather3A_1368 : vector<16xf32>
      %swap3A_1374 = arith.constant 20 : i32
      %swap3A_1375 = arith.index_cast %swap3A_1374 : i32 to index
      %swap3A_1376 = arith.constant 0 : index
      %swap3A_1377 = tpu.vector_load %arg11[%swap3A_1375, %swap3A_1376] {strides = array<i32>} : memref<80x16xf32, #tpu.memory_space<vmem>>, vector<16xf32>,
      tpu.vector_store %arg11[%swap3A_1375, %swap3A_1376], %mul3A_1373 {strides = array<i32>} : memref<80x16xf32, #tpu.memory_space<vmem>>, vector<16xf32>,
      %broadcast_in_dim3A_1378 = arith.constant 5 : i32
      %broadcast_in_dim3A_1379 = vector.broadcast %broadcast_in_dim3A_1378 : i32 to vector<16x1xi32>
      %gather3A_1380 = vector.shape_cast %broadcast_in_dim3A_1379 : vector<16x1xi32> to vector<16xi32>
      %gather3A_1381 = tpu.dynamic_gather %get3A_1312[%gather3A_1380] in [0] : vector<16xf32>, vector<16xi32> -> vector<16xf32>
      %get3A_1382 = arith.constant 21 : i32
      %get3A_1383 = arith.index_cast %get3A_1382 : i32 to index
      %get3A_1384 = arith.constant 0 : index
      %get3A_1385 = tpu.vector_load %arg11[%get3A_1383, %get3A_1384] {strides = array<i32>} : memref<80x16xf32, #tpu.memory_space<vmem>>, vector<16xf32>,
      %mul3A_1386 = arith.mulf %get3A_1385, %gather3A_1381 : vector<16xf32>
      %swap3A_1387 = arith.constant 21 : i32
      %swap3A_1388 = arith.index_cast %swap3A_1387 : i32 to index
      %swap3A_1389 = arith.constant 0 : index
      %swap3A_1390 = tpu.vector_load %arg11[%swap3A_1388, %swap3A_1389] {strides = array<i32>} : memref<80x16xf32, #tpu.memory_space<vmem>>, vector<16xf32>,
      tpu.vector_store %arg11[%swap3A_1388, %swap3A_1389], %mul3A_1386 {strides = array<i32>} : memref<80x16xf32, #tpu.memory_space<vmem>>, vector<16xf32>,
      %broadcast_in_dim3A_1391 = arith.constant 6 : i32
      %broadcast_in_dim3A_1392 = vector.broadcast %broadcast_in_dim3A_1391 : i32 to vector<16x1xi32>
      %gather3A_1393 = vector.shape_cast %broadcast_in_dim3A_1392 : vector<16x1xi32> to vector<16xi32>
      %gather3A_1394 = tpu.dynamic_gather %get3A_1312[%gather3A_1393] in [0] : vector<16xf32>, vector<16xi32> -> vector<16xf32>
      %get3A_1395 = arith.constant 22 : i32
      %get3A_1396 = arith.index_cast %get3A_1395 : i32 to index
      %get3A_1397 = arith.constant 0 : index
      %get3A_1398 = tpu.vector_load %arg11[%get3A_1396, %get3A_1397] {strides = array<i32>} : memref<80x16xf32, #tpu.memory_space<vmem>>, vector<16xf32>,
      %mul3A_1399 = arith.mulf %get3A_1398, %gather3A_1394 : vector<16xf32>
      %swap3A_1400 = arith.constant 22 : i32
      %swap3A_1401 = arith.index_cast %swap3A_1400 : i32 to index
      %swap3A_1402 = arith.constant 0 : index
      %swap3A_1403 = tpu.vector_load %arg11[%swap3A_1401, %swap3A_1402] {strides = array<i32>} : memref<80x16xf32, #tpu.memory_space<vmem>>, vector<16xf32>,
      tpu.vector_store %arg11[%swap3A_1401, %swap3A_1402], %mul3A_1399 {strides = array<i32>} : memref<80x16xf32, #tpu.memory_space<vmem>>, vector<16xf32>,
      %broadcast_in_dim3A_1404 = arith.constant 7 : i32
      %broadcast_in_dim3A_1405 = vector.broadcast %broadcast_in_dim3A_1404 : i32 to vector<16x1xi32>
      %gather3A_1406 = vector.shape_cast %broadcast_in_dim3A_1405 : vector<16x1xi32> to vector<16xi32>
      %gather3A_1407 = tpu.dynamic_gather %get3A_1312[%gather3A_1406] in [0] : vector<16xf32>, vector<16xi32> -> vector<16xf32>
      %get3A_1408 = arith.constant 23 : i32
      %get3A_1409 = arith.index_cast %get3A_1408 : i32 to index
      %get3A_1410 = arith.constant 0 : index
      %get3A_1411 = tpu.vector_load %arg11[%get3A_1409, %get3A_1410] {strides = array<i32>} : memref<80x16xf32, #tpu.memory_space<vmem>>, vector<16xf32>,
      %mul3A_1412 = arith.mulf %get3A_1411, %gather3A_1407 : vector<16xf32>
      %swap3A_1413 = arith.constant 23 : i32
      %swap3A_1414 = arith.index_cast %swap3A_1413 : i32 to index
      %swap3A_1415 = arith.constant 0 : index
      %swap3A_1416 = tpu.vector_load %arg11[%swap3A_1414, %swap3A_1415] {strides = array<i32>} : memref<80x16xf32, #tpu.memory_space<vmem>>, vector<16xf32>,
      tpu.vector_store %arg11[%swap3A_1414, %swap3A_1415], %mul3A_1412 {strides = array<i32>} : memref<80x16xf32, #tpu.memory_space<vmem>>, vector<16xf32>,
      %broadcast_in_dim3A_1417 = arith.constant 8 : i32
      %broadcast_in_dim3A_1418 = vector.broadcast %broadcast_in_dim3A_1417 : i32 to vector<16x1xi32>
      %gather3A_1419 = vector.shape_cast %broadcast_in_dim3A_1418 : vector<16x1xi32> to vector<16xi32>
      %gather3A_1420 = tpu.dynamic_gather %get3A_1312[%gather3A_1419] in [0] : vector<16xf32>, vector<16xi32> -> vector<16xf32>
      %get3A_1421 = arith.constant 24 : i32
      %get3A_1422 = arith.index_cast %get3A_1421 : i32 to index
      %get3A_1423 = arith.constant 0 : index
      %get3A_1424 = tpu.vector_load %arg11[%get3A_1422, %get3A_1423] {strides = array<i32>} : memref<80x16xf32, #tpu.memory_space<vmem>>, vector<16xf32>,
      %mul3A_1425 = arith.mulf %get3A_1424, %gather3A_1420 : vector<16xf32>
      %swap3A_1426 = arith.constant 24 : i32
      %swap3A_1427 = arith.index_cast %swap3A_1426 : i32 to index
      %swap3A_1428 = arith.constant 0 : index
      %swap3A_1429 = tpu.vector_load %arg11[%swap3A_1427, %swap3A_1428] {strides = array<i32>} : memref<80x16xf32, #tpu.memory_space<vmem>>, vector<16xf32>,
      tpu.vector_store %arg11[%swap3A_1427, %swap3A_1428], %mul3A_1425 {strides = array<i32>} : memref<80x16xf32, #tpu.memory_space<vmem>>, vector<16xf32>,
      %broadcast_in_dim3A_1430 = arith.constant 9 : i32
      %broadcast_in_dim3A_1431 = vector.broadcast %broadcast_in_dim3A_1430 : i32 to vector<16x1xi32>
      %gather3A_1432 = vector.shape_cast %broadcast_in_dim3A_1431 : vector<16x1xi32> to vector<16xi32>
      %gather3A_1433 = tpu.dynamic_gather %get3A_1312[%gather3A_1432] in [0] : vector<16xf32>, vector<16xi32> -> vector<16xf32>
      %get3A_1434 = arith.constant 25 : i32
      %get3A_1435 = arith.index_cast %get3A_1434 : i32 to index
      %get3A_1436 = arith.constant 0 : index
      %get3A_1437 = tpu.vector_load %arg11[%get3A_1435, %get3A_1436] {strides = array<i32>} : memref<80x16xf32, #tpu.memory_space<vmem>>, vector<16xf32>,
      %mul3A_1438 = arith.mulf %get3A_1437, %gather3A_1433 : vector<16xf32>
      %swap3A_1439 = arith.constant 25 : i32
      %swap3A_1440 = arith.index_cast %swap3A_1439 : i32 to index
      %swap3A_1441 = arith.constant 0 : index
      %swap3A_1442 = tpu.vector_load %arg11[%swap3A_1440, %swap3A_1441] {strides = array<i32>} : memref<80x16xf32, #tpu.memory_space<vmem>>, vector<16xf32>,
      tpu.vector_store %arg11[%swap3A_1440, %swap3A_1441], %mul3A_1438 {strides = array<i32>} : memref<80x16xf32, #tpu.memory_space<vmem>>, vector<16xf32>,
      %broadcast_in_dim3A_1443 = arith.constant 10 : i32
      %broadcast_in_dim3A_1444 = vector.broadcast %broadcast_in_dim3A_1443 : i32 to vector<16x1xi32>
      %gather3A_1445 = vector.shape_cast %broadcast_in_dim3A_1444 : vector<16x1xi32> to vector<16xi32>
      %gather3A_1446 = tpu.dynamic_gather %get3A_1312[%gather3A_1445] in [0] : vector<16xf32>, vector<16xi32> -> vector<16xf32>
      %get3A_1447 = arith.constant 26 : i32
      %get3A_1448 = arith.index_cast %get3A_1447 : i32 to index
      %get3A_1449 = arith.constant 0 : index
      %get3A_1450 = tpu.vector_load %arg11[%get3A_1448, %get3A_1449] {strides = array<i32>} : memref<80x16xf32, #tpu.memory_space<vmem>>, vector<16xf32>,
      %mul3A_1451 = arith.mulf %get3A_1450, %gather3A_1446 : vector<16xf32>
      %swap3A_1452 = arith.constant 26 : i32
      %swap3A_1453 = arith.index_cast %swap3A_1452 : i32 to index
      %swap3A_1454 = arith.constant 0 : index
      %swap3A_1455 = tpu.vector_load %arg11[%swap3A_1453, %swap3A_1454] {strides = array<i32>} : memref<80x16xf32, #tpu.memory_space<vmem>>, vector<16xf32>,
      tpu.vector_store %arg11[%swap3A_1453, %swap3A_1454], %mul3A_1451 {strides = array<i32>} : memref<80x16xf32, #tpu.memory_space<vmem>>, vector<16xf32>,
      %broadcast_in_dim3A_1456 = arith.constant 11 : i32
      %broadcast_in_dim3A_1457 = vector.broadcast %broadcast_in_dim3A_1456 : i32 to vector<16x1xi32>
      %gather3A_1458 = vector.shape_cast %broadcast_in_dim3A_1457 : vector<16x1xi32> to vector<16xi32>
      %gather3A_1459 = tpu.dynamic_gather %get3A_1312[%gather3A_1458] in [0] : vector<16xf32>, vector<16xi32> -> vector<16xf32>
      %get3A_1460 = arith.constant 27 : i32
      %get3A_1461 = arith.index_cast %get3A_1460 : i32 to index
      %get3A_1462 = arith.constant 0 : index
      %get3A_1463 = tpu.vector_load %arg11[%get3A_1461, %get3A_1462] {strides = array<i32>} : memref<80x16xf32, #tpu.memory_space<vmem>>, vector<16xf32>,
      %mul3A_1464 = arith.mulf %get3A_1463, %gather3A_1459 : vector<16xf32>
      %swap3A_1465 = arith.constant 27 : i32
      %swap3A_1466 = arith.index_cast %swap3A_1465 : i32 to index
      %swap3A_1467 = arith.constant 0 : index
      %swap3A_1468 = tpu.vector_load %arg11[%swap3A_1466, %swap3A_1467] {strides = array<i32>} : memref<80x16xf32, #tpu.memory_space<vmem>>, vector<16xf32>,
      tpu.vector_store %arg11[%swap3A_1466, %swap3A_1467], %mul3A_1464 {strides = array<i32>} : memref<80x16xf32, #tpu.memory_space<vmem>>, vector<16xf32>,
      %broadcast_in_dim3A_1469 = arith.constant 12 : i32
      %broadcast_in_dim3A_1470 = vector.broadcast %broadcast_in_dim3A_1469 : i32 to vector<16x1xi32>
      %gather3A_1471 = vector.shape_cast %broadcast_in_dim3A_1470 : vector<16x1xi32> to vector<16xi32>
      %gather3A_1472 = tpu.dynamic_gather %get3A_1312[%gather3A_1471] in [0] : vector<16xf32>, vector<16xi32> -> vector<16xf32>
      %get3A_1473 = arith.constant 28 : i32
      %get3A_1474 = arith.index_cast %get3A_1473 : i32 to index
      %get3A_1475 = arith.constant 0 : index
      %get3A_1476 = tpu.vector_load %arg11[%get3A_1474, %get3A_1475] {strides = array<i32>} : memref<80x16xf32, #tpu.memory_space<vmem>>, vector<16xf32>,
      %mul3A_1477 = arith.mulf %get3A_1476, %gather3A_1472 : vector<16xf32>
      %swap3A_1478 = arith.constant 28 : i32
      %swap3A_1479 = arith.index_cast %swap3A_1478 : i32 to index
      %swap3A_1480 = arith.constant 0 : index
      %swap3A_1481 = tpu.vector_load %arg11[%swap3A_1479, %swap3A_1480] {strides = array<i32>} : memref<80x16xf32, #tpu.memory_space<vmem>>, vector<16xf32>,
      tpu.vector_store %arg11[%swap3A_1479, %swap3A_1480], %mul3A_1477 {strides = array<i32>} : memref<80x16xf32, #tpu.memory_space<vmem>>, vector<16xf32>,
      %broadcast_in_dim3A_1482 = arith.constant 13 : i32
      %broadcast_in_dim3A_1483 = vector.broadcast %broadcast_in_dim3A_1482 : i32 to vector<16x1xi32>
      %gather3A_1484 = vector.shape_cast %broadcast_in_dim3A_1483 : vector<16x1xi32> to vector<16xi32>
      %gather3A_1485 = tpu.dynamic_gather %get3A_1312[%gather3A_1484] in [0] : vector<16xf32>, vector<16xi32> -> vector<16xf32>
      %get3A_1486 = arith.constant 29 : i32
      %get3A_1487 = arith.index_cast %get3A_1486 : i32 to index
      %get3A_1488 = arith.constant 0 : index
      %get3A_1489 = tpu.vector_load %arg11[%get3A_1487, %get3A_1488] {strides = array<i32>} : memref<80x16xf32, #tpu.memory_space<vmem>>, vector<16xf32>,
      %mul3A_1490 = arith.mulf %get3A_1489, %gather3A_1485 : vector<16xf32>
      %swap3A_1491 = arith.constant 29 : i32
      %swap3A_1492 = arith.index_cast %swap3A_1491 : i32 to index
      %swap3A_1493 = arith.constant 0 : index
      %swap3A_1494 = tpu.vector_load %arg11[%swap3A_1492, %swap3A_1493] {strides = array<i32>} : memref<80x16xf32, #tpu.memory_space<vmem>>, vector<16xf32>,
      tpu.vector_store %arg11[%swap3A_1492, %swap3A_1493], %mul3A_1490 {strides = array<i32>} : memref<80x16xf32, #tpu.memory_space<vmem>>, vector<16xf32>,
      %broadcast_in_dim3A_1495 = arith.constant 14 : i32
      %broadcast_in_dim3A_1496 = vector.broadcast %broadcast_in_dim3A_1495 : i32 to vector<16x1xi32>
      %gather3A_1497 = vector.shape_cast %broadcast_in_dim3A_1496 : vector<16x1xi32> to vector<16xi32>
      %gather3A_1498 = tpu.dynamic_gather %get3A_1312[%gather3A_1497] in [0] : vector<16xf32>, vector<16xi32> -> vector<16xf32>
      %get3A_1499 = arith.constant 30 : i32
      %get3A_1500 = arith.index_cast %get3A_1499 : i32 to index
      %get3A_1501 = arith.constant 0 : index
      %get3A_1502 = tpu.vector_load %arg11[%get3A_1500, %get3A_1501] {strides = array<i32>} : memref<80x16xf32, #tpu.memory_space<vmem>>, vector<16xf32>,
      %mul3A_1503 = arith.mulf %get3A_1502, %gather3A_1498 : vector<16xf32>
      %swap3A_1504 = arith.constant 30 : i32
      %swap3A_1505 = arith.index_cast %swap3A_1504 : i32 to index
      %swap3A_1506 = arith.constant 0 : index
      %swap3A_1507 = tpu.vector_load %arg11[%swap3A_1505, %swap3A_1506] {strides = array<i32>} : memref<80x16xf32, #tpu.memory_space<vmem>>, vector<16xf32>,
      tpu.vector_store %arg11[%swap3A_1505, %swap3A_1506], %mul3A_1503 {strides = array<i32>} : memref<80x16xf32, #tpu.memory_space<vmem>>, vector<16xf32>,
      %broadcast_in_dim3A_1508 = arith.constant 15 : i32
      %broadcast_in_dim3A_1509 = vector.broadcast %broadcast_in_dim3A_1508 : i32 to vector<16x1xi32>
      %gather3A_1510 = vector.shape_cast %broadcast_in_dim3A_1509 : vector<16x1xi32> to vector<16xi32>
      %gather3A_1511 = tpu.dynamic_gather %get3A_1312[%gather3A_1510] in [0] : vector<16xf32>, vector<16xi32> -> vector<16xf32>
      %get3A_1512 = arith.constant 31 : i32
      %get3A_1513 = arith.index_cast %get3A_1512 : i32 to index
      %get3A_1514 = arith.constant 0 : index
      %get3A_1515 = tpu.vector_load %arg11[%get3A_1513, %get3A_1514] {strides = array<i32>} : memref<80x16xf32, #tpu.memory_space<vmem>>, vector<16xf32>,
      %mul3A_1516 = arith.mulf %get3A_1515, %gather3A_1511 : vector<16xf32>
      %swap3A_1517 = arith.constant 31 : i32
      %swap3A_1518 = arith.index_cast %swap3A_1517 : i32 to index
      %swap3A_1519 = arith.constant 0 : index
      %swap3A_1520 = tpu.vector_load %arg11[%swap3A_1518, %swap3A_1519] {strides = array<i32>} : memref<80x16xf32, #tpu.memory_space<vmem>>, vector<16xf32>,
      tpu.vector_store %arg11[%swap3A_1518, %swap3A_1519], %mul3A_1516 {strides = array<i32>} : memref<80x16xf32, #tpu.memory_space<vmem>>, vector<16xf32>,
      %get3A_1521 = arith.index_cast %mul3A_1084 : i32 to index
      %get3A_1522 = arith.constant 32 : index
      %get3A_1523 = tpu.vector_load %arg10[%get3A_1521, %get3A_1522] {strides = array<i32>} : memref<125x80xf32, #tpu.memory_space<vmem>>, vector<16xf32>,
      %broadcast_in_dim3A_1524 = arith.constant 0 : i32
      %broadcast_in_dim3A_1525 = vector.broadcast %broadcast_in_dim3A_1524 : i32 to vector<16x1xi32>
      %gather3A_1526 = vector.shape_cast %broadcast_in_dim3A_1525 : vector<16x1xi32> to vector<16xi32>
      %gather3A_1527 = tpu.dynamic_gather %get3A_1523[%gather3A_1526] in [0] : vector<16xf32>, vector<16xi32> -> vector<16xf32>
      %get3A_1528 = arith.constant 32 : i32
      %get3A_1529 = arith.index_cast %get3A_1528 : i32 to index
      %get3A_1530 = arith.constant 0 : index
      %get3A_1531 = tpu.vector_load %arg11[%get3A_1529, %get3A_1530] {strides = array<i32>} : memref<80x16xf32, #tpu.memory_space<vmem>>, vector<16xf32>,
      %mul3A_1532 = arith.mulf %get3A_1531, %gather3A_1527 : vector<16xf32>
      %swap3A_1533 = arith.constant 32 : i32
      %swap3A_1534 = arith.index_cast %swap3A_1533 : i32 to index
      %swap3A_1535 = arith.constant 0 : index
      %swap3A_1536 = tpu.vector_load %arg11[%swap3A_1534, %swap3A_1535] {strides = array<i32>} : memref<80x16xf32, #tpu.memory_space<vmem>>, vector<16xf32>,
      tpu.vector_store %arg11[%swap3A_1534, %swap3A_1535], %mul3A_1532 {strides = array<i32>} : memref<80x16xf32, #tpu.memory_space<vmem>>, vector<16xf32>,
      %broadcast_in_dim3A_1537 = arith.constant 1 : i32
      %broadcast_in_dim3A_1538 = vector.broadcast %broadcast_in_dim3A_1537 : i32 to vector<16x1xi32>
      %gather3A_1539 = vector.shape_cast %broadcast_in_dim3A_1538 : vector<16x1xi32> to vector<16xi32>
      %gather3A_1540 = tpu.dynamic_gather %get3A_1523[%gather3A_1539] in [0] : vector<16xf32>, vector<16xi32> -> vector<16xf32>
      %get3A_1541 = arith.constant 33 : i32
      %get3A_1542 = arith.index_cast %get3A_1541 : i32 to index
      %get3A_1543 = arith.constant 0 : index
      %get3A_1544 = tpu.vector_load %arg11[%get3A_1542, %get3A_1543] {strides = array<i32>} : memref<80x16xf32, #tpu.memory_space<vmem>>, vector<16xf32>,
      %mul3A_1545 = arith.mulf %get3A_1544, %gather3A_1540 : vector<16xf32>
      %swap3A_1546 = arith.constant 33 : i32
      %swap3A_1547 = arith.index_cast %swap3A_1546 : i32 to index
      %swap3A_1548 = arith.constant 0 : index
      %swap3A_1549 = tpu.vector_load %arg11[%swap3A_1547, %swap3A_1548] {strides = array<i32>} : memref<80x16xf32, #tpu.memory_space<vmem>>, vector<16xf32>,
      tpu.vector_store %arg11[%swap3A_1547, %swap3A_1548], %mul3A_1545 {strides = array<i32>} : memref<80x16xf32, #tpu.memory_space<vmem>>, vector<16xf32>,
      %broadcast_in_dim3A_1550 = arith.constant 2 : i32
      %broadcast_in_dim3A_1551 = vector.broadcast %broadcast_in_dim3A_1550 : i32 to vector<16x1xi32>
      %gather3A_1552 = vector.shape_cast %broadcast_in_dim3A_1551 : vector<16x1xi32> to vector<16xi32>
      %gather3A_1553 = tpu.dynamic_gather %get3A_1523[%gather3A_1552] in [0] : vector<16xf32>, vector<16xi32> -> vector<16xf32>
      %get3A_1554 = arith.constant 34 : i32
      %get3A_1555 = arith.index_cast %get3A_1554 : i32 to index
      %get3A_1556 = arith.constant 0 : index
      %get3A_1557 = tpu.vector_load %arg11[%get3A_1555, %get3A_1556] {strides = array<i32>} : memref<80x16xf32, #tpu.memory_space<vmem>>, vector<16xf32>,
      %mul3A_1558 = arith.mulf %get3A_1557, %gather3A_1553 : vector<16xf32>
      %swap3A_1559 = arith.constant 34 : i32
      %swap3A_1560 = arith.index_cast %swap3A_1559 : i32 to index
      %swap3A_1561 = arith.constant 0 : index
      %swap3A_1562 = tpu.vector_load %arg11[%swap3A_1560, %swap3A_1561] {strides = array<i32>} : memref<80x16xf32, #tpu.memory_space<vmem>>, vector<16xf32>,
      tpu.vector_store %arg11[%swap3A_1560, %swap3A_1561], %mul3A_1558 {strides = array<i32>} : memref<80x16xf32, #tpu.memory_space<vmem>>, vector<16xf32>,
      %broadcast_in_dim3A_1563 = arith.constant 3 : i32
      %broadcast_in_dim3A_1564 = vector.broadcast %broadcast_in_dim3A_1563 : i32 to vector<16x1xi32>
      %gather3A_1565 = vector.shape_cast %broadcast_in_dim3A_1564 : vector<16x1xi32> to vector<16xi32>
      %gather3A_1566 = tpu.dynamic_gather %get3A_1523[%gather3A_1565] in [0] : vector<16xf32>, vector<16xi32> -> vector<16xf32>
      %get3A_1567 = arith.constant 35 : i32
      %get3A_1568 = arith.index_cast %get3A_1567 : i32 to index
      %get3A_1569 = arith.constant 0 : index
      %get3A_1570 = tpu.vector_load %arg11[%get3A_1568, %get3A_1569] {strides = array<i32>} : memref<80x16xf32, #tpu.memory_space<vmem>>, vector<16xf32>,
      %mul3A_1571 = arith.mulf %get3A_1570, %gather3A_1566 : vector<16xf32>
      %swap3A_1572 = arith.constant 35 : i32
      %swap3A_1573 = arith.index_cast %swap3A_1572 : i32 to index
      %swap3A_1574 = arith.constant 0 : index
      %swap3A_1575 = tpu.vector_load %arg11[%swap3A_1573, %swap3A_1574] {strides = array<i32>} : memref<80x16xf32, #tpu.memory_space<vmem>>, vector<16xf32>,
      tpu.vector_store %arg11[%swap3A_1573, %swap3A_1574], %mul3A_1571 {strides = array<i32>} : memref<80x16xf32, #tpu.memory_space<vmem>>, vector<16xf32>,
      %broadcast_in_dim3A_1576 = arith.constant 4 : i32
      %broadcast_in_dim3A_1577 = vector.broadcast %broadcast_in_dim3A_1576 : i32 to vector<16x1xi32>
      %gather3A_1578 = vector.shape_cast %broadcast_in_dim3A_1577 : vector<16x1xi32> to vector<16xi32>
      %gather3A_1579 = tpu.dynamic_gather %get3A_1523[%gather3A_1578] in [0] : vector<16xf32>, vector<16xi32> -> vector<16xf32>
      %get3A_1580 = arith.constant 36 : i32
      %get3A_1581 = arith.index_cast %get3A_1580 : i32 to index
      %get3A_1582 = arith.constant 0 : index
      %get3A_1583 = tpu.vector_load %arg11[%get3A_1581, %get3A_1582] {strides = array<i32>} : memref<80x16xf32, #tpu.memory_space<vmem>>, vector<16xf32>,
      %mul3A_1584 = arith.mulf %get3A_1583, %gather3A_1579 : vector<16xf32>
      %swap3A_1585 = arith.constant 36 : i32
      %swap3A_1586 = arith.index_cast %swap3A_1585 : i32 to index
      %swap3A_1587 = arith.constant 0 : index
      %swap3A_1588 = tpu.vector_load %arg11[%swap3A_1586, %swap3A_1587] {strides = array<i32>} : memref<80x16xf32, #tpu.memory_space<vmem>>, vector<16xf32>,
      tpu.vector_store %arg11[%swap3A_1586, %swap3A_1587], %mul3A_1584 {strides = array<i32>} : memref<80x16xf32, #tpu.memory_space<vmem>>, vector<16xf32>,
      %broadcast_in_dim3A_1589 = arith.constant 5 : i32
      %broadcast_in_dim3A_1590 = vector.broadcast %broadcast_in_dim3A_1589 : i32 to vector<16x1xi32>
      %gather3A_1591 = vector.shape_cast %broadcast_in_dim3A_1590 : vector<16x1xi32> to vector<16xi32>
      %gather3A_1592 = tpu.dynamic_gather %get3A_1523[%gather3A_1591] in [0] : vector<16xf32>, vector<16xi32> -> vector<16xf32>
      %get3A_1593 = arith.constant 37 : i32
      %get3A_1594 = arith.index_cast %get3A_1593 : i32 to index
      %get3A_1595 = arith.constant 0 : index
      %get3A_1596 = tpu.vector_load %arg11[%get3A_1594, %get3A_1595] {strides = array<i32>} : memref<80x16xf32, #tpu.memory_space<vmem>>, vector<16xf32>,
      %mul3A_1597 = arith.mulf %get3A_1596, %gather3A_1592 : vector<16xf32>
      %swap3A_1598 = arith.constant 37 : i32
      %swap3A_1599 = arith.index_cast %swap3A_1598 : i32 to index
      %swap3A_1600 = arith.constant 0 : index
      %swap3A_1601 = tpu.vector_load %arg11[%swap3A_1599, %swap3A_1600] {strides = array<i32>} : memref<80x16xf32, #tpu.memory_space<vmem>>, vector<16xf32>,
      tpu.vector_store %arg11[%swap3A_1599, %swap3A_1600], %mul3A_1597 {strides = array<i32>} : memref<80x16xf32, #tpu.memory_space<vmem>>, vector<16xf32>,
      %broadcast_in_dim3A_1602 = arith.constant 6 : i32
      %broadcast_in_dim3A_1603 = vector.broadcast %broadcast_in_dim3A_1602 : i32 to vector<16x1xi32>
      %gather3A_1604 = vector.shape_cast %broadcast_in_dim3A_1603 : vector<16x1xi32> to vector<16xi32>
      %gather3A_1605 = tpu.dynamic_gather %get3A_1523[%gather3A_1604] in [0] : vector<16xf32>, vector<16xi32> -> vector<16xf32>
      %get3A_1606 = arith.constant 38 : i32
      %get3A_1607 = arith.index_cast %get3A_1606 : i32 to index
      %get3A_1608 = arith.constant 0 : index
      %get3A_1609 = tpu.vector_load %arg11[%get3A_1607, %get3A_1608] {strides = array<i32>} : memref<80x16xf32, #tpu.memory_space<vmem>>, vector<16xf32>,
      %mul3A_1610 = arith.mulf %get3A_1609, %gather3A_1605 : vector<16xf32>
      %swap3A_1611 = arith.constant 38 : i32
      %swap3A_1612 = arith.index_cast %swap3A_1611 : i32 to index
      %swap3A_1613 = arith.constant 0 : index
      %swap3A_1614 = tpu.vector_load %arg11[%swap3A_1612, %swap3A_1613] {strides = array<i32>} : memref<80x16xf32, #tpu.memory_space<vmem>>, vector<16xf32>,
      tpu.vector_store %arg11[%swap3A_1612, %swap3A_1613], %mul3A_1610 {strides = array<i32>} : memref<80x16xf32, #tpu.memory_space<vmem>>, vector<16xf32>,
      %broadcast_in_dim3A_1615 = arith.constant 7 : i32
      %broadcast_in_dim3A_1616 = vector.broadcast %broadcast_in_dim3A_1615 : i32 to vector<16x1xi32>
      %gather3A_1617 = vector.shape_cast %broadcast_in_dim3A_1616 : vector<16x1xi32> to vector<16xi32>
      %gather3A_1618 = tpu.dynamic_gather %get3A_1523[%gather3A_1617] in [0] : vector<16xf32>, vector<16xi32> -> vector<16xf32>
      %get3A_1619 = arith.constant 39 : i32
      %get3A_1620 = arith.index_cast %get3A_1619 : i32 to index
      %get3A_1621 = arith.constant 0 : index
      %get3A_1622 = tpu.vector_load %arg11[%get3A_1620, %get3A_1621] {strides = array<i32>} : memref<80x16xf32, #tpu.memory_space<vmem>>, vector<16xf32>,
      %mul3A_1623 = arith.mulf %get3A_1622, %gather3A_1618 : vector<16xf32>
      %swap3A_1624 = arith.constant 39 : i32
      %swap3A_1625 = arith.index_cast %swap3A_1624 : i32 to index
      %swap3A_1626 = arith.constant 0 : index
      %swap3A_1627 = tpu.vector_load %arg11[%swap3A_1625, %swap3A_1626] {strides = array<i32>} : memref<80x16xf32, #tpu.memory_space<vmem>>, vector<16xf32>,
      tpu.vector_store %arg11[%swap3A_1625, %swap3A_1626], %mul3A_1623 {strides = array<i32>} : memref<80x16xf32, #tpu.memory_space<vmem>>, vector<16xf32>,
      %broadcast_in_dim3A_1628 = arith.constant 8 : i32
      %broadcast_in_dim3A_1629 = vector.broadcast %broadcast_in_dim3A_1628 : i32 to vector<16x1xi32>
      %gather3A_1630 = vector.shape_cast %broadcast_in_dim3A_1629 : vector<16x1xi32> to vector<16xi32>
      %gather3A_1631 = tpu.dynamic_gather %get3A_1523[%gather3A_1630] in [0] : vector<16xf32>, vector<16xi32> -> vector<16xf32>
      %get3A_1632 = arith.constant 40 : i32
      %get3A_1633 = arith.index_cast %get3A_1632 : i32 to index
      %get3A_1634 = arith.constant 0 : index
      %get3A_1635 = tpu.vector_load %arg11[%get3A_1633, %get3A_1634] {strides = array<i32>} : memref<80x16xf32, #tpu.memory_space<vmem>>, vector<16xf32>,
      %mul3A_1636 = arith.mulf %get3A_1635, %gather3A_1631 : vector<16xf32>
      %swap3A_1637 = arith.constant 40 : i32
      %swap3A_1638 = arith.index_cast %swap3A_1637 : i32 to index
      %swap3A_1639 = arith.constant 0 : index
      %swap3A_1640 = tpu.vector_load %arg11[%swap3A_1638, %swap3A_1639] {strides = array<i32>} : memref<80x16xf32, #tpu.memory_space<vmem>>, vector<16xf32>,
      tpu.vector_store %arg11[%swap3A_1638, %swap3A_1639], %mul3A_1636 {strides = array<i32>} : memref<80x16xf32, #tpu.memory_space<vmem>>, vector<16xf32>,
      %broadcast_in_dim3A_1641 = arith.constant 9 : i32
      %broadcast_in_dim3A_1642 = vector.broadcast %broadcast_in_dim3A_1641 : i32 to vector<16x1xi32>
      %gather3A_1643 = vector.shape_cast %broadcast_in_dim3A_1642 : vector<16x1xi32> to vector<16xi32>
      %gather3A_1644 = tpu.dynamic_gather %get3A_1523[%gather3A_1643] in [0] : vector<16xf32>, vector<16xi32> -> vector<16xf32>
      %get3A_1645 = arith.constant 41 : i32
      %get3A_1646 = arith.index_cast %get3A_1645 : i32 to index
      %get3A_1647 = arith.constant 0 : index
      %get3A_1648 = tpu.vector_load %arg11[%get3A_1646, %get3A_1647] {strides = array<i32>} : memref<80x16xf32, #tpu.memory_space<vmem>>, vector<16xf32>,
      %mul3A_1649 = arith.mulf %get3A_1648, %gather3A_1644 : vector<16xf32>
      %swap3A_1650 = arith.constant 41 : i32
      %swap3A_1651 = arith.index_cast %swap3A_1650 : i32 to index
      %swap3A_1652 = arith.constant 0 : index
      %swap3A_1653 = tpu.vector_load %arg11[%swap3A_1651, %swap3A_1652] {strides = array<i32>} : memref<80x16xf32, #tpu.memory_space<vmem>>, vector<16xf32>,
      tpu.vector_store %arg11[%swap3A_1651, %swap3A_1652], %mul3A_1649 {strides = array<i32>} : memref<80x16xf32, #tpu.memory_space<vmem>>, vector<16xf32>,
      %broadcast_in_dim3A_1654 = arith.constant 10 : i32
      %broadcast_in_dim3A_1655 = vector.broadcast %broadcast_in_dim3A_1654 : i32 to vector<16x1xi32>
      %gather3A_1656 = vector.shape_cast %broadcast_in_dim3A_1655 : vector<16x1xi32> to vector<16xi32>
      %gather3A_1657 = tpu.dynamic_gather %get3A_1523[%gather3A_1656] in [0] : vector<16xf32>, vector<16xi32> -> vector<16xf32>
      %get3A_1658 = arith.constant 42 : i32
      %get3A_1659 = arith.index_cast %get3A_1658 : i32 to index
      %get3A_1660 = arith.constant 0 : index
      %get3A_1661 = tpu.vector_load %arg11[%get3A_1659, %get3A_1660] {strides = array<i32>} : memref<80x16xf32, #tpu.memory_space<vmem>>, vector<16xf32>,
      %mul3A_1662 = arith.mulf %get3A_1661, %gather3A_1657 : vector<16xf32>
      %swap3A_1663 = arith.constant 42 : i32
      %swap3A_1664 = arith.index_cast %swap3A_1663 : i32 to index
      %swap3A_1665 = arith.constant 0 : index
      %swap3A_1666 = tpu.vector_load %arg11[%swap3A_1664, %swap3A_1665] {strides = array<i32>} : memref<80x16xf32, #tpu.memory_space<vmem>>, vector<16xf32>,
      tpu.vector_store %arg11[%swap3A_1664, %swap3A_1665], %mul3A_1662 {strides = array<i32>} : memref<80x16xf32, #tpu.memory_space<vmem>>, vector<16xf32>,
      %broadcast_in_dim3A_1667 = arith.constant 11 : i32
      %broadcast_in_dim3A_1668 = vector.broadcast %broadcast_in_dim3A_1667 : i32 to vector<16x1xi32>
      %gather3A_1669 = vector.shape_cast %broadcast_in_dim3A_1668 : vector<16x1xi32> to vector<16xi32>
      %gather3A_1670 = tpu.dynamic_gather %get3A_1523[%gather3A_1669] in [0] : vector<16xf32>, vector<16xi32> -> vector<16xf32>
      %get3A_1671 = arith.constant 43 : i32
      %get3A_1672 = arith.index_cast %get3A_1671 : i32 to index
      %get3A_1673 = arith.constant 0 : index
      %get3A_1674 = tpu.vector_load %arg11[%get3A_1672, %get3A_1673] {strides = array<i32>} : memref<80x16xf32, #tpu.memory_space<vmem>>, vector<16xf32>,
      %mul3A_1675 = arith.mulf %get3A_1674, %gather3A_1670 : vector<16xf32>
      %swap3A_1676 = arith.constant 43 : i32
      %swap3A_1677 = arith.index_cast %swap3A_1676 : i32 to index
      %swap3A_1678 = arith.constant 0 : index
      %swap3A_1679 = tpu.vector_load %arg11[%swap3A_1677, %swap3A_1678] {strides = array<i32>} : memref<80x16xf32, #tpu.memory_space<vmem>>, vector<16xf32>,
      tpu.vector_store %arg11[%swap3A_1677, %swap3A_1678], %mul3A_1675 {strides = array<i32>} : memref<80x16xf32, #tpu.memory_space<vmem>>, vector<16xf32>,
      %broadcast_in_dim3A_1680 = arith.constant 12 : i32
      %broadcast_in_dim3A_1681 = vector.broadcast %broadcast_in_dim3A_1680 : i32 to vector<16x1xi32>
      %gather3A_1682 = vector.shape_cast %broadcast_in_dim3A_1681 : vector<16x1xi32> to vector<16xi32>
      %gather3A_1683 = tpu.dynamic_gather %get3A_1523[%gather3A_1682] in [0] : vector<16xf32>, vector<16xi32> -> vector<16xf32>
      %get3A_1684 = arith.constant 44 : i32
      %get3A_1685 = arith.index_cast %get3A_1684 : i32 to index
      %get3A_1686 = arith.constant 0 : index
      %get3A_1687 = tpu.vector_load %arg11[%get3A_1685, %get3A_1686] {strides = array<i32>} : memref<80x16xf32, #tpu.memory_space<vmem>>, vector<16xf32>,
      %mul3A_1688 = arith.mulf %get3A_1687, %gather3A_1683 : vector<16xf32>
      %swap3A_1689 = arith.constant 44 : i32
      %swap3A_1690 = arith.index_cast %swap3A_1689 : i32 to index
      %swap3A_1691 = arith.constant 0 : index
      %swap3A_1692 = tpu.vector_load %arg11[%swap3A_1690, %swap3A_1691] {strides = array<i32>} : memref<80x16xf32, #tpu.memory_space<vmem>>, vector<16xf32>,
      tpu.vector_store %arg11[%swap3A_1690, %swap3A_1691], %mul3A_1688 {strides = array<i32>} : memref<80x16xf32, #tpu.memory_space<vmem>>, vector<16xf32>,
      %broadcast_in_dim3A_1693 = arith.constant 13 : i32
      %broadcast_in_dim3A_1694 = vector.broadcast %broadcast_in_dim3A_1693 : i32 to vector<16x1xi32>
      %gather3A_1695 = vector.shape_cast %broadcast_in_dim3A_1694 : vector<16x1xi32> to vector<16xi32>
      %gather3A_1696 = tpu.dynamic_gather %get3A_1523[%gather3A_1695] in [0] : vector<16xf32>, vector<16xi32> -> vector<16xf32>
      %get3A_1697 = arith.constant 45 : i32
      %get3A_1698 = arith.index_cast %get3A_1697 : i32 to index
      %get3A_1699 = arith.constant 0 : index
      %get3A_1700 = tpu.vector_load %arg11[%get3A_1698, %get3A_1699] {strides = array<i32>} : memref<80x16xf32, #tpu.memory_space<vmem>>, vector<16xf32>,
      %mul3A_1701 = arith.mulf %get3A_1700, %gather3A_1696 : vector<16xf32>
      %swap3A_1702 = arith.constant 45 : i32
      %swap3A_1703 = arith.index_cast %swap3A_1702 : i32 to index
      %swap3A_1704 = arith.constant 0 : index
      %swap3A_1705 = tpu.vector_load %arg11[%swap3A_1703, %swap3A_1704] {strides = array<i32>} : memref<80x16xf32, #tpu.memory_space<vmem>>, vector<16xf32>,
      tpu.vector_store %arg11[%swap3A_1703, %swap3A_1704], %mul3A_1701 {strides = array<i32>} : memref<80x16xf32, #tpu.memory_space<vmem>>, vector<16xf32>,
      %broadcast_in_dim3A_1706 = arith.constant 14 : i32
      %broadcast_in_dim3A_1707 = vector.broadcast %broadcast_in_dim3A_1706 : i32 to vector<16x1xi32>
      %gather3A_1708 = vector.shape_cast %broadcast_in_dim3A_1707 : vector<16x1xi32> to vector<16xi32>
      %gather3A_1709 = tpu.dynamic_gather %get3A_1523[%gather3A_1708] in [0] : vector<16xf32>, vector<16xi32> -> vector<16xf32>
      %get3A_1710 = arith.constant 46 : i32
      %get3A_1711 = arith.index_cast %get3A_1710 : i32 to index
      %get3A_1712 = arith.constant 0 : index
      %get3A_1713 = tpu.vector_load %arg11[%get3A_1711, %get3A_1712] {strides = array<i32>} : memref<80x16xf32, #tpu.memory_space<vmem>>, vector<16xf32>,
      %mul3A_1714 = arith.mulf %get3A_1713, %gather3A_1709 : vector<16xf32>
      %swap3A_1715 = arith.constant 46 : i32
      %swap3A_1716 = arith.index_cast %swap3A_1715 : i32 to index
      %swap3A_1717 = arith.constant 0 : index
      %swap3A_1718 = tpu.vector_load %arg11[%swap3A_1716, %swap3A_1717] {strides = array<i32>} : memref<80x16xf32, #tpu.memory_space<vmem>>, vector<16xf32>,
      tpu.vector_store %arg11[%swap3A_1716, %swap3A_1717], %mul3A_1714 {strides = array<i32>} : memref<80x16xf32, #tpu.memory_space<vmem>>, vector<16xf32>,
      %broadcast_in_dim3A_1719 = arith.constant 15 : i32
      %broadcast_in_dim3A_1720 = vector.broadcast %broadcast_in_dim3A_1719 : i32 to vector<16x1xi32>
      %gather3A_1721 = vector.shape_cast %broadcast_in_dim3A_1720 : vector<16x1xi32> to vector<16xi32>
      %gather3A_1722 = tpu.dynamic_gather %get3A_1523[%gather3A_1721] in [0] : vector<16xf32>, vector<16xi32> -> vector<16xf32>
      %get3A_1723 = arith.constant 47 : i32
      %get3A_1724 = arith.index_cast %get3A_1723 : i32 to index
      %get3A_1725 = arith.constant 0 : index
      %get3A_1726 = tpu.vector_load %arg11[%get3A_1724, %get3A_1725] {strides = array<i32>} : memref<80x16xf32, #tpu.memory_space<vmem>>, vector<16xf32>,
      %mul3A_1727 = arith.mulf %get3A_1726, %gather3A_1722 : vector<16xf32>
      %swap3A_1728 = arith.constant 47 : i32
      %swap3A_1729 = arith.index_cast %swap3A_1728 : i32 to index
      %swap3A_1730 = arith.constant 0 : index
      %swap3A_1731 = tpu.vector_load %arg11[%swap3A_1729, %swap3A_1730] {strides = array<i32>} : memref<80x16xf32, #tpu.memory_space<vmem>>, vector<16xf32>,
      tpu.vector_store %arg11[%swap3A_1729, %swap3A_1730], %mul3A_1727 {strides = array<i32>} : memref<80x16xf32, #tpu.memory_space<vmem>>, vector<16xf32>,
      %get3A_1732 = arith.index_cast %mul3A_1084 : i32 to index
      %get3A_1733 = arith.constant 48 : index
      %get3A_1734 = tpu.vector_load %arg10[%get3A_1732, %get3A_1733] {strides = array<i32>} : memref<125x80xf32, #tpu.memory_space<vmem>>, vector<16xf32>,
      %broadcast_in_dim3A_1735 = arith.constant 0 : i32
      %broadcast_in_dim3A_1736 = vector.broadcast %broadcast_in_dim3A_1735 : i32 to vector<16x1xi32>
      %gather3A_1737 = vector.shape_cast %broadcast_in_dim3A_1736 : vector<16x1xi32> to vector<16xi32>
      %gather3A_1738 = tpu.dynamic_gather %get3A_1734[%gather3A_1737] in [0] : vector<16xf32>, vector<16xi32> -> vector<16xf32>
      %get3A_1739 = arith.constant 48 : i32
      %get3A_1740 = arith.index_cast %get3A_1739 : i32 to index
      %get3A_1741 = arith.constant 0 : index
      %get3A_1742 = tpu.vector_load %arg11[%get3A_1740, %get3A_1741] {strides = array<i32>} : memref<80x16xf32, #tpu.memory_space<vmem>>, vector<16xf32>,
      %mul3A_1743 = arith.mulf %get3A_1742, %gather3A_1738 : vector<16xf32>
      %swap3A_1744 = arith.constant 48 : i32
      %swap3A_1745 = arith.index_cast %swap3A_1744 : i32 to index
      %swap3A_1746 = arith.constant 0 : index
      %swap3A_1747 = tpu.vector_load %arg11[%swap3A_1745, %swap3A_1746] {strides = array<i32>} : memref<80x16xf32, #tpu.memory_space<vmem>>, vector<16xf32>,
      tpu.vector_store %arg11[%swap3A_1745, %swap3A_1746], %mul3A_1743 {strides = array<i32>} : memref<80x16xf32, #tpu.memory_space<vmem>>, vector<16xf32>,
      %broadcast_in_dim3A_1748 = arith.constant 1 : i32
      %broadcast_in_dim3A_1749 = vector.broadcast %broadcast_in_dim3A_1748 : i32 to vector<16x1xi32>
      %gather3A_1750 = vector.shape_cast %broadcast_in_dim3A_1749 : vector<16x1xi32> to vector<16xi32>
      %gather3A_1751 = tpu.dynamic_gather %get3A_1734[%gather3A_1750] in [0] : vector<16xf32>, vector<16xi32> -> vector<16xf32>
      %get3A_1752 = arith.constant 49 : i32
      %get3A_1753 = arith.index_cast %get3A_1752 : i32 to index
      %get3A_1754 = arith.constant 0 : index
      %get3A_1755 = tpu.vector_load %arg11[%get3A_1753, %get3A_1754] {strides = array<i32>} : memref<80x16xf32, #tpu.memory_space<vmem>>, vector<16xf32>,
      %mul3A_1756 = arith.mulf %get3A_1755, %gather3A_1751 : vector<16xf32>
      %swap3A_1757 = arith.constant 49 : i32
      %swap3A_1758 = arith.index_cast %swap3A_1757 : i32 to index
      %swap3A_1759 = arith.constant 0 : index
      %swap3A_1760 = tpu.vector_load %arg11[%swap3A_1758, %swap3A_1759] {strides = array<i32>} : memref<80x16xf32, #tpu.memory_space<vmem>>, vector<16xf32>,
      tpu.vector_store %arg11[%swap3A_1758, %swap3A_1759], %mul3A_1756 {strides = array<i32>} : memref<80x16xf32, #tpu.memory_space<vmem>>, vector<16xf32>,
      %broadcast_in_dim3A_1761 = arith.constant 2 : i32
      %broadcast_in_dim3A_1762 = vector.broadcast %broadcast_in_dim3A_1761 : i32 to vector<16x1xi32>
      %gather3A_1763 = vector.shape_cast %broadcast_in_dim3A_1762 : vector<16x1xi32> to vector<16xi32>
      %gather3A_1764 = tpu.dynamic_gather %get3A_1734[%gather3A_1763] in [0] : vector<16xf32>, vector<16xi32> -> vector<16xf32>
      %get3A_1765 = arith.constant 50 : i32
      %get3A_1766 = arith.index_cast %get3A_1765 : i32 to index
      %get3A_1767 = arith.constant 0 : index
      %get3A_1768 = tpu.vector_load %arg11[%get3A_1766, %get3A_1767] {strides = array<i32>} : memref<80x16xf32, #tpu.memory_space<vmem>>, vector<16xf32>,
      %mul3A_1769 = arith.mulf %get3A_1768, %gather3A_1764 : vector<16xf32>
      %swap3A_1770 = arith.constant 50 : i32
      %swap3A_1771 = arith.index_cast %swap3A_1770 : i32 to index
      %swap3A_1772 = arith.constant 0 : index
      %swap3A_1773 = tpu.vector_load %arg11[%swap3A_1771, %swap3A_1772] {strides = array<i32>} : memref<80x16xf32, #tpu.memory_space<vmem>>, vector<16xf32>,
      tpu.vector_store %arg11[%swap3A_1771, %swap3A_1772], %mul3A_1769 {strides = array<i32>} : memref<80x16xf32, #tpu.memory_space<vmem>>, vector<16xf32>,
      %broadcast_in_dim3A_1774 = arith.constant 3 : i32
      %broadcast_in_dim3A_1775 = vector.broadcast %broadcast_in_dim3A_1774 : i32 to vector<16x1xi32>
      %gather3A_1776 = vector.shape_cast %broadcast_in_dim3A_1775 : vector<16x1xi32> to vector<16xi32>
      %gather3A_1777 = tpu.dynamic_gather %get3A_1734[%gather3A_1776] in [0] : vector<16xf32>, vector<16xi32> -> vector<16xf32>
      %get3A_1778 = arith.constant 51 : i32
      %get3A_1779 = arith.index_cast %get3A_1778 : i32 to index
      %get3A_1780 = arith.constant 0 : index
      %get3A_1781 = tpu.vector_load %arg11[%get3A_1779, %get3A_1780] {strides = array<i32>} : memref<80x16xf32, #tpu.memory_space<vmem>>, vector<16xf32>,
      %mul3A_1782 = arith.mulf %get3A_1781, %gather3A_1777 : vector<16xf32>
      %swap3A_1783 = arith.constant 51 : i32
      %swap3A_1784 = arith.index_cast %swap3A_1783 : i32 to index
      %swap3A_1785 = arith.constant 0 : index
      %swap3A_1786 = tpu.vector_load %arg11[%swap3A_1784, %swap3A_1785] {strides = array<i32>} : memref<80x16xf32, #tpu.memory_space<vmem>>, vector<16xf32>,
      tpu.vector_store %arg11[%swap3A_1784, %swap3A_1785], %mul3A_1782 {strides = array<i32>} : memref<80x16xf32, #tpu.memory_space<vmem>>, vector<16xf32>,
      %broadcast_in_dim3A_1787 = arith.constant 4 : i32
      %broadcast_in_dim3A_1788 = vector.broadcast %broadcast_in_dim3A_1787 : i32 to vector<16x1xi32>
      %gather3A_1789 = vector.shape_cast %broadcast_in_dim3A_1788 : vector<16x1xi32> to vector<16xi32>
      %gather3A_1790 = tpu.dynamic_gather %get3A_1734[%gather3A_1789] in [0] : vector<16xf32>, vector<16xi32> -> vector<16xf32>
      %get3A_1791 = arith.constant 52 : i32
      %get3A_1792 = arith.index_cast %get3A_1791 : i32 to index
      %get3A_1793 = arith.constant 0 : index
      %get3A_1794 = tpu.vector_load %arg11[%get3A_1792, %get3A_1793] {strides = array<i32>} : memref<80x16xf32, #tpu.memory_space<vmem>>, vector<16xf32>,
      %mul3A_1795 = arith.mulf %get3A_1794, %gather3A_1790 : vector<16xf32>
      %swap3A_1796 = arith.constant 52 : i32
      %swap3A_1797 = arith.index_cast %swap3A_1796 : i32 to index
      %swap3A_1798 = arith.constant 0 : index
      %swap3A_1799 = tpu.vector_load %arg11[%swap3A_1797, %swap3A_1798] {strides = array<i32>} : memref<80x16xf32, #tpu.memory_space<vmem>>, vector<16xf32>,
      tpu.vector_store %arg11[%swap3A_1797, %swap3A_1798], %mul3A_1795 {strides = array<i32>} : memref<80x16xf32, #tpu.memory_space<vmem>>, vector<16xf32>,
      %broadcast_in_dim3A_1800 = arith.constant 5 : i32
      %broadcast_in_dim3A_1801 = vector.broadcast %broadcast_in_dim3A_1800 : i32 to vector<16x1xi32>
      %gather3A_1802 = vector.shape_cast %broadcast_in_dim3A_1801 : vector<16x1xi32> to vector<16xi32>
      %gather3A_1803 = tpu.dynamic_gather %get3A_1734[%gather3A_1802] in [0] : vector<16xf32>, vector<16xi32> -> vector<16xf32>
      %get3A_1804 = arith.constant 53 : i32
      %get3A_1805 = arith.index_cast %get3A_1804 : i32 to index
      %get3A_1806 = arith.constant 0 : index
      %get3A_1807 = tpu.vector_load %arg11[%get3A_1805, %get3A_1806] {strides = array<i32>} : memref<80x16xf32, #tpu.memory_space<vmem>>, vector<16xf32>,
      %mul3A_1808 = arith.mulf %get3A_1807, %gather3A_1803 : vector<16xf32>
      %swap3A_1809 = arith.constant 53 : i32
      %swap3A_1810 = arith.index_cast %swap3A_1809 : i32 to index
      %swap3A_1811 = arith.constant 0 : index
      %swap3A_1812 = tpu.vector_load %arg11[%swap3A_1810, %swap3A_1811] {strides = array<i32>} : memref<80x16xf32, #tpu.memory_space<vmem>>, vector<16xf32>,
      tpu.vector_store %arg11[%swap3A_1810, %swap3A_1811], %mul3A_1808 {strides = array<i32>} : memref<80x16xf32, #tpu.memory_space<vmem>>, vector<16xf32>,
      %broadcast_in_dim3A_1813 = arith.constant 6 : i32
      %broadcast_in_dim3A_1814 = vector.broadcast %broadcast_in_dim3A_1813 : i32 to vector<16x1xi32>
      %gather3A_1815 = vector.shape_cast %broadcast_in_dim3A_1814 : vector<16x1xi32> to vector<16xi32>
      %gather3A_1816 = tpu.dynamic_gather %get3A_1734[%gather3A_1815] in [0] : vector<16xf32>, vector<16xi32> -> vector<16xf32>
      %get3A_1817 = arith.constant 54 : i32
      %get3A_1818 = arith.index_cast %get3A_1817 : i32 to index
      %get3A_1819 = arith.constant 0 : index
      %get3A_1820 = tpu.vector_load %arg11[%get3A_1818, %get3A_1819] {strides = array<i32>} : memref<80x16xf32, #tpu.memory_space<vmem>>, vector<16xf32>,
      %mul3A_1821 = arith.mulf %get3A_1820, %gather3A_1816 : vector<16xf32>
      %swap3A_1822 = arith.constant 54 : i32
      %swap3A_1823 = arith.index_cast %swap3A_1822 : i32 to index
      %swap3A_1824 = arith.constant 0 : index
      %swap3A_1825 = tpu.vector_load %arg11[%swap3A_1823, %swap3A_1824] {strides = array<i32>} : memref<80x16xf32, #tpu.memory_space<vmem>>, vector<16xf32>,
      tpu.vector_store %arg11[%swap3A_1823, %swap3A_1824], %mul3A_1821 {strides = array<i32>} : memref<80x16xf32, #tpu.memory_space<vmem>>, vector<16xf32>,
      %broadcast_in_dim3A_1826 = arith.constant 7 : i32
      %broadcast_in_dim3A_1827 = vector.broadcast %broadcast_in_dim3A_1826 : i32 to vector<16x1xi32>
      %gather3A_1828 = vector.shape_cast %broadcast_in_dim3A_1827 : vector<16x1xi32> to vector<16xi32>
      %gather3A_1829 = tpu.dynamic_gather %get3A_1734[%gather3A_1828] in [0] : vector<16xf32>, vector<16xi32> -> vector<16xf32>
      %get3A_1830 = arith.constant 55 : i32
      %get3A_1831 = arith.index_cast %get3A_1830 : i32 to index
      %get3A_1832 = arith.constant 0 : index
      %get3A_1833 = tpu.vector_load %arg11[%get3A_1831, %get3A_1832] {strides = array<i32>} : memref<80x16xf32, #tpu.memory_space<vmem>>, vector<16xf32>,
      %mul3A_1834 = arith.mulf %get3A_1833, %gather3A_1829 : vector<16xf32>
      %swap3A_1835 = arith.constant 55 : i32
      %swap3A_1836 = arith.index_cast %swap3A_1835 : i32 to index
      %swap3A_1837 = arith.constant 0 : index
      %swap3A_1838 = tpu.vector_load %arg11[%swap3A_1836, %swap3A_1837] {strides = array<i32>} : memref<80x16xf32, #tpu.memory_space<vmem>>, vector<16xf32>,
      tpu.vector_store %arg11[%swap3A_1836, %swap3A_1837], %mul3A_1834 {strides = array<i32>} : memref<80x16xf32, #tpu.memory_space<vmem>>, vector<16xf32>,
      %broadcast_in_dim3A_1839 = arith.constant 8 : i32
      %broadcast_in_dim3A_1840 = vector.broadcast %broadcast_in_dim3A_1839 : i32 to vector<16x1xi32>
      %gather3A_1841 = vector.shape_cast %broadcast_in_dim3A_1840 : vector<16x1xi32> to vector<16xi32>
      %gather3A_1842 = tpu.dynamic_gather %get3A_1734[%gather3A_1841] in [0] : vector<16xf32>, vector<16xi32> -> vector<16xf32>
      %get3A_1843 = arith.constant 56 : i32
      %get3A_1844 = arith.index_cast %get3A_1843 : i32 to index
      %get3A_1845 = arith.constant 0 : index
      %get3A_1846 = tpu.vector_load %arg11[%get3A_1844, %get3A_1845] {strides = array<i32>} : memref<80x16xf32, #tpu.memory_space<vmem>>, vector<16xf32>,
      %mul3A_1847 = arith.mulf %get3A_1846, %gather3A_1842 : vector<16xf32>
      %swap3A_1848 = arith.constant 56 : i32
      %swap3A_1849 = arith.index_cast %swap3A_1848 : i32 to index
      %swap3A_1850 = arith.constant 0 : index
      %swap3A_1851 = tpu.vector_load %arg11[%swap3A_1849, %swap3A_1850] {strides = array<i32>} : memref<80x16xf32, #tpu.memory_space<vmem>>, vector<16xf32>,
      tpu.vector_store %arg11[%swap3A_1849, %swap3A_1850], %mul3A_1847 {strides = array<i32>} : memref<80x16xf32, #tpu.memory_space<vmem>>, vector<16xf32>,
      %broadcast_in_dim3A_1852 = arith.constant 9 : i32
      %broadcast_in_dim3A_1853 = vector.broadcast %broadcast_in_dim3A_1852 : i32 to vector<16x1xi32>
      %gather3A_1854 = vector.shape_cast %broadcast_in_dim3A_1853 : vector<16x1xi32> to vector<16xi32>
      %gather3A_1855 = tpu.dynamic_gather %get3A_1734[%gather3A_1854] in [0] : vector<16xf32>, vector<16xi32> -> vector<16xf32>
      %get3A_1856 = arith.constant 57 : i32
      %get3A_1857 = arith.index_cast %get3A_1856 : i32 to index
      %get3A_1858 = arith.constant 0 : index
      %get3A_1859 = tpu.vector_load %arg11[%get3A_1857, %get3A_1858] {strides = array<i32>} : memref<80x16xf32, #tpu.memory_space<vmem>>, vector<16xf32>,
      %mul3A_1860 = arith.mulf %get3A_1859, %gather3A_1855 : vector<16xf32>
      %swap3A_1861 = arith.constant 57 : i32
      %swap3A_1862 = arith.index_cast %swap3A_1861 : i32 to index
      %swap3A_1863 = arith.constant 0 : index
      %swap3A_1864 = tpu.vector_load %arg11[%swap3A_1862, %swap3A_1863] {strides = array<i32>} : memref<80x16xf32, #tpu.memory_space<vmem>>, vector<16xf32>,
      tpu.vector_store %arg11[%swap3A_1862, %swap3A_1863], %mul3A_1860 {strides = array<i32>} : memref<80x16xf32, #tpu.memory_space<vmem>>, vector<16xf32>,
      %broadcast_in_dim3A_1865 = arith.constant 10 : i32
      %broadcast_in_dim3A_1866 = vector.broadcast %broadcast_in_dim3A_1865 : i32 to vector<16x1xi32>
      %gather3A_1867 = vector.shape_cast %broadcast_in_dim3A_1866 : vector<16x1xi32> to vector<16xi32>
      %gather3A_1868 = tpu.dynamic_gather %get3A_1734[%gather3A_1867] in [0] : vector<16xf32>, vector<16xi32> -> vector<16xf32>
      %get3A_1869 = arith.constant 58 : i32
      %get3A_1870 = arith.index_cast %get3A_1869 : i32 to index
      %get3A_1871 = arith.constant 0 : index
      %get3A_1872 = tpu.vector_load %arg11[%get3A_1870, %get3A_1871] {strides = array<i32>} : memref<80x16xf32, #tpu.memory_space<vmem>>, vector<16xf32>,
      %mul3A_1873 = arith.mulf %get3A_1872, %gather3A_1868 : vector<16xf32>
      %swap3A_1874 = arith.constant 58 : i32
      %swap3A_1875 = arith.index_cast %swap3A_1874 : i32 to index
      %swap3A_1876 = arith.constant 0 : index
      %swap3A_1877 = tpu.vector_load %arg11[%swap3A_1875, %swap3A_1876] {strides = array<i32>} : memref<80x16xf32, #tpu.memory_space<vmem>>, vector<16xf32>,
      tpu.vector_store %arg11[%swap3A_1875, %swap3A_1876], %mul3A_1873 {strides = array<i32>} : memref<80x16xf32, #tpu.memory_space<vmem>>, vector<16xf32>,
      %broadcast_in_dim3A_1878 = arith.constant 11 : i32
      %broadcast_in_dim3A_1879 = vector.broadcast %broadcast_in_dim3A_1878 : i32 to vector<16x1xi32>
      %gather3A_1880 = vector.shape_cast %broadcast_in_dim3A_1879 : vector<16x1xi32> to vector<16xi32>
      %gather3A_1881 = tpu.dynamic_gather %get3A_1734[%gather3A_1880] in [0] : vector<16xf32>, vector<16xi32> -> vector<16xf32>
      %get3A_1882 = arith.constant 59 : i32
      %get3A_1883 = arith.index_cast %get3A_1882 : i32 to index
      %get3A_1884 = arith.constant 0 : index
      %get3A_1885 = tpu.vector_load %arg11[%get3A_1883, %get3A_1884] {strides = array<i32>} : memref<80x16xf32, #tpu.memory_space<vmem>>, vector<16xf32>,
      %mul3A_1886 = arith.mulf %get3A_1885, %gather3A_1881 : vector<16xf32>
      %swap3A_1887 = arith.constant 59 : i32
      %swap3A_1888 = arith.index_cast %swap3A_1887 : i32 to index
      %swap3A_1889 = arith.constant 0 : index
      %swap3A_1890 = tpu.vector_load %arg11[%swap3A_1888, %swap3A_1889] {strides = array<i32>} : memref<80x16xf32, #tpu.memory_space<vmem>>, vector<16xf32>,
      tpu.vector_store %arg11[%swap3A_1888, %swap3A_1889], %mul3A_1886 {strides = array<i32>} : memref<80x16xf32, #tpu.memory_space<vmem>>, vector<16xf32>,
      %broadcast_in_dim3A_1891 = arith.constant 12 : i32
      %broadcast_in_dim3A_1892 = vector.broadcast %broadcast_in_dim3A_1891 : i32 to vector<16x1xi32>
      %gather3A_1893 = vector.shape_cast %broadcast_in_dim3A_1892 : vector<16x1xi32> to vector<16xi32>
      %gather3A_1894 = tpu.dynamic_gather %get3A_1734[%gather3A_1893] in [0] : vector<16xf32>, vector<16xi32> -> vector<16xf32>
      %get3A_1895 = arith.constant 60 : i32
      %get3A_1896 = arith.index_cast %get3A_1895 : i32 to index
      %get3A_1897 = arith.constant 0 : index
      %get3A_1898 = tpu.vector_load %arg11[%get3A_1896, %get3A_1897] {strides = array<i32>} : memref<80x16xf32, #tpu.memory_space<vmem>>, vector<16xf32>,
      %mul3A_1899 = arith.mulf %get3A_1898, %gather3A_1894 : vector<16xf32>
      %swap3A_1900 = arith.constant 60 : i32
      %swap3A_1901 = arith.index_cast %swap3A_1900 : i32 to index
      %swap3A_1902 = arith.constant 0 : index
      %swap3A_1903 = tpu.vector_load %arg11[%swap3A_1901, %swap3A_1902] {strides = array<i32>} : memref<80x16xf32, #tpu.memory_space<vmem>>, vector<16xf32>,
      tpu.vector_store %arg11[%swap3A_1901, %swap3A_1902], %mul3A_1899 {strides = array<i32>} : memref<80x16xf32, #tpu.memory_space<vmem>>, vector<16xf32>,
      %broadcast_in_dim3A_1904 = arith.constant 13 : i32
      %broadcast_in_dim3A_1905 = vector.broadcast %broadcast_in_dim3A_1904 : i32 to vector<16x1xi32>
      %gather3A_1906 = vector.shape_cast %broadcast_in_dim3A_1905 : vector<16x1xi32> to vector<16xi32>
      %gather3A_1907 = tpu.dynamic_gather %get3A_1734[%gather3A_1906] in [0] : vector<16xf32>, vector<16xi32> -> vector<16xf32>
      %get3A_1908 = arith.constant 61 : i32
      %get3A_1909 = arith.index_cast %get3A_1908 : i32 to index
      %get3A_1910 = arith.constant 0 : index
      %get3A_1911 = tpu.vector_load %arg11[%get3A_1909, %get3A_1910] {strides = array<i32>} : memref<80x16xf32, #tpu.memory_space<vmem>>, vector<16xf32>,
      %mul3A_1912 = arith.mulf %get3A_1911, %gather3A_1907 : vector<16xf32>
      %swap3A_1913 = arith.constant 61 : i32
      %swap3A_1914 = arith.index_cast %swap3A_1913 : i32 to index
      %swap3A_1915 = arith.constant 0 : index
      %swap3A_1916 = tpu.vector_load %arg11[%swap3A_1914, %swap3A_1915] {strides = array<i32>} : memref<80x16xf32, #tpu.memory_space<vmem>>, vector<16xf32>,
      tpu.vector_store %arg11[%swap3A_1914, %swap3A_1915], %mul3A_1912 {strides = array<i32>} : memref<80x16xf32, #tpu.memory_space<vmem>>, vector<16xf32>,
      %broadcast_in_dim3A_1917 = arith.constant 14 : i32
      %broadcast_in_dim3A_1918 = vector.broadcast %broadcast_in_dim3A_1917 : i32 to vector<16x1xi32>
      %gather3A_1919 = vector.shape_cast %broadcast_in_dim3A_1918 : vector<16x1xi32> to vector<16xi32>
      %gather3A_1920 = tpu.dynamic_gather %get3A_1734[%gather3A_1919] in [0] : vector<16xf32>, vector<16xi32> -> vector<16xf32>
      %get3A_1921 = arith.constant 62 : i32
      %get3A_1922 = arith.index_cast %get3A_1921 : i32 to index
      %get3A_1923 = arith.constant 0 : index
      %get3A_1924 = tpu.vector_load %arg11[%get3A_1922, %get3A_1923] {strides = array<i32>} : memref<80x16xf32, #tpu.memory_space<vmem>>, vector<16xf32>,
      %mul3A_1925 = arith.mulf %get3A_1924, %gather3A_1920 : vector<16xf32>
      %swap3A_1926 = arith.constant 62 : i32
      %swap3A_1927 = arith.index_cast %swap3A_1926 : i32 to index
      %swap3A_1928 = arith.constant 0 : index
      %swap3A_1929 = tpu.vector_load %arg11[%swap3A_1927, %swap3A_1928] {strides = array<i32>} : memref<80x16xf32, #tpu.memory_space<vmem>>, vector<16xf32>,
      tpu.vector_store %arg11[%swap3A_1927, %swap3A_1928], %mul3A_1925 {strides = array<i32>} : memref<80x16xf32, #tpu.memory_space<vmem>>, vector<16xf32>,
      %broadcast_in_dim3A_1930 = arith.constant 15 : i32
      %broadcast_in_dim3A_1931 = vector.broadcast %broadcast_in_dim3A_1930 : i32 to vector<16x1xi32>
      %gather3A_1932 = vector.shape_cast %broadcast_in_dim3A_1931 : vector<16x1xi32> to vector<16xi32>
      %gather3A_1933 = tpu.dynamic_gather %get3A_1734[%gather3A_1932] in [0] : vector<16xf32>, vector<16xi32> -> vector<16xf32>
      %get3A_1934 = arith.constant 63 : i32
      %get3A_1935 = arith.index_cast %get3A_1934 : i32 to index
      %get3A_1936 = arith.constant 0 : index
      %get3A_1937 = tpu.vector_load %arg11[%get3A_1935, %get3A_1936] {strides = array<i32>} : memref<80x16xf32, #tpu.memory_space<vmem>>, vector<16xf32>,
      %mul3A_1938 = arith.mulf %get3A_1937, %gather3A_1933 : vector<16xf32>
      %swap3A_1939 = arith.constant 63 : i32
      %swap3A_1940 = arith.index_cast %swap3A_1939 : i32 to index
      %swap3A_1941 = arith.constant 0 : index
      %swap3A_1942 = tpu.vector_load %arg11[%swap3A_1940, %swap3A_1941] {strides = array<i32>} : memref<80x16xf32, #tpu.memory_space<vmem>>, vector<16xf32>,
      tpu.vector_store %arg11[%swap3A_1940, %swap3A_1941], %mul3A_1938 {strides = array<i32>} : memref<80x16xf32, #tpu.memory_space<vmem>>, vector<16xf32>,
      %get3A_1943 = arith.index_cast %mul3A_1084 : i32 to index
      %get3A_1944 = arith.constant 64 : index
      %get3A_1945 = tpu.vector_load %arg10[%get3A_1943, %get3A_1944] {strides = array<i32>} : memref<125x80xf32, #tpu.memory_space<vmem>>, vector<16xf32>,
      %broadcast_in_dim3A_1946 = arith.constant 0 : i32
      %broadcast_in_dim3A_1947 = vector.broadcast %broadcast_in_dim3A_1946 : i32 to vector<16x1xi32>
      %gather3A_1948 = vector.shape_cast %broadcast_in_dim3A_1947 : vector<16x1xi32> to vector<16xi32>
      %gather3A_1949 = tpu.dynamic_gather %get3A_1945[%gather3A_1948] in [0] : vector<16xf32>, vector<16xi32> -> vector<16xf32>
      %get3A_1950 = arith.constant 64 : i32
      %get3A_1951 = arith.index_cast %get3A_1950 : i32 to index
      %get3A_1952 = arith.constant 0 : index
      %get3A_1953 = tpu.vector_load %arg11[%get3A_1951, %get3A_1952] {strides = array<i32>} : memref<80x16xf32, #tpu.memory_space<vmem>>, vector<16xf32>,
      %mul3A_1954 = arith.mulf %get3A_1953, %gather3A_1949 : vector<16xf32>
      %swap3A_1955 = arith.constant 64 : i32
      %swap3A_1956 = arith.index_cast %swap3A_1955 : i32 to index
      %swap3A_1957 = arith.constant 0 : index
      %swap3A_1958 = tpu.vector_load %arg11[%swap3A_1956, %swap3A_1957] {strides = array<i32>} : memref<80x16xf32, #tpu.memory_space<vmem>>, vector<16xf32>,
      tpu.vector_store %arg11[%swap3A_1956, %swap3A_1957], %mul3A_1954 {strides = array<i32>} : memref<80x16xf32, #tpu.memory_space<vmem>>, vector<16xf32>,
      %broadcast_in_dim3A_1959 = arith.constant 1 : i32
      %broadcast_in_dim3A_1960 = vector.broadcast %broadcast_in_dim3A_1959 : i32 to vector<16x1xi32>
      %gather3A_1961 = vector.shape_cast %broadcast_in_dim3A_1960 : vector<16x1xi32> to vector<16xi32>
      %gather3A_1962 = tpu.dynamic_gather %get3A_1945[%gather3A_1961] in [0] : vector<16xf32>, vector<16xi32> -> vector<16xf32>
      %get3A_1963 = arith.constant 65 : i32
      %get3A_1964 = arith.index_cast %get3A_1963 : i32 to index
      %get3A_1965 = arith.constant 0 : index
      %get3A_1966 = tpu.vector_load %arg11[%get3A_1964, %get3A_1965] {strides = array<i32>} : memref<80x16xf32, #tpu.memory_space<vmem>>, vector<16xf32>,
      %mul3A_1967 = arith.mulf %get3A_1966, %gather3A_1962 : vector<16xf32>
      %swap3A_1968 = arith.constant 65 : i32
      %swap3A_1969 = arith.index_cast %swap3A_1968 : i32 to index
      %swap3A_1970 = arith.constant 0 : index
      %swap3A_1971 = tpu.vector_load %arg11[%swap3A_1969, %swap3A_1970] {strides = array<i32>} : memref<80x16xf32, #tpu.memory_space<vmem>>, vector<16xf32>,
      tpu.vector_store %arg11[%swap3A_1969, %swap3A_1970], %mul3A_1967 {strides = array<i32>} : memref<80x16xf32, #tpu.memory_space<vmem>>, vector<16xf32>,
      %broadcast_in_dim3A_1972 = arith.constant 2 : i32
      %broadcast_in_dim3A_1973 = vector.broadcast %broadcast_in_dim3A_1972 : i32 to vector<16x1xi32>
      %gather3A_1974 = vector.shape_cast %broadcast_in_dim3A_1973 : vector<16x1xi32> to vector<16xi32>
      %gather3A_1975 = tpu.dynamic_gather %get3A_1945[%gather3A_1974] in [0] : vector<16xf32>, vector<16xi32> -> vector<16xf32>
      %get3A_1976 = arith.constant 66 : i32
      %get3A_1977 = arith.index_cast %get3A_1976 : i32 to index
      %get3A_1978 = arith.constant 0 : index
      %get3A_1979 = tpu.vector_load %arg11[%get3A_1977, %get3A_1978] {strides = array<i32>} : memref<80x16xf32, #tpu.memory_space<vmem>>, vector<16xf32>,
      %mul3A_1980 = arith.mulf %get3A_1979, %gather3A_1975 : vector<16xf32>
      %swap3A_1981 = arith.constant 66 : i32
      %swap3A_1982 = arith.index_cast %swap3A_1981 : i32 to index
      %swap3A_1983 = arith.constant 0 : index
      %swap3A_1984 = tpu.vector_load %arg11[%swap3A_1982, %swap3A_1983] {strides = array<i32>} : memref<80x16xf32, #tpu.memory_space<vmem>>, vector<16xf32>,
      tpu.vector_store %arg11[%swap3A_1982, %swap3A_1983], %mul3A_1980 {strides = array<i32>} : memref<80x16xf32, #tpu.memory_space<vmem>>, vector<16xf32>,
      %broadcast_in_dim3A_1985 = arith.constant 3 : i32
      %broadcast_in_dim3A_1986 = vector.broadcast %broadcast_in_dim3A_1985 : i32 to vector<16x1xi32>
      %gather3A_1987 = vector.shape_cast %broadcast_in_dim3A_1986 : vector<16x1xi32> to vector<16xi32>
      %gather3A_1988 = tpu.dynamic_gather %get3A_1945[%gather3A_1987] in [0] : vector<16xf32>, vector<16xi32> -> vector<16xf32>
      %get3A_1989 = arith.constant 67 : i32
      %get3A_1990 = arith.index_cast %get3A_1989 : i32 to index
      %get3A_1991 = arith.constant 0 : index
      %get3A_1992 = tpu.vector_load %arg11[%get3A_1990, %get3A_1991] {strides = array<i32>} : memref<80x16xf32, #tpu.memory_space<vmem>>, vector<16xf32>,
      %mul3A_1993 = arith.mulf %get3A_1992, %gather3A_1988 : vector<16xf32>
      %swap3A_1994 = arith.constant 67 : i32
      %swap3A_1995 = arith.index_cast %swap3A_1994 : i32 to index
      %swap3A_1996 = arith.constant 0 : index
      %swap3A_1997 = tpu.vector_load %arg11[%swap3A_1995, %swap3A_1996] {strides = array<i32>} : memref<80x16xf32, #tpu.memory_space<vmem>>, vector<16xf32>,
      tpu.vector_store %arg11[%swap3A_1995, %swap3A_1996], %mul3A_1993 {strides = array<i32>} : memref<80x16xf32, #tpu.memory_space<vmem>>, vector<16xf32>,
      %broadcast_in_dim3A_1998 = arith.constant 4 : i32
      %broadcast_in_dim3A_1999 = vector.broadcast %broadcast_in_dim3A_1998 : i32 to vector<16x1xi32>
      %gather3A_2000 = vector.shape_cast %broadcast_in_dim3A_1999 : vector<16x1xi32> to vector<16xi32>
      %gather3A_2001 = tpu.dynamic_gather %get3A_1945[%gather3A_2000] in [0] : vector<16xf32>, vector<16xi32> -> vector<16xf32>
      %get3A_2002 = arith.constant 68 : i32
      %get3A_2003 = arith.index_cast %get3A_2002 : i32 to index
      %get3A_2004 = arith.constant 0 : index
      %get3A_2005 = tpu.vector_load %arg11[%get3A_2003, %get3A_2004] {strides = array<i32>} : memref<80x16xf32, #tpu.memory_space<vmem>>, vector<16xf32>,
      %mul3A_2006 = arith.mulf %get3A_2005, %gather3A_2001 : vector<16xf32>
      %swap3A_2007 = arith.constant 68 : i32
      %swap3A_2008 = arith.index_cast %swap3A_2007 : i32 to index
      %swap3A_2009 = arith.constant 0 : index
      %swap3A_2010 = tpu.vector_load %arg11[%swap3A_2008, %swap3A_2009] {strides = array<i32>} : memref<80x16xf32, #tpu.memory_space<vmem>>, vector<16xf32>,
      tpu.vector_store %arg11[%swap3A_2008, %swap3A_2009], %mul3A_2006 {strides = array<i32>} : memref<80x16xf32, #tpu.memory_space<vmem>>, vector<16xf32>,
      %broadcast_in_dim3A_2011 = arith.constant 5 : i32
      %broadcast_in_dim3A_2012 = vector.broadcast %broadcast_in_dim3A_2011 : i32 to vector<16x1xi32>
      %gather3A_2013 = vector.shape_cast %broadcast_in_dim3A_2012 : vector<16x1xi32> to vector<16xi32>
      %gather3A_2014 = tpu.dynamic_gather %get3A_1945[%gather3A_2013] in [0] : vector<16xf32>, vector<16xi32> -> vector<16xf32>
      %get3A_2015 = arith.constant 69 : i32
      %get3A_2016 = arith.index_cast %get3A_2015 : i32 to index
      %get3A_2017 = arith.constant 0 : index
      %get3A_2018 = tpu.vector_load %arg11[%get3A_2016, %get3A_2017] {strides = array<i32>} : memref<80x16xf32, #tpu.memory_space<vmem>>, vector<16xf32>,
      %mul3A_2019 = arith.mulf %get3A_2018, %gather3A_2014 : vector<16xf32>
      %swap3A_2020 = arith.constant 69 : i32
      %swap3A_2021 = arith.index_cast %swap3A_2020 : i32 to index
      %swap3A_2022 = arith.constant 0 : index
      %swap3A_2023 = tpu.vector_load %arg11[%swap3A_2021, %swap3A_2022] {strides = array<i32>} : memref<80x16xf32, #tpu.memory_space<vmem>>, vector<16xf32>,
      tpu.vector_store %arg11[%swap3A_2021, %swap3A_2022], %mul3A_2019 {strides = array<i32>} : memref<80x16xf32, #tpu.memory_space<vmem>>, vector<16xf32>,
      %broadcast_in_dim3A_2024 = arith.constant 6 : i32
      %broadcast_in_dim3A_2025 = vector.broadcast %broadcast_in_dim3A_2024 : i32 to vector<16x1xi32>
      %gather3A_2026 = vector.shape_cast %broadcast_in_dim3A_2025 : vector<16x1xi32> to vector<16xi32>
      %gather3A_2027 = tpu.dynamic_gather %get3A_1945[%gather3A_2026] in [0] : vector<16xf32>, vector<16xi32> -> vector<16xf32>
      %get3A_2028 = arith.constant 70 : i32
      %get3A_2029 = arith.index_cast %get3A_2028 : i32 to index
      %get3A_2030 = arith.constant 0 : index
      %get3A_2031 = tpu.vector_load %arg11[%get3A_2029, %get3A_2030] {strides = array<i32>} : memref<80x16xf32, #tpu.memory_space<vmem>>, vector<16xf32>,
      %mul3A_2032 = arith.mulf %get3A_2031, %gather3A_2027 : vector<16xf32>
      %swap3A_2033 = arith.constant 70 : i32
      %swap3A_2034 = arith.index_cast %swap3A_2033 : i32 to index
      %swap3A_2035 = arith.constant 0 : index
      %swap3A_2036 = tpu.vector_load %arg11[%swap3A_2034, %swap3A_2035] {strides = array<i32>} : memref<80x16xf32, #tpu.memory_space<vmem>>, vector<16xf32>,
      tpu.vector_store %arg11[%swap3A_2034, %swap3A_2035], %mul3A_2032 {strides = array<i32>} : memref<80x16xf32, #tpu.memory_space<vmem>>, vector<16xf32>,
      %broadcast_in_dim3A_2037 = arith.constant 7 : i32
      %broadcast_in_dim3A_2038 = vector.broadcast %broadcast_in_dim3A_2037 : i32 to vector<16x1xi32>
      %gather3A_2039 = vector.shape_cast %broadcast_in_dim3A_2038 : vector<16x1xi32> to vector<16xi32>
      %gather3A_2040 = tpu.dynamic_gather %get3A_1945[%gather3A_2039] in [0] : vector<16xf32>, vector<16xi32> -> vector<16xf32>
      %get3A_2041 = arith.constant 71 : i32
      %get3A_2042 = arith.index_cast %get3A_2041 : i32 to index
      %get3A_2043 = arith.constant 0 : index
      %get3A_2044 = tpu.vector_load %arg11[%get3A_2042, %get3A_2043] {strides = array<i32>} : memref<80x16xf32, #tpu.memory_space<vmem>>, vector<16xf32>,
      %mul3A_2045 = arith.mulf %get3A_2044, %gather3A_2040 : vector<16xf32>
      %swap3A_2046 = arith.constant 71 : i32
      %swap3A_2047 = arith.index_cast %swap3A_2046 : i32 to index
      %swap3A_2048 = arith.constant 0 : index
      %swap3A_2049 = tpu.vector_load %arg11[%swap3A_2047, %swap3A_2048] {strides = array<i32>} : memref<80x16xf32, #tpu.memory_space<vmem>>, vector<16xf32>,
      tpu.vector_store %arg11[%swap3A_2047, %swap3A_2048], %mul3A_2045 {strides = array<i32>} : memref<80x16xf32, #tpu.memory_space<vmem>>, vector<16xf32>,
      %broadcast_in_dim3A_2050 = arith.constant 8 : i32
      %broadcast_in_dim3A_2051 = vector.broadcast %broadcast_in_dim3A_2050 : i32 to vector<16x1xi32>
      %gather3A_2052 = vector.shape_cast %broadcast_in_dim3A_2051 : vector<16x1xi32> to vector<16xi32>
      %gather3A_2053 = tpu.dynamic_gather %get3A_1945[%gather3A_2052] in [0] : vector<16xf32>, vector<16xi32> -> vector<16xf32>
      %get3A_2054 = arith.constant 72 : i32
      %get3A_2055 = arith.index_cast %get3A_2054 : i32 to index
      %get3A_2056 = arith.constant 0 : index
      %get3A_2057 = tpu.vector_load %arg11[%get3A_2055, %get3A_2056] {strides = array<i32>} : memref<80x16xf32, #tpu.memory_space<vmem>>, vector<16xf32>,
      %mul3A_2058 = arith.mulf %get3A_2057, %gather3A_2053 : vector<16xf32>
      %swap3A_2059 = arith.constant 72 : i32
      %swap3A_2060 = arith.index_cast %swap3A_2059 : i32 to index
      %swap3A_2061 = arith.constant 0 : index
      %swap3A_2062 = tpu.vector_load %arg11[%swap3A_2060, %swap3A_2061] {strides = array<i32>} : memref<80x16xf32, #tpu.memory_space<vmem>>, vector<16xf32>,
      tpu.vector_store %arg11[%swap3A_2060, %swap3A_2061], %mul3A_2058 {strides = array<i32>} : memref<80x16xf32, #tpu.memory_space<vmem>>, vector<16xf32>,
      %broadcast_in_dim3A_2063 = arith.constant 9 : i32
      %broadcast_in_dim3A_2064 = vector.broadcast %broadcast_in_dim3A_2063 : i32 to vector<16x1xi32>
      %gather3A_2065 = vector.shape_cast %broadcast_in_dim3A_2064 : vector<16x1xi32> to vector<16xi32>
      %gather3A_2066 = tpu.dynamic_gather %get3A_1945[%gather3A_2065] in [0] : vector<16xf32>, vector<16xi32> -> vector<16xf32>
      %get3A_2067 = arith.constant 73 : i32
      %get3A_2068 = arith.index_cast %get3A_2067 : i32 to index
      %get3A_2069 = arith.constant 0 : index
      %get3A_2070 = tpu.vector_load %arg11[%get3A_2068, %get3A_2069] {strides = array<i32>} : memref<80x16xf32, #tpu.memory_space<vmem>>, vector<16xf32>,
      %mul3A_2071 = arith.mulf %get3A_2070, %gather3A_2066 : vector<16xf32>
      %swap3A_2072 = arith.constant 73 : i32
      %swap3A_2073 = arith.index_cast %swap3A_2072 : i32 to index
      %swap3A_2074 = arith.constant 0 : index
      %swap3A_2075 = tpu.vector_load %arg11[%swap3A_2073, %swap3A_2074] {strides = array<i32>} : memref<80x16xf32, #tpu.memory_space<vmem>>, vector<16xf32>,
      tpu.vector_store %arg11[%swap3A_2073, %swap3A_2074], %mul3A_2071 {strides = array<i32>} : memref<80x16xf32, #tpu.memory_space<vmem>>, vector<16xf32>,
      %broadcast_in_dim3A_2076 = arith.constant 10 : i32
      %broadcast_in_dim3A_2077 = vector.broadcast %broadcast_in_dim3A_2076 : i32 to vector<16x1xi32>
      %gather3A_2078 = vector.shape_cast %broadcast_in_dim3A_2077 : vector<16x1xi32> to vector<16xi32>
      %gather3A_2079 = tpu.dynamic_gather %get3A_1945[%gather3A_2078] in [0] : vector<16xf32>, vector<16xi32> -> vector<16xf32>
      %get3A_2080 = arith.constant 74 : i32
      %get3A_2081 = arith.index_cast %get3A_2080 : i32 to index
      %get3A_2082 = arith.constant 0 : index
      %get3A_2083 = tpu.vector_load %arg11[%get3A_2081, %get3A_2082] {strides = array<i32>} : memref<80x16xf32, #tpu.memory_space<vmem>>, vector<16xf32>,
      %mul3A_2084 = arith.mulf %get3A_2083, %gather3A_2079 : vector<16xf32>
      %swap3A_2085 = arith.constant 74 : i32
      %swap3A_2086 = arith.index_cast %swap3A_2085 : i32 to index
      %swap3A_2087 = arith.constant 0 : index
      %swap3A_2088 = tpu.vector_load %arg11[%swap3A_2086, %swap3A_2087] {strides = array<i32>} : memref<80x16xf32, #tpu.memory_space<vmem>>, vector<16xf32>,
      tpu.vector_store %arg11[%swap3A_2086, %swap3A_2087], %mul3A_2084 {strides = array<i32>} : memref<80x16xf32, #tpu.memory_space<vmem>>, vector<16xf32>,
      %broadcast_in_dim3A_2089 = arith.constant 11 : i32
      %broadcast_in_dim3A_2090 = vector.broadcast %broadcast_in_dim3A_2089 : i32 to vector<16x1xi32>
      %gather3A_2091 = vector.shape_cast %broadcast_in_dim3A_2090 : vector<16x1xi32> to vector<16xi32>
      %gather3A_2092 = tpu.dynamic_gather %get3A_1945[%gather3A_2091] in [0] : vector<16xf32>, vector<16xi32> -> vector<16xf32>
      %get3A_2093 = arith.constant 75 : i32
      %get3A_2094 = arith.index_cast %get3A_2093 : i32 to index
      %get3A_2095 = arith.constant 0 : index
      %get3A_2096 = tpu.vector_load %arg11[%get3A_2094, %get3A_2095] {strides = array<i32>} : memref<80x16xf32, #tpu.memory_space<vmem>>, vector<16xf32>,
      %mul3A_2097 = arith.mulf %get3A_2096, %gather3A_2092 : vector<16xf32>
      %swap3A_2098 = arith.constant 75 : i32
      %swap3A_2099 = arith.index_cast %swap3A_2098 : i32 to index
      %swap3A_2100 = arith.constant 0 : index
      %swap3A_2101 = tpu.vector_load %arg11[%swap3A_2099, %swap3A_2100] {strides = array<i32>} : memref<80x16xf32, #tpu.memory_space<vmem>>, vector<16xf32>,
      tpu.vector_store %arg11[%swap3A_2099, %swap3A_2100], %mul3A_2097 {strides = array<i32>} : memref<80x16xf32, #tpu.memory_space<vmem>>, vector<16xf32>,
      %broadcast_in_dim3A_2102 = arith.constant 12 : i32
      %broadcast_in_dim3A_2103 = vector.broadcast %broadcast_in_dim3A_2102 : i32 to vector<16x1xi32>
      %gather3A_2104 = vector.shape_cast %broadcast_in_dim3A_2103 : vector<16x1xi32> to vector<16xi32>
      %gather3A_2105 = tpu.dynamic_gather %get3A_1945[%gather3A_2104] in [0] : vector<16xf32>, vector<16xi32> -> vector<16xf32>
      %get3A_2106 = arith.constant 76 : i32
      %get3A_2107 = arith.index_cast %get3A_2106 : i32 to index
      %get3A_2108 = arith.constant 0 : index
      %get3A_2109 = tpu.vector_load %arg11[%get3A_2107, %get3A_2108] {strides = array<i32>} : memref<80x16xf32, #tpu.memory_space<vmem>>, vector<16xf32>,
      %mul3A_2110 = arith.mulf %get3A_2109, %gather3A_2105 : vector<16xf32>
      %swap3A_2111 = arith.constant 76 : i32
      %swap3A_2112 = arith.index_cast %swap3A_2111 : i32 to index
      %swap3A_2113 = arith.constant 0 : index
      %swap3A_2114 = tpu.vector_load %arg11[%swap3A_2112, %swap3A_2113] {strides = array<i32>} : memref<80x16xf32, #tpu.memory_space<vmem>>, vector<16xf32>,
      tpu.vector_store %arg11[%swap3A_2112, %swap3A_2113], %mul3A_2110 {strides = array<i32>} : memref<80x16xf32, #tpu.memory_space<vmem>>, vector<16xf32>,
      %broadcast_in_dim3A_2115 = arith.constant 13 : i32
      %broadcast_in_dim3A_2116 = vector.broadcast %broadcast_in_dim3A_2115 : i32 to vector<16x1xi32>
      %gather3A_2117 = vector.shape_cast %broadcast_in_dim3A_2116 : vector<16x1xi32> to vector<16xi32>
      %gather3A_2118 = tpu.dynamic_gather %get3A_1945[%gather3A_2117] in [0] : vector<16xf32>, vector<16xi32> -> vector<16xf32>
      %get3A_2119 = arith.constant 77 : i32
      %get3A_2120 = arith.index_cast %get3A_2119 : i32 to index
      %get3A_2121 = arith.constant 0 : index
      %get3A_2122 = tpu.vector_load %arg11[%get3A_2120, %get3A_2121] {strides = array<i32>} : memref<80x16xf32, #tpu.memory_space<vmem>>, vector<16xf32>,
      %mul3A_2123 = arith.mulf %get3A_2122, %gather3A_2118 : vector<16xf32>
      %swap3A_2124 = arith.constant 77 : i32
      %swap3A_2125 = arith.index_cast %swap3A_2124 : i32 to index
      %swap3A_2126 = arith.constant 0 : index
      %swap3A_2127 = tpu.vector_load %arg11[%swap3A_2125, %swap3A_2126] {strides = array<i32>} : memref<80x16xf32, #tpu.memory_space<vmem>>, vector<16xf32>,
      tpu.vector_store %arg11[%swap3A_2125, %swap3A_2126], %mul3A_2123 {strides = array<i32>} : memref<80x16xf32, #tpu.memory_space<vmem>>, vector<16xf32>,
      %broadcast_in_dim3A_2128 = arith.constant 14 : i32
      %broadcast_in_dim3A_2129 = vector.broadcast %broadcast_in_dim3A_2128 : i32 to vector<16x1xi32>
      %gather3A_2130 = vector.shape_cast %broadcast_in_dim3A_2129 : vector<16x1xi32> to vector<16xi32>
      %gather3A_2131 = tpu.dynamic_gather %get3A_1945[%gather3A_2130] in [0] : vector<16xf32>, vector<16xi32> -> vector<16xf32>
      %get3A_2132 = arith.constant 78 : i32
      %get3A_2133 = arith.index_cast %get3A_2132 : i32 to index
      %get3A_2134 = arith.constant 0 : index
      %get3A_2135 = tpu.vector_load %arg11[%get3A_2133, %get3A_2134] {strides = array<i32>} : memref<80x16xf32, #tpu.memory_space<vmem>>, vector<16xf32>,
      %mul3A_2136 = arith.mulf %get3A_2135, %gather3A_2131 : vector<16xf32>
      %swap3A_2137 = arith.constant 78 : i32
      %swap3A_2138 = arith.index_cast %swap3A_2137 : i32 to index
      %swap3A_2139 = arith.constant 0 : index
      %swap3A_2140 = tpu.vector_load %arg11[%swap3A_2138, %swap3A_2139] {strides = array<i32>} : memref<80x16xf32, #tpu.memory_space<vmem>>, vector<16xf32>,
      tpu.vector_store %arg11[%swap3A_2138, %swap3A_2139], %mul3A_2136 {strides = array<i32>} : memref<80x16xf32, #tpu.memory_space<vmem>>, vector<16xf32>,
      %broadcast_in_dim3A_2141 = arith.constant 15 : i32
      %broadcast_in_dim3A_2142 = vector.broadcast %broadcast_in_dim3A_2141 : i32 to vector<16x1xi32>
      %gather3A_2143 = vector.shape_cast %broadcast_in_dim3A_2142 : vector<16x1xi32> to vector<16xi32>
      %gather3A_2144 = tpu.dynamic_gather %get3A_1945[%gather3A_2143] in [0] : vector<16xf32>, vector<16xi32> -> vector<16xf32>
      %get3A_2145 = arith.constant 79 : i32
      %get3A_2146 = arith.index_cast %get3A_2145 : i32 to index
      %get3A_2147 = arith.constant 0 : index
      %get3A_2148 = tpu.vector_load %arg11[%get3A_2146, %get3A_2147] {strides = array<i32>} : memref<80x16xf32, #tpu.memory_space<vmem>>, vector<16xf32>,
      %mul3A_2149 = arith.mulf %get3A_2148, %gather3A_2144 : vector<16xf32>
      %swap3A_2150 = arith.constant 79 : i32
      %swap3A_2151 = arith.index_cast %swap3A_2150 : i32 to index
      %swap3A_2152 = arith.constant 0 : index
      %swap3A_2153 = tpu.vector_load %arg11[%swap3A_2151, %swap3A_2152] {strides = array<i32>} : memref<80x16xf32, #tpu.memory_space<vmem>>, vector<16xf32>,
      tpu.vector_store %arg11[%swap3A_2151, %swap3A_2152], %mul3A_2149 {strides = array<i32>} : memref<80x16xf32, #tpu.memory_space<vmem>>, vector<16xf32>,
      "tpu.region"() ({
        %run_scoped3A_3227 = tpu.sem_alloc : memref<!tpu.dma_semaphore, #tpu.memory_space<semaphore_mem>>
        %dma_start3A_3228 = arith.constant 0 : i32
        %dma_start3A_3229 = tpu.memref_slice %arg9[%mul3A_1084, %dma_start3A_3228] : memref<125x80xi32, #tpu.memory_space<vmem>> -> memref<1x80xi32, #tpu.memory_space<vmem>>
        %dma_start3A_3230 = tpu.memref_squeeze %dma_start3A_3229 : memref<1x80xi32, #tpu.memory_space<vmem>> -> memref<80xi32, #tpu.memory_space<vmem>>
        %dma_start3A_3231 = arith.constant 0 : i32
        %dma_start3A_3232 = arith.constant 0 : i32
        %dma_start3A_3233 = tpu.memref_slice %arg13[%dma_start3A_3231, %dma_start3A_3232] : memref<10000x16xf32, #tpu.memory_space<vmem_shared>> -> memref<10000x16xf32, #tpu.memory_space<vmem_shared>>
        tpu.enqueue_indirect_dma source(%arg11 : memref<80x16xf32, #tpu.memory_space<vmem>>) target(%dma_start3A_3233 : memref<10000x16xf32, #tpu.memory_space<vmem_shared>>) offsets(%dma_start3A_3230 : memref<80xi32, #tpu.memory_space<vmem>>) semaphore(%run_scoped3A_3227 : memref<!tpu.dma_semaphore, #tpu.memory_space<semaphore_mem>>) {add = true}
        %dma_wait3A_3234 = arith.constant 0 : i32
        %dma_wait3A_3235 = tpu.memref_slice %arg9[%mul3A_1084, %dma_wait3A_3234] : memref<125x80xi32, #tpu.memory_space<vmem>> -> memref<1x80xi32, #tpu.memory_space<vmem>>
        %dma_wait3A_3236 = tpu.memref_squeeze %dma_wait3A_3235 : memref<1x80xi32, #tpu.memory_space<vmem>> -> memref<80xi32, #tpu.memory_space<vmem>>
        %dma_wait3A_3237 = arith.constant 0 : i32
        %dma_wait3A_3238 = arith.constant 0 : i32
        %dma_wait3A_3239 = tpu.memref_slice %arg13[%dma_wait3A_3237, %dma_wait3A_3238] : memref<10000x16xf32, #tpu.memory_space<vmem_shared>> -> memref<10000x16xf32, #tpu.memory_space<vmem_shared>>
        tpu.wait_indirect_dma semaphore(%run_scoped3A_3227 : memref<!tpu.dma_semaphore, #tpu.memory_space<semaphore_mem>>) src(%arg11 : memref<80x16xf32, #tpu.memory_space<vmem>>) dst(%dma_wait3A_3239 : memref<10000x16xf32, #tpu.memory_space<vmem_shared>>)
        tpu.yield
      }) : () -> ()
      %add3A_2154 = arith.constant 1 : i32
      %add3A_2155 = arith.addi %mul3A_1084, %add3A_2154 : i32
      %dma_wait3A_2156 = arith.constant 0 : i32
      %dma_wait3A_2157 = tpu.memref_slice %arg8[%add3A_2155, %dma_wait3A_2156] : memref<125x80xi32, #tpu.memory_space<vmem>> -> memref<1x80xi32, #tpu.memory_space<vmem>>
      %dma_wait3A_2158 = tpu.memref_squeeze %dma_wait3A_2157 : memref<1x80xi32, #tpu.memory_space<vmem>> -> memref<80xi32, #tpu.memory_space<vmem>>
      %dma_wait3A_2159 = arith.constant 0 : i32
      %dma_wait3A_2160 = arith.constant 0 : i32
      %dma_wait3A_2161 = tpu.memref_slice %arg2[%dma_wait3A_2159, %dma_wait3A_2160] : memref<10000x16xf32, #tpu.memory_space<hbm>> -> memref<10000x16xf32, #tpu.memory_space<hbm>>
      tpu.wait_indirect_dma semaphore(%arg15 : memref<!tpu.dma_semaphore, #tpu.memory_space<semaphore_mem>>) src(%dma_wait3A_2161 : memref<10000x16xf32, #tpu.memory_space<hbm>>) dst(%arg12 : memref<80x16xf32, #tpu.memory_space<vmem>>)
      %add3A_2162 = arith.constant 2 : i32
      %add3A_2163 = arith.addi %mul3A_1084, %add3A_2162 : i32
      %dma_start3A_2164 = arith.constant 0 : i32
      %dma_start3A_2165 = tpu.memref_slice %arg8[%add3A_2163, %dma_start3A_2164] : memref<125x80xi32, #tpu.memory_space<vmem>> -> memref<1x80xi32, #tpu.memory_space<vmem>>
      %dma_start3A_2166 = tpu.memref_squeeze %dma_start3A_2165 : memref<1x80xi32, #tpu.memory_space<vmem>> -> memref<80xi32, #tpu.memory_space<vmem>>
      %dma_start3A_2167 = arith.constant 0 : i32
      %dma_start3A_2168 = arith.constant 0 : i32
      %dma_start3A_2169 = tpu.memref_slice %arg2[%dma_start3A_2167, %dma_start3A_2168] : memref<10000x16xf32, #tpu.memory_space<hbm>> -> memref<10000x16xf32, #tpu.memory_space<hbm>>
      tpu.enqueue_indirect_dma source(%dma_start3A_2169 : memref<10000x16xf32, #tpu.memory_space<hbm>>) target(%arg11 : memref<80x16xf32, #tpu.memory_space<vmem>>) offsets(%dma_start3A_2166 : memref<80xi32, #tpu.memory_space<vmem>>) semaphore(%arg14 : memref<!tpu.dma_semaphore, #tpu.memory_space<semaphore_mem>>)
      %add3A_2170 = arith.constant 1 : i32
      %add3A_2171 = arith.addi %mul3A_1084, %add3A_2170 : i32
      %get3A_2172 = arith.index_cast %add3A_2171 : i32 to index
      %get3A_2173 = arith.constant 0 : index
      %get3A_2174 = tpu.vector_load %arg10[%get3A_2172, %get3A_2173] {strides = array<i32>} : memref<125x80xf32, #tpu.memory_space<vmem>>, vector<16xf32>,
      %broadcast_in_dim3A_2175 = arith.constant 0 : i32
      %broadcast_in_dim3A_2176 = vector.broadcast %broadcast_in_dim3A_2175 : i32 to vector<16x1xi32>
      %gather3A_2177 = vector.shape_cast %broadcast_in_dim3A_2176 : vector<16x1xi32> to vector<16xi32>
      %gather3A_2178 = tpu.dynamic_gather %get3A_2174[%gather3A_2177] in [0] : vector<16xf32>, vector<16xi32> -> vector<16xf32>
      %get3A_2179 = arith.constant 0 : i32
      %get3A_2180 = arith.index_cast %get3A_2179 : i32 to index
      %get3A_2181 = arith.constant 0 : index
      %get3A_2182 = tpu.vector_load %arg12[%get3A_2180, %get3A_2181] {strides = array<i32>} : memref<80x16xf32, #tpu.memory_space<vmem>>, vector<16xf32>,
      %mul3A_2183 = arith.mulf %get3A_2182, %gather3A_2178 : vector<16xf32>
      %swap3A_2184 = arith.constant 0 : i32
      %swap3A_2185 = arith.index_cast %swap3A_2184 : i32 to index
      %swap3A_2186 = arith.constant 0 : index
      %swap3A_2187 = tpu.vector_load %arg12[%swap3A_2185, %swap3A_2186] {strides = array<i32>} : memref<80x16xf32, #tpu.memory_space<vmem>>, vector<16xf32>,
      tpu.vector_store %arg12[%swap3A_2185, %swap3A_2186], %mul3A_2183 {strides = array<i32>} : memref<80x16xf32, #tpu.memory_space<vmem>>, vector<16xf32>,
      %broadcast_in_dim3A_2188 = arith.constant 1 : i32
      %broadcast_in_dim3A_2189 = vector.broadcast %broadcast_in_dim3A_2188 : i32 to vector<16x1xi32>
      %gather3A_2190 = vector.shape_cast %broadcast_in_dim3A_2189 : vector<16x1xi32> to vector<16xi32>
      %gather3A_2191 = tpu.dynamic_gather %get3A_2174[%gather3A_2190] in [0] : vector<16xf32>, vector<16xi32> -> vector<16xf32>
      %get3A_2192 = arith.constant 1 : i32
      %get3A_2193 = arith.index_cast %get3A_2192 : i32 to index
      %get3A_2194 = arith.constant 0 : index
      %get3A_2195 = tpu.vector_load %arg12[%get3A_2193, %get3A_2194] {strides = array<i32>} : memref<80x16xf32, #tpu.memory_space<vmem>>, vector<16xf32>,
      %mul3A_2196 = arith.mulf %get3A_2195, %gather3A_2191 : vector<16xf32>
      %swap3A_2197 = arith.constant 1 : i32
      %swap3A_2198 = arith.index_cast %swap3A_2197 : i32 to index
      %swap3A_2199 = arith.constant 0 : index
      %swap3A_2200 = tpu.vector_load %arg12[%swap3A_2198, %swap3A_2199] {strides = array<i32>} : memref<80x16xf32, #tpu.memory_space<vmem>>, vector<16xf32>,
      tpu.vector_store %arg12[%swap3A_2198, %swap3A_2199], %mul3A_2196 {strides = array<i32>} : memref<80x16xf32, #tpu.memory_space<vmem>>, vector<16xf32>,
      %broadcast_in_dim3A_2201 = arith.constant 2 : i32
      %broadcast_in_dim3A_2202 = vector.broadcast %broadcast_in_dim3A_2201 : i32 to vector<16x1xi32>
      %gather3A_2203 = vector.shape_cast %broadcast_in_dim3A_2202 : vector<16x1xi32> to vector<16xi32>
      %gather3A_2204 = tpu.dynamic_gather %get3A_2174[%gather3A_2203] in [0] : vector<16xf32>, vector<16xi32> -> vector<16xf32>
      %get3A_2205 = arith.constant 2 : i32
      %get3A_2206 = arith.index_cast %get3A_2205 : i32 to index
      %get3A_2207 = arith.constant 0 : index
      %get3A_2208 = tpu.vector_load %arg12[%get3A_2206, %get3A_2207] {strides = array<i32>} : memref<80x16xf32, #tpu.memory_space<vmem>>, vector<16xf32>,
      %mul3A_2209 = arith.mulf %get3A_2208, %gather3A_2204 : vector<16xf32>
      %swap3A_2210 = arith.constant 2 : i32
      %swap3A_2211 = arith.index_cast %swap3A_2210 : i32 to index
      %swap3A_2212 = arith.constant 0 : index
      %swap3A_2213 = tpu.vector_load %arg12[%swap3A_2211, %swap3A_2212] {strides = array<i32>} : memref<80x16xf32, #tpu.memory_space<vmem>>, vector<16xf32>,
      tpu.vector_store %arg12[%swap3A_2211, %swap3A_2212], %mul3A_2209 {strides = array<i32>} : memref<80x16xf32, #tpu.memory_space<vmem>>, vector<16xf32>,
      %broadcast_in_dim3A_2214 = arith.constant 3 : i32
      %broadcast_in_dim3A_2215 = vector.broadcast %broadcast_in_dim3A_2214 : i32 to vector<16x1xi32>
      %gather3A_2216 = vector.shape_cast %broadcast_in_dim3A_2215 : vector<16x1xi32> to vector<16xi32>
      %gather3A_2217 = tpu.dynamic_gather %get3A_2174[%gather3A_2216] in [0] : vector<16xf32>, vector<16xi32> -> vector<16xf32>
      %get3A_2218 = arith.constant 3 : i32
      %get3A_2219 = arith.index_cast %get3A_2218 : i32 to index
      %get3A_2220 = arith.constant 0 : index
      %get3A_2221 = tpu.vector_load %arg12[%get3A_2219, %get3A_2220] {strides = array<i32>} : memref<80x16xf32, #tpu.memory_space<vmem>>, vector<16xf32>,
      %mul3A_2222 = arith.mulf %get3A_2221, %gather3A_2217 : vector<16xf32>
      %swap3A_2223 = arith.constant 3 : i32
      %swap3A_2224 = arith.index_cast %swap3A_2223 : i32 to index
      %swap3A_2225 = arith.constant 0 : index
      %swap3A_2226 = tpu.vector_load %arg12[%swap3A_2224, %swap3A_2225] {strides = array<i32>} : memref<80x16xf32, #tpu.memory_space<vmem>>, vector<16xf32>,
      tpu.vector_store %arg12[%swap3A_2224, %swap3A_2225], %mul3A_2222 {strides = array<i32>} : memref<80x16xf32, #tpu.memory_space<vmem>>, vector<16xf32>,
      %broadcast_in_dim3A_2227 = arith.constant 4 : i32
      %broadcast_in_dim3A_2228 = vector.broadcast %broadcast_in_dim3A_2227 : i32 to vector<16x1xi32>
      %gather3A_2229 = vector.shape_cast %broadcast_in_dim3A_2228 : vector<16x1xi32> to vector<16xi32>
      %gather3A_2230 = tpu.dynamic_gather %get3A_2174[%gather3A_2229] in [0] : vector<16xf32>, vector<16xi32> -> vector<16xf32>
      %get3A_2231 = arith.constant 4 : i32
      %get3A_2232 = arith.index_cast %get3A_2231 : i32 to index
      %get3A_2233 = arith.constant 0 : index
      %get3A_2234 = tpu.vector_load %arg12[%get3A_2232, %get3A_2233] {strides = array<i32>} : memref<80x16xf32, #tpu.memory_space<vmem>>, vector<16xf32>,
      %mul3A_2235 = arith.mulf %get3A_2234, %gather3A_2230 : vector<16xf32>
      %swap3A_2236 = arith.constant 4 : i32
      %swap3A_2237 = arith.index_cast %swap3A_2236 : i32 to index
      %swap3A_2238 = arith.constant 0 : index
      %swap3A_2239 = tpu.vector_load %arg12[%swap3A_2237, %swap3A_2238] {strides = array<i32>} : memref<80x16xf32, #tpu.memory_space<vmem>>, vector<16xf32>,
      tpu.vector_store %arg12[%swap3A_2237, %swap3A_2238], %mul3A_2235 {strides = array<i32>} : memref<80x16xf32, #tpu.memory_space<vmem>>, vector<16xf32>,
      %broadcast_in_dim3A_2240 = arith.constant 5 : i32
      %broadcast_in_dim3A_2241 = vector.broadcast %broadcast_in_dim3A_2240 : i32 to vector<16x1xi32>
      %gather3A_2242 = vector.shape_cast %broadcast_in_dim3A_2241 : vector<16x1xi32> to vector<16xi32>
      %gather3A_2243 = tpu.dynamic_gather %get3A_2174[%gather3A_2242] in [0] : vector<16xf32>, vector<16xi32> -> vector<16xf32>
      %get3A_2244 = arith.constant 5 : i32
      %get3A_2245 = arith.index_cast %get3A_2244 : i32 to index
      %get3A_2246 = arith.constant 0 : index
      %get3A_2247 = tpu.vector_load %arg12[%get3A_2245, %get3A_2246] {strides = array<i32>} : memref<80x16xf32, #tpu.memory_space<vmem>>, vector<16xf32>,
      %mul3A_2248 = arith.mulf %get3A_2247, %gather3A_2243 : vector<16xf32>
      %swap3A_2249 = arith.constant 5 : i32
      %swap3A_2250 = arith.index_cast %swap3A_2249 : i32 to index
      %swap3A_2251 = arith.constant 0 : index
      %swap3A_2252 = tpu.vector_load %arg12[%swap3A_2250, %swap3A_2251] {strides = array<i32>} : memref<80x16xf32, #tpu.memory_space<vmem>>, vector<16xf32>,
      tpu.vector_store %arg12[%swap3A_2250, %swap3A_2251], %mul3A_2248 {strides = array<i32>} : memref<80x16xf32, #tpu.memory_space<vmem>>, vector<16xf32>,
      %broadcast_in_dim3A_2253 = arith.constant 6 : i32
      %broadcast_in_dim3A_2254 = vector.broadcast %broadcast_in_dim3A_2253 : i32 to vector<16x1xi32>
      %gather3A_2255 = vector.shape_cast %broadcast_in_dim3A_2254 : vector<16x1xi32> to vector<16xi32>
      %gather3A_2256 = tpu.dynamic_gather %get3A_2174[%gather3A_2255] in [0] : vector<16xf32>, vector<16xi32> -> vector<16xf32>
      %get3A_2257 = arith.constant 6 : i32
      %get3A_2258 = arith.index_cast %get3A_2257 : i32 to index
      %get3A_2259 = arith.constant 0 : index
      %get3A_2260 = tpu.vector_load %arg12[%get3A_2258, %get3A_2259] {strides = array<i32>} : memref<80x16xf32, #tpu.memory_space<vmem>>, vector<16xf32>,
      %mul3A_2261 = arith.mulf %get3A_2260, %gather3A_2256 : vector<16xf32>
      %swap3A_2262 = arith.constant 6 : i32
      %swap3A_2263 = arith.index_cast %swap3A_2262 : i32 to index
      %swap3A_2264 = arith.constant 0 : index
      %swap3A_2265 = tpu.vector_load %arg12[%swap3A_2263, %swap3A_2264] {strides = array<i32>} : memref<80x16xf32, #tpu.memory_space<vmem>>, vector<16xf32>,
      tpu.vector_store %arg12[%swap3A_2263, %swap3A_2264], %mul3A_2261 {strides = array<i32>} : memref<80x16xf32, #tpu.memory_space<vmem>>, vector<16xf32>,
      %broadcast_in_dim3A_2266 = arith.constant 7 : i32
      %broadcast_in_dim3A_2267 = vector.broadcast %broadcast_in_dim3A_2266 : i32 to vector<16x1xi32>
      %gather3A_2268 = vector.shape_cast %broadcast_in_dim3A_2267 : vector<16x1xi32> to vector<16xi32>
      %gather3A_2269 = tpu.dynamic_gather %get3A_2174[%gather3A_2268] in [0] : vector<16xf32>, vector<16xi32> -> vector<16xf32>
      %get3A_2270 = arith.constant 7 : i32
      %get3A_2271 = arith.index_cast %get3A_2270 : i32 to index
      %get3A_2272 = arith.constant 0 : index
      %get3A_2273 = tpu.vector_load %arg12[%get3A_2271, %get3A_2272] {strides = array<i32>} : memref<80x16xf32, #tpu.memory_space<vmem>>, vector<16xf32>,
      %mul3A_2274 = arith.mulf %get3A_2273, %gather3A_2269 : vector<16xf32>
      %swap3A_2275 = arith.constant 7 : i32
      %swap3A_2276 = arith.index_cast %swap3A_2275 : i32 to index
      %swap3A_2277 = arith.constant 0 : index
      %swap3A_2278 = tpu.vector_load %arg12[%swap3A_2276, %swap3A_2277] {strides = array<i32>} : memref<80x16xf32, #tpu.memory_space<vmem>>, vector<16xf32>,
      tpu.vector_store %arg12[%swap3A_2276, %swap3A_2277], %mul3A_2274 {strides = array<i32>} : memref<80x16xf32, #tpu.memory_space<vmem>>, vector<16xf32>,
      %broadcast_in_dim3A_2279 = arith.constant 8 : i32
      %broadcast_in_dim3A_2280 = vector.broadcast %broadcast_in_dim3A_2279 : i32 to vector<16x1xi32>
      %gather3A_2281 = vector.shape_cast %broadcast_in_dim3A_2280 : vector<16x1xi32> to vector<16xi32>
      %gather3A_2282 = tpu.dynamic_gather %get3A_2174[%gather3A_2281] in [0] : vector<16xf32>, vector<16xi32> -> vector<16xf32>
      %get3A_2283 = arith.constant 8 : i32
      %get3A_2284 = arith.index_cast %get3A_2283 : i32 to index
      %get3A_2285 = arith.constant 0 : index
      %get3A_2286 = tpu.vector_load %arg12[%get3A_2284, %get3A_2285] {strides = array<i32>} : memref<80x16xf32, #tpu.memory_space<vmem>>, vector<16xf32>,
      %mul3A_2287 = arith.mulf %get3A_2286, %gather3A_2282 : vector<16xf32>
      %swap3A_2288 = arith.constant 8 : i32
      %swap3A_2289 = arith.index_cast %swap3A_2288 : i32 to index
      %swap3A_2290 = arith.constant 0 : index
      %swap3A_2291 = tpu.vector_load %arg12[%swap3A_2289, %swap3A_2290] {strides = array<i32>} : memref<80x16xf32, #tpu.memory_space<vmem>>, vector<16xf32>,
      tpu.vector_store %arg12[%swap3A_2289, %swap3A_2290], %mul3A_2287 {strides = array<i32>} : memref<80x16xf32, #tpu.memory_space<vmem>>, vector<16xf32>,
      %broadcast_in_dim3A_2292 = arith.constant 9 : i32
      %broadcast_in_dim3A_2293 = vector.broadcast %broadcast_in_dim3A_2292 : i32 to vector<16x1xi32>
      %gather3A_2294 = vector.shape_cast %broadcast_in_dim3A_2293 : vector<16x1xi32> to vector<16xi32>
      %gather3A_2295 = tpu.dynamic_gather %get3A_2174[%gather3A_2294] in [0] : vector<16xf32>, vector<16xi32> -> vector<16xf32>
      %get3A_2296 = arith.constant 9 : i32
      %get3A_2297 = arith.index_cast %get3A_2296 : i32 to index
      %get3A_2298 = arith.constant 0 : index
      %get3A_2299 = tpu.vector_load %arg12[%get3A_2297, %get3A_2298] {strides = array<i32>} : memref<80x16xf32, #tpu.memory_space<vmem>>, vector<16xf32>,
      %mul3A_2300 = arith.mulf %get3A_2299, %gather3A_2295 : vector<16xf32>
      %swap3A_2301 = arith.constant 9 : i32
      %swap3A_2302 = arith.index_cast %swap3A_2301 : i32 to index
      %swap3A_2303 = arith.constant 0 : index
      %swap3A_2304 = tpu.vector_load %arg12[%swap3A_2302, %swap3A_2303] {strides = array<i32>} : memref<80x16xf32, #tpu.memory_space<vmem>>, vector<16xf32>,
      tpu.vector_store %arg12[%swap3A_2302, %swap3A_2303], %mul3A_2300 {strides = array<i32>} : memref<80x16xf32, #tpu.memory_space<vmem>>, vector<16xf32>,
      %broadcast_in_dim3A_2305 = arith.constant 10 : i32
      %broadcast_in_dim3A_2306 = vector.broadcast %broadcast_in_dim3A_2305 : i32 to vector<16x1xi32>
      %gather3A_2307 = vector.shape_cast %broadcast_in_dim3A_2306 : vector<16x1xi32> to vector<16xi32>
      %gather3A_2308 = tpu.dynamic_gather %get3A_2174[%gather3A_2307] in [0] : vector<16xf32>, vector<16xi32> -> vector<16xf32>
      %get3A_2309 = arith.constant 10 : i32
      %get3A_2310 = arith.index_cast %get3A_2309 : i32 to index
      %get3A_2311 = arith.constant 0 : index
      %get3A_2312 = tpu.vector_load %arg12[%get3A_2310, %get3A_2311] {strides = array<i32>} : memref<80x16xf32, #tpu.memory_space<vmem>>, vector<16xf32>,
      %mul3A_2313 = arith.mulf %get3A_2312, %gather3A_2308 : vector<16xf32>
      %swap3A_2314 = arith.constant 10 : i32
      %swap3A_2315 = arith.index_cast %swap3A_2314 : i32 to index
      %swap3A_2316 = arith.constant 0 : index
      %swap3A_2317 = tpu.vector_load %arg12[%swap3A_2315, %swap3A_2316] {strides = array<i32>} : memref<80x16xf32, #tpu.memory_space<vmem>>, vector<16xf32>,
      tpu.vector_store %arg12[%swap3A_2315, %swap3A_2316], %mul3A_2313 {strides = array<i32>} : memref<80x16xf32, #tpu.memory_space<vmem>>, vector<16xf32>,
      %broadcast_in_dim3A_2318 = arith.constant 11 : i32
      %broadcast_in_dim3A_2319 = vector.broadcast %broadcast_in_dim3A_2318 : i32 to vector<16x1xi32>
      %gather3A_2320 = vector.shape_cast %broadcast_in_dim3A_2319 : vector<16x1xi32> to vector<16xi32>
      %gather3A_2321 = tpu.dynamic_gather %get3A_2174[%gather3A_2320] in [0] : vector<16xf32>, vector<16xi32> -> vector<16xf32>
      %get3A_2322 = arith.constant 11 : i32
      %get3A_2323 = arith.index_cast %get3A_2322 : i32 to index
      %get3A_2324 = arith.constant 0 : index
      %get3A_2325 = tpu.vector_load %arg12[%get3A_2323, %get3A_2324] {strides = array<i32>} : memref<80x16xf32, #tpu.memory_space<vmem>>, vector<16xf32>,
      %mul3A_2326 = arith.mulf %get3A_2325, %gather3A_2321 : vector<16xf32>
      %swap3A_2327 = arith.constant 11 : i32
      %swap3A_2328 = arith.index_cast %swap3A_2327 : i32 to index
      %swap3A_2329 = arith.constant 0 : index
      %swap3A_2330 = tpu.vector_load %arg12[%swap3A_2328, %swap3A_2329] {strides = array<i32>} : memref<80x16xf32, #tpu.memory_space<vmem>>, vector<16xf32>,
      tpu.vector_store %arg12[%swap3A_2328, %swap3A_2329], %mul3A_2326 {strides = array<i32>} : memref<80x16xf32, #tpu.memory_space<vmem>>, vector<16xf32>,
      %broadcast_in_dim3A_2331 = arith.constant 12 : i32
      %broadcast_in_dim3A_2332 = vector.broadcast %broadcast_in_dim3A_2331 : i32 to vector<16x1xi32>
      %gather3A_2333 = vector.shape_cast %broadcast_in_dim3A_2332 : vector<16x1xi32> to vector<16xi32>
      %gather3A_2334 = tpu.dynamic_gather %get3A_2174[%gather3A_2333] in [0] : vector<16xf32>, vector<16xi32> -> vector<16xf32>
      %get3A_2335 = arith.constant 12 : i32
      %get3A_2336 = arith.index_cast %get3A_2335 : i32 to index
      %get3A_2337 = arith.constant 0 : index
      %get3A_2338 = tpu.vector_load %arg12[%get3A_2336, %get3A_2337] {strides = array<i32>} : memref<80x16xf32, #tpu.memory_space<vmem>>, vector<16xf32>,
      %mul3A_2339 = arith.mulf %get3A_2338, %gather3A_2334 : vector<16xf32>
      %swap3A_2340 = arith.constant 12 : i32
      %swap3A_2341 = arith.index_cast %swap3A_2340 : i32 to index
      %swap3A_2342 = arith.constant 0 : index
      %swap3A_2343 = tpu.vector_load %arg12[%swap3A_2341, %swap3A_2342] {strides = array<i32>} : memref<80x16xf32, #tpu.memory_space<vmem>>, vector<16xf32>,
      tpu.vector_store %arg12[%swap3A_2341, %swap3A_2342], %mul3A_2339 {strides = array<i32>} : memref<80x16xf32, #tpu.memory_space<vmem>>, vector<16xf32>,
      %broadcast_in_dim3A_2344 = arith.constant 13 : i32
      %broadcast_in_dim3A_2345 = vector.broadcast %broadcast_in_dim3A_2344 : i32 to vector<16x1xi32>
      %gather3A_2346 = vector.shape_cast %broadcast_in_dim3A_2345 : vector<16x1xi32> to vector<16xi32>
      %gather3A_2347 = tpu.dynamic_gather %get3A_2174[%gather3A_2346] in [0] : vector<16xf32>, vector<16xi32> -> vector<16xf32>
      %get3A_2348 = arith.constant 13 : i32
      %get3A_2349 = arith.index_cast %get3A_2348 : i32 to index
      %get3A_2350 = arith.constant 0 : index
      %get3A_2351 = tpu.vector_load %arg12[%get3A_2349, %get3A_2350] {strides = array<i32>} : memref<80x16xf32, #tpu.memory_space<vmem>>, vector<16xf32>,
      %mul3A_2352 = arith.mulf %get3A_2351, %gather3A_2347 : vector<16xf32>
      %swap3A_2353 = arith.constant 13 : i32
      %swap3A_2354 = arith.index_cast %swap3A_2353 : i32 to index
      %swap3A_2355 = arith.constant 0 : index
      %swap3A_2356 = tpu.vector_load %arg12[%swap3A_2354, %swap3A_2355] {strides = array<i32>} : memref<80x16xf32, #tpu.memory_space<vmem>>, vector<16xf32>,
      tpu.vector_store %arg12[%swap3A_2354, %swap3A_2355], %mul3A_2352 {strides = array<i32>} : memref<80x16xf32, #tpu.memory_space<vmem>>, vector<16xf32>,
      %broadcast_in_dim3A_2357 = arith.constant 14 : i32
      %broadcast_in_dim3A_2358 = vector.broadcast %broadcast_in_dim3A_2357 : i32 to vector<16x1xi32>
      %gather3A_2359 = vector.shape_cast %broadcast_in_dim3A_2358 : vector<16x1xi32> to vector<16xi32>
      %gather3A_2360 = tpu.dynamic_gather %get3A_2174[%gather3A_2359] in [0] : vector<16xf32>, vector<16xi32> -> vector<16xf32>
      %get3A_2361 = arith.constant 14 : i32
      %get3A_2362 = arith.index_cast %get3A_2361 : i32 to index
      %get3A_2363 = arith.constant 0 : index
      %get3A_2364 = tpu.vector_load %arg12[%get3A_2362, %get3A_2363] {strides = array<i32>} : memref<80x16xf32, #tpu.memory_space<vmem>>, vector<16xf32>,
      %mul3A_2365 = arith.mulf %get3A_2364, %gather3A_2360 : vector<16xf32>
      %swap3A_2366 = arith.constant 14 : i32
      %swap3A_2367 = arith.index_cast %swap3A_2366 : i32 to index
      %swap3A_2368 = arith.constant 0 : index
      %swap3A_2369 = tpu.vector_load %arg12[%swap3A_2367, %swap3A_2368] {strides = array<i32>} : memref<80x16xf32, #tpu.memory_space<vmem>>, vector<16xf32>,
      tpu.vector_store %arg12[%swap3A_2367, %swap3A_2368], %mul3A_2365 {strides = array<i32>} : memref<80x16xf32, #tpu.memory_space<vmem>>, vector<16xf32>,
      %broadcast_in_dim3A_2370 = arith.constant 15 : i32
      %broadcast_in_dim3A_2371 = vector.broadcast %broadcast_in_dim3A_2370 : i32 to vector<16x1xi32>
      %gather3A_2372 = vector.shape_cast %broadcast_in_dim3A_2371 : vector<16x1xi32> to vector<16xi32>
      %gather3A_2373 = tpu.dynamic_gather %get3A_2174[%gather3A_2372] in [0] : vector<16xf32>, vector<16xi32> -> vector<16xf32>
      %get3A_2374 = arith.constant 15 : i32
      %get3A_2375 = arith.index_cast %get3A_2374 : i32 to index
      %get3A_2376 = arith.constant 0 : index
      %get3A_2377 = tpu.vector_load %arg12[%get3A_2375, %get3A_2376] {strides = array<i32>} : memref<80x16xf32, #tpu.memory_space<vmem>>, vector<16xf32>,
      %mul3A_2378 = arith.mulf %get3A_2377, %gather3A_2373 : vector<16xf32>
      %swap3A_2379 = arith.constant 15 : i32
      %swap3A_2380 = arith.index_cast %swap3A_2379 : i32 to index
      %swap3A_2381 = arith.constant 0 : index
      %swap3A_2382 = tpu.vector_load %arg12[%swap3A_2380, %swap3A_2381] {strides = array<i32>} : memref<80x16xf32, #tpu.memory_space<vmem>>, vector<16xf32>,
      tpu.vector_store %arg12[%swap3A_2380, %swap3A_2381], %mul3A_2378 {strides = array<i32>} : memref<80x16xf32, #tpu.memory_space<vmem>>, vector<16xf32>,
      %get3A_2383 = arith.index_cast %add3A_2171 : i32 to index
      %get3A_2384 = arith.constant 16 : index
      %get3A_2385 = tpu.vector_load %arg10[%get3A_2383, %get3A_2384] {strides = array<i32>} : memref<125x80xf32, #tpu.memory_space<vmem>>, vector<16xf32>,
      %broadcast_in_dim3A_2386 = arith.constant 0 : i32
      %broadcast_in_dim3A_2387 = vector.broadcast %broadcast_in_dim3A_2386 : i32 to vector<16x1xi32>
      %gather3A_2388 = vector.shape_cast %broadcast_in_dim3A_2387 : vector<16x1xi32> to vector<16xi32>
      %gather3A_2389 = tpu.dynamic_gather %get3A_2385[%gather3A_2388] in [0] : vector<16xf32>, vector<16xi32> -> vector<16xf32>
      %get3A_2390 = arith.constant 16 : i32
      %get3A_2391 = arith.index_cast %get3A_2390 : i32 to index
      %get3A_2392 = arith.constant 0 : index
      %get3A_2393 = tpu.vector_load %arg12[%get3A_2391, %get3A_2392] {strides = array<i32>} : memref<80x16xf32, #tpu.memory_space<vmem>>, vector<16xf32>,
      %mul3A_2394 = arith.mulf %get3A_2393, %gather3A_2389 : vector<16xf32>
      %swap3A_2395 = arith.constant 16 : i32
      %swap3A_2396 = arith.index_cast %swap3A_2395 : i32 to index
      %swap3A_2397 = arith.constant 0 : index
      %swap3A_2398 = tpu.vector_load %arg12[%swap3A_2396, %swap3A_2397] {strides = array<i32>} : memref<80x16xf32, #tpu.memory_space<vmem>>, vector<16xf32>,
      tpu.vector_store %arg12[%swap3A_2396, %swap3A_2397], %mul3A_2394 {strides = array<i32>} : memref<80x16xf32, #tpu.memory_space<vmem>>, vector<16xf32>,
      %broadcast_in_dim3A_2399 = arith.constant 1 : i32
      %broadcast_in_dim3A_2400 = vector.broadcast %broadcast_in_dim3A_2399 : i32 to vector<16x1xi32>
      %gather3A_2401 = vector.shape_cast %broadcast_in_dim3A_2400 : vector<16x1xi32> to vector<16xi32>
      %gather3A_2402 = tpu.dynamic_gather %get3A_2385[%gather3A_2401] in [0] : vector<16xf32>, vector<16xi32> -> vector<16xf32>
      %get3A_2403 = arith.constant 17 : i32
      %get3A_2404 = arith.index_cast %get3A_2403 : i32 to index
      %get3A_2405 = arith.constant 0 : index
      %get3A_2406 = tpu.vector_load %arg12[%get3A_2404, %get3A_2405] {strides = array<i32>} : memref<80x16xf32, #tpu.memory_space<vmem>>, vector<16xf32>,
      %mul3A_2407 = arith.mulf %get3A_2406, %gather3A_2402 : vector<16xf32>
      %swap3A_2408 = arith.constant 17 : i32
      %swap3A_2409 = arith.index_cast %swap3A_2408 : i32 to index
      %swap3A_2410 = arith.constant 0 : index
      %swap3A_2411 = tpu.vector_load %arg12[%swap3A_2409, %swap3A_2410] {strides = array<i32>} : memref<80x16xf32, #tpu.memory_space<vmem>>, vector<16xf32>,
      tpu.vector_store %arg12[%swap3A_2409, %swap3A_2410], %mul3A_2407 {strides = array<i32>} : memref<80x16xf32, #tpu.memory_space<vmem>>, vector<16xf32>,
      %broadcast_in_dim3A_2412 = arith.constant 2 : i32
      %broadcast_in_dim3A_2413 = vector.broadcast %broadcast_in_dim3A_2412 : i32 to vector<16x1xi32>
      %gather3A_2414 = vector.shape_cast %broadcast_in_dim3A_2413 : vector<16x1xi32> to vector<16xi32>
      %gather3A_2415 = tpu.dynamic_gather %get3A_2385[%gather3A_2414] in [0] : vector<16xf32>, vector<16xi32> -> vector<16xf32>
      %get3A_2416 = arith.constant 18 : i32
      %get3A_2417 = arith.index_cast %get3A_2416 : i32 to index
      %get3A_2418 = arith.constant 0 : index
      %get3A_2419 = tpu.vector_load %arg12[%get3A_2417, %get3A_2418] {strides = array<i32>} : memref<80x16xf32, #tpu.memory_space<vmem>>, vector<16xf32>,
      %mul3A_2420 = arith.mulf %get3A_2419, %gather3A_2415 : vector<16xf32>
      %swap3A_2421 = arith.constant 18 : i32
      %swap3A_2422 = arith.index_cast %swap3A_2421 : i32 to index
      %swap3A_2423 = arith.constant 0 : index
      %swap3A_2424 = tpu.vector_load %arg12[%swap3A_2422, %swap3A_2423] {strides = array<i32>} : memref<80x16xf32, #tpu.memory_space<vmem>>, vector<16xf32>,
      tpu.vector_store %arg12[%swap3A_2422, %swap3A_2423], %mul3A_2420 {strides = array<i32>} : memref<80x16xf32, #tpu.memory_space<vmem>>, vector<16xf32>,
      %broadcast_in_dim3A_2425 = arith.constant 3 : i32
      %broadcast_in_dim3A_2426 = vector.broadcast %broadcast_in_dim3A_2425 : i32 to vector<16x1xi32>
      %gather3A_2427 = vector.shape_cast %broadcast_in_dim3A_2426 : vector<16x1xi32> to vector<16xi32>
      %gather3A_2428 = tpu.dynamic_gather %get3A_2385[%gather3A_2427] in [0] : vector<16xf32>, vector<16xi32> -> vector<16xf32>
      %get3A_2429 = arith.constant 19 : i32
      %get3A_2430 = arith.index_cast %get3A_2429 : i32 to index
      %get3A_2431 = arith.constant 0 : index
      %get3A_2432 = tpu.vector_load %arg12[%get3A_2430, %get3A_2431] {strides = array<i32>} : memref<80x16xf32, #tpu.memory_space<vmem>>, vector<16xf32>,
      %mul3A_2433 = arith.mulf %get3A_2432, %gather3A_2428 : vector<16xf32>
      %swap3A_2434 = arith.constant 19 : i32
      %swap3A_2435 = arith.index_cast %swap3A_2434 : i32 to index
      %swap3A_2436 = arith.constant 0 : index
      %swap3A_2437 = tpu.vector_load %arg12[%swap3A_2435, %swap3A_2436] {strides = array<i32>} : memref<80x16xf32, #tpu.memory_space<vmem>>, vector<16xf32>,
      tpu.vector_store %arg12[%swap3A_2435, %swap3A_2436], %mul3A_2433 {strides = array<i32>} : memref<80x16xf32, #tpu.memory_space<vmem>>, vector<16xf32>,
      %broadcast_in_dim3A_2438 = arith.constant 4 : i32
      %broadcast_in_dim3A_2439 = vector.broadcast %broadcast_in_dim3A_2438 : i32 to vector<16x1xi32>
      %gather3A_2440 = vector.shape_cast %broadcast_in_dim3A_2439 : vector<16x1xi32> to vector<16xi32>
      %gather3A_2441 = tpu.dynamic_gather %get3A_2385[%gather3A_2440] in [0] : vector<16xf32>, vector<16xi32> -> vector<16xf32>
      %get3A_2442 = arith.constant 20 : i32
      %get3A_2443 = arith.index_cast %get3A_2442 : i32 to index
      %get3A_2444 = arith.constant 0 : index
      %get3A_2445 = tpu.vector_load %arg12[%get3A_2443, %get3A_2444] {strides = array<i32>} : memref<80x16xf32, #tpu.memory_space<vmem>>, vector<16xf32>,
      %mul3A_2446 = arith.mulf %get3A_2445, %gather3A_2441 : vector<16xf32>
      %swap3A_2447 = arith.constant 20 : i32
      %swap3A_2448 = arith.index_cast %swap3A_2447 : i32 to index
      %swap3A_2449 = arith.constant 0 : index
      %swap3A_2450 = tpu.vector_load %arg12[%swap3A_2448, %swap3A_2449] {strides = array<i32>} : memref<80x16xf32, #tpu.memory_space<vmem>>, vector<16xf32>,
      tpu.vector_store %arg12[%swap3A_2448, %swap3A_2449], %mul3A_2446 {strides = array<i32>} : memref<80x16xf32, #tpu.memory_space<vmem>>, vector<16xf32>,
      %broadcast_in_dim3A_2451 = arith.constant 5 : i32
      %broadcast_in_dim3A_2452 = vector.broadcast %broadcast_in_dim3A_2451 : i32 to vector<16x1xi32>
      %gather3A_2453 = vector.shape_cast %broadcast_in_dim3A_2452 : vector<16x1xi32> to vector<16xi32>
      %gather3A_2454 = tpu.dynamic_gather %get3A_2385[%gather3A_2453] in [0] : vector<16xf32>, vector<16xi32> -> vector<16xf32>
      %get3A_2455 = arith.constant 21 : i32
      %get3A_2456 = arith.index_cast %get3A_2455 : i32 to index
      %get3A_2457 = arith.constant 0 : index
      %get3A_2458 = tpu.vector_load %arg12[%get3A_2456, %get3A_2457] {strides = array<i32>} : memref<80x16xf32, #tpu.memory_space<vmem>>, vector<16xf32>,
      %mul3A_2459 = arith.mulf %get3A_2458, %gather3A_2454 : vector<16xf32>
      %swap3A_2460 = arith.constant 21 : i32
      %swap3A_2461 = arith.index_cast %swap3A_2460 : i32 to index
      %swap3A_2462 = arith.constant 0 : index
      %swap3A_2463 = tpu.vector_load %arg12[%swap3A_2461, %swap3A_2462] {strides = array<i32>} : memref<80x16xf32, #tpu.memory_space<vmem>>, vector<16xf32>,
      tpu.vector_store %arg12[%swap3A_2461, %swap3A_2462], %mul3A_2459 {strides = array<i32>} : memref<80x16xf32, #tpu.memory_space<vmem>>, vector<16xf32>,
      %broadcast_in_dim3A_2464 = arith.constant 6 : i32
      %broadcast_in_dim3A_2465 = vector.broadcast %broadcast_in_dim3A_2464 : i32 to vector<16x1xi32>
      %gather3A_2466 = vector.shape_cast %broadcast_in_dim3A_2465 : vector<16x1xi32> to vector<16xi32>
      %gather3A_2467 = tpu.dynamic_gather %get3A_2385[%gather3A_2466] in [0] : vector<16xf32>, vector<16xi32> -> vector<16xf32>
      %get3A_2468 = arith.constant 22 : i32
      %get3A_2469 = arith.index_cast %get3A_2468 : i32 to index
      %get3A_2470 = arith.constant 0 : index
      %get3A_2471 = tpu.vector_load %arg12[%get3A_2469, %get3A_2470] {strides = array<i32>} : memref<80x16xf32, #tpu.memory_space<vmem>>, vector<16xf32>,
      %mul3A_2472 = arith.mulf %get3A_2471, %gather3A_2467 : vector<16xf32>
      %swap3A_2473 = arith.constant 22 : i32
      %swap3A_2474 = arith.index_cast %swap3A_2473 : i32 to index
      %swap3A_2475 = arith.constant 0 : index
      %swap3A_2476 = tpu.vector_load %arg12[%swap3A_2474, %swap3A_2475] {strides = array<i32>} : memref<80x16xf32, #tpu.memory_space<vmem>>, vector<16xf32>,
      tpu.vector_store %arg12[%swap3A_2474, %swap3A_2475], %mul3A_2472 {strides = array<i32>} : memref<80x16xf32, #tpu.memory_space<vmem>>, vector<16xf32>,
      %broadcast_in_dim3A_2477 = arith.constant 7 : i32
      %broadcast_in_dim3A_2478 = vector.broadcast %broadcast_in_dim3A_2477 : i32 to vector<16x1xi32>
      %gather3A_2479 = vector.shape_cast %broadcast_in_dim3A_2478 : vector<16x1xi32> to vector<16xi32>
      %gather3A_2480 = tpu.dynamic_gather %get3A_2385[%gather3A_2479] in [0] : vector<16xf32>, vector<16xi32> -> vector<16xf32>
      %get3A_2481 = arith.constant 23 : i32
      %get3A_2482 = arith.index_cast %get3A_2481 : i32 to index
      %get3A_2483 = arith.constant 0 : index
      %get3A_2484 = tpu.vector_load %arg12[%get3A_2482, %get3A_2483] {strides = array<i32>} : memref<80x16xf32, #tpu.memory_space<vmem>>, vector<16xf32>,
      %mul3A_2485 = arith.mulf %get3A_2484, %gather3A_2480 : vector<16xf32>
      %swap3A_2486 = arith.constant 23 : i32
      %swap3A_2487 = arith.index_cast %swap3A_2486 : i32 to index
      %swap3A_2488 = arith.constant 0 : index
      %swap3A_2489 = tpu.vector_load %arg12[%swap3A_2487, %swap3A_2488] {strides = array<i32>} : memref<80x16xf32, #tpu.memory_space<vmem>>, vector<16xf32>,
      tpu.vector_store %arg12[%swap3A_2487, %swap3A_2488], %mul3A_2485 {strides = array<i32>} : memref<80x16xf32, #tpu.memory_space<vmem>>, vector<16xf32>,
      %broadcast_in_dim3A_2490 = arith.constant 8 : i32
      %broadcast_in_dim3A_2491 = vector.broadcast %broadcast_in_dim3A_2490 : i32 to vector<16x1xi32>
      %gather3A_2492 = vector.shape_cast %broadcast_in_dim3A_2491 : vector<16x1xi32> to vector<16xi32>
      %gather3A_2493 = tpu.dynamic_gather %get3A_2385[%gather3A_2492] in [0] : vector<16xf32>, vector<16xi32> -> vector<16xf32>
      %get3A_2494 = arith.constant 24 : i32
      %get3A_2495 = arith.index_cast %get3A_2494 : i32 to index
      %get3A_2496 = arith.constant 0 : index
      %get3A_2497 = tpu.vector_load %arg12[%get3A_2495, %get3A_2496] {strides = array<i32>} : memref<80x16xf32, #tpu.memory_space<vmem>>, vector<16xf32>,
      %mul3A_2498 = arith.mulf %get3A_2497, %gather3A_2493 : vector<16xf32>
      %swap3A_2499 = arith.constant 24 : i32
      %swap3A_2500 = arith.index_cast %swap3A_2499 : i32 to index
      %swap3A_2501 = arith.constant 0 : index
      %swap3A_2502 = tpu.vector_load %arg12[%swap3A_2500, %swap3A_2501] {strides = array<i32>} : memref<80x16xf32, #tpu.memory_space<vmem>>, vector<16xf32>,
      tpu.vector_store %arg12[%swap3A_2500, %swap3A_2501], %mul3A_2498 {strides = array<i32>} : memref<80x16xf32, #tpu.memory_space<vmem>>, vector<16xf32>,
      %broadcast_in_dim3A_2503 = arith.constant 9 : i32
      %broadcast_in_dim3A_2504 = vector.broadcast %broadcast_in_dim3A_2503 : i32 to vector<16x1xi32>
      %gather3A_2505 = vector.shape_cast %broadcast_in_dim3A_2504 : vector<16x1xi32> to vector<16xi32>
      %gather3A_2506 = tpu.dynamic_gather %get3A_2385[%gather3A_2505] in [0] : vector<16xf32>, vector<16xi32> -> vector<16xf32>
      %get3A_2507 = arith.constant 25 : i32
      %get3A_2508 = arith.index_cast %get3A_2507 : i32 to index
      %get3A_2509 = arith.constant 0 : index
      %get3A_2510 = tpu.vector_load %arg12[%get3A_2508, %get3A_2509] {strides = array<i32>} : memref<80x16xf32, #tpu.memory_space<vmem>>, vector<16xf32>,
      %mul3A_2511 = arith.mulf %get3A_2510, %gather3A_2506 : vector<16xf32>
      %swap3A_2512 = arith.constant 25 : i32
      %swap3A_2513 = arith.index_cast %swap3A_2512 : i32 to index
      %swap3A_2514 = arith.constant 0 : index
      %swap3A_2515 = tpu.vector_load %arg12[%swap3A_2513, %swap3A_2514] {strides = array<i32>} : memref<80x16xf32, #tpu.memory_space<vmem>>, vector<16xf32>,
      tpu.vector_store %arg12[%swap3A_2513, %swap3A_2514], %mul3A_2511 {strides = array<i32>} : memref<80x16xf32, #tpu.memory_space<vmem>>, vector<16xf32>,
      %broadcast_in_dim3A_2516 = arith.constant 10 : i32
      %broadcast_in_dim3A_2517 = vector.broadcast %broadcast_in_dim3A_2516 : i32 to vector<16x1xi32>
      %gather3A_2518 = vector.shape_cast %broadcast_in_dim3A_2517 : vector<16x1xi32> to vector<16xi32>
      %gather3A_2519 = tpu.dynamic_gather %get3A_2385[%gather3A_2518] in [0] : vector<16xf32>, vector<16xi32> -> vector<16xf32>
      %get3A_2520 = arith.constant 26 : i32
      %get3A_2521 = arith.index_cast %get3A_2520 : i32 to index
      %get3A_2522 = arith.constant 0 : index
      %get3A_2523 = tpu.vector_load %arg12[%get3A_2521, %get3A_2522] {strides = array<i32>} : memref<80x16xf32, #tpu.memory_space<vmem>>, vector<16xf32>,
      %mul3A_2524 = arith.mulf %get3A_2523, %gather3A_2519 : vector<16xf32>
      %swap3A_2525 = arith.constant 26 : i32
      %swap3A_2526 = arith.index_cast %swap3A_2525 : i32 to index
      %swap3A_2527 = arith.constant 0 : index
      %swap3A_2528 = tpu.vector_load %arg12[%swap3A_2526, %swap3A_2527] {strides = array<i32>} : memref<80x16xf32, #tpu.memory_space<vmem>>, vector<16xf32>,
      tpu.vector_store %arg12[%swap3A_2526, %swap3A_2527], %mul3A_2524 {strides = array<i32>} : memref<80x16xf32, #tpu.memory_space<vmem>>, vector<16xf32>,
      %broadcast_in_dim3A_2529 = arith.constant 11 : i32
      %broadcast_in_dim3A_2530 = vector.broadcast %broadcast_in_dim3A_2529 : i32 to vector<16x1xi32>
      %gather3A_2531 = vector.shape_cast %broadcast_in_dim3A_2530 : vector<16x1xi32> to vector<16xi32>
      %gather3A_2532 = tpu.dynamic_gather %get3A_2385[%gather3A_2531] in [0] : vector<16xf32>, vector<16xi32> -> vector<16xf32>
      %get3A_2533 = arith.constant 27 : i32
      %get3A_2534 = arith.index_cast %get3A_2533 : i32 to index
      %get3A_2535 = arith.constant 0 : index
      %get3A_2536 = tpu.vector_load %arg12[%get3A_2534, %get3A_2535] {strides = array<i32>} : memref<80x16xf32, #tpu.memory_space<vmem>>, vector<16xf32>,
      %mul3A_2537 = arith.mulf %get3A_2536, %gather3A_2532 : vector<16xf32>
      %swap3A_2538 = arith.constant 27 : i32
      %swap3A_2539 = arith.index_cast %swap3A_2538 : i32 to index
      %swap3A_2540 = arith.constant 0 : index
      %swap3A_2541 = tpu.vector_load %arg12[%swap3A_2539, %swap3A_2540] {strides = array<i32>} : memref<80x16xf32, #tpu.memory_space<vmem>>, vector<16xf32>,
      tpu.vector_store %arg12[%swap3A_2539, %swap3A_2540], %mul3A_2537 {strides = array<i32>} : memref<80x16xf32, #tpu.memory_space<vmem>>, vector<16xf32>,
      %broadcast_in_dim3A_2542 = arith.constant 12 : i32
      %broadcast_in_dim3A_2543 = vector.broadcast %broadcast_in_dim3A_2542 : i32 to vector<16x1xi32>
      %gather3A_2544 = vector.shape_cast %broadcast_in_dim3A_2543 : vector<16x1xi32> to vector<16xi32>
      %gather3A_2545 = tpu.dynamic_gather %get3A_2385[%gather3A_2544] in [0] : vector<16xf32>, vector<16xi32> -> vector<16xf32>
      %get3A_2546 = arith.constant 28 : i32
      %get3A_2547 = arith.index_cast %get3A_2546 : i32 to index
      %get3A_2548 = arith.constant 0 : index
      %get3A_2549 = tpu.vector_load %arg12[%get3A_2547, %get3A_2548] {strides = array<i32>} : memref<80x16xf32, #tpu.memory_space<vmem>>, vector<16xf32>,
      %mul3A_2550 = arith.mulf %get3A_2549, %gather3A_2545 : vector<16xf32>
      %swap3A_2551 = arith.constant 28 : i32
      %swap3A_2552 = arith.index_cast %swap3A_2551 : i32 to index
      %swap3A_2553 = arith.constant 0 : index
      %swap3A_2554 = tpu.vector_load %arg12[%swap3A_2552, %swap3A_2553] {strides = array<i32>} : memref<80x16xf32, #tpu.memory_space<vmem>>, vector<16xf32>,
      tpu.vector_store %arg12[%swap3A_2552, %swap3A_2553], %mul3A_2550 {strides = array<i32>} : memref<80x16xf32, #tpu.memory_space<vmem>>, vector<16xf32>,
      %broadcast_in_dim3A_2555 = arith.constant 13 : i32
      %broadcast_in_dim3A_2556 = vector.broadcast %broadcast_in_dim3A_2555 : i32 to vector<16x1xi32>
      %gather3A_2557 = vector.shape_cast %broadcast_in_dim3A_2556 : vector<16x1xi32> to vector<16xi32>
      %gather3A_2558 = tpu.dynamic_gather %get3A_2385[%gather3A_2557] in [0] : vector<16xf32>, vector<16xi32> -> vector<16xf32>
      %get3A_2559 = arith.constant 29 : i32
      %get3A_2560 = arith.index_cast %get3A_2559 : i32 to index
      %get3A_2561 = arith.constant 0 : index
      %get3A_2562 = tpu.vector_load %arg12[%get3A_2560, %get3A_2561] {strides = array<i32>} : memref<80x16xf32, #tpu.memory_space<vmem>>, vector<16xf32>,
      %mul3A_2563 = arith.mulf %get3A_2562, %gather3A_2558 : vector<16xf32>
      %swap3A_2564 = arith.constant 29 : i32
      %swap3A_2565 = arith.index_cast %swap3A_2564 : i32 to index
      %swap3A_2566 = arith.constant 0 : index
      %swap3A_2567 = tpu.vector_load %arg12[%swap3A_2565, %swap3A_2566] {strides = array<i32>} : memref<80x16xf32, #tpu.memory_space<vmem>>, vector<16xf32>,
      tpu.vector_store %arg12[%swap3A_2565, %swap3A_2566], %mul3A_2563 {strides = array<i32>} : memref<80x16xf32, #tpu.memory_space<vmem>>, vector<16xf32>,
      %broadcast_in_dim3A_2568 = arith.constant 14 : i32
      %broadcast_in_dim3A_2569 = vector.broadcast %broadcast_in_dim3A_2568 : i32 to vector<16x1xi32>
      %gather3A_2570 = vector.shape_cast %broadcast_in_dim3A_2569 : vector<16x1xi32> to vector<16xi32>
      %gather3A_2571 = tpu.dynamic_gather %get3A_2385[%gather3A_2570] in [0] : vector<16xf32>, vector<16xi32> -> vector<16xf32>
      %get3A_2572 = arith.constant 30 : i32
      %get3A_2573 = arith.index_cast %get3A_2572 : i32 to index
      %get3A_2574 = arith.constant 0 : index
      %get3A_2575 = tpu.vector_load %arg12[%get3A_2573, %get3A_2574] {strides = array<i32>} : memref<80x16xf32, #tpu.memory_space<vmem>>, vector<16xf32>,
      %mul3A_2576 = arith.mulf %get3A_2575, %gather3A_2571 : vector<16xf32>
      %swap3A_2577 = arith.constant 30 : i32
      %swap3A_2578 = arith.index_cast %swap3A_2577 : i32 to index
      %swap3A_2579 = arith.constant 0 : index
      %swap3A_2580 = tpu.vector_load %arg12[%swap3A_2578, %swap3A_2579] {strides = array<i32>} : memref<80x16xf32, #tpu.memory_space<vmem>>, vector<16xf32>,
      tpu.vector_store %arg12[%swap3A_2578, %swap3A_2579], %mul3A_2576 {strides = array<i32>} : memref<80x16xf32, #tpu.memory_space<vmem>>, vector<16xf32>,
      %broadcast_in_dim3A_2581 = arith.constant 15 : i32
      %broadcast_in_dim3A_2582 = vector.broadcast %broadcast_in_dim3A_2581 : i32 to vector<16x1xi32>
      %gather3A_2583 = vector.shape_cast %broadcast_in_dim3A_2582 : vector<16x1xi32> to vector<16xi32>
      %gather3A_2584 = tpu.dynamic_gather %get3A_2385[%gather3A_2583] in [0] : vector<16xf32>, vector<16xi32> -> vector<16xf32>
      %get3A_2585 = arith.constant 31 : i32
      %get3A_2586 = arith.index_cast %get3A_2585 : i32 to index
      %get3A_2587 = arith.constant 0 : index
      %get3A_2588 = tpu.vector_load %arg12[%get3A_2586, %get3A_2587] {strides = array<i32>} : memref<80x16xf32, #tpu.memory_space<vmem>>, vector<16xf32>,
      %mul3A_2589 = arith.mulf %get3A_2588, %gather3A_2584 : vector<16xf32>
      %swap3A_2590 = arith.constant 31 : i32
      %swap3A_2591 = arith.index_cast %swap3A_2590 : i32 to index
      %swap3A_2592 = arith.constant 0 : index
      %swap3A_2593 = tpu.vector_load %arg12[%swap3A_2591, %swap3A_2592] {strides = array<i32>} : memref<80x16xf32, #tpu.memory_space<vmem>>, vector<16xf32>,
      tpu.vector_store %arg12[%swap3A_2591, %swap3A_2592], %mul3A_2589 {strides = array<i32>} : memref<80x16xf32, #tpu.memory_space<vmem>>, vector<16xf32>,
      %get3A_2594 = arith.index_cast %add3A_2171 : i32 to index
      %get3A_2595 = arith.constant 32 : index
      %get3A_2596 = tpu.vector_load %arg10[%get3A_2594, %get3A_2595] {strides = array<i32>} : memref<125x80xf32, #tpu.memory_space<vmem>>, vector<16xf32>,
      %broadcast_in_dim3A_2597 = arith.constant 0 : i32
      %broadcast_in_dim3A_2598 = vector.broadcast %broadcast_in_dim3A_2597 : i32 to vector<16x1xi32>
      %gather3A_2599 = vector.shape_cast %broadcast_in_dim3A_2598 : vector<16x1xi32> to vector<16xi32>
      %gather3A_2600 = tpu.dynamic_gather %get3A_2596[%gather3A_2599] in [0] : vector<16xf32>, vector<16xi32> -> vector<16xf32>
      %get3A_2601 = arith.constant 32 : i32
      %get3A_2602 = arith.index_cast %get3A_2601 : i32 to index
      %get3A_2603 = arith.constant 0 : index
      %get3A_2604 = tpu.vector_load %arg12[%get3A_2602, %get3A_2603] {strides = array<i32>} : memref<80x16xf32, #tpu.memory_space<vmem>>, vector<16xf32>,
      %mul3A_2605 = arith.mulf %get3A_2604, %gather3A_2600 : vector<16xf32>
      %swap3A_2606 = arith.constant 32 : i32
      %swap3A_2607 = arith.index_cast %swap3A_2606 : i32 to index
      %swap3A_2608 = arith.constant 0 : index
      %swap3A_2609 = tpu.vector_load %arg12[%swap3A_2607, %swap3A_2608] {strides = array<i32>} : memref<80x16xf32, #tpu.memory_space<vmem>>, vector<16xf32>,
      tpu.vector_store %arg12[%swap3A_2607, %swap3A_2608], %mul3A_2605 {strides = array<i32>} : memref<80x16xf32, #tpu.memory_space<vmem>>, vector<16xf32>,
      %broadcast_in_dim3A_2610 = arith.constant 1 : i32
      %broadcast_in_dim3A_2611 = vector.broadcast %broadcast_in_dim3A_2610 : i32 to vector<16x1xi32>
      %gather3A_2612 = vector.shape_cast %broadcast_in_dim3A_2611 : vector<16x1xi32> to vector<16xi32>
      %gather3A_2613 = tpu.dynamic_gather %get3A_2596[%gather3A_2612] in [0] : vector<16xf32>, vector<16xi32> -> vector<16xf32>
      %get3A_2614 = arith.constant 33 : i32
      %get3A_2615 = arith.index_cast %get3A_2614 : i32 to index
      %get3A_2616 = arith.constant 0 : index
      %get3A_2617 = tpu.vector_load %arg12[%get3A_2615, %get3A_2616] {strides = array<i32>} : memref<80x16xf32, #tpu.memory_space<vmem>>, vector<16xf32>,
      %mul3A_2618 = arith.mulf %get3A_2617, %gather3A_2613 : vector<16xf32>
      %swap3A_2619 = arith.constant 33 : i32
      %swap3A_2620 = arith.index_cast %swap3A_2619 : i32 to index
      %swap3A_2621 = arith.constant 0 : index
      %swap3A_2622 = tpu.vector_load %arg12[%swap3A_2620, %swap3A_2621] {strides = array<i32>} : memref<80x16xf32, #tpu.memory_space<vmem>>, vector<16xf32>,
      tpu.vector_store %arg12[%swap3A_2620, %swap3A_2621], %mul3A_2618 {strides = array<i32>} : memref<80x16xf32, #tpu.memory_space<vmem>>, vector<16xf32>,
      %broadcast_in_dim3A_2623 = arith.constant 2 : i32
      %broadcast_in_dim3A_2624 = vector.broadcast %broadcast_in_dim3A_2623 : i32 to vector<16x1xi32>
      %gather3A_2625 = vector.shape_cast %broadcast_in_dim3A_2624 : vector<16x1xi32> to vector<16xi32>
      %gather3A_2626 = tpu.dynamic_gather %get3A_2596[%gather3A_2625] in [0] : vector<16xf32>, vector<16xi32> -> vector<16xf32>
      %get3A_2627 = arith.constant 34 : i32
      %get3A_2628 = arith.index_cast %get3A_2627 : i32 to index
      %get3A_2629 = arith.constant 0 : index
      %get3A_2630 = tpu.vector_load %arg12[%get3A_2628, %get3A_2629] {strides = array<i32>} : memref<80x16xf32, #tpu.memory_space<vmem>>, vector<16xf32>,
      %mul3A_2631 = arith.mulf %get3A_2630, %gather3A_2626 : vector<16xf32>
      %swap3A_2632 = arith.constant 34 : i32
      %swap3A_2633 = arith.index_cast %swap3A_2632 : i32 to index
      %swap3A_2634 = arith.constant 0 : index
      %swap3A_2635 = tpu.vector_load %arg12[%swap3A_2633, %swap3A_2634] {strides = array<i32>} : memref<80x16xf32, #tpu.memory_space<vmem>>, vector<16xf32>,
      tpu.vector_store %arg12[%swap3A_2633, %swap3A_2634], %mul3A_2631 {strides = array<i32>} : memref<80x16xf32, #tpu.memory_space<vmem>>, vector<16xf32>,
      %broadcast_in_dim3A_2636 = arith.constant 3 : i32
      %broadcast_in_dim3A_2637 = vector.broadcast %broadcast_in_dim3A_2636 : i32 to vector<16x1xi32>
      %gather3A_2638 = vector.shape_cast %broadcast_in_dim3A_2637 : vector<16x1xi32> to vector<16xi32>
      %gather3A_2639 = tpu.dynamic_gather %get3A_2596[%gather3A_2638] in [0] : vector<16xf32>, vector<16xi32> -> vector<16xf32>
      %get3A_2640 = arith.constant 35 : i32
      %get3A_2641 = arith.index_cast %get3A_2640 : i32 to index
      %get3A_2642 = arith.constant 0 : index
      %get3A_2643 = tpu.vector_load %arg12[%get3A_2641, %get3A_2642] {strides = array<i32>} : memref<80x16xf32, #tpu.memory_space<vmem>>, vector<16xf32>,
      %mul3A_2644 = arith.mulf %get3A_2643, %gather3A_2639 : vector<16xf32>
      %swap3A_2645 = arith.constant 35 : i32
      %swap3A_2646 = arith.index_cast %swap3A_2645 : i32 to index
      %swap3A_2647 = arith.constant 0 : index
      %swap3A_2648 = tpu.vector_load %arg12[%swap3A_2646, %swap3A_2647] {strides = array<i32>} : memref<80x16xf32, #tpu.memory_space<vmem>>, vector<16xf32>,
      tpu.vector_store %arg12[%swap3A_2646, %swap3A_2647], %mul3A_2644 {strides = array<i32>} : memref<80x16xf32, #tpu.memory_space<vmem>>, vector<16xf32>,
      %broadcast_in_dim3A_2649 = arith.constant 4 : i32
      %broadcast_in_dim3A_2650 = vector.broadcast %broadcast_in_dim3A_2649 : i32 to vector<16x1xi32>
      %gather3A_2651 = vector.shape_cast %broadcast_in_dim3A_2650 : vector<16x1xi32> to vector<16xi32>
      %gather3A_2652 = tpu.dynamic_gather %get3A_2596[%gather3A_2651] in [0] : vector<16xf32>, vector<16xi32> -> vector<16xf32>
      %get3A_2653 = arith.constant 36 : i32
      %get3A_2654 = arith.index_cast %get3A_2653 : i32 to index
      %get3A_2655 = arith.constant 0 : index
      %get3A_2656 = tpu.vector_load %arg12[%get3A_2654, %get3A_2655] {strides = array<i32>} : memref<80x16xf32, #tpu.memory_space<vmem>>, vector<16xf32>,
      %mul3A_2657 = arith.mulf %get3A_2656, %gather3A_2652 : vector<16xf32>
      %swap3A_2658 = arith.constant 36 : i32
      %swap3A_2659 = arith.index_cast %swap3A_2658 : i32 to index
      %swap3A_2660 = arith.constant 0 : index
      %swap3A_2661 = tpu.vector_load %arg12[%swap3A_2659, %swap3A_2660] {strides = array<i32>} : memref<80x16xf32, #tpu.memory_space<vmem>>, vector<16xf32>,
      tpu.vector_store %arg12[%swap3A_2659, %swap3A_2660], %mul3A_2657 {strides = array<i32>} : memref<80x16xf32, #tpu.memory_space<vmem>>, vector<16xf32>,
      %broadcast_in_dim3A_2662 = arith.constant 5 : i32
      %broadcast_in_dim3A_2663 = vector.broadcast %broadcast_in_dim3A_2662 : i32 to vector<16x1xi32>
      %gather3A_2664 = vector.shape_cast %broadcast_in_dim3A_2663 : vector<16x1xi32> to vector<16xi32>
      %gather3A_2665 = tpu.dynamic_gather %get3A_2596[%gather3A_2664] in [0] : vector<16xf32>, vector<16xi32> -> vector<16xf32>
      %get3A_2666 = arith.constant 37 : i32
      %get3A_2667 = arith.index_cast %get3A_2666 : i32 to index
      %get3A_2668 = arith.constant 0 : index
      %get3A_2669 = tpu.vector_load %arg12[%get3A_2667, %get3A_2668] {strides = array<i32>} : memref<80x16xf32, #tpu.memory_space<vmem>>, vector<16xf32>,
      %mul3A_2670 = arith.mulf %get3A_2669, %gather3A_2665 : vector<16xf32>
      %swap3A_2671 = arith.constant 37 : i32
      %swap3A_2672 = arith.index_cast %swap3A_2671 : i32 to index
      %swap3A_2673 = arith.constant 0 : index
      %swap3A_2674 = tpu.vector_load %arg12[%swap3A_2672, %swap3A_2673] {strides = array<i32>} : memref<80x16xf32, #tpu.memory_space<vmem>>, vector<16xf32>,
      tpu.vector_store %arg12[%swap3A_2672, %swap3A_2673], %mul3A_2670 {strides = array<i32>} : memref<80x16xf32, #tpu.memory_space<vmem>>, vector<16xf32>,
      %broadcast_in_dim3A_2675 = arith.constant 6 : i32
      %broadcast_in_dim3A_2676 = vector.broadcast %broadcast_in_dim3A_2675 : i32 to vector<16x1xi32>
      %gather3A_2677 = vector.shape_cast %broadcast_in_dim3A_2676 : vector<16x1xi32> to vector<16xi32>
      %gather3A_2678 = tpu.dynamic_gather %get3A_2596[%gather3A_2677] in [0] : vector<16xf32>, vector<16xi32> -> vector<16xf32>
      %get3A_2679 = arith.constant 38 : i32
      %get3A_2680 = arith.index_cast %get3A_2679 : i32 to index
      %get3A_2681 = arith.constant 0 : index
      %get3A_2682 = tpu.vector_load %arg12[%get3A_2680, %get3A_2681] {strides = array<i32>} : memref<80x16xf32, #tpu.memory_space<vmem>>, vector<16xf32>,
      %mul3A_2683 = arith.mulf %get3A_2682, %gather3A_2678 : vector<16xf32>
      %swap3A_2684 = arith.constant 38 : i32
      %swap3A_2685 = arith.index_cast %swap3A_2684 : i32 to index
      %swap3A_2686 = arith.constant 0 : index
      %swap3A_2687 = tpu.vector_load %arg12[%swap3A_2685, %swap3A_2686] {strides = array<i32>} : memref<80x16xf32, #tpu.memory_space<vmem>>, vector<16xf32>,
      tpu.vector_store %arg12[%swap3A_2685, %swap3A_2686], %mul3A_2683 {strides = array<i32>} : memref<80x16xf32, #tpu.memory_space<vmem>>, vector<16xf32>,
      %broadcast_in_dim3A_2688 = arith.constant 7 : i32
      %broadcast_in_dim3A_2689 = vector.broadcast %broadcast_in_dim3A_2688 : i32 to vector<16x1xi32>
      %gather3A_2690 = vector.shape_cast %broadcast_in_dim3A_2689 : vector<16x1xi32> to vector<16xi32>
      %gather3A_2691 = tpu.dynamic_gather %get3A_2596[%gather3A_2690] in [0] : vector<16xf32>, vector<16xi32> -> vector<16xf32>
      %get3A_2692 = arith.constant 39 : i32
      %get3A_2693 = arith.index_cast %get3A_2692 : i32 to index
      %get3A_2694 = arith.constant 0 : index
      %get3A_2695 = tpu.vector_load %arg12[%get3A_2693, %get3A_2694] {strides = array<i32>} : memref<80x16xf32, #tpu.memory_space<vmem>>, vector<16xf32>,
      %mul3A_2696 = arith.mulf %get3A_2695, %gather3A_2691 : vector<16xf32>
      %swap3A_2697 = arith.constant 39 : i32
      %swap3A_2698 = arith.index_cast %swap3A_2697 : i32 to index
      %swap3A_2699 = arith.constant 0 : index
      %swap3A_2700 = tpu.vector_load %arg12[%swap3A_2698, %swap3A_2699] {strides = array<i32>} : memref<80x16xf32, #tpu.memory_space<vmem>>, vector<16xf32>,
      tpu.vector_store %arg12[%swap3A_2698, %swap3A_2699], %mul3A_2696 {strides = array<i32>} : memref<80x16xf32, #tpu.memory_space<vmem>>, vector<16xf32>,
      %broadcast_in_dim3A_2701 = arith.constant 8 : i32
      %broadcast_in_dim3A_2702 = vector.broadcast %broadcast_in_dim3A_2701 : i32 to vector<16x1xi32>
      %gather3A_2703 = vector.shape_cast %broadcast_in_dim3A_2702 : vector<16x1xi32> to vector<16xi32>
      %gather3A_2704 = tpu.dynamic_gather %get3A_2596[%gather3A_2703] in [0] : vector<16xf32>, vector<16xi32> -> vector<16xf32>
      %get3A_2705 = arith.constant 40 : i32
      %get3A_2706 = arith.index_cast %get3A_2705 : i32 to index
      %get3A_2707 = arith.constant 0 : index
      %get3A_2708 = tpu.vector_load %arg12[%get3A_2706, %get3A_2707] {strides = array<i32>} : memref<80x16xf32, #tpu.memory_space<vmem>>, vector<16xf32>,
      %mul3A_2709 = arith.mulf %get3A_2708, %gather3A_2704 : vector<16xf32>
      %swap3A_2710 = arith.constant 40 : i32
      %swap3A_2711 = arith.index_cast %swap3A_2710 : i32 to index
      %swap3A_2712 = arith.constant 0 : index
      %swap3A_2713 = tpu.vector_load %arg12[%swap3A_2711, %swap3A_2712] {strides = array<i32>} : memref<80x16xf32, #tpu.memory_space<vmem>>, vector<16xf32>,
      tpu.vector_store %arg12[%swap3A_2711, %swap3A_2712], %mul3A_2709 {strides = array<i32>} : memref<80x16xf32, #tpu.memory_space<vmem>>, vector<16xf32>,
      %broadcast_in_dim3A_2714 = arith.constant 9 : i32
      %broadcast_in_dim3A_2715 = vector.broadcast %broadcast_in_dim3A_2714 : i32 to vector<16x1xi32>
      %gather3A_2716 = vector.shape_cast %broadcast_in_dim3A_2715 : vector<16x1xi32> to vector<16xi32>
      %gather3A_2717 = tpu.dynamic_gather %get3A_2596[%gather3A_2716] in [0] : vector<16xf32>, vector<16xi32> -> vector<16xf32>
      %get3A_2718 = arith.constant 41 : i32
      %get3A_2719 = arith.index_cast %get3A_2718 : i32 to index
      %get3A_2720 = arith.constant 0 : index
      %get3A_2721 = tpu.vector_load %arg12[%get3A_2719, %get3A_2720] {strides = array<i32>} : memref<80x16xf32, #tpu.memory_space<vmem>>, vector<16xf32>,
      %mul3A_2722 = arith.mulf %get3A_2721, %gather3A_2717 : vector<16xf32>
      %swap3A_2723 = arith.constant 41 : i32
      %swap3A_2724 = arith.index_cast %swap3A_2723 : i32 to index
      %swap3A_2725 = arith.constant 0 : index
      %swap3A_2726 = tpu.vector_load %arg12[%swap3A_2724, %swap3A_2725] {strides = array<i32>} : memref<80x16xf32, #tpu.memory_space<vmem>>, vector<16xf32>,
      tpu.vector_store %arg12[%swap3A_2724, %swap3A_2725], %mul3A_2722 {strides = array<i32>} : memref<80x16xf32, #tpu.memory_space<vmem>>, vector<16xf32>,
      %broadcast_in_dim3A_2727 = arith.constant 10 : i32
      %broadcast_in_dim3A_2728 = vector.broadcast %broadcast_in_dim3A_2727 : i32 to vector<16x1xi32>
      %gather3A_2729 = vector.shape_cast %broadcast_in_dim3A_2728 : vector<16x1xi32> to vector<16xi32>
      %gather3A_2730 = tpu.dynamic_gather %get3A_2596[%gather3A_2729] in [0] : vector<16xf32>, vector<16xi32> -> vector<16xf32>
      %get3A_2731 = arith.constant 42 : i32
      %get3A_2732 = arith.index_cast %get3A_2731 : i32 to index
      %get3A_2733 = arith.constant 0 : index
      %get3A_2734 = tpu.vector_load %arg12[%get3A_2732, %get3A_2733] {strides = array<i32>} : memref<80x16xf32, #tpu.memory_space<vmem>>, vector<16xf32>,
      %mul3A_2735 = arith.mulf %get3A_2734, %gather3A_2730 : vector<16xf32>
      %swap3A_2736 = arith.constant 42 : i32
      %swap3A_2737 = arith.index_cast %swap3A_2736 : i32 to index
      %swap3A_2738 = arith.constant 0 : index
      %swap3A_2739 = tpu.vector_load %arg12[%swap3A_2737, %swap3A_2738] {strides = array<i32>} : memref<80x16xf32, #tpu.memory_space<vmem>>, vector<16xf32>,
      tpu.vector_store %arg12[%swap3A_2737, %swap3A_2738], %mul3A_2735 {strides = array<i32>} : memref<80x16xf32, #tpu.memory_space<vmem>>, vector<16xf32>,
      %broadcast_in_dim3A_2740 = arith.constant 11 : i32
      %broadcast_in_dim3A_2741 = vector.broadcast %broadcast_in_dim3A_2740 : i32 to vector<16x1xi32>
      %gather3A_2742 = vector.shape_cast %broadcast_in_dim3A_2741 : vector<16x1xi32> to vector<16xi32>
      %gather3A_2743 = tpu.dynamic_gather %get3A_2596[%gather3A_2742] in [0] : vector<16xf32>, vector<16xi32> -> vector<16xf32>
      %get3A_2744 = arith.constant 43 : i32
      %get3A_2745 = arith.index_cast %get3A_2744 : i32 to index
      %get3A_2746 = arith.constant 0 : index
      %get3A_2747 = tpu.vector_load %arg12[%get3A_2745, %get3A_2746] {strides = array<i32>} : memref<80x16xf32, #tpu.memory_space<vmem>>, vector<16xf32>,
      %mul3A_2748 = arith.mulf %get3A_2747, %gather3A_2743 : vector<16xf32>
      %swap3A_2749 = arith.constant 43 : i32
      %swap3A_2750 = arith.index_cast %swap3A_2749 : i32 to index
      %swap3A_2751 = arith.constant 0 : index
      %swap3A_2752 = tpu.vector_load %arg12[%swap3A_2750, %swap3A_2751] {strides = array<i32>} : memref<80x16xf32, #tpu.memory_space<vmem>>, vector<16xf32>,
      tpu.vector_store %arg12[%swap3A_2750, %swap3A_2751], %mul3A_2748 {strides = array<i32>} : memref<80x16xf32, #tpu.memory_space<vmem>>, vector<16xf32>,
      %broadcast_in_dim3A_2753 = arith.constant 12 : i32
      %broadcast_in_dim3A_2754 = vector.broadcast %broadcast_in_dim3A_2753 : i32 to vector<16x1xi32>
      %gather3A_2755 = vector.shape_cast %broadcast_in_dim3A_2754 : vector<16x1xi32> to vector<16xi32>
      %gather3A_2756 = tpu.dynamic_gather %get3A_2596[%gather3A_2755] in [0] : vector<16xf32>, vector<16xi32> -> vector<16xf32>
      %get3A_2757 = arith.constant 44 : i32
      %get3A_2758 = arith.index_cast %get3A_2757 : i32 to index
      %get3A_2759 = arith.constant 0 : index
      %get3A_2760 = tpu.vector_load %arg12[%get3A_2758, %get3A_2759] {strides = array<i32>} : memref<80x16xf32, #tpu.memory_space<vmem>>, vector<16xf32>,
      %mul3A_2761 = arith.mulf %get3A_2760, %gather3A_2756 : vector<16xf32>
      %swap3A_2762 = arith.constant 44 : i32
      %swap3A_2763 = arith.index_cast %swap3A_2762 : i32 to index
      %swap3A_2764 = arith.constant 0 : index
      %swap3A_2765 = tpu.vector_load %arg12[%swap3A_2763, %swap3A_2764] {strides = array<i32>} : memref<80x16xf32, #tpu.memory_space<vmem>>, vector<16xf32>,
      tpu.vector_store %arg12[%swap3A_2763, %swap3A_2764], %mul3A_2761 {strides = array<i32>} : memref<80x16xf32, #tpu.memory_space<vmem>>, vector<16xf32>,
      %broadcast_in_dim3A_2766 = arith.constant 13 : i32
      %broadcast_in_dim3A_2767 = vector.broadcast %broadcast_in_dim3A_2766 : i32 to vector<16x1xi32>
      %gather3A_2768 = vector.shape_cast %broadcast_in_dim3A_2767 : vector<16x1xi32> to vector<16xi32>
      %gather3A_2769 = tpu.dynamic_gather %get3A_2596[%gather3A_2768] in [0] : vector<16xf32>, vector<16xi32> -> vector<16xf32>
      %get3A_2770 = arith.constant 45 : i32
      %get3A_2771 = arith.index_cast %get3A_2770 : i32 to index
      %get3A_2772 = arith.constant 0 : index
      %get3A_2773 = tpu.vector_load %arg12[%get3A_2771, %get3A_2772] {strides = array<i32>} : memref<80x16xf32, #tpu.memory_space<vmem>>, vector<16xf32>,
      %mul3A_2774 = arith.mulf %get3A_2773, %gather3A_2769 : vector<16xf32>
      %swap3A_2775 = arith.constant 45 : i32
      %swap3A_2776 = arith.index_cast %swap3A_2775 : i32 to index
      %swap3A_2777 = arith.constant 0 : index
      %swap3A_2778 = tpu.vector_load %arg12[%swap3A_2776, %swap3A_2777] {strides = array<i32>} : memref<80x16xf32, #tpu.memory_space<vmem>>, vector<16xf32>,
      tpu.vector_store %arg12[%swap3A_2776, %swap3A_2777], %mul3A_2774 {strides = array<i32>} : memref<80x16xf32, #tpu.memory_space<vmem>>, vector<16xf32>,
      %broadcast_in_dim3A_2779 = arith.constant 14 : i32
      %broadcast_in_dim3A_2780 = vector.broadcast %broadcast_in_dim3A_2779 : i32 to vector<16x1xi32>
      %gather3A_2781 = vector.shape_cast %broadcast_in_dim3A_2780 : vector<16x1xi32> to vector<16xi32>
      %gather3A_2782 = tpu.dynamic_gather %get3A_2596[%gather3A_2781] in [0] : vector<16xf32>, vector<16xi32> -> vector<16xf32>
      %get3A_2783 = arith.constant 46 : i32
      %get3A_2784 = arith.index_cast %get3A_2783 : i32 to index
      %get3A_2785 = arith.constant 0 : index
      %get3A_2786 = tpu.vector_load %arg12[%get3A_2784, %get3A_2785] {strides = array<i32>} : memref<80x16xf32, #tpu.memory_space<vmem>>, vector<16xf32>,
      %mul3A_2787 = arith.mulf %get3A_2786, %gather3A_2782 : vector<16xf32>
      %swap3A_2788 = arith.constant 46 : i32
      %swap3A_2789 = arith.index_cast %swap3A_2788 : i32 to index
      %swap3A_2790 = arith.constant 0 : index
      %swap3A_2791 = tpu.vector_load %arg12[%swap3A_2789, %swap3A_2790] {strides = array<i32>} : memref<80x16xf32, #tpu.memory_space<vmem>>, vector<16xf32>,
      tpu.vector_store %arg12[%swap3A_2789, %swap3A_2790], %mul3A_2787 {strides = array<i32>} : memref<80x16xf32, #tpu.memory_space<vmem>>, vector<16xf32>,
      %broadcast_in_dim3A_2792 = arith.constant 15 : i32
      %broadcast_in_dim3A_2793 = vector.broadcast %broadcast_in_dim3A_2792 : i32 to vector<16x1xi32>
      %gather3A_2794 = vector.shape_cast %broadcast_in_dim3A_2793 : vector<16x1xi32> to vector<16xi32>
      %gather3A_2795 = tpu.dynamic_gather %get3A_2596[%gather3A_2794] in [0] : vector<16xf32>, vector<16xi32> -> vector<16xf32>
      %get3A_2796 = arith.constant 47 : i32
      %get3A_2797 = arith.index_cast %get3A_2796 : i32 to index
      %get3A_2798 = arith.constant 0 : index
      %get3A_2799 = tpu.vector_load %arg12[%get3A_2797, %get3A_2798] {strides = array<i32>} : memref<80x16xf32, #tpu.memory_space<vmem>>, vector<16xf32>,
      %mul3A_2800 = arith.mulf %get3A_2799, %gather3A_2795 : vector<16xf32>
      %swap3A_2801 = arith.constant 47 : i32
      %swap3A_2802 = arith.index_cast %swap3A_2801 : i32 to index
      %swap3A_2803 = arith.constant 0 : index
      %swap3A_2804 = tpu.vector_load %arg12[%swap3A_2802, %swap3A_2803] {strides = array<i32>} : memref<80x16xf32, #tpu.memory_space<vmem>>, vector<16xf32>,
      tpu.vector_store %arg12[%swap3A_2802, %swap3A_2803], %mul3A_2800 {strides = array<i32>} : memref<80x16xf32, #tpu.memory_space<vmem>>, vector<16xf32>,
      %get3A_2805 = arith.index_cast %add3A_2171 : i32 to index
      %get3A_2806 = arith.constant 48 : index
      %get3A_2807 = tpu.vector_load %arg10[%get3A_2805, %get3A_2806] {strides = array<i32>} : memref<125x80xf32, #tpu.memory_space<vmem>>, vector<16xf32>,
      %broadcast_in_dim3A_2808 = arith.constant 0 : i32
      %broadcast_in_dim3A_2809 = vector.broadcast %broadcast_in_dim3A_2808 : i32 to vector<16x1xi32>
      %gather3A_2810 = vector.shape_cast %broadcast_in_dim3A_2809 : vector<16x1xi32> to vector<16xi32>
      %gather3A_2811 = tpu.dynamic_gather %get3A_2807[%gather3A_2810] in [0] : vector<16xf32>, vector<16xi32> -> vector<16xf32>
      %get3A_2812 = arith.constant 48 : i32
      %get3A_2813 = arith.index_cast %get3A_2812 : i32 to index
      %get3A_2814 = arith.constant 0 : index
      %get3A_2815 = tpu.vector_load %arg12[%get3A_2813, %get3A_2814] {strides = array<i32>} : memref<80x16xf32, #tpu.memory_space<vmem>>, vector<16xf32>,
      %mul3A_2816 = arith.mulf %get3A_2815, %gather3A_2811 : vector<16xf32>
      %swap3A_2817 = arith.constant 48 : i32
      %swap3A_2818 = arith.index_cast %swap3A_2817 : i32 to index
      %swap3A_2819 = arith.constant 0 : index
      %swap3A_2820 = tpu.vector_load %arg12[%swap3A_2818, %swap3A_2819] {strides = array<i32>} : memref<80x16xf32, #tpu.memory_space<vmem>>, vector<16xf32>,
      tpu.vector_store %arg12[%swap3A_2818, %swap3A_2819], %mul3A_2816 {strides = array<i32>} : memref<80x16xf32, #tpu.memory_space<vmem>>, vector<16xf32>,
      %broadcast_in_dim3A_2821 = arith.constant 1 : i32
      %broadcast_in_dim3A_2822 = vector.broadcast %broadcast_in_dim3A_2821 : i32 to vector<16x1xi32>
      %gather3A_2823 = vector.shape_cast %broadcast_in_dim3A_2822 : vector<16x1xi32> to vector<16xi32>
      %gather3A_2824 = tpu.dynamic_gather %get3A_2807[%gather3A_2823] in [0] : vector<16xf32>, vector<16xi32> -> vector<16xf32>
      %get3A_2825 = arith.constant 49 : i32
      %get3A_2826 = arith.index_cast %get3A_2825 : i32 to index
      %get3A_2827 = arith.constant 0 : index
      %get3A_2828 = tpu.vector_load %arg12[%get3A_2826, %get3A_2827] {strides = array<i32>} : memref<80x16xf32, #tpu.memory_space<vmem>>, vector<16xf32>,
      %mul3A_2829 = arith.mulf %get3A_2828, %gather3A_2824 : vector<16xf32>
      %swap3A_2830 = arith.constant 49 : i32
      %swap3A_2831 = arith.index_cast %swap3A_2830 : i32 to index
      %swap3A_2832 = arith.constant 0 : index
      %swap3A_2833 = tpu.vector_load %arg12[%swap3A_2831, %swap3A_2832] {strides = array<i32>} : memref<80x16xf32, #tpu.memory_space<vmem>>, vector<16xf32>,
      tpu.vector_store %arg12[%swap3A_2831, %swap3A_2832], %mul3A_2829 {strides = array<i32>} : memref<80x16xf32, #tpu.memory_space<vmem>>, vector<16xf32>,
      %broadcast_in_dim3A_2834 = arith.constant 2 : i32
      %broadcast_in_dim3A_2835 = vector.broadcast %broadcast_in_dim3A_2834 : i32 to vector<16x1xi32>
      %gather3A_2836 = vector.shape_cast %broadcast_in_dim3A_2835 : vector<16x1xi32> to vector<16xi32>
      %gather3A_2837 = tpu.dynamic_gather %get3A_2807[%gather3A_2836] in [0] : vector<16xf32>, vector<16xi32> -> vector<16xf32>
      %get3A_2838 = arith.constant 50 : i32
      %get3A_2839 = arith.index_cast %get3A_2838 : i32 to index
      %get3A_2840 = arith.constant 0 : index
      %get3A_2841 = tpu.vector_load %arg12[%get3A_2839, %get3A_2840] {strides = array<i32>} : memref<80x16xf32, #tpu.memory_space<vmem>>, vector<16xf32>,
      %mul3A_2842 = arith.mulf %get3A_2841, %gather3A_2837 : vector<16xf32>
      %swap3A_2843 = arith.constant 50 : i32
      %swap3A_2844 = arith.index_cast %swap3A_2843 : i32 to index
      %swap3A_2845 = arith.constant 0 : index
      %swap3A_2846 = tpu.vector_load %arg12[%swap3A_2844, %swap3A_2845] {strides = array<i32>} : memref<80x16xf32, #tpu.memory_space<vmem>>, vector<16xf32>,
      tpu.vector_store %arg12[%swap3A_2844, %swap3A_2845], %mul3A_2842 {strides = array<i32>} : memref<80x16xf32, #tpu.memory_space<vmem>>, vector<16xf32>,
      %broadcast_in_dim3A_2847 = arith.constant 3 : i32
      %broadcast_in_dim3A_2848 = vector.broadcast %broadcast_in_dim3A_2847 : i32 to vector<16x1xi32>
      %gather3A_2849 = vector.shape_cast %broadcast_in_dim3A_2848 : vector<16x1xi32> to vector<16xi32>
      %gather3A_2850 = tpu.dynamic_gather %get3A_2807[%gather3A_2849] in [0] : vector<16xf32>, vector<16xi32> -> vector<16xf32>
      %get3A_2851 = arith.constant 51 : i32
      %get3A_2852 = arith.index_cast %get3A_2851 : i32 to index
      %get3A_2853 = arith.constant 0 : index
      %get3A_2854 = tpu.vector_load %arg12[%get3A_2852, %get3A_2853] {strides = array<i32>} : memref<80x16xf32, #tpu.memory_space<vmem>>, vector<16xf32>,
      %mul3A_2855 = arith.mulf %get3A_2854, %gather3A_2850 : vector<16xf32>
      %swap3A_2856 = arith.constant 51 : i32
      %swap3A_2857 = arith.index_cast %swap3A_2856 : i32 to index
      %swap3A_2858 = arith.constant 0 : index
      %swap3A_2859 = tpu.vector_load %arg12[%swap3A_2857, %swap3A_2858] {strides = array<i32>} : memref<80x16xf32, #tpu.memory_space<vmem>>, vector<16xf32>,
      tpu.vector_store %arg12[%swap3A_2857, %swap3A_2858], %mul3A_2855 {strides = array<i32>} : memref<80x16xf32, #tpu.memory_space<vmem>>, vector<16xf32>,
      %broadcast_in_dim3A_2860 = arith.constant 4 : i32
      %broadcast_in_dim3A_2861 = vector.broadcast %broadcast_in_dim3A_2860 : i32 to vector<16x1xi32>
      %gather3A_2862 = vector.shape_cast %broadcast_in_dim3A_2861 : vector<16x1xi32> to vector<16xi32>
      %gather3A_2863 = tpu.dynamic_gather %get3A_2807[%gather3A_2862] in [0] : vector<16xf32>, vector<16xi32> -> vector<16xf32>
      %get3A_2864 = arith.constant 52 : i32
      %get3A_2865 = arith.index_cast %get3A_2864 : i32 to index
      %get3A_2866 = arith.constant 0 : index
      %get3A_2867 = tpu.vector_load %arg12[%get3A_2865, %get3A_2866] {strides = array<i32>} : memref<80x16xf32, #tpu.memory_space<vmem>>, vector<16xf32>,
      %mul3A_2868 = arith.mulf %get3A_2867, %gather3A_2863 : vector<16xf32>
      %swap3A_2869 = arith.constant 52 : i32
      %swap3A_2870 = arith.index_cast %swap3A_2869 : i32 to index
      %swap3A_2871 = arith.constant 0 : index
      %swap3A_2872 = tpu.vector_load %arg12[%swap3A_2870, %swap3A_2871] {strides = array<i32>} : memref<80x16xf32, #tpu.memory_space<vmem>>, vector<16xf32>,
      tpu.vector_store %arg12[%swap3A_2870, %swap3A_2871], %mul3A_2868 {strides = array<i32>} : memref<80x16xf32, #tpu.memory_space<vmem>>, vector<16xf32>,
      %broadcast_in_dim3A_2873 = arith.constant 5 : i32
      %broadcast_in_dim3A_2874 = vector.broadcast %broadcast_in_dim3A_2873 : i32 to vector<16x1xi32>
      %gather3A_2875 = vector.shape_cast %broadcast_in_dim3A_2874 : vector<16x1xi32> to vector<16xi32>
      %gather3A_2876 = tpu.dynamic_gather %get3A_2807[%gather3A_2875] in [0] : vector<16xf32>, vector<16xi32> -> vector<16xf32>
      %get3A_2877 = arith.constant 53 : i32
      %get3A_2878 = arith.index_cast %get3A_2877 : i32 to index
      %get3A_2879 = arith.constant 0 : index
      %get3A_2880 = tpu.vector_load %arg12[%get3A_2878, %get3A_2879] {strides = array<i32>} : memref<80x16xf32, #tpu.memory_space<vmem>>, vector<16xf32>,
      %mul3A_2881 = arith.mulf %get3A_2880, %gather3A_2876 : vector<16xf32>
      %swap3A_2882 = arith.constant 53 : i32
      %swap3A_2883 = arith.index_cast %swap3A_2882 : i32 to index
      %swap3A_2884 = arith.constant 0 : index
      %swap3A_2885 = tpu.vector_load %arg12[%swap3A_2883, %swap3A_2884] {strides = array<i32>} : memref<80x16xf32, #tpu.memory_space<vmem>>, vector<16xf32>,
      tpu.vector_store %arg12[%swap3A_2883, %swap3A_2884], %mul3A_2881 {strides = array<i32>} : memref<80x16xf32, #tpu.memory_space<vmem>>, vector<16xf32>,
      %broadcast_in_dim3A_2886 = arith.constant 6 : i32
      %broadcast_in_dim3A_2887 = vector.broadcast %broadcast_in_dim3A_2886 : i32 to vector<16x1xi32>
      %gather3A_2888 = vector.shape_cast %broadcast_in_dim3A_2887 : vector<16x1xi32> to vector<16xi32>
      %gather3A_2889 = tpu.dynamic_gather %get3A_2807[%gather3A_2888] in [0] : vector<16xf32>, vector<16xi32> -> vector<16xf32>
      %get3A_2890 = arith.constant 54 : i32
      %get3A_2891 = arith.index_cast %get3A_2890 : i32 to index
      %get3A_2892 = arith.constant 0 : index
      %get3A_2893 = tpu.vector_load %arg12[%get3A_2891, %get3A_2892] {strides = array<i32>} : memref<80x16xf32, #tpu.memory_space<vmem>>, vector<16xf32>,
      %mul3A_2894 = arith.mulf %get3A_2893, %gather3A_2889 : vector<16xf32>
      %swap3A_2895 = arith.constant 54 : i32
      %swap3A_2896 = arith.index_cast %swap3A_2895 : i32 to index
      %swap3A_2897 = arith.constant 0 : index
      %swap3A_2898 = tpu.vector_load %arg12[%swap3A_2896, %swap3A_2897] {strides = array<i32>} : memref<80x16xf32, #tpu.memory_space<vmem>>, vector<16xf32>,
      tpu.vector_store %arg12[%swap3A_2896, %swap3A_2897], %mul3A_2894 {strides = array<i32>} : memref<80x16xf32, #tpu.memory_space<vmem>>, vector<16xf32>,
      %broadcast_in_dim3A_2899 = arith.constant 7 : i32
      %broadcast_in_dim3A_2900 = vector.broadcast %broadcast_in_dim3A_2899 : i32 to vector<16x1xi32>
      %gather3A_2901 = vector.shape_cast %broadcast_in_dim3A_2900 : vector<16x1xi32> to vector<16xi32>
      %gather3A_2902 = tpu.dynamic_gather %get3A_2807[%gather3A_2901] in [0] : vector<16xf32>, vector<16xi32> -> vector<16xf32>
      %get3A_2903 = arith.constant 55 : i32
      %get3A_2904 = arith.index_cast %get3A_2903 : i32 to index
      %get3A_2905 = arith.constant 0 : index
      %get3A_2906 = tpu.vector_load %arg12[%get3A_2904, %get3A_2905] {strides = array<i32>} : memref<80x16xf32, #tpu.memory_space<vmem>>, vector<16xf32>,
      %mul3A_2907 = arith.mulf %get3A_2906, %gather3A_2902 : vector<16xf32>
      %swap3A_2908 = arith.constant 55 : i32
      %swap3A_2909 = arith.index_cast %swap3A_2908 : i32 to index
      %swap3A_2910 = arith.constant 0 : index
      %swap3A_2911 = tpu.vector_load %arg12[%swap3A_2909, %swap3A_2910] {strides = array<i32>} : memref<80x16xf32, #tpu.memory_space<vmem>>, vector<16xf32>,
      tpu.vector_store %arg12[%swap3A_2909, %swap3A_2910], %mul3A_2907 {strides = array<i32>} : memref<80x16xf32, #tpu.memory_space<vmem>>, vector<16xf32>,
      %broadcast_in_dim3A_2912 = arith.constant 8 : i32
      %broadcast_in_dim3A_2913 = vector.broadcast %broadcast_in_dim3A_2912 : i32 to vector<16x1xi32>
      %gather3A_2914 = vector.shape_cast %broadcast_in_dim3A_2913 : vector<16x1xi32> to vector<16xi32>
      %gather3A_2915 = tpu.dynamic_gather %get3A_2807[%gather3A_2914] in [0] : vector<16xf32>, vector<16xi32> -> vector<16xf32>
      %get3A_2916 = arith.constant 56 : i32
      %get3A_2917 = arith.index_cast %get3A_2916 : i32 to index
      %get3A_2918 = arith.constant 0 : index
      %get3A_2919 = tpu.vector_load %arg12[%get3A_2917, %get3A_2918] {strides = array<i32>} : memref<80x16xf32, #tpu.memory_space<vmem>>, vector<16xf32>,
      %mul3A_2920 = arith.mulf %get3A_2919, %gather3A_2915 : vector<16xf32>
      %swap3A_2921 = arith.constant 56 : i32
      %swap3A_2922 = arith.index_cast %swap3A_2921 : i32 to index
      %swap3A_2923 = arith.constant 0 : index
      %swap3A_2924 = tpu.vector_load %arg12[%swap3A_2922, %swap3A_2923] {strides = array<i32>} : memref<80x16xf32, #tpu.memory_space<vmem>>, vector<16xf32>,
      tpu.vector_store %arg12[%swap3A_2922, %swap3A_2923], %mul3A_2920 {strides = array<i32>} : memref<80x16xf32, #tpu.memory_space<vmem>>, vector<16xf32>,
      %broadcast_in_dim3A_2925 = arith.constant 9 : i32
      %broadcast_in_dim3A_2926 = vector.broadcast %broadcast_in_dim3A_2925 : i32 to vector<16x1xi32>
      %gather3A_2927 = vector.shape_cast %broadcast_in_dim3A_2926 : vector<16x1xi32> to vector<16xi32>
      %gather3A_2928 = tpu.dynamic_gather %get3A_2807[%gather3A_2927] in [0] : vector<16xf32>, vector<16xi32> -> vector<16xf32>
      %get3A_2929 = arith.constant 57 : i32
      %get3A_2930 = arith.index_cast %get3A_2929 : i32 to index
      %get3A_2931 = arith.constant 0 : index
      %get3A_2932 = tpu.vector_load %arg12[%get3A_2930, %get3A_2931] {strides = array<i32>} : memref<80x16xf32, #tpu.memory_space<vmem>>, vector<16xf32>,
      %mul3A_2933 = arith.mulf %get3A_2932, %gather3A_2928 : vector<16xf32>
      %swap3A_2934 = arith.constant 57 : i32
      %swap3A_2935 = arith.index_cast %swap3A_2934 : i32 to index
      %swap3A_2936 = arith.constant 0 : index
      %swap3A_2937 = tpu.vector_load %arg12[%swap3A_2935, %swap3A_2936] {strides = array<i32>} : memref<80x16xf32, #tpu.memory_space<vmem>>, vector<16xf32>,
      tpu.vector_store %arg12[%swap3A_2935, %swap3A_2936], %mul3A_2933 {strides = array<i32>} : memref<80x16xf32, #tpu.memory_space<vmem>>, vector<16xf32>,
      %broadcast_in_dim3A_2938 = arith.constant 10 : i32
      %broadcast_in_dim3A_2939 = vector.broadcast %broadcast_in_dim3A_2938 : i32 to vector<16x1xi32>
      %gather3A_2940 = vector.shape_cast %broadcast_in_dim3A_2939 : vector<16x1xi32> to vector<16xi32>
      %gather3A_2941 = tpu.dynamic_gather %get3A_2807[%gather3A_2940] in [0] : vector<16xf32>, vector<16xi32> -> vector<16xf32>
      %get3A_2942 = arith.constant 58 : i32
      %get3A_2943 = arith.index_cast %get3A_2942 : i32 to index
      %get3A_2944 = arith.constant 0 : index
      %get3A_2945 = tpu.vector_load %arg12[%get3A_2943, %get3A_2944] {strides = array<i32>} : memref<80x16xf32, #tpu.memory_space<vmem>>, vector<16xf32>,
      %mul3A_2946 = arith.mulf %get3A_2945, %gather3A_2941 : vector<16xf32>
      %swap3A_2947 = arith.constant 58 : i32
      %swap3A_2948 = arith.index_cast %swap3A_2947 : i32 to index
      %swap3A_2949 = arith.constant 0 : index
      %swap3A_2950 = tpu.vector_load %arg12[%swap3A_2948, %swap3A_2949] {strides = array<i32>} : memref<80x16xf32, #tpu.memory_space<vmem>>, vector<16xf32>,
      tpu.vector_store %arg12[%swap3A_2948, %swap3A_2949], %mul3A_2946 {strides = array<i32>} : memref<80x16xf32, #tpu.memory_space<vmem>>, vector<16xf32>,
      %broadcast_in_dim3A_2951 = arith.constant 11 : i32
      %broadcast_in_dim3A_2952 = vector.broadcast %broadcast_in_dim3A_2951 : i32 to vector<16x1xi32>
      %gather3A_2953 = vector.shape_cast %broadcast_in_dim3A_2952 : vector<16x1xi32> to vector<16xi32>
      %gather3A_2954 = tpu.dynamic_gather %get3A_2807[%gather3A_2953] in [0] : vector<16xf32>, vector<16xi32> -> vector<16xf32>
      %get3A_2955 = arith.constant 59 : i32
      %get3A_2956 = arith.index_cast %get3A_2955 : i32 to index
      %get3A_2957 = arith.constant 0 : index
      %get3A_2958 = tpu.vector_load %arg12[%get3A_2956, %get3A_2957] {strides = array<i32>} : memref<80x16xf32, #tpu.memory_space<vmem>>, vector<16xf32>,
      %mul3A_2959 = arith.mulf %get3A_2958, %gather3A_2954 : vector<16xf32>
      %swap3A_2960 = arith.constant 59 : i32
      %swap3A_2961 = arith.index_cast %swap3A_2960 : i32 to index
      %swap3A_2962 = arith.constant 0 : index
      %swap3A_2963 = tpu.vector_load %arg12[%swap3A_2961, %swap3A_2962] {strides = array<i32>} : memref<80x16xf32, #tpu.memory_space<vmem>>, vector<16xf32>,
      tpu.vector_store %arg12[%swap3A_2961, %swap3A_2962], %mul3A_2959 {strides = array<i32>} : memref<80x16xf32, #tpu.memory_space<vmem>>, vector<16xf32>,
      %broadcast_in_dim3A_2964 = arith.constant 12 : i32
      %broadcast_in_dim3A_2965 = vector.broadcast %broadcast_in_dim3A_2964 : i32 to vector<16x1xi32>
      %gather3A_2966 = vector.shape_cast %broadcast_in_dim3A_2965 : vector<16x1xi32> to vector<16xi32>
      %gather3A_2967 = tpu.dynamic_gather %get3A_2807[%gather3A_2966] in [0] : vector<16xf32>, vector<16xi32> -> vector<16xf32>
      %get3A_2968 = arith.constant 60 : i32
      %get3A_2969 = arith.index_cast %get3A_2968 : i32 to index
      %get3A_2970 = arith.constant 0 : index
      %get3A_2971 = tpu.vector_load %arg12[%get3A_2969, %get3A_2970] {strides = array<i32>} : memref<80x16xf32, #tpu.memory_space<vmem>>, vector<16xf32>,
      %mul3A_2972 = arith.mulf %get3A_2971, %gather3A_2967 : vector<16xf32>
      %swap3A_2973 = arith.constant 60 : i32
      %swap3A_2974 = arith.index_cast %swap3A_2973 : i32 to index
      %swap3A_2975 = arith.constant 0 : index
      %swap3A_2976 = tpu.vector_load %arg12[%swap3A_2974, %swap3A_2975] {strides = array<i32>} : memref<80x16xf32, #tpu.memory_space<vmem>>, vector<16xf32>,
      tpu.vector_store %arg12[%swap3A_2974, %swap3A_2975], %mul3A_2972 {strides = array<i32>} : memref<80x16xf32, #tpu.memory_space<vmem>>, vector<16xf32>,
      %broadcast_in_dim3A_2977 = arith.constant 13 : i32
      %broadcast_in_dim3A_2978 = vector.broadcast %broadcast_in_dim3A_2977 : i32 to vector<16x1xi32>
      %gather3A_2979 = vector.shape_cast %broadcast_in_dim3A_2978 : vector<16x1xi32> to vector<16xi32>
      %gather3A_2980 = tpu.dynamic_gather %get3A_2807[%gather3A_2979] in [0] : vector<16xf32>, vector<16xi32> -> vector<16xf32>
      %get3A_2981 = arith.constant 61 : i32
      %get3A_2982 = arith.index_cast %get3A_2981 : i32 to index
      %get3A_2983 = arith.constant 0 : index
      %get3A_2984 = tpu.vector_load %arg12[%get3A_2982, %get3A_2983] {strides = array<i32>} : memref<80x16xf32, #tpu.memory_space<vmem>>, vector<16xf32>,
      %mul3A_2985 = arith.mulf %get3A_2984, %gather3A_2980 : vector<16xf32>
      %swap3A_2986 = arith.constant 61 : i32
      %swap3A_2987 = arith.index_cast %swap3A_2986 : i32 to index
      %swap3A_2988 = arith.constant 0 : index
      %swap3A_2989 = tpu.vector_load %arg12[%swap3A_2987, %swap3A_2988] {strides = array<i32>} : memref<80x16xf32, #tpu.memory_space<vmem>>, vector<16xf32>,
      tpu.vector_store %arg12[%swap3A_2987, %swap3A_2988], %mul3A_2985 {strides = array<i32>} : memref<80x16xf32, #tpu.memory_space<vmem>>, vector<16xf32>,
      %broadcast_in_dim3A_2990 = arith.constant 14 : i32
      %broadcast_in_dim3A_2991 = vector.broadcast %broadcast_in_dim3A_2990 : i32 to vector<16x1xi32>
      %gather3A_2992 = vector.shape_cast %broadcast_in_dim3A_2991 : vector<16x1xi32> to vector<16xi32>
      %gather3A_2993 = tpu.dynamic_gather %get3A_2807[%gather3A_2992] in [0] : vector<16xf32>, vector<16xi32> -> vector<16xf32>
      %get3A_2994 = arith.constant 62 : i32
      %get3A_2995 = arith.index_cast %get3A_2994 : i32 to index
      %get3A_2996 = arith.constant 0 : index
      %get3A_2997 = tpu.vector_load %arg12[%get3A_2995, %get3A_2996] {strides = array<i32>} : memref<80x16xf32, #tpu.memory_space<vmem>>, vector<16xf32>,
      %mul3A_2998 = arith.mulf %get3A_2997, %gather3A_2993 : vector<16xf32>
      %swap3A_2999 = arith.constant 62 : i32
      %swap3A_3000 = arith.index_cast %swap3A_2999 : i32 to index
      %swap3A_3001 = arith.constant 0 : index
      %swap3A_3002 = tpu.vector_load %arg12[%swap3A_3000, %swap3A_3001] {strides = array<i32>} : memref<80x16xf32, #tpu.memory_space<vmem>>, vector<16xf32>,
      tpu.vector_store %arg12[%swap3A_3000, %swap3A_3001], %mul3A_2998 {strides = array<i32>} : memref<80x16xf32, #tpu.memory_space<vmem>>, vector<16xf32>,
      %broadcast_in_dim3A_3003 = arith.constant 15 : i32
      %broadcast_in_dim3A_3004 = vector.broadcast %broadcast_in_dim3A_3003 : i32 to vector<16x1xi32>
      %gather3A_3005 = vector.shape_cast %broadcast_in_dim3A_3004 : vector<16x1xi32> to vector<16xi32>
      %gather3A_3006 = tpu.dynamic_gather %get3A_2807[%gather3A_3005] in [0] : vector<16xf32>, vector<16xi32> -> vector<16xf32>
      %get3A_3007 = arith.constant 63 : i32
      %get3A_3008 = arith.index_cast %get3A_3007 : i32 to index
      %get3A_3009 = arith.constant 0 : index
      %get3A_3010 = tpu.vector_load %arg12[%get3A_3008, %get3A_3009] {strides = array<i32>} : memref<80x16xf32, #tpu.memory_space<vmem>>, vector<16xf32>,
      %mul3A_3011 = arith.mulf %get3A_3010, %gather3A_3006 : vector<16xf32>
      %swap3A_3012 = arith.constant 63 : i32
      %swap3A_3013 = arith.index_cast %swap3A_3012 : i32 to index
      %swap3A_3014 = arith.constant 0 : index
      %swap3A_3015 = tpu.vector_load %arg12[%swap3A_3013, %swap3A_3014] {strides = array<i32>} : memref<80x16xf32, #tpu.memory_space<vmem>>, vector<16xf32>,
      tpu.vector_store %arg12[%swap3A_3013, %swap3A_3014], %mul3A_3011 {strides = array<i32>} : memref<80x16xf32, #tpu.memory_space<vmem>>, vector<16xf32>,
      %get3A_3016 = arith.index_cast %add3A_2171 : i32 to index
      %get3A_3017 = arith.constant 64 : index
      %get3A_3018 = tpu.vector_load %arg10[%get3A_3016, %get3A_3017] {strides = array<i32>} : memref<125x80xf32, #tpu.memory_space<vmem>>, vector<16xf32>,
      %broadcast_in_dim3A_3019 = arith.constant 0 : i32
      %broadcast_in_dim3A_3020 = vector.broadcast %broadcast_in_dim3A_3019 : i32 to vector<16x1xi32>
      %gather3A_3021 = vector.shape_cast %broadcast_in_dim3A_3020 : vector<16x1xi32> to vector<16xi32>
      %gather3A_3022 = tpu.dynamic_gather %get3A_3018[%gather3A_3021] in [0] : vector<16xf32>, vector<16xi32> -> vector<16xf32>
      %get3A_3023 = arith.constant 64 : i32
      %get3A_3024 = arith.index_cast %get3A_3023 : i32 to index
      %get3A_3025 = arith.constant 0 : index
      %get3A_3026 = tpu.vector_load %arg12[%get3A_3024, %get3A_3025] {strides = array<i32>} : memref<80x16xf32, #tpu.memory_space<vmem>>, vector<16xf32>,
      %mul3A_3027 = arith.mulf %get3A_3026, %gather3A_3022 : vector<16xf32>
      %swap3A_3028 = arith.constant 64 : i32
      %swap3A_3029 = arith.index_cast %swap3A_3028 : i32 to index
      %swap3A_3030 = arith.constant 0 : index
      %swap3A_3031 = tpu.vector_load %arg12[%swap3A_3029, %swap3A_3030] {strides = array<i32>} : memref<80x16xf32, #tpu.memory_space<vmem>>, vector<16xf32>,
      tpu.vector_store %arg12[%swap3A_3029, %swap3A_3030], %mul3A_3027 {strides = array<i32>} : memref<80x16xf32, #tpu.memory_space<vmem>>, vector<16xf32>,
      %broadcast_in_dim3A_3032 = arith.constant 1 : i32
      %broadcast_in_dim3A_3033 = vector.broadcast %broadcast_in_dim3A_3032 : i32 to vector<16x1xi32>
      %gather3A_3034 = vector.shape_cast %broadcast_in_dim3A_3033 : vector<16x1xi32> to vector<16xi32>
      %gather3A_3035 = tpu.dynamic_gather %get3A_3018[%gather3A_3034] in [0] : vector<16xf32>, vector<16xi32> -> vector<16xf32>
      %get3A_3036 = arith.constant 65 : i32
      %get3A_3037 = arith.index_cast %get3A_3036 : i32 to index
      %get3A_3038 = arith.constant 0 : index
      %get3A_3039 = tpu.vector_load %arg12[%get3A_3037, %get3A_3038] {strides = array<i32>} : memref<80x16xf32, #tpu.memory_space<vmem>>, vector<16xf32>,
      %mul3A_3040 = arith.mulf %get3A_3039, %gather3A_3035 : vector<16xf32>
      %swap3A_3041 = arith.constant 65 : i32
      %swap3A_3042 = arith.index_cast %swap3A_3041 : i32 to index
      %swap3A_3043 = arith.constant 0 : index
      %swap3A_3044 = tpu.vector_load %arg12[%swap3A_3042, %swap3A_3043] {strides = array<i32>} : memref<80x16xf32, #tpu.memory_space<vmem>>, vector<16xf32>,
      tpu.vector_store %arg12[%swap3A_3042, %swap3A_3043], %mul3A_3040 {strides = array<i32>} : memref<80x16xf32, #tpu.memory_space<vmem>>, vector<16xf32>,
      %broadcast_in_dim3A_3045 = arith.constant 2 : i32
      %broadcast_in_dim3A_3046 = vector.broadcast %broadcast_in_dim3A_3045 : i32 to vector<16x1xi32>
      %gather3A_3047 = vector.shape_cast %broadcast_in_dim3A_3046 : vector<16x1xi32> to vector<16xi32>
      %gather3A_3048 = tpu.dynamic_gather %get3A_3018[%gather3A_3047] in [0] : vector<16xf32>, vector<16xi32> -> vector<16xf32>
      %get3A_3049 = arith.constant 66 : i32
      %get3A_3050 = arith.index_cast %get3A_3049 : i32 to index
      %get3A_3051 = arith.constant 0 : index
      %get3A_3052 = tpu.vector_load %arg12[%get3A_3050, %get3A_3051] {strides = array<i32>} : memref<80x16xf32, #tpu.memory_space<vmem>>, vector<16xf32>,
      %mul3A_3053 = arith.mulf %get3A_3052, %gather3A_3048 : vector<16xf32>
      %swap3A_3054 = arith.constant 66 : i32
      %swap3A_3055 = arith.index_cast %swap3A_3054 : i32 to index
      %swap3A_3056 = arith.constant 0 : index
      %swap3A_3057 = tpu.vector_load %arg12[%swap3A_3055, %swap3A_3056] {strides = array<i32>} : memref<80x16xf32, #tpu.memory_space<vmem>>, vector<16xf32>,
      tpu.vector_store %arg12[%swap3A_3055, %swap3A_3056], %mul3A_3053 {strides = array<i32>} : memref<80x16xf32, #tpu.memory_space<vmem>>, vector<16xf32>,
      %broadcast_in_dim3A_3058 = arith.constant 3 : i32
      %broadcast_in_dim3A_3059 = vector.broadcast %broadcast_in_dim3A_3058 : i32 to vector<16x1xi32>
      %gather3A_3060 = vector.shape_cast %broadcast_in_dim3A_3059 : vector<16x1xi32> to vector<16xi32>
      %gather3A_3061 = tpu.dynamic_gather %get3A_3018[%gather3A_3060] in [0] : vector<16xf32>, vector<16xi32> -> vector<16xf32>
      %get3A_3062 = arith.constant 67 : i32
      %get3A_3063 = arith.index_cast %get3A_3062 : i32 to index
      %get3A_3064 = arith.constant 0 : index
      %get3A_3065 = tpu.vector_load %arg12[%get3A_3063, %get3A_3064] {strides = array<i32>} : memref<80x16xf32, #tpu.memory_space<vmem>>, vector<16xf32>,
      %mul3A_3066 = arith.mulf %get3A_3065, %gather3A_3061 : vector<16xf32>
      %swap3A_3067 = arith.constant 67 : i32
      %swap3A_3068 = arith.index_cast %swap3A_3067 : i32 to index
      %swap3A_3069 = arith.constant 0 : index
      %swap3A_3070 = tpu.vector_load %arg12[%swap3A_3068, %swap3A_3069] {strides = array<i32>} : memref<80x16xf32, #tpu.memory_space<vmem>>, vector<16xf32>,
      tpu.vector_store %arg12[%swap3A_3068, %swap3A_3069], %mul3A_3066 {strides = array<i32>} : memref<80x16xf32, #tpu.memory_space<vmem>>, vector<16xf32>,
      %broadcast_in_dim3A_3071 = arith.constant 4 : i32
      %broadcast_in_dim3A_3072 = vector.broadcast %broadcast_in_dim3A_3071 : i32 to vector<16x1xi32>
      %gather3A_3073 = vector.shape_cast %broadcast_in_dim3A_3072 : vector<16x1xi32> to vector<16xi32>
      %gather3A_3074 = tpu.dynamic_gather %get3A_3018[%gather3A_3073] in [0] : vector<16xf32>, vector<16xi32> -> vector<16xf32>
      %get3A_3075 = arith.constant 68 : i32
      %get3A_3076 = arith.index_cast %get3A_3075 : i32 to index
      %get3A_3077 = arith.constant 0 : index
      %get3A_3078 = tpu.vector_load %arg12[%get3A_3076, %get3A_3077] {strides = array<i32>} : memref<80x16xf32, #tpu.memory_space<vmem>>, vector<16xf32>,
      %mul3A_3079 = arith.mulf %get3A_3078, %gather3A_3074 : vector<16xf32>
      %swap3A_3080 = arith.constant 68 : i32
      %swap3A_3081 = arith.index_cast %swap3A_3080 : i32 to index
      %swap3A_3082 = arith.constant 0 : index
      %swap3A_3083 = tpu.vector_load %arg12[%swap3A_3081, %swap3A_3082] {strides = array<i32>} : memref<80x16xf32, #tpu.memory_space<vmem>>, vector<16xf32>,
      tpu.vector_store %arg12[%swap3A_3081, %swap3A_3082], %mul3A_3079 {strides = array<i32>} : memref<80x16xf32, #tpu.memory_space<vmem>>, vector<16xf32>,
      %broadcast_in_dim3A_3084 = arith.constant 5 : i32
      %broadcast_in_dim3A_3085 = vector.broadcast %broadcast_in_dim3A_3084 : i32 to vector<16x1xi32>
      %gather3A_3086 = vector.shape_cast %broadcast_in_dim3A_3085 : vector<16x1xi32> to vector<16xi32>
      %gather3A_3087 = tpu.dynamic_gather %get3A_3018[%gather3A_3086] in [0] : vector<16xf32>, vector<16xi32> -> vector<16xf32>
      %get3A_3088 = arith.constant 69 : i32
      %get3A_3089 = arith.index_cast %get3A_3088 : i32 to index
      %get3A_3090 = arith.constant 0 : index
      %get3A_3091 = tpu.vector_load %arg12[%get3A_3089, %get3A_3090] {strides = array<i32>} : memref<80x16xf32, #tpu.memory_space<vmem>>, vector<16xf32>,
      %mul3A_3092 = arith.mulf %get3A_3091, %gather3A_3087 : vector<16xf32>
      %swap3A_3093 = arith.constant 69 : i32
      %swap3A_3094 = arith.index_cast %swap3A_3093 : i32 to index
      %swap3A_3095 = arith.constant 0 : index
      %swap3A_3096 = tpu.vector_load %arg12[%swap3A_3094, %swap3A_3095] {strides = array<i32>} : memref<80x16xf32, #tpu.memory_space<vmem>>, vector<16xf32>,
      tpu.vector_store %arg12[%swap3A_3094, %swap3A_3095], %mul3A_3092 {strides = array<i32>} : memref<80x16xf32, #tpu.memory_space<vmem>>, vector<16xf32>,
      %broadcast_in_dim3A_3097 = arith.constant 6 : i32
      %broadcast_in_dim3A_3098 = vector.broadcast %broadcast_in_dim3A_3097 : i32 to vector<16x1xi32>
      %gather3A_3099 = vector.shape_cast %broadcast_in_dim3A_3098 : vector<16x1xi32> to vector<16xi32>
      %gather3A_3100 = tpu.dynamic_gather %get3A_3018[%gather3A_3099] in [0] : vector<16xf32>, vector<16xi32> -> vector<16xf32>
      %get3A_3101 = arith.constant 70 : i32
      %get3A_3102 = arith.index_cast %get3A_3101 : i32 to index
      %get3A_3103 = arith.constant 0 : index
      %get3A_3104 = tpu.vector_load %arg12[%get3A_3102, %get3A_3103] {strides = array<i32>} : memref<80x16xf32, #tpu.memory_space<vmem>>, vector<16xf32>,
      %mul3A_3105 = arith.mulf %get3A_3104, %gather3A_3100 : vector<16xf32>
      %swap3A_3106 = arith.constant 70 : i32
      %swap3A_3107 = arith.index_cast %swap3A_3106 : i32 to index
      %swap3A_3108 = arith.constant 0 : index
      %swap3A_3109 = tpu.vector_load %arg12[%swap3A_3107, %swap3A_3108] {strides = array<i32>} : memref<80x16xf32, #tpu.memory_space<vmem>>, vector<16xf32>,
      tpu.vector_store %arg12[%swap3A_3107, %swap3A_3108], %mul3A_3105 {strides = array<i32>} : memref<80x16xf32, #tpu.memory_space<vmem>>, vector<16xf32>,
      %broadcast_in_dim3A_3110 = arith.constant 7 : i32
      %broadcast_in_dim3A_3111 = vector.broadcast %broadcast_in_dim3A_3110 : i32 to vector<16x1xi32>
      %gather3A_3112 = vector.shape_cast %broadcast_in_dim3A_3111 : vector<16x1xi32> to vector<16xi32>
      %gather3A_3113 = tpu.dynamic_gather %get3A_3018[%gather3A_3112] in [0] : vector<16xf32>, vector<16xi32> -> vector<16xf32>
      %get3A_3114 = arith.constant 71 : i32
      %get3A_3115 = arith.index_cast %get3A_3114 : i32 to index
      %get3A_3116 = arith.constant 0 : index
      %get3A_3117 = tpu.vector_load %arg12[%get3A_3115, %get3A_3116] {strides = array<i32>} : memref<80x16xf32, #tpu.memory_space<vmem>>, vector<16xf32>,
      %mul3A_3118 = arith.mulf %get3A_3117, %gather3A_3113 : vector<16xf32>
      %swap3A_3119 = arith.constant 71 : i32
      %swap3A_3120 = arith.index_cast %swap3A_3119 : i32 to index
      %swap3A_3121 = arith.constant 0 : index
      %swap3A_3122 = tpu.vector_load %arg12[%swap3A_3120, %swap3A_3121] {strides = array<i32>} : memref<80x16xf32, #tpu.memory_space<vmem>>, vector<16xf32>,
      tpu.vector_store %arg12[%swap3A_3120, %swap3A_3121], %mul3A_3118 {strides = array<i32>} : memref<80x16xf32, #tpu.memory_space<vmem>>, vector<16xf32>,
      %broadcast_in_dim3A_3123 = arith.constant 8 : i32
      %broadcast_in_dim3A_3124 = vector.broadcast %broadcast_in_dim3A_3123 : i32 to vector<16x1xi32>
      %gather3A_3125 = vector.shape_cast %broadcast_in_dim3A_3124 : vector<16x1xi32> to vector<16xi32>
      %gather3A_3126 = tpu.dynamic_gather %get3A_3018[%gather3A_3125] in [0] : vector<16xf32>, vector<16xi32> -> vector<16xf32>
      %get3A_3127 = arith.constant 72 : i32
      %get3A_3128 = arith.index_cast %get3A_3127 : i32 to index
      %get3A_3129 = arith.constant 0 : index
      %get3A_3130 = tpu.vector_load %arg12[%get3A_3128, %get3A_3129] {strides = array<i32>} : memref<80x16xf32, #tpu.memory_space<vmem>>, vector<16xf32>,
      %mul3A_3131 = arith.mulf %get3A_3130, %gather3A_3126 : vector<16xf32>
      %swap3A_3132 = arith.constant 72 : i32
      %swap3A_3133 = arith.index_cast %swap3A_3132 : i32 to index
      %swap3A_3134 = arith.constant 0 : index
      %swap3A_3135 = tpu.vector_load %arg12[%swap3A_3133, %swap3A_3134] {strides = array<i32>} : memref<80x16xf32, #tpu.memory_space<vmem>>, vector<16xf32>,
      tpu.vector_store %arg12[%swap3A_3133, %swap3A_3134], %mul3A_3131 {strides = array<i32>} : memref<80x16xf32, #tpu.memory_space<vmem>>, vector<16xf32>,
      %broadcast_in_dim3A_3136 = arith.constant 9 : i32
      %broadcast_in_dim3A_3137 = vector.broadcast %broadcast_in_dim3A_3136 : i32 to vector<16x1xi32>
      %gather3A_3138 = vector.shape_cast %broadcast_in_dim3A_3137 : vector<16x1xi32> to vector<16xi32>
      %gather3A_3139 = tpu.dynamic_gather %get3A_3018[%gather3A_3138] in [0] : vector<16xf32>, vector<16xi32> -> vector<16xf32>
      %get3A_3140 = arith.constant 73 : i32
      %get3A_3141 = arith.index_cast %get3A_3140 : i32 to index
      %get3A_3142 = arith.constant 0 : index
      %get3A_3143 = tpu.vector_load %arg12[%get3A_3141, %get3A_3142] {strides = array<i32>} : memref<80x16xf32, #tpu.memory_space<vmem>>, vector<16xf32>,
      %mul3A_3144 = arith.mulf %get3A_3143, %gather3A_3139 : vector<16xf32>
      %swap3A_3145 = arith.constant 73 : i32
      %swap3A_3146 = arith.index_cast %swap3A_3145 : i32 to index
      %swap3A_3147 = arith.constant 0 : index
      %swap3A_3148 = tpu.vector_load %arg12[%swap3A_3146, %swap3A_3147] {strides = array<i32>} : memref<80x16xf32, #tpu.memory_space<vmem>>, vector<16xf32>,
      tpu.vector_store %arg12[%swap3A_3146, %swap3A_3147], %mul3A_3144 {strides = array<i32>} : memref<80x16xf32, #tpu.memory_space<vmem>>, vector<16xf32>,
      %broadcast_in_dim3A_3149 = arith.constant 10 : i32
      %broadcast_in_dim3A_3150 = vector.broadcast %broadcast_in_dim3A_3149 : i32 to vector<16x1xi32>
      %gather3A_3151 = vector.shape_cast %broadcast_in_dim3A_3150 : vector<16x1xi32> to vector<16xi32>
      %gather3A_3152 = tpu.dynamic_gather %get3A_3018[%gather3A_3151] in [0] : vector<16xf32>, vector<16xi32> -> vector<16xf32>
      %get3A_3153 = arith.constant 74 : i32
      %get3A_3154 = arith.index_cast %get3A_3153 : i32 to index
      %get3A_3155 = arith.constant 0 : index
      %get3A_3156 = tpu.vector_load %arg12[%get3A_3154, %get3A_3155] {strides = array<i32>} : memref<80x16xf32, #tpu.memory_space<vmem>>, vector<16xf32>,
      %mul3A_3157 = arith.mulf %get3A_3156, %gather3A_3152 : vector<16xf32>
      %swap3A_3158 = arith.constant 74 : i32
      %swap3A_3159 = arith.index_cast %swap3A_3158 : i32 to index
      %swap3A_3160 = arith.constant 0 : index
      %swap3A_3161 = tpu.vector_load %arg12[%swap3A_3159, %swap3A_3160] {strides = array<i32>} : memref<80x16xf32, #tpu.memory_space<vmem>>, vector<16xf32>,
      tpu.vector_store %arg12[%swap3A_3159, %swap3A_3160], %mul3A_3157 {strides = array<i32>} : memref<80x16xf32, #tpu.memory_space<vmem>>, vector<16xf32>,
      %broadcast_in_dim3A_3162 = arith.constant 11 : i32
      %broadcast_in_dim3A_3163 = vector.broadcast %broadcast_in_dim3A_3162 : i32 to vector<16x1xi32>
      %gather3A_3164 = vector.shape_cast %broadcast_in_dim3A_3163 : vector<16x1xi32> to vector<16xi32>
      %gather3A_3165 = tpu.dynamic_gather %get3A_3018[%gather3A_3164] in [0] : vector<16xf32>, vector<16xi32> -> vector<16xf32>
      %get3A_3166 = arith.constant 75 : i32
      %get3A_3167 = arith.index_cast %get3A_3166 : i32 to index
      %get3A_3168 = arith.constant 0 : index
      %get3A_3169 = tpu.vector_load %arg12[%get3A_3167, %get3A_3168] {strides = array<i32>} : memref<80x16xf32, #tpu.memory_space<vmem>>, vector<16xf32>,
      %mul3A_3170 = arith.mulf %get3A_3169, %gather3A_3165 : vector<16xf32>
      %swap3A_3171 = arith.constant 75 : i32
      %swap3A_3172 = arith.index_cast %swap3A_3171 : i32 to index
      %swap3A_3173 = arith.constant 0 : index
      %swap3A_3174 = tpu.vector_load %arg12[%swap3A_3172, %swap3A_3173] {strides = array<i32>} : memref<80x16xf32, #tpu.memory_space<vmem>>, vector<16xf32>,
      tpu.vector_store %arg12[%swap3A_3172, %swap3A_3173], %mul3A_3170 {strides = array<i32>} : memref<80x16xf32, #tpu.memory_space<vmem>>, vector<16xf32>,
      %broadcast_in_dim3A_3175 = arith.constant 12 : i32
      %broadcast_in_dim3A_3176 = vector.broadcast %broadcast_in_dim3A_3175 : i32 to vector<16x1xi32>
      %gather3A_3177 = vector.shape_cast %broadcast_in_dim3A_3176 : vector<16x1xi32> to vector<16xi32>
      %gather3A_3178 = tpu.dynamic_gather %get3A_3018[%gather3A_3177] in [0] : vector<16xf32>, vector<16xi32> -> vector<16xf32>
      %get3A_3179 = arith.constant 76 : i32
      %get3A_3180 = arith.index_cast %get3A_3179 : i32 to index
      %get3A_3181 = arith.constant 0 : index
      %get3A_3182 = tpu.vector_load %arg12[%get3A_3180, %get3A_3181] {strides = array<i32>} : memref<80x16xf32, #tpu.memory_space<vmem>>, vector<16xf32>,
      %mul3A_3183 = arith.mulf %get3A_3182, %gather3A_3178 : vector<16xf32>
      %swap3A_3184 = arith.constant 76 : i32
      %swap3A_3185 = arith.index_cast %swap3A_3184 : i32 to index
      %swap3A_3186 = arith.constant 0 : index
      %swap3A_3187 = tpu.vector_load %arg12[%swap3A_3185, %swap3A_3186] {strides = array<i32>} : memref<80x16xf32, #tpu.memory_space<vmem>>, vector<16xf32>,
      tpu.vector_store %arg12[%swap3A_3185, %swap3A_3186], %mul3A_3183 {strides = array<i32>} : memref<80x16xf32, #tpu.memory_space<vmem>>, vector<16xf32>,
      %broadcast_in_dim3A_3188 = arith.constant 13 : i32
      %broadcast_in_dim3A_3189 = vector.broadcast %broadcast_in_dim3A_3188 : i32 to vector<16x1xi32>
      %gather3A_3190 = vector.shape_cast %broadcast_in_dim3A_3189 : vector<16x1xi32> to vector<16xi32>
      %gather3A_3191 = tpu.dynamic_gather %get3A_3018[%gather3A_3190] in [0] : vector<16xf32>, vector<16xi32> -> vector<16xf32>
      %get3A_3192 = arith.constant 77 : i32
      %get3A_3193 = arith.index_cast %get3A_3192 : i32 to index
      %get3A_3194 = arith.constant 0 : index
      %get3A_3195 = tpu.vector_load %arg12[%get3A_3193, %get3A_3194] {strides = array<i32>} : memref<80x16xf32, #tpu.memory_space<vmem>>, vector<16xf32>,
      %mul3A_3196 = arith.mulf %get3A_3195, %gather3A_3191 : vector<16xf32>
      %swap3A_3197 = arith.constant 77 : i32
      %swap3A_3198 = arith.index_cast %swap3A_3197 : i32 to index
      %swap3A_3199 = arith.constant 0 : index
      %swap3A_3200 = tpu.vector_load %arg12[%swap3A_3198, %swap3A_3199] {strides = array<i32>} : memref<80x16xf32, #tpu.memory_space<vmem>>, vector<16xf32>,
      tpu.vector_store %arg12[%swap3A_3198, %swap3A_3199], %mul3A_3196 {strides = array<i32>} : memref<80x16xf32, #tpu.memory_space<vmem>>, vector<16xf32>,
      %broadcast_in_dim3A_3201 = arith.constant 14 : i32
      %broadcast_in_dim3A_3202 = vector.broadcast %broadcast_in_dim3A_3201 : i32 to vector<16x1xi32>
      %gather3A_3203 = vector.shape_cast %broadcast_in_dim3A_3202 : vector<16x1xi32> to vector<16xi32>
      %gather3A_3204 = tpu.dynamic_gather %get3A_3018[%gather3A_3203] in [0] : vector<16xf32>, vector<16xi32> -> vector<16xf32>
      %get3A_3205 = arith.constant 78 : i32
      %get3A_3206 = arith.index_cast %get3A_3205 : i32 to index
      %get3A_3207 = arith.constant 0 : index
      %get3A_3208 = tpu.vector_load %arg12[%get3A_3206, %get3A_3207] {strides = array<i32>} : memref<80x16xf32, #tpu.memory_space<vmem>>, vector<16xf32>,
      %mul3A_3209 = arith.mulf %get3A_3208, %gather3A_3204 : vector<16xf32>
      %swap3A_3210 = arith.constant 78 : i32
      %swap3A_3211 = arith.index_cast %swap3A_3210 : i32 to index
      %swap3A_3212 = arith.constant 0 : index
      %swap3A_3213 = tpu.vector_load %arg12[%swap3A_3211, %swap3A_3212] {strides = array<i32>} : memref<80x16xf32, #tpu.memory_space<vmem>>, vector<16xf32>,
      tpu.vector_store %arg12[%swap3A_3211, %swap3A_3212], %mul3A_3209 {strides = array<i32>} : memref<80x16xf32, #tpu.memory_space<vmem>>, vector<16xf32>,
      %broadcast_in_dim3A_3214 = arith.constant 15 : i32
      %broadcast_in_dim3A_3215 = vector.broadcast %broadcast_in_dim3A_3214 : i32 to vector<16x1xi32>
      %gather3A_3216 = vector.shape_cast %broadcast_in_dim3A_3215 : vector<16x1xi32> to vector<16xi32>
      %gather3A_3217 = tpu.dynamic_gather %get3A_3018[%gather3A_3216] in [0] : vector<16xf32>, vector<16xi32> -> vector<16xf32>
      %get3A_3218 = arith.constant 79 : i32
      %get3A_3219 = arith.index_cast %get3A_3218 : i32 to index
      %get3A_3220 = arith.constant 0 : index
      %get3A_3221 = tpu.vector_load %arg12[%get3A_3219, %get3A_3220] {strides = array<i32>} : memref<80x16xf32, #tpu.memory_space<vmem>>, vector<16xf32>,
      %mul3A_3222 = arith.mulf %get3A_3221, %gather3A_3217 : vector<16xf32>
      %swap3A_3223 = arith.constant 79 : i32
      %swap3A_3224 = arith.index_cast %swap3A_3223 : i32 to index
      %swap3A_3225 = arith.constant 0 : index
      %swap3A_3226 = tpu.vector_load %arg12[%swap3A_3224, %swap3A_3225] {strides = array<i32>} : memref<80x16xf32, #tpu.memory_space<vmem>>, vector<16xf32>,
      tpu.vector_store %arg12[%swap3A_3224, %swap3A_3225], %mul3A_3222 {strides = array<i32>} : memref<80x16xf32, #tpu.memory_space<vmem>>, vector<16xf32>,
      "tpu.region"() ({
        %run_scoped3A_3227 = tpu.sem_alloc : memref<!tpu.dma_semaphore, #tpu.memory_space<semaphore_mem>>
        %dma_start3A_3228 = arith.constant 0 : i32
        %dma_start3A_3229 = tpu.memref_slice %arg9[%add3A_2171, %dma_start3A_3228] : memref<125x80xi32, #tpu.memory_space<vmem>> -> memref<1x80xi32, #tpu.memory_space<vmem>>
        %dma_start3A_3230 = tpu.memref_squeeze %dma_start3A_3229 : memref<1x80xi32, #tpu.memory_space<vmem>> -> memref<80xi32, #tpu.memory_space<vmem>>
        %dma_start3A_3231 = arith.constant 0 : i32
        %dma_start3A_3232 = arith.constant 0 : i32
        %dma_start3A_3233 = tpu.memref_slice %arg13[%dma_start3A_3231, %dma_start3A_3232] : memref<10000x16xf32, #tpu.memory_space<vmem_shared>> -> memref<10000x16xf32, #tpu.memory_space<vmem_shared>>
        tpu.enqueue_indirect_dma source(%arg12 : memref<80x16xf32, #tpu.memory_space<vmem>>) target(%dma_start3A_3233 : memref<10000x16xf32, #tpu.memory_space<vmem_shared>>) offsets(%dma_start3A_3230 : memref<80xi32, #tpu.memory_space<vmem>>) semaphore(%run_scoped3A_3227 : memref<!tpu.dma_semaphore, #tpu.memory_space<semaphore_mem>>) {add = true}
        %dma_wait3A_3234 = arith.constant 0 : i32
        %dma_wait3A_3235 = tpu.memref_slice %arg9[%add3A_2171, %dma_wait3A_3234] : memref<125x80xi32, #tpu.memory_space<vmem>> -> memref<1x80xi32, #tpu.memory_space<vmem>>
        %dma_wait3A_3236 = tpu.memref_squeeze %dma_wait3A_3235 : memref<1x80xi32, #tpu.memory_space<vmem>> -> memref<80xi32, #tpu.memory_space<vmem>>
        %dma_wait3A_3237 = arith.constant 0 : i32
        %dma_wait3A_3238 = arith.constant 0 : i32
        %dma_wait3A_3239 = tpu.memref_slice %arg13[%dma_wait3A_3237, %dma_wait3A_3238] : memref<10000x16xf32, #tpu.memory_space<vmem_shared>> -> memref<10000x16xf32, #tpu.memory_space<vmem_shared>>
        tpu.wait_indirect_dma semaphore(%run_scoped3A_3227 : memref<!tpu.dma_semaphore, #tpu.memory_space<semaphore_mem>>) src(%arg12 : memref<80x16xf32, #tpu.memory_space<vmem>>) dst(%dma_wait3A_3239 : memref<10000x16xf32, #tpu.memory_space<vmem_shared>>)
        tpu.yield
      }) : () -> ()
    }
    %scan3A_13 = arith.constant 62 : i32
    %dma_wait3A = arith.constant 124 : i32
    %dma_wait3A_14 = arith.constant 0 : i32
    %dma_wait3A_15 = tpu.memref_slice %arg8[%dma_wait3A, %dma_wait3A_14] : memref<125x80xi32, #tpu.memory_space<vmem>> -> memref<1x80xi32, #tpu.memory_space<vmem>>
    %dma_wait3A_16 = tpu.memref_squeeze %dma_wait3A_15 : memref<1x80xi32, #tpu.memory_space<vmem>> -> memref<80xi32, #tpu.memory_space<vmem>>
    %dma_wait3A_17 = arith.constant 0 : i32
    %dma_wait3A_18 = arith.constant 0 : i32
    %dma_wait3A_19 = tpu.memref_slice %arg2[%dma_wait3A_17, %dma_wait3A_18] : memref<10000x16xf32, #tpu.memory_space<hbm>> -> memref<10000x16xf32, #tpu.memory_space<hbm>>
    tpu.wait_indirect_dma semaphore(%arg14 : memref<!tpu.dma_semaphore, #tpu.memory_space<semaphore_mem>>) src(%dma_wait3A_19 : memref<10000x16xf32, #tpu.memory_space<hbm>>) dst(%arg11 : memref<80x16xf32, #tpu.memory_space<vmem>>)
    %get3A = arith.constant 124 : i32
    %get3A_20 = arith.index_cast %get3A : i32 to index
    %get3A_21 = arith.constant 0 : index
    %get3A_22 = tpu.vector_load %arg10[%get3A_20, %get3A_21] {strides = array<i32>} : memref<125x80xf32, #tpu.memory_space<vmem>>, vector<16xf32>,
    %broadcast_in_dim3A = arith.constant 0 : i32
    %broadcast_in_dim3A_23 = vector.broadcast %broadcast_in_dim3A : i32 to vector<16x1xi32>
    %gather3A = vector.shape_cast %broadcast_in_dim3A_23 : vector<16x1xi32> to vector<16xi32>
    %gather3A_24 = tpu.dynamic_gather %get3A_22[%gather3A] in [0] : vector<16xf32>, vector<16xi32> -> vector<16xf32>
    %get3A_25 = arith.constant 0 : i32
    %get3A_26 = arith.index_cast %get3A_25 : i32 to index
    %get3A_27 = arith.constant 0 : index
    %get3A_28 = tpu.vector_load %arg11[%get3A_26, %get3A_27] {strides = array<i32>} : memref<80x16xf32, #tpu.memory_space<vmem>>, vector<16xf32>,
    %mul3A_29 = arith.mulf %get3A_28, %gather3A_24 : vector<16xf32>
    %swap3A = arith.constant 0 : i32
    %swap3A_30 = arith.index_cast %swap3A : i32 to index
    %swap3A_31 = arith.constant 0 : index
    %swap3A_32 = tpu.vector_load %arg11[%swap3A_30, %swap3A_31] {strides = array<i32>} : memref<80x16xf32, #tpu.memory_space<vmem>>, vector<16xf32>,
    tpu.vector_store %arg11[%swap3A_30, %swap3A_31], %mul3A_29 {strides = array<i32>} : memref<80x16xf32, #tpu.memory_space<vmem>>, vector<16xf32>,
    %broadcast_in_dim3A_33 = arith.constant 1 : i32
    %broadcast_in_dim3A_34 = vector.broadcast %broadcast_in_dim3A_33 : i32 to vector<16x1xi32>
    %gather3A_35 = vector.shape_cast %broadcast_in_dim3A_34 : vector<16x1xi32> to vector<16xi32>
    %gather3A_36 = tpu.dynamic_gather %get3A_22[%gather3A_35] in [0] : vector<16xf32>, vector<16xi32> -> vector<16xf32>
    %get3A_37 = arith.constant 1 : i32
    %get3A_38 = arith.index_cast %get3A_37 : i32 to index
    %get3A_39 = arith.constant 0 : index
    %get3A_40 = tpu.vector_load %arg11[%get3A_38, %get3A_39] {strides = array<i32>} : memref<80x16xf32, #tpu.memory_space<vmem>>, vector<16xf32>,
    %mul3A_41 = arith.mulf %get3A_40, %gather3A_36 : vector<16xf32>
    %swap3A_42 = arith.constant 1 : i32
    %swap3A_43 = arith.index_cast %swap3A_42 : i32 to index
    %swap3A_44 = arith.constant 0 : index
    %swap3A_45 = tpu.vector_load %arg11[%swap3A_43, %swap3A_44] {strides = array<i32>} : memref<80x16xf32, #tpu.memory_space<vmem>>, vector<16xf32>,
    tpu.vector_store %arg11[%swap3A_43, %swap3A_44], %mul3A_41 {strides = array<i32>} : memref<80x16xf32, #tpu.memory_space<vmem>>, vector<16xf32>,
    %broadcast_in_dim3A_46 = arith.constant 2 : i32
    %broadcast_in_dim3A_47 = vector.broadcast %broadcast_in_dim3A_46 : i32 to vector<16x1xi32>
    %gather3A_48 = vector.shape_cast %broadcast_in_dim3A_47 : vector<16x1xi32> to vector<16xi32>
    %gather3A_49 = tpu.dynamic_gather %get3A_22[%gather3A_48] in [0] : vector<16xf32>, vector<16xi32> -> vector<16xf32>
    %get3A_50 = arith.constant 2 : i32
    %get3A_51 = arith.index_cast %get3A_50 : i32 to index
    %get3A_52 = arith.constant 0 : index
    %get3A_53 = tpu.vector_load %arg11[%get3A_51, %get3A_52] {strides = array<i32>} : memref<80x16xf32, #tpu.memory_space<vmem>>, vector<16xf32>,
    %mul3A_54 = arith.mulf %get3A_53, %gather3A_49 : vector<16xf32>
    %swap3A_55 = arith.constant 2 : i32
    %swap3A_56 = arith.index_cast %swap3A_55 : i32 to index
    %swap3A_57 = arith.constant 0 : index
    %swap3A_58 = tpu.vector_load %arg11[%swap3A_56, %swap3A_57] {strides = array<i32>} : memref<80x16xf32, #tpu.memory_space<vmem>>, vector<16xf32>,
    tpu.vector_store %arg11[%swap3A_56, %swap3A_57], %mul3A_54 {strides = array<i32>} : memref<80x16xf32, #tpu.memory_space<vmem>>, vector<16xf32>,
    %broadcast_in_dim3A_59 = arith.constant 3 : i32
    %broadcast_in_dim3A_60 = vector.broadcast %broadcast_in_dim3A_59 : i32 to vector<16x1xi32>
    %gather3A_61 = vector.shape_cast %broadcast_in_dim3A_60 : vector<16x1xi32> to vector<16xi32>
    %gather3A_62 = tpu.dynamic_gather %get3A_22[%gather3A_61] in [0] : vector<16xf32>, vector<16xi32> -> vector<16xf32>
    %get3A_63 = arith.constant 3 : i32
    %get3A_64 = arith.index_cast %get3A_63 : i32 to index
    %get3A_65 = arith.constant 0 : index
    %get3A_66 = tpu.vector_load %arg11[%get3A_64, %get3A_65] {strides = array<i32>} : memref<80x16xf32, #tpu.memory_space<vmem>>, vector<16xf32>,
    %mul3A_67 = arith.mulf %get3A_66, %gather3A_62 : vector<16xf32>
    %swap3A_68 = arith.constant 3 : i32
    %swap3A_69 = arith.index_cast %swap3A_68 : i32 to index
    %swap3A_70 = arith.constant 0 : index
    %swap3A_71 = tpu.vector_load %arg11[%swap3A_69, %swap3A_70] {strides = array<i32>} : memref<80x16xf32, #tpu.memory_space<vmem>>, vector<16xf32>,
    tpu.vector_store %arg11[%swap3A_69, %swap3A_70], %mul3A_67 {strides = array<i32>} : memref<80x16xf32, #tpu.memory_space<vmem>>, vector<16xf32>,
    %broadcast_in_dim3A_72 = arith.constant 4 : i32
    %broadcast_in_dim3A_73 = vector.broadcast %broadcast_in_dim3A_72 : i32 to vector<16x1xi32>
    %gather3A_74 = vector.shape_cast %broadcast_in_dim3A_73 : vector<16x1xi32> to vector<16xi32>
    %gather3A_75 = tpu.dynamic_gather %get3A_22[%gather3A_74] in [0] : vector<16xf32>, vector<16xi32> -> vector<16xf32>
    %get3A_76 = arith.constant 4 : i32
    %get3A_77 = arith.index_cast %get3A_76 : i32 to index
    %get3A_78 = arith.constant 0 : index
    %get3A_79 = tpu.vector_load %arg11[%get3A_77, %get3A_78] {strides = array<i32>} : memref<80x16xf32, #tpu.memory_space<vmem>>, vector<16xf32>,
    %mul3A_80 = arith.mulf %get3A_79, %gather3A_75 : vector<16xf32>
    %swap3A_81 = arith.constant 4 : i32
    %swap3A_82 = arith.index_cast %swap3A_81 : i32 to index
    %swap3A_83 = arith.constant 0 : index
    %swap3A_84 = tpu.vector_load %arg11[%swap3A_82, %swap3A_83] {strides = array<i32>} : memref<80x16xf32, #tpu.memory_space<vmem>>, vector<16xf32>,
    tpu.vector_store %arg11[%swap3A_82, %swap3A_83], %mul3A_80 {strides = array<i32>} : memref<80x16xf32, #tpu.memory_space<vmem>>, vector<16xf32>,
    %broadcast_in_dim3A_85 = arith.constant 5 : i32
    %broadcast_in_dim3A_86 = vector.broadcast %broadcast_in_dim3A_85 : i32 to vector<16x1xi32>
    %gather3A_87 = vector.shape_cast %broadcast_in_dim3A_86 : vector<16x1xi32> to vector<16xi32>
    %gather3A_88 = tpu.dynamic_gather %get3A_22[%gather3A_87] in [0] : vector<16xf32>, vector<16xi32> -> vector<16xf32>
    %get3A_89 = arith.constant 5 : i32
    %get3A_90 = arith.index_cast %get3A_89 : i32 to index
    %get3A_91 = arith.constant 0 : index
    %get3A_92 = tpu.vector_load %arg11[%get3A_90, %get3A_91] {strides = array<i32>} : memref<80x16xf32, #tpu.memory_space<vmem>>, vector<16xf32>,
    %mul3A_93 = arith.mulf %get3A_92, %gather3A_88 : vector<16xf32>
    %swap3A_94 = arith.constant 5 : i32
    %swap3A_95 = arith.index_cast %swap3A_94 : i32 to index
    %swap3A_96 = arith.constant 0 : index
    %swap3A_97 = tpu.vector_load %arg11[%swap3A_95, %swap3A_96] {strides = array<i32>} : memref<80x16xf32, #tpu.memory_space<vmem>>, vector<16xf32>,
    tpu.vector_store %arg11[%swap3A_95, %swap3A_96], %mul3A_93 {strides = array<i32>} : memref<80x16xf32, #tpu.memory_space<vmem>>, vector<16xf32>,
    %broadcast_in_dim3A_98 = arith.constant 6 : i32
    %broadcast_in_dim3A_99 = vector.broadcast %broadcast_in_dim3A_98 : i32 to vector<16x1xi32>
    %gather3A_100 = vector.shape_cast %broadcast_in_dim3A_99 : vector<16x1xi32> to vector<16xi32>
    %gather3A_101 = tpu.dynamic_gather %get3A_22[%gather3A_100] in [0] : vector<16xf32>, vector<16xi32> -> vector<16xf32>
    %get3A_102 = arith.constant 6 : i32
    %get3A_103 = arith.index_cast %get3A_102 : i32 to index
    %get3A_104 = arith.constant 0 : index
    %get3A_105 = tpu.vector_load %arg11[%get3A_103, %get3A_104] {strides = array<i32>} : memref<80x16xf32, #tpu.memory_space<vmem>>, vector<16xf32>,
    %mul3A_106 = arith.mulf %get3A_105, %gather3A_101 : vector<16xf32>
    %swap3A_107 = arith.constant 6 : i32
    %swap3A_108 = arith.index_cast %swap3A_107 : i32 to index
    %swap3A_109 = arith.constant 0 : index
    %swap3A_110 = tpu.vector_load %arg11[%swap3A_108, %swap3A_109] {strides = array<i32>} : memref<80x16xf32, #tpu.memory_space<vmem>>, vector<16xf32>,
    tpu.vector_store %arg11[%swap3A_108, %swap3A_109], %mul3A_106 {strides = array<i32>} : memref<80x16xf32, #tpu.memory_space<vmem>>, vector<16xf32>,
    %broadcast_in_dim3A_111 = arith.constant 7 : i32
    %broadcast_in_dim3A_112 = vector.broadcast %broadcast_in_dim3A_111 : i32 to vector<16x1xi32>
    %gather3A_113 = vector.shape_cast %broadcast_in_dim3A_112 : vector<16x1xi32> to vector<16xi32>
    %gather3A_114 = tpu.dynamic_gather %get3A_22[%gather3A_113] in [0] : vector<16xf32>, vector<16xi32> -> vector<16xf32>
    %get3A_115 = arith.constant 7 : i32
    %get3A_116 = arith.index_cast %get3A_115 : i32 to index
    %get3A_117 = arith.constant 0 : index
    %get3A_118 = tpu.vector_load %arg11[%get3A_116, %get3A_117] {strides = array<i32>} : memref<80x16xf32, #tpu.memory_space<vmem>>, vector<16xf32>,
    %mul3A_119 = arith.mulf %get3A_118, %gather3A_114 : vector<16xf32>
    %swap3A_120 = arith.constant 7 : i32
    %swap3A_121 = arith.index_cast %swap3A_120 : i32 to index
    %swap3A_122 = arith.constant 0 : index
    %swap3A_123 = tpu.vector_load %arg11[%swap3A_121, %swap3A_122] {strides = array<i32>} : memref<80x16xf32, #tpu.memory_space<vmem>>, vector<16xf32>,
    tpu.vector_store %arg11[%swap3A_121, %swap3A_122], %mul3A_119 {strides = array<i32>} : memref<80x16xf32, #tpu.memory_space<vmem>>, vector<16xf32>,
    %broadcast_in_dim3A_124 = arith.constant 8 : i32
    %broadcast_in_dim3A_125 = vector.broadcast %broadcast_in_dim3A_124 : i32 to vector<16x1xi32>
    %gather3A_126 = vector.shape_cast %broadcast_in_dim3A_125 : vector<16x1xi32> to vector<16xi32>
    %gather3A_127 = tpu.dynamic_gather %get3A_22[%gather3A_126] in [0] : vector<16xf32>, vector<16xi32> -> vector<16xf32>
    %get3A_128 = arith.constant 8 : i32
    %get3A_129 = arith.index_cast %get3A_128 : i32 to index
    %get3A_130 = arith.constant 0 : index
    %get3A_131 = tpu.vector_load %arg11[%get3A_129, %get3A_130] {strides = array<i32>} : memref<80x16xf32, #tpu.memory_space<vmem>>, vector<16xf32>,
    %mul3A_132 = arith.mulf %get3A_131, %gather3A_127 : vector<16xf32>
    %swap3A_133 = arith.constant 8 : i32
    %swap3A_134 = arith.index_cast %swap3A_133 : i32 to index
    %swap3A_135 = arith.constant 0 : index
    %swap3A_136 = tpu.vector_load %arg11[%swap3A_134, %swap3A_135] {strides = array<i32>} : memref<80x16xf32, #tpu.memory_space<vmem>>, vector<16xf32>,
    tpu.vector_store %arg11[%swap3A_134, %swap3A_135], %mul3A_132 {strides = array<i32>} : memref<80x16xf32, #tpu.memory_space<vmem>>, vector<16xf32>,
    %broadcast_in_dim3A_137 = arith.constant 9 : i32
    %broadcast_in_dim3A_138 = vector.broadcast %broadcast_in_dim3A_137 : i32 to vector<16x1xi32>
    %gather3A_139 = vector.shape_cast %broadcast_in_dim3A_138 : vector<16x1xi32> to vector<16xi32>
    %gather3A_140 = tpu.dynamic_gather %get3A_22[%gather3A_139] in [0] : vector<16xf32>, vector<16xi32> -> vector<16xf32>
    %get3A_141 = arith.constant 9 : i32
    %get3A_142 = arith.index_cast %get3A_141 : i32 to index
    %get3A_143 = arith.constant 0 : index
    %get3A_144 = tpu.vector_load %arg11[%get3A_142, %get3A_143] {strides = array<i32>} : memref<80x16xf32, #tpu.memory_space<vmem>>, vector<16xf32>,
    %mul3A_145 = arith.mulf %get3A_144, %gather3A_140 : vector<16xf32>
    %swap3A_146 = arith.constant 9 : i32
    %swap3A_147 = arith.index_cast %swap3A_146 : i32 to index
    %swap3A_148 = arith.constant 0 : index
    %swap3A_149 = tpu.vector_load %arg11[%swap3A_147, %swap3A_148] {strides = array<i32>} : memref<80x16xf32, #tpu.memory_space<vmem>>, vector<16xf32>,
    tpu.vector_store %arg11[%swap3A_147, %swap3A_148], %mul3A_145 {strides = array<i32>} : memref<80x16xf32, #tpu.memory_space<vmem>>, vector<16xf32>,
    %broadcast_in_dim3A_150 = arith.constant 10 : i32
    %broadcast_in_dim3A_151 = vector.broadcast %broadcast_in_dim3A_150 : i32 to vector<16x1xi32>
    %gather3A_152 = vector.shape_cast %broadcast_in_dim3A_151 : vector<16x1xi32> to vector<16xi32>
    %gather3A_153 = tpu.dynamic_gather %get3A_22[%gather3A_152] in [0] : vector<16xf32>, vector<16xi32> -> vector<16xf32>
    %get3A_154 = arith.constant 10 : i32
    %get3A_155 = arith.index_cast %get3A_154 : i32 to index
    %get3A_156 = arith.constant 0 : index
    %get3A_157 = tpu.vector_load %arg11[%get3A_155, %get3A_156] {strides = array<i32>} : memref<80x16xf32, #tpu.memory_space<vmem>>, vector<16xf32>,
    %mul3A_158 = arith.mulf %get3A_157, %gather3A_153 : vector<16xf32>
    %swap3A_159 = arith.constant 10 : i32
    %swap3A_160 = arith.index_cast %swap3A_159 : i32 to index
    %swap3A_161 = arith.constant 0 : index
    %swap3A_162 = tpu.vector_load %arg11[%swap3A_160, %swap3A_161] {strides = array<i32>} : memref<80x16xf32, #tpu.memory_space<vmem>>, vector<16xf32>,
    tpu.vector_store %arg11[%swap3A_160, %swap3A_161], %mul3A_158 {strides = array<i32>} : memref<80x16xf32, #tpu.memory_space<vmem>>, vector<16xf32>,
    %broadcast_in_dim3A_163 = arith.constant 11 : i32
    %broadcast_in_dim3A_164 = vector.broadcast %broadcast_in_dim3A_163 : i32 to vector<16x1xi32>
    %gather3A_165 = vector.shape_cast %broadcast_in_dim3A_164 : vector<16x1xi32> to vector<16xi32>
    %gather3A_166 = tpu.dynamic_gather %get3A_22[%gather3A_165] in [0] : vector<16xf32>, vector<16xi32> -> vector<16xf32>
    %get3A_167 = arith.constant 11 : i32
    %get3A_168 = arith.index_cast %get3A_167 : i32 to index
    %get3A_169 = arith.constant 0 : index
    %get3A_170 = tpu.vector_load %arg11[%get3A_168, %get3A_169] {strides = array<i32>} : memref<80x16xf32, #tpu.memory_space<vmem>>, vector<16xf32>,
    %mul3A_171 = arith.mulf %get3A_170, %gather3A_166 : vector<16xf32>
    %swap3A_172 = arith.constant 11 : i32
    %swap3A_173 = arith.index_cast %swap3A_172 : i32 to index
    %swap3A_174 = arith.constant 0 : index
    %swap3A_175 = tpu.vector_load %arg11[%swap3A_173, %swap3A_174] {strides = array<i32>} : memref<80x16xf32, #tpu.memory_space<vmem>>, vector<16xf32>,
    tpu.vector_store %arg11[%swap3A_173, %swap3A_174], %mul3A_171 {strides = array<i32>} : memref<80x16xf32, #tpu.memory_space<vmem>>, vector<16xf32>,
    %broadcast_in_dim3A_176 = arith.constant 12 : i32
    %broadcast_in_dim3A_177 = vector.broadcast %broadcast_in_dim3A_176 : i32 to vector<16x1xi32>
    %gather3A_178 = vector.shape_cast %broadcast_in_dim3A_177 : vector<16x1xi32> to vector<16xi32>
    %gather3A_179 = tpu.dynamic_gather %get3A_22[%gather3A_178] in [0] : vector<16xf32>, vector<16xi32> -> vector<16xf32>
    %get3A_180 = arith.constant 12 : i32
    %get3A_181 = arith.index_cast %get3A_180 : i32 to index
    %get3A_182 = arith.constant 0 : index
    %get3A_183 = tpu.vector_load %arg11[%get3A_181, %get3A_182] {strides = array<i32>} : memref<80x16xf32, #tpu.memory_space<vmem>>, vector<16xf32>,
    %mul3A_184 = arith.mulf %get3A_183, %gather3A_179 : vector<16xf32>
    %swap3A_185 = arith.constant 12 : i32
    %swap3A_186 = arith.index_cast %swap3A_185 : i32 to index
    %swap3A_187 = arith.constant 0 : index
    %swap3A_188 = tpu.vector_load %arg11[%swap3A_186, %swap3A_187] {strides = array<i32>} : memref<80x16xf32, #tpu.memory_space<vmem>>, vector<16xf32>,
    tpu.vector_store %arg11[%swap3A_186, %swap3A_187], %mul3A_184 {strides = array<i32>} : memref<80x16xf32, #tpu.memory_space<vmem>>, vector<16xf32>,
    %broadcast_in_dim3A_189 = arith.constant 13 : i32
    %broadcast_in_dim3A_190 = vector.broadcast %broadcast_in_dim3A_189 : i32 to vector<16x1xi32>
    %gather3A_191 = vector.shape_cast %broadcast_in_dim3A_190 : vector<16x1xi32> to vector<16xi32>
    %gather3A_192 = tpu.dynamic_gather %get3A_22[%gather3A_191] in [0] : vector<16xf32>, vector<16xi32> -> vector<16xf32>
    %get3A_193 = arith.constant 13 : i32
    %get3A_194 = arith.index_cast %get3A_193 : i32 to index
    %get3A_195 = arith.constant 0 : index
    %get3A_196 = tpu.vector_load %arg11[%get3A_194, %get3A_195] {strides = array<i32>} : memref<80x16xf32, #tpu.memory_space<vmem>>, vector<16xf32>,
    %mul3A_197 = arith.mulf %get3A_196, %gather3A_192 : vector<16xf32>
    %swap3A_198 = arith.constant 13 : i32
    %swap3A_199 = arith.index_cast %swap3A_198 : i32 to index
    %swap3A_200 = arith.constant 0 : index
    %swap3A_201 = tpu.vector_load %arg11[%swap3A_199, %swap3A_200] {strides = array<i32>} : memref<80x16xf32, #tpu.memory_space<vmem>>, vector<16xf32>,
    tpu.vector_store %arg11[%swap3A_199, %swap3A_200], %mul3A_197 {strides = array<i32>} : memref<80x16xf32, #tpu.memory_space<vmem>>, vector<16xf32>,
    %broadcast_in_dim3A_202 = arith.constant 14 : i32
    %broadcast_in_dim3A_203 = vector.broadcast %broadcast_in_dim3A_202 : i32 to vector<16x1xi32>
    %gather3A_204 = vector.shape_cast %broadcast_in_dim3A_203 : vector<16x1xi32> to vector<16xi32>
    %gather3A_205 = tpu.dynamic_gather %get3A_22[%gather3A_204] in [0] : vector<16xf32>, vector<16xi32> -> vector<16xf32>
    %get3A_206 = arith.constant 14 : i32
    %get3A_207 = arith.index_cast %get3A_206 : i32 to index
    %get3A_208 = arith.constant 0 : index
    %get3A_209 = tpu.vector_load %arg11[%get3A_207, %get3A_208] {strides = array<i32>} : memref<80x16xf32, #tpu.memory_space<vmem>>, vector<16xf32>,
    %mul3A_210 = arith.mulf %get3A_209, %gather3A_205 : vector<16xf32>
    %swap3A_211 = arith.constant 14 : i32
    %swap3A_212 = arith.index_cast %swap3A_211 : i32 to index
    %swap3A_213 = arith.constant 0 : index
    %swap3A_214 = tpu.vector_load %arg11[%swap3A_212, %swap3A_213] {strides = array<i32>} : memref<80x16xf32, #tpu.memory_space<vmem>>, vector<16xf32>,
    tpu.vector_store %arg11[%swap3A_212, %swap3A_213], %mul3A_210 {strides = array<i32>} : memref<80x16xf32, #tpu.memory_space<vmem>>, vector<16xf32>,
    %broadcast_in_dim3A_215 = arith.constant 15 : i32
    %broadcast_in_dim3A_216 = vector.broadcast %broadcast_in_dim3A_215 : i32 to vector<16x1xi32>
    %gather3A_217 = vector.shape_cast %broadcast_in_dim3A_216 : vector<16x1xi32> to vector<16xi32>
    %gather3A_218 = tpu.dynamic_gather %get3A_22[%gather3A_217] in [0] : vector<16xf32>, vector<16xi32> -> vector<16xf32>
    %get3A_219 = arith.constant 15 : i32
    %get3A_220 = arith.index_cast %get3A_219 : i32 to index
    %get3A_221 = arith.constant 0 : index
    %get3A_222 = tpu.vector_load %arg11[%get3A_220, %get3A_221] {strides = array<i32>} : memref<80x16xf32, #tpu.memory_space<vmem>>, vector<16xf32>,
    %mul3A_223 = arith.mulf %get3A_222, %gather3A_218 : vector<16xf32>
    %swap3A_224 = arith.constant 15 : i32
    %swap3A_225 = arith.index_cast %swap3A_224 : i32 to index
    %swap3A_226 = arith.constant 0 : index
    %swap3A_227 = tpu.vector_load %arg11[%swap3A_225, %swap3A_226] {strides = array<i32>} : memref<80x16xf32, #tpu.memory_space<vmem>>, vector<16xf32>,
    tpu.vector_store %arg11[%swap3A_225, %swap3A_226], %mul3A_223 {strides = array<i32>} : memref<80x16xf32, #tpu.memory_space<vmem>>, vector<16xf32>,
    %get3A_228 = arith.constant 124 : i32
    %get3A_229 = arith.index_cast %get3A_228 : i32 to index
    %get3A_230 = arith.constant 16 : index
    %get3A_231 = tpu.vector_load %arg10[%get3A_229, %get3A_230] {strides = array<i32>} : memref<125x80xf32, #tpu.memory_space<vmem>>, vector<16xf32>,
    %broadcast_in_dim3A_232 = arith.constant 0 : i32
    %broadcast_in_dim3A_233 = vector.broadcast %broadcast_in_dim3A_232 : i32 to vector<16x1xi32>
    %gather3A_234 = vector.shape_cast %broadcast_in_dim3A_233 : vector<16x1xi32> to vector<16xi32>
    %gather3A_235 = tpu.dynamic_gather %get3A_231[%gather3A_234] in [0] : vector<16xf32>, vector<16xi32> -> vector<16xf32>
    %get3A_236 = arith.constant 16 : i32
    %get3A_237 = arith.index_cast %get3A_236 : i32 to index
    %get3A_238 = arith.constant 0 : index
    %get3A_239 = tpu.vector_load %arg11[%get3A_237, %get3A_238] {strides = array<i32>} : memref<80x16xf32, #tpu.memory_space<vmem>>, vector<16xf32>,
    %mul3A_240 = arith.mulf %get3A_239, %gather3A_235 : vector<16xf32>
    %swap3A_241 = arith.constant 16 : i32
    %swap3A_242 = arith.index_cast %swap3A_241 : i32 to index
    %swap3A_243 = arith.constant 0 : index
    %swap3A_244 = tpu.vector_load %arg11[%swap3A_242, %swap3A_243] {strides = array<i32>} : memref<80x16xf32, #tpu.memory_space<vmem>>, vector<16xf32>,
    tpu.vector_store %arg11[%swap3A_242, %swap3A_243], %mul3A_240 {strides = array<i32>} : memref<80x16xf32, #tpu.memory_space<vmem>>, vector<16xf32>,
    %broadcast_in_dim3A_245 = arith.constant 1 : i32
    %broadcast_in_dim3A_246 = vector.broadcast %broadcast_in_dim3A_245 : i32 to vector<16x1xi32>
    %gather3A_247 = vector.shape_cast %broadcast_in_dim3A_246 : vector<16x1xi32> to vector<16xi32>
    %gather3A_248 = tpu.dynamic_gather %get3A_231[%gather3A_247] in [0] : vector<16xf32>, vector<16xi32> -> vector<16xf32>
    %get3A_249 = arith.constant 17 : i32
    %get3A_250 = arith.index_cast %get3A_249 : i32 to index
    %get3A_251 = arith.constant 0 : index
    %get3A_252 = tpu.vector_load %arg11[%get3A_250, %get3A_251] {strides = array<i32>} : memref<80x16xf32, #tpu.memory_space<vmem>>, vector<16xf32>,
    %mul3A_253 = arith.mulf %get3A_252, %gather3A_248 : vector<16xf32>
    %swap3A_254 = arith.constant 17 : i32
    %swap3A_255 = arith.index_cast %swap3A_254 : i32 to index
    %swap3A_256 = arith.constant 0 : index
    %swap3A_257 = tpu.vector_load %arg11[%swap3A_255, %swap3A_256] {strides = array<i32>} : memref<80x16xf32, #tpu.memory_space<vmem>>, vector<16xf32>,
    tpu.vector_store %arg11[%swap3A_255, %swap3A_256], %mul3A_253 {strides = array<i32>} : memref<80x16xf32, #tpu.memory_space<vmem>>, vector<16xf32>,
    %broadcast_in_dim3A_258 = arith.constant 2 : i32
    %broadcast_in_dim3A_259 = vector.broadcast %broadcast_in_dim3A_258 : i32 to vector<16x1xi32>
    %gather3A_260 = vector.shape_cast %broadcast_in_dim3A_259 : vector<16x1xi32> to vector<16xi32>
    %gather3A_261 = tpu.dynamic_gather %get3A_231[%gather3A_260] in [0] : vector<16xf32>, vector<16xi32> -> vector<16xf32>
    %get3A_262 = arith.constant 18 : i32
    %get3A_263 = arith.index_cast %get3A_262 : i32 to index
    %get3A_264 = arith.constant 0 : index
    %get3A_265 = tpu.vector_load %arg11[%get3A_263, %get3A_264] {strides = array<i32>} : memref<80x16xf32, #tpu.memory_space<vmem>>, vector<16xf32>,
    %mul3A_266 = arith.mulf %get3A_265, %gather3A_261 : vector<16xf32>
    %swap3A_267 = arith.constant 18 : i32
    %swap3A_268 = arith.index_cast %swap3A_267 : i32 to index
    %swap3A_269 = arith.constant 0 : index
    %swap3A_270 = tpu.vector_load %arg11[%swap3A_268, %swap3A_269] {strides = array<i32>} : memref<80x16xf32, #tpu.memory_space<vmem>>, vector<16xf32>,
    tpu.vector_store %arg11[%swap3A_268, %swap3A_269], %mul3A_266 {strides = array<i32>} : memref<80x16xf32, #tpu.memory_space<vmem>>, vector<16xf32>,
    %broadcast_in_dim3A_271 = arith.constant 3 : i32
    %broadcast_in_dim3A_272 = vector.broadcast %broadcast_in_dim3A_271 : i32 to vector<16x1xi32>
    %gather3A_273 = vector.shape_cast %broadcast_in_dim3A_272 : vector<16x1xi32> to vector<16xi32>
    %gather3A_274 = tpu.dynamic_gather %get3A_231[%gather3A_273] in [0] : vector<16xf32>, vector<16xi32> -> vector<16xf32>
    %get3A_275 = arith.constant 19 : i32
    %get3A_276 = arith.index_cast %get3A_275 : i32 to index
    %get3A_277 = arith.constant 0 : index
    %get3A_278 = tpu.vector_load %arg11[%get3A_276, %get3A_277] {strides = array<i32>} : memref<80x16xf32, #tpu.memory_space<vmem>>, vector<16xf32>,
    %mul3A_279 = arith.mulf %get3A_278, %gather3A_274 : vector<16xf32>
    %swap3A_280 = arith.constant 19 : i32
    %swap3A_281 = arith.index_cast %swap3A_280 : i32 to index
    %swap3A_282 = arith.constant 0 : index
    %swap3A_283 = tpu.vector_load %arg11[%swap3A_281, %swap3A_282] {strides = array<i32>} : memref<80x16xf32, #tpu.memory_space<vmem>>, vector<16xf32>,
    tpu.vector_store %arg11[%swap3A_281, %swap3A_282], %mul3A_279 {strides = array<i32>} : memref<80x16xf32, #tpu.memory_space<vmem>>, vector<16xf32>,
    %broadcast_in_dim3A_284 = arith.constant 4 : i32
    %broadcast_in_dim3A_285 = vector.broadcast %broadcast_in_dim3A_284 : i32 to vector<16x1xi32>
    %gather3A_286 = vector.shape_cast %broadcast_in_dim3A_285 : vector<16x1xi32> to vector<16xi32>
    %gather3A_287 = tpu.dynamic_gather %get3A_231[%gather3A_286] in [0] : vector<16xf32>, vector<16xi32> -> vector<16xf32>
    %get3A_288 = arith.constant 20 : i32
    %get3A_289 = arith.index_cast %get3A_288 : i32 to index
    %get3A_290 = arith.constant 0 : index
    %get3A_291 = tpu.vector_load %arg11[%get3A_289, %get3A_290] {strides = array<i32>} : memref<80x16xf32, #tpu.memory_space<vmem>>, vector<16xf32>,
    %mul3A_292 = arith.mulf %get3A_291, %gather3A_287 : vector<16xf32>
    %swap3A_293 = arith.constant 20 : i32
    %swap3A_294 = arith.index_cast %swap3A_293 : i32 to index
    %swap3A_295 = arith.constant 0 : index
    %swap3A_296 = tpu.vector_load %arg11[%swap3A_294, %swap3A_295] {strides = array<i32>} : memref<80x16xf32, #tpu.memory_space<vmem>>, vector<16xf32>,
    tpu.vector_store %arg11[%swap3A_294, %swap3A_295], %mul3A_292 {strides = array<i32>} : memref<80x16xf32, #tpu.memory_space<vmem>>, vector<16xf32>,
    %broadcast_in_dim3A_297 = arith.constant 5 : i32
    %broadcast_in_dim3A_298 = vector.broadcast %broadcast_in_dim3A_297 : i32 to vector<16x1xi32>
    %gather3A_299 = vector.shape_cast %broadcast_in_dim3A_298 : vector<16x1xi32> to vector<16xi32>
    %gather3A_300 = tpu.dynamic_gather %get3A_231[%gather3A_299] in [0] : vector<16xf32>, vector<16xi32> -> vector<16xf32>
    %get3A_301 = arith.constant 21 : i32
    %get3A_302 = arith.index_cast %get3A_301 : i32 to index
    %get3A_303 = arith.constant 0 : index
    %get3A_304 = tpu.vector_load %arg11[%get3A_302, %get3A_303] {strides = array<i32>} : memref<80x16xf32, #tpu.memory_space<vmem>>, vector<16xf32>,
    %mul3A_305 = arith.mulf %get3A_304, %gather3A_300 : vector<16xf32>
    %swap3A_306 = arith.constant 21 : i32
    %swap3A_307 = arith.index_cast %swap3A_306 : i32 to index
    %swap3A_308 = arith.constant 0 : index
    %swap3A_309 = tpu.vector_load %arg11[%swap3A_307, %swap3A_308] {strides = array<i32>} : memref<80x16xf32, #tpu.memory_space<vmem>>, vector<16xf32>,
    tpu.vector_store %arg11[%swap3A_307, %swap3A_308], %mul3A_305 {strides = array<i32>} : memref<80x16xf32, #tpu.memory_space<vmem>>, vector<16xf32>,
    %broadcast_in_dim3A_310 = arith.constant 6 : i32
    %broadcast_in_dim3A_311 = vector.broadcast %broadcast_in_dim3A_310 : i32 to vector<16x1xi32>
    %gather3A_312 = vector.shape_cast %broadcast_in_dim3A_311 : vector<16x1xi32> to vector<16xi32>
    %gather3A_313 = tpu.dynamic_gather %get3A_231[%gather3A_312] in [0] : vector<16xf32>, vector<16xi32> -> vector<16xf32>
    %get3A_314 = arith.constant 22 : i32
    %get3A_315 = arith.index_cast %get3A_314 : i32 to index
    %get3A_316 = arith.constant 0 : index
    %get3A_317 = tpu.vector_load %arg11[%get3A_315, %get3A_316] {strides = array<i32>} : memref<80x16xf32, #tpu.memory_space<vmem>>, vector<16xf32>,
    %mul3A_318 = arith.mulf %get3A_317, %gather3A_313 : vector<16xf32>
    %swap3A_319 = arith.constant 22 : i32
    %swap3A_320 = arith.index_cast %swap3A_319 : i32 to index
    %swap3A_321 = arith.constant 0 : index
    %swap3A_322 = tpu.vector_load %arg11[%swap3A_320, %swap3A_321] {strides = array<i32>} : memref<80x16xf32, #tpu.memory_space<vmem>>, vector<16xf32>,
    tpu.vector_store %arg11[%swap3A_320, %swap3A_321], %mul3A_318 {strides = array<i32>} : memref<80x16xf32, #tpu.memory_space<vmem>>, vector<16xf32>,
    %broadcast_in_dim3A_323 = arith.constant 7 : i32
    %broadcast_in_dim3A_324 = vector.broadcast %broadcast_in_dim3A_323 : i32 to vector<16x1xi32>
    %gather3A_325 = vector.shape_cast %broadcast_in_dim3A_324 : vector<16x1xi32> to vector<16xi32>
    %gather3A_326 = tpu.dynamic_gather %get3A_231[%gather3A_325] in [0] : vector<16xf32>, vector<16xi32> -> vector<16xf32>
    %get3A_327 = arith.constant 23 : i32
    %get3A_328 = arith.index_cast %get3A_327 : i32 to index
    %get3A_329 = arith.constant 0 : index
    %get3A_330 = tpu.vector_load %arg11[%get3A_328, %get3A_329] {strides = array<i32>} : memref<80x16xf32, #tpu.memory_space<vmem>>, vector<16xf32>,
    %mul3A_331 = arith.mulf %get3A_330, %gather3A_326 : vector<16xf32>
    %swap3A_332 = arith.constant 23 : i32
    %swap3A_333 = arith.index_cast %swap3A_332 : i32 to index
    %swap3A_334 = arith.constant 0 : index
    %swap3A_335 = tpu.vector_load %arg11[%swap3A_333, %swap3A_334] {strides = array<i32>} : memref<80x16xf32, #tpu.memory_space<vmem>>, vector<16xf32>,
    tpu.vector_store %arg11[%swap3A_333, %swap3A_334], %mul3A_331 {strides = array<i32>} : memref<80x16xf32, #tpu.memory_space<vmem>>, vector<16xf32>,
    %broadcast_in_dim3A_336 = arith.constant 8 : i32
    %broadcast_in_dim3A_337 = vector.broadcast %broadcast_in_dim3A_336 : i32 to vector<16x1xi32>
    %gather3A_338 = vector.shape_cast %broadcast_in_dim3A_337 : vector<16x1xi32> to vector<16xi32>
    %gather3A_339 = tpu.dynamic_gather %get3A_231[%gather3A_338] in [0] : vector<16xf32>, vector<16xi32> -> vector<16xf32>
    %get3A_340 = arith.constant 24 : i32
    %get3A_341 = arith.index_cast %get3A_340 : i32 to index
    %get3A_342 = arith.constant 0 : index
    %get3A_343 = tpu.vector_load %arg11[%get3A_341, %get3A_342] {strides = array<i32>} : memref<80x16xf32, #tpu.memory_space<vmem>>, vector<16xf32>,
    %mul3A_344 = arith.mulf %get3A_343, %gather3A_339 : vector<16xf32>
    %swap3A_345 = arith.constant 24 : i32
    %swap3A_346 = arith.index_cast %swap3A_345 : i32 to index
    %swap3A_347 = arith.constant 0 : index
    %swap3A_348 = tpu.vector_load %arg11[%swap3A_346, %swap3A_347] {strides = array<i32>} : memref<80x16xf32, #tpu.memory_space<vmem>>, vector<16xf32>,
    tpu.vector_store %arg11[%swap3A_346, %swap3A_347], %mul3A_344 {strides = array<i32>} : memref<80x16xf32, #tpu.memory_space<vmem>>, vector<16xf32>,
    %broadcast_in_dim3A_349 = arith.constant 9 : i32
    %broadcast_in_dim3A_350 = vector.broadcast %broadcast_in_dim3A_349 : i32 to vector<16x1xi32>
    %gather3A_351 = vector.shape_cast %broadcast_in_dim3A_350 : vector<16x1xi32> to vector<16xi32>
    %gather3A_352 = tpu.dynamic_gather %get3A_231[%gather3A_351] in [0] : vector<16xf32>, vector<16xi32> -> vector<16xf32>
    %get3A_353 = arith.constant 25 : i32
    %get3A_354 = arith.index_cast %get3A_353 : i32 to index
    %get3A_355 = arith.constant 0 : index
    %get3A_356 = tpu.vector_load %arg11[%get3A_354, %get3A_355] {strides = array<i32>} : memref<80x16xf32, #tpu.memory_space<vmem>>, vector<16xf32>,
    %mul3A_357 = arith.mulf %get3A_356, %gather3A_352 : vector<16xf32>
    %swap3A_358 = arith.constant 25 : i32
    %swap3A_359 = arith.index_cast %swap3A_358 : i32 to index
    %swap3A_360 = arith.constant 0 : index
    %swap3A_361 = tpu.vector_load %arg11[%swap3A_359, %swap3A_360] {strides = array<i32>} : memref<80x16xf32, #tpu.memory_space<vmem>>, vector<16xf32>,
    tpu.vector_store %arg11[%swap3A_359, %swap3A_360], %mul3A_357 {strides = array<i32>} : memref<80x16xf32, #tpu.memory_space<vmem>>, vector<16xf32>,
    %broadcast_in_dim3A_362 = arith.constant 10 : i32
    %broadcast_in_dim3A_363 = vector.broadcast %broadcast_in_dim3A_362 : i32 to vector<16x1xi32>
    %gather3A_364 = vector.shape_cast %broadcast_in_dim3A_363 : vector<16x1xi32> to vector<16xi32>
    %gather3A_365 = tpu.dynamic_gather %get3A_231[%gather3A_364] in [0] : vector<16xf32>, vector<16xi32> -> vector<16xf32>
    %get3A_366 = arith.constant 26 : i32
    %get3A_367 = arith.index_cast %get3A_366 : i32 to index
    %get3A_368 = arith.constant 0 : index
    %get3A_369 = tpu.vector_load %arg11[%get3A_367, %get3A_368] {strides = array<i32>} : memref<80x16xf32, #tpu.memory_space<vmem>>, vector<16xf32>,
    %mul3A_370 = arith.mulf %get3A_369, %gather3A_365 : vector<16xf32>
    %swap3A_371 = arith.constant 26 : i32
    %swap3A_372 = arith.index_cast %swap3A_371 : i32 to index
    %swap3A_373 = arith.constant 0 : index
    %swap3A_374 = tpu.vector_load %arg11[%swap3A_372, %swap3A_373] {strides = array<i32>} : memref<80x16xf32, #tpu.memory_space<vmem>>, vector<16xf32>,
    tpu.vector_store %arg11[%swap3A_372, %swap3A_373], %mul3A_370 {strides = array<i32>} : memref<80x16xf32, #tpu.memory_space<vmem>>, vector<16xf32>,
    %broadcast_in_dim3A_375 = arith.constant 11 : i32
    %broadcast_in_dim3A_376 = vector.broadcast %broadcast_in_dim3A_375 : i32 to vector<16x1xi32>
    %gather3A_377 = vector.shape_cast %broadcast_in_dim3A_376 : vector<16x1xi32> to vector<16xi32>
    %gather3A_378 = tpu.dynamic_gather %get3A_231[%gather3A_377] in [0] : vector<16xf32>, vector<16xi32> -> vector<16xf32>
    %get3A_379 = arith.constant 27 : i32
    %get3A_380 = arith.index_cast %get3A_379 : i32 to index
    %get3A_381 = arith.constant 0 : index
    %get3A_382 = tpu.vector_load %arg11[%get3A_380, %get3A_381] {strides = array<i32>} : memref<80x16xf32, #tpu.memory_space<vmem>>, vector<16xf32>,
    %mul3A_383 = arith.mulf %get3A_382, %gather3A_378 : vector<16xf32>
    %swap3A_384 = arith.constant 27 : i32
    %swap3A_385 = arith.index_cast %swap3A_384 : i32 to index
    %swap3A_386 = arith.constant 0 : index
    %swap3A_387 = tpu.vector_load %arg11[%swap3A_385, %swap3A_386] {strides = array<i32>} : memref<80x16xf32, #tpu.memory_space<vmem>>, vector<16xf32>,
    tpu.vector_store %arg11[%swap3A_385, %swap3A_386], %mul3A_383 {strides = array<i32>} : memref<80x16xf32, #tpu.memory_space<vmem>>, vector<16xf32>,
    %broadcast_in_dim3A_388 = arith.constant 12 : i32
    %broadcast_in_dim3A_389 = vector.broadcast %broadcast_in_dim3A_388 : i32 to vector<16x1xi32>
    %gather3A_390 = vector.shape_cast %broadcast_in_dim3A_389 : vector<16x1xi32> to vector<16xi32>
    %gather3A_391 = tpu.dynamic_gather %get3A_231[%gather3A_390] in [0] : vector<16xf32>, vector<16xi32> -> vector<16xf32>
    %get3A_392 = arith.constant 28 : i32
    %get3A_393 = arith.index_cast %get3A_392 : i32 to index
    %get3A_394 = arith.constant 0 : index
    %get3A_395 = tpu.vector_load %arg11[%get3A_393, %get3A_394] {strides = array<i32>} : memref<80x16xf32, #tpu.memory_space<vmem>>, vector<16xf32>,
    %mul3A_396 = arith.mulf %get3A_395, %gather3A_391 : vector<16xf32>
    %swap3A_397 = arith.constant 28 : i32
    %swap3A_398 = arith.index_cast %swap3A_397 : i32 to index
    %swap3A_399 = arith.constant 0 : index
    %swap3A_400 = tpu.vector_load %arg11[%swap3A_398, %swap3A_399] {strides = array<i32>} : memref<80x16xf32, #tpu.memory_space<vmem>>, vector<16xf32>,
    tpu.vector_store %arg11[%swap3A_398, %swap3A_399], %mul3A_396 {strides = array<i32>} : memref<80x16xf32, #tpu.memory_space<vmem>>, vector<16xf32>,
    %broadcast_in_dim3A_401 = arith.constant 13 : i32
    %broadcast_in_dim3A_402 = vector.broadcast %broadcast_in_dim3A_401 : i32 to vector<16x1xi32>
    %gather3A_403 = vector.shape_cast %broadcast_in_dim3A_402 : vector<16x1xi32> to vector<16xi32>
    %gather3A_404 = tpu.dynamic_gather %get3A_231[%gather3A_403] in [0] : vector<16xf32>, vector<16xi32> -> vector<16xf32>
    %get3A_405 = arith.constant 29 : i32
    %get3A_406 = arith.index_cast %get3A_405 : i32 to index
    %get3A_407 = arith.constant 0 : index
    %get3A_408 = tpu.vector_load %arg11[%get3A_406, %get3A_407] {strides = array<i32>} : memref<80x16xf32, #tpu.memory_space<vmem>>, vector<16xf32>,
    %mul3A_409 = arith.mulf %get3A_408, %gather3A_404 : vector<16xf32>
    %swap3A_410 = arith.constant 29 : i32
    %swap3A_411 = arith.index_cast %swap3A_410 : i32 to index
    %swap3A_412 = arith.constant 0 : index
    %swap3A_413 = tpu.vector_load %arg11[%swap3A_411, %swap3A_412] {strides = array<i32>} : memref<80x16xf32, #tpu.memory_space<vmem>>, vector<16xf32>,
    tpu.vector_store %arg11[%swap3A_411, %swap3A_412], %mul3A_409 {strides = array<i32>} : memref<80x16xf32, #tpu.memory_space<vmem>>, vector<16xf32>,
    %broadcast_in_dim3A_414 = arith.constant 14 : i32
    %broadcast_in_dim3A_415 = vector.broadcast %broadcast_in_dim3A_414 : i32 to vector<16x1xi32>
    %gather3A_416 = vector.shape_cast %broadcast_in_dim3A_415 : vector<16x1xi32> to vector<16xi32>
    %gather3A_417 = tpu.dynamic_gather %get3A_231[%gather3A_416] in [0] : vector<16xf32>, vector<16xi32> -> vector<16xf32>
    %get3A_418 = arith.constant 30 : i32
    %get3A_419 = arith.index_cast %get3A_418 : i32 to index
    %get3A_420 = arith.constant 0 : index
    %get3A_421 = tpu.vector_load %arg11[%get3A_419, %get3A_420] {strides = array<i32>} : memref<80x16xf32, #tpu.memory_space<vmem>>, vector<16xf32>,
    %mul3A_422 = arith.mulf %get3A_421, %gather3A_417 : vector<16xf32>
    %swap3A_423 = arith.constant 30 : i32
    %swap3A_424 = arith.index_cast %swap3A_423 : i32 to index
    %swap3A_425 = arith.constant 0 : index
    %swap3A_426 = tpu.vector_load %arg11[%swap3A_424, %swap3A_425] {strides = array<i32>} : memref<80x16xf32, #tpu.memory_space<vmem>>, vector<16xf32>,
    tpu.vector_store %arg11[%swap3A_424, %swap3A_425], %mul3A_422 {strides = array<i32>} : memref<80x16xf32, #tpu.memory_space<vmem>>, vector<16xf32>,
    %broadcast_in_dim3A_427 = arith.constant 15 : i32
    %broadcast_in_dim3A_428 = vector.broadcast %broadcast_in_dim3A_427 : i32 to vector<16x1xi32>
    %gather3A_429 = vector.shape_cast %broadcast_in_dim3A_428 : vector<16x1xi32> to vector<16xi32>
    %gather3A_430 = tpu.dynamic_gather %get3A_231[%gather3A_429] in [0] : vector<16xf32>, vector<16xi32> -> vector<16xf32>
    %get3A_431 = arith.constant 31 : i32
    %get3A_432 = arith.index_cast %get3A_431 : i32 to index
    %get3A_433 = arith.constant 0 : index
    %get3A_434 = tpu.vector_load %arg11[%get3A_432, %get3A_433] {strides = array<i32>} : memref<80x16xf32, #tpu.memory_space<vmem>>, vector<16xf32>,
    %mul3A_435 = arith.mulf %get3A_434, %gather3A_430 : vector<16xf32>
    %swap3A_436 = arith.constant 31 : i32
    %swap3A_437 = arith.index_cast %swap3A_436 : i32 to index
    %swap3A_438 = arith.constant 0 : index
    %swap3A_439 = tpu.vector_load %arg11[%swap3A_437, %swap3A_438] {strides = array<i32>} : memref<80x16xf32, #tpu.memory_space<vmem>>, vector<16xf32>,
    tpu.vector_store %arg11[%swap3A_437, %swap3A_438], %mul3A_435 {strides = array<i32>} : memref<80x16xf32, #tpu.memory_space<vmem>>, vector<16xf32>,
    %get3A_440 = arith.constant 124 : i32
    %get3A_441 = arith.index_cast %get3A_440 : i32 to index
    %get3A_442 = arith.constant 32 : index
    %get3A_443 = tpu.vector_load %arg10[%get3A_441, %get3A_442] {strides = array<i32>} : memref<125x80xf32, #tpu.memory_space<vmem>>, vector<16xf32>,
    %broadcast_in_dim3A_444 = arith.constant 0 : i32
    %broadcast_in_dim3A_445 = vector.broadcast %broadcast_in_dim3A_444 : i32 to vector<16x1xi32>
    %gather3A_446 = vector.shape_cast %broadcast_in_dim3A_445 : vector<16x1xi32> to vector<16xi32>
    %gather3A_447 = tpu.dynamic_gather %get3A_443[%gather3A_446] in [0] : vector<16xf32>, vector<16xi32> -> vector<16xf32>
    %get3A_448 = arith.constant 32 : i32
    %get3A_449 = arith.index_cast %get3A_448 : i32 to index
    %get3A_450 = arith.constant 0 : index
    %get3A_451 = tpu.vector_load %arg11[%get3A_449, %get3A_450] {strides = array<i32>} : memref<80x16xf32, #tpu.memory_space<vmem>>, vector<16xf32>,
    %mul3A_452 = arith.mulf %get3A_451, %gather3A_447 : vector<16xf32>
    %swap3A_453 = arith.constant 32 : i32
    %swap3A_454 = arith.index_cast %swap3A_453 : i32 to index
    %swap3A_455 = arith.constant 0 : index
    %swap3A_456 = tpu.vector_load %arg11[%swap3A_454, %swap3A_455] {strides = array<i32>} : memref<80x16xf32, #tpu.memory_space<vmem>>, vector<16xf32>,
    tpu.vector_store %arg11[%swap3A_454, %swap3A_455], %mul3A_452 {strides = array<i32>} : memref<80x16xf32, #tpu.memory_space<vmem>>, vector<16xf32>,
    %broadcast_in_dim3A_457 = arith.constant 1 : i32
    %broadcast_in_dim3A_458 = vector.broadcast %broadcast_in_dim3A_457 : i32 to vector<16x1xi32>
    %gather3A_459 = vector.shape_cast %broadcast_in_dim3A_458 : vector<16x1xi32> to vector<16xi32>
    %gather3A_460 = tpu.dynamic_gather %get3A_443[%gather3A_459] in [0] : vector<16xf32>, vector<16xi32> -> vector<16xf32>
    %get3A_461 = arith.constant 33 : i32
    %get3A_462 = arith.index_cast %get3A_461 : i32 to index
    %get3A_463 = arith.constant 0 : index
    %get3A_464 = tpu.vector_load %arg11[%get3A_462, %get3A_463] {strides = array<i32>} : memref<80x16xf32, #tpu.memory_space<vmem>>, vector<16xf32>,
    %mul3A_465 = arith.mulf %get3A_464, %gather3A_460 : vector<16xf32>
    %swap3A_466 = arith.constant 33 : i32
    %swap3A_467 = arith.index_cast %swap3A_466 : i32 to index
    %swap3A_468 = arith.constant 0 : index
    %swap3A_469 = tpu.vector_load %arg11[%swap3A_467, %swap3A_468] {strides = array<i32>} : memref<80x16xf32, #tpu.memory_space<vmem>>, vector<16xf32>,
    tpu.vector_store %arg11[%swap3A_467, %swap3A_468], %mul3A_465 {strides = array<i32>} : memref<80x16xf32, #tpu.memory_space<vmem>>, vector<16xf32>,
    %broadcast_in_dim3A_470 = arith.constant 2 : i32
    %broadcast_in_dim3A_471 = vector.broadcast %broadcast_in_dim3A_470 : i32 to vector<16x1xi32>
    %gather3A_472 = vector.shape_cast %broadcast_in_dim3A_471 : vector<16x1xi32> to vector<16xi32>
    %gather3A_473 = tpu.dynamic_gather %get3A_443[%gather3A_472] in [0] : vector<16xf32>, vector<16xi32> -> vector<16xf32>
    %get3A_474 = arith.constant 34 : i32
    %get3A_475 = arith.index_cast %get3A_474 : i32 to index
    %get3A_476 = arith.constant 0 : index
    %get3A_477 = tpu.vector_load %arg11[%get3A_475, %get3A_476] {strides = array<i32>} : memref<80x16xf32, #tpu.memory_space<vmem>>, vector<16xf32>,
    %mul3A_478 = arith.mulf %get3A_477, %gather3A_473 : vector<16xf32>
    %swap3A_479 = arith.constant 34 : i32
    %swap3A_480 = arith.index_cast %swap3A_479 : i32 to index
    %swap3A_481 = arith.constant 0 : index
    %swap3A_482 = tpu.vector_load %arg11[%swap3A_480, %swap3A_481] {strides = array<i32>} : memref<80x16xf32, #tpu.memory_space<vmem>>, vector<16xf32>,
    tpu.vector_store %arg11[%swap3A_480, %swap3A_481], %mul3A_478 {strides = array<i32>} : memref<80x16xf32, #tpu.memory_space<vmem>>, vector<16xf32>,
    %broadcast_in_dim3A_483 = arith.constant 3 : i32
    %broadcast_in_dim3A_484 = vector.broadcast %broadcast_in_dim3A_483 : i32 to vector<16x1xi32>
    %gather3A_485 = vector.shape_cast %broadcast_in_dim3A_484 : vector<16x1xi32> to vector<16xi32>
    %gather3A_486 = tpu.dynamic_gather %get3A_443[%gather3A_485] in [0] : vector<16xf32>, vector<16xi32> -> vector<16xf32>
    %get3A_487 = arith.constant 35 : i32
    %get3A_488 = arith.index_cast %get3A_487 : i32 to index
    %get3A_489 = arith.constant 0 : index
    %get3A_490 = tpu.vector_load %arg11[%get3A_488, %get3A_489] {strides = array<i32>} : memref<80x16xf32, #tpu.memory_space<vmem>>, vector<16xf32>,
    %mul3A_491 = arith.mulf %get3A_490, %gather3A_486 : vector<16xf32>
    %swap3A_492 = arith.constant 35 : i32
    %swap3A_493 = arith.index_cast %swap3A_492 : i32 to index
    %swap3A_494 = arith.constant 0 : index
    %swap3A_495 = tpu.vector_load %arg11[%swap3A_493, %swap3A_494] {strides = array<i32>} : memref<80x16xf32, #tpu.memory_space<vmem>>, vector<16xf32>,
    tpu.vector_store %arg11[%swap3A_493, %swap3A_494], %mul3A_491 {strides = array<i32>} : memref<80x16xf32, #tpu.memory_space<vmem>>, vector<16xf32>,
    %broadcast_in_dim3A_496 = arith.constant 4 : i32
    %broadcast_in_dim3A_497 = vector.broadcast %broadcast_in_dim3A_496 : i32 to vector<16x1xi32>
    %gather3A_498 = vector.shape_cast %broadcast_in_dim3A_497 : vector<16x1xi32> to vector<16xi32>
    %gather3A_499 = tpu.dynamic_gather %get3A_443[%gather3A_498] in [0] : vector<16xf32>, vector<16xi32> -> vector<16xf32>
    %get3A_500 = arith.constant 36 : i32
    %get3A_501 = arith.index_cast %get3A_500 : i32 to index
    %get3A_502 = arith.constant 0 : index
    %get3A_503 = tpu.vector_load %arg11[%get3A_501, %get3A_502] {strides = array<i32>} : memref<80x16xf32, #tpu.memory_space<vmem>>, vector<16xf32>,
    %mul3A_504 = arith.mulf %get3A_503, %gather3A_499 : vector<16xf32>
    %swap3A_505 = arith.constant 36 : i32
    %swap3A_506 = arith.index_cast %swap3A_505 : i32 to index
    %swap3A_507 = arith.constant 0 : index
    %swap3A_508 = tpu.vector_load %arg11[%swap3A_506, %swap3A_507] {strides = array<i32>} : memref<80x16xf32, #tpu.memory_space<vmem>>, vector<16xf32>,
    tpu.vector_store %arg11[%swap3A_506, %swap3A_507], %mul3A_504 {strides = array<i32>} : memref<80x16xf32, #tpu.memory_space<vmem>>, vector<16xf32>,
    %broadcast_in_dim3A_509 = arith.constant 5 : i32
    %broadcast_in_dim3A_510 = vector.broadcast %broadcast_in_dim3A_509 : i32 to vector<16x1xi32>
    %gather3A_511 = vector.shape_cast %broadcast_in_dim3A_510 : vector<16x1xi32> to vector<16xi32>
    %gather3A_512 = tpu.dynamic_gather %get3A_443[%gather3A_511] in [0] : vector<16xf32>, vector<16xi32> -> vector<16xf32>
    %get3A_513 = arith.constant 37 : i32
    %get3A_514 = arith.index_cast %get3A_513 : i32 to index
    %get3A_515 = arith.constant 0 : index
    %get3A_516 = tpu.vector_load %arg11[%get3A_514, %get3A_515] {strides = array<i32>} : memref<80x16xf32, #tpu.memory_space<vmem>>, vector<16xf32>,
    %mul3A_517 = arith.mulf %get3A_516, %gather3A_512 : vector<16xf32>
    %swap3A_518 = arith.constant 37 : i32
    %swap3A_519 = arith.index_cast %swap3A_518 : i32 to index
    %swap3A_520 = arith.constant 0 : index
    %swap3A_521 = tpu.vector_load %arg11[%swap3A_519, %swap3A_520] {strides = array<i32>} : memref<80x16xf32, #tpu.memory_space<vmem>>, vector<16xf32>,
    tpu.vector_store %arg11[%swap3A_519, %swap3A_520], %mul3A_517 {strides = array<i32>} : memref<80x16xf32, #tpu.memory_space<vmem>>, vector<16xf32>,
    %broadcast_in_dim3A_522 = arith.constant 6 : i32
    %broadcast_in_dim3A_523 = vector.broadcast %broadcast_in_dim3A_522 : i32 to vector<16x1xi32>
    %gather3A_524 = vector.shape_cast %broadcast_in_dim3A_523 : vector<16x1xi32> to vector<16xi32>
    %gather3A_525 = tpu.dynamic_gather %get3A_443[%gather3A_524] in [0] : vector<16xf32>, vector<16xi32> -> vector<16xf32>
    %get3A_526 = arith.constant 38 : i32
    %get3A_527 = arith.index_cast %get3A_526 : i32 to index
    %get3A_528 = arith.constant 0 : index
    %get3A_529 = tpu.vector_load %arg11[%get3A_527, %get3A_528] {strides = array<i32>} : memref<80x16xf32, #tpu.memory_space<vmem>>, vector<16xf32>,
    %mul3A_530 = arith.mulf %get3A_529, %gather3A_525 : vector<16xf32>
    %swap3A_531 = arith.constant 38 : i32
    %swap3A_532 = arith.index_cast %swap3A_531 : i32 to index
    %swap3A_533 = arith.constant 0 : index
    %swap3A_534 = tpu.vector_load %arg11[%swap3A_532, %swap3A_533] {strides = array<i32>} : memref<80x16xf32, #tpu.memory_space<vmem>>, vector<16xf32>,
    tpu.vector_store %arg11[%swap3A_532, %swap3A_533], %mul3A_530 {strides = array<i32>} : memref<80x16xf32, #tpu.memory_space<vmem>>, vector<16xf32>,
    %broadcast_in_dim3A_535 = arith.constant 7 : i32
    %broadcast_in_dim3A_536 = vector.broadcast %broadcast_in_dim3A_535 : i32 to vector<16x1xi32>
    %gather3A_537 = vector.shape_cast %broadcast_in_dim3A_536 : vector<16x1xi32> to vector<16xi32>
    %gather3A_538 = tpu.dynamic_gather %get3A_443[%gather3A_537] in [0] : vector<16xf32>, vector<16xi32> -> vector<16xf32>
    %get3A_539 = arith.constant 39 : i32
    %get3A_540 = arith.index_cast %get3A_539 : i32 to index
    %get3A_541 = arith.constant 0 : index
    %get3A_542 = tpu.vector_load %arg11[%get3A_540, %get3A_541] {strides = array<i32>} : memref<80x16xf32, #tpu.memory_space<vmem>>, vector<16xf32>,
    %mul3A_543 = arith.mulf %get3A_542, %gather3A_538 : vector<16xf32>
    %swap3A_544 = arith.constant 39 : i32
    %swap3A_545 = arith.index_cast %swap3A_544 : i32 to index
    %swap3A_546 = arith.constant 0 : index
    %swap3A_547 = tpu.vector_load %arg11[%swap3A_545, %swap3A_546] {strides = array<i32>} : memref<80x16xf32, #tpu.memory_space<vmem>>, vector<16xf32>,
    tpu.vector_store %arg11[%swap3A_545, %swap3A_546], %mul3A_543 {strides = array<i32>} : memref<80x16xf32, #tpu.memory_space<vmem>>, vector<16xf32>,
    %broadcast_in_dim3A_548 = arith.constant 8 : i32
    %broadcast_in_dim3A_549 = vector.broadcast %broadcast_in_dim3A_548 : i32 to vector<16x1xi32>
    %gather3A_550 = vector.shape_cast %broadcast_in_dim3A_549 : vector<16x1xi32> to vector<16xi32>
    %gather3A_551 = tpu.dynamic_gather %get3A_443[%gather3A_550] in [0] : vector<16xf32>, vector<16xi32> -> vector<16xf32>
    %get3A_552 = arith.constant 40 : i32
    %get3A_553 = arith.index_cast %get3A_552 : i32 to index
    %get3A_554 = arith.constant 0 : index
    %get3A_555 = tpu.vector_load %arg11[%get3A_553, %get3A_554] {strides = array<i32>} : memref<80x16xf32, #tpu.memory_space<vmem>>, vector<16xf32>,
    %mul3A_556 = arith.mulf %get3A_555, %gather3A_551 : vector<16xf32>
    %swap3A_557 = arith.constant 40 : i32
    %swap3A_558 = arith.index_cast %swap3A_557 : i32 to index
    %swap3A_559 = arith.constant 0 : index
    %swap3A_560 = tpu.vector_load %arg11[%swap3A_558, %swap3A_559] {strides = array<i32>} : memref<80x16xf32, #tpu.memory_space<vmem>>, vector<16xf32>,
    tpu.vector_store %arg11[%swap3A_558, %swap3A_559], %mul3A_556 {strides = array<i32>} : memref<80x16xf32, #tpu.memory_space<vmem>>, vector<16xf32>,
    %broadcast_in_dim3A_561 = arith.constant 9 : i32
    %broadcast_in_dim3A_562 = vector.broadcast %broadcast_in_dim3A_561 : i32 to vector<16x1xi32>
    %gather3A_563 = vector.shape_cast %broadcast_in_dim3A_562 : vector<16x1xi32> to vector<16xi32>
    %gather3A_564 = tpu.dynamic_gather %get3A_443[%gather3A_563] in [0] : vector<16xf32>, vector<16xi32> -> vector<16xf32>
    %get3A_565 = arith.constant 41 : i32
    %get3A_566 = arith.index_cast %get3A_565 : i32 to index
    %get3A_567 = arith.constant 0 : index
    %get3A_568 = tpu.vector_load %arg11[%get3A_566, %get3A_567] {strides = array<i32>} : memref<80x16xf32, #tpu.memory_space<vmem>>, vector<16xf32>,
    %mul3A_569 = arith.mulf %get3A_568, %gather3A_564 : vector<16xf32>
    %swap3A_570 = arith.constant 41 : i32
    %swap3A_571 = arith.index_cast %swap3A_570 : i32 to index
    %swap3A_572 = arith.constant 0 : index
    %swap3A_573 = tpu.vector_load %arg11[%swap3A_571, %swap3A_572] {strides = array<i32>} : memref<80x16xf32, #tpu.memory_space<vmem>>, vector<16xf32>,
    tpu.vector_store %arg11[%swap3A_571, %swap3A_572], %mul3A_569 {strides = array<i32>} : memref<80x16xf32, #tpu.memory_space<vmem>>, vector<16xf32>,
    %broadcast_in_dim3A_574 = arith.constant 10 : i32
    %broadcast_in_dim3A_575 = vector.broadcast %broadcast_in_dim3A_574 : i32 to vector<16x1xi32>
    %gather3A_576 = vector.shape_cast %broadcast_in_dim3A_575 : vector<16x1xi32> to vector<16xi32>
    %gather3A_577 = tpu.dynamic_gather %get3A_443[%gather3A_576] in [0] : vector<16xf32>, vector<16xi32> -> vector<16xf32>
    %get3A_578 = arith.constant 42 : i32
    %get3A_579 = arith.index_cast %get3A_578 : i32 to index
    %get3A_580 = arith.constant 0 : index
    %get3A_581 = tpu.vector_load %arg11[%get3A_579, %get3A_580] {strides = array<i32>} : memref<80x16xf32, #tpu.memory_space<vmem>>, vector<16xf32>,
    %mul3A_582 = arith.mulf %get3A_581, %gather3A_577 : vector<16xf32>
    %swap3A_583 = arith.constant 42 : i32
    %swap3A_584 = arith.index_cast %swap3A_583 : i32 to index
    %swap3A_585 = arith.constant 0 : index
    %swap3A_586 = tpu.vector_load %arg11[%swap3A_584, %swap3A_585] {strides = array<i32>} : memref<80x16xf32, #tpu.memory_space<vmem>>, vector<16xf32>,
    tpu.vector_store %arg11[%swap3A_584, %swap3A_585], %mul3A_582 {strides = array<i32>} : memref<80x16xf32, #tpu.memory_space<vmem>>, vector<16xf32>,
    %broadcast_in_dim3A_587 = arith.constant 11 : i32
    %broadcast_in_dim3A_588 = vector.broadcast %broadcast_in_dim3A_587 : i32 to vector<16x1xi32>
    %gather3A_589 = vector.shape_cast %broadcast_in_dim3A_588 : vector<16x1xi32> to vector<16xi32>
    %gather3A_590 = tpu.dynamic_gather %get3A_443[%gather3A_589] in [0] : vector<16xf32>, vector<16xi32> -> vector<16xf32>
    %get3A_591 = arith.constant 43 : i32
    %get3A_592 = arith.index_cast %get3A_591 : i32 to index
    %get3A_593 = arith.constant 0 : index
    %get3A_594 = tpu.vector_load %arg11[%get3A_592, %get3A_593] {strides = array<i32>} : memref<80x16xf32, #tpu.memory_space<vmem>>, vector<16xf32>,
    %mul3A_595 = arith.mulf %get3A_594, %gather3A_590 : vector<16xf32>
    %swap3A_596 = arith.constant 43 : i32
    %swap3A_597 = arith.index_cast %swap3A_596 : i32 to index
    %swap3A_598 = arith.constant 0 : index
    %swap3A_599 = tpu.vector_load %arg11[%swap3A_597, %swap3A_598] {strides = array<i32>} : memref<80x16xf32, #tpu.memory_space<vmem>>, vector<16xf32>,
    tpu.vector_store %arg11[%swap3A_597, %swap3A_598], %mul3A_595 {strides = array<i32>} : memref<80x16xf32, #tpu.memory_space<vmem>>, vector<16xf32>,
    %broadcast_in_dim3A_600 = arith.constant 12 : i32
    %broadcast_in_dim3A_601 = vector.broadcast %broadcast_in_dim3A_600 : i32 to vector<16x1xi32>
    %gather3A_602 = vector.shape_cast %broadcast_in_dim3A_601 : vector<16x1xi32> to vector<16xi32>
    %gather3A_603 = tpu.dynamic_gather %get3A_443[%gather3A_602] in [0] : vector<16xf32>, vector<16xi32> -> vector<16xf32>
    %get3A_604 = arith.constant 44 : i32
    %get3A_605 = arith.index_cast %get3A_604 : i32 to index
    %get3A_606 = arith.constant 0 : index
    %get3A_607 = tpu.vector_load %arg11[%get3A_605, %get3A_606] {strides = array<i32>} : memref<80x16xf32, #tpu.memory_space<vmem>>, vector<16xf32>,
    %mul3A_608 = arith.mulf %get3A_607, %gather3A_603 : vector<16xf32>
    %swap3A_609 = arith.constant 44 : i32
    %swap3A_610 = arith.index_cast %swap3A_609 : i32 to index
    %swap3A_611 = arith.constant 0 : index
    %swap3A_612 = tpu.vector_load %arg11[%swap3A_610, %swap3A_611] {strides = array<i32>} : memref<80x16xf32, #tpu.memory_space<vmem>>, vector<16xf32>,
    tpu.vector_store %arg11[%swap3A_610, %swap3A_611], %mul3A_608 {strides = array<i32>} : memref<80x16xf32, #tpu.memory_space<vmem>>, vector<16xf32>,
    %broadcast_in_dim3A_613 = arith.constant 13 : i32
    %broadcast_in_dim3A_614 = vector.broadcast %broadcast_in_dim3A_613 : i32 to vector<16x1xi32>
    %gather3A_615 = vector.shape_cast %broadcast_in_dim3A_614 : vector<16x1xi32> to vector<16xi32>
    %gather3A_616 = tpu.dynamic_gather %get3A_443[%gather3A_615] in [0] : vector<16xf32>, vector<16xi32> -> vector<16xf32>
    %get3A_617 = arith.constant 45 : i32
    %get3A_618 = arith.index_cast %get3A_617 : i32 to index
    %get3A_619 = arith.constant 0 : index
    %get3A_620 = tpu.vector_load %arg11[%get3A_618, %get3A_619] {strides = array<i32>} : memref<80x16xf32, #tpu.memory_space<vmem>>, vector<16xf32>,
    %mul3A_621 = arith.mulf %get3A_620, %gather3A_616 : vector<16xf32>
    %swap3A_622 = arith.constant 45 : i32
    %swap3A_623 = arith.index_cast %swap3A_622 : i32 to index
    %swap3A_624 = arith.constant 0 : index
    %swap3A_625 = tpu.vector_load %arg11[%swap3A_623, %swap3A_624] {strides = array<i32>} : memref<80x16xf32, #tpu.memory_space<vmem>>, vector<16xf32>,
    tpu.vector_store %arg11[%swap3A_623, %swap3A_624], %mul3A_621 {strides = array<i32>} : memref<80x16xf32, #tpu.memory_space<vmem>>, vector<16xf32>,
    %broadcast_in_dim3A_626 = arith.constant 14 : i32
    %broadcast_in_dim3A_627 = vector.broadcast %broadcast_in_dim3A_626 : i32 to vector<16x1xi32>
    %gather3A_628 = vector.shape_cast %broadcast_in_dim3A_627 : vector<16x1xi32> to vector<16xi32>
    %gather3A_629 = tpu.dynamic_gather %get3A_443[%gather3A_628] in [0] : vector<16xf32>, vector<16xi32> -> vector<16xf32>
    %get3A_630 = arith.constant 46 : i32
    %get3A_631 = arith.index_cast %get3A_630 : i32 to index
    %get3A_632 = arith.constant 0 : index
    %get3A_633 = tpu.vector_load %arg11[%get3A_631, %get3A_632] {strides = array<i32>} : memref<80x16xf32, #tpu.memory_space<vmem>>, vector<16xf32>,
    %mul3A_634 = arith.mulf %get3A_633, %gather3A_629 : vector<16xf32>
    %swap3A_635 = arith.constant 46 : i32
    %swap3A_636 = arith.index_cast %swap3A_635 : i32 to index
    %swap3A_637 = arith.constant 0 : index
    %swap3A_638 = tpu.vector_load %arg11[%swap3A_636, %swap3A_637] {strides = array<i32>} : memref<80x16xf32, #tpu.memory_space<vmem>>, vector<16xf32>,
    tpu.vector_store %arg11[%swap3A_636, %swap3A_637], %mul3A_634 {strides = array<i32>} : memref<80x16xf32, #tpu.memory_space<vmem>>, vector<16xf32>,
    %broadcast_in_dim3A_639 = arith.constant 15 : i32
    %broadcast_in_dim3A_640 = vector.broadcast %broadcast_in_dim3A_639 : i32 to vector<16x1xi32>
    %gather3A_641 = vector.shape_cast %broadcast_in_dim3A_640 : vector<16x1xi32> to vector<16xi32>
    %gather3A_642 = tpu.dynamic_gather %get3A_443[%gather3A_641] in [0] : vector<16xf32>, vector<16xi32> -> vector<16xf32>
    %get3A_643 = arith.constant 47 : i32
    %get3A_644 = arith.index_cast %get3A_643 : i32 to index
    %get3A_645 = arith.constant 0 : index
    %get3A_646 = tpu.vector_load %arg11[%get3A_644, %get3A_645] {strides = array<i32>} : memref<80x16xf32, #tpu.memory_space<vmem>>, vector<16xf32>,
    %mul3A_647 = arith.mulf %get3A_646, %gather3A_642 : vector<16xf32>
    %swap3A_648 = arith.constant 47 : i32
    %swap3A_649 = arith.index_cast %swap3A_648 : i32 to index
    %swap3A_650 = arith.constant 0 : index
    %swap3A_651 = tpu.vector_load %arg11[%swap3A_649, %swap3A_650] {strides = array<i32>} : memref<80x16xf32, #tpu.memory_space<vmem>>, vector<16xf32>,
    tpu.vector_store %arg11[%swap3A_649, %swap3A_650], %mul3A_647 {strides = array<i32>} : memref<80x16xf32, #tpu.memory_space<vmem>>, vector<16xf32>,
    %get3A_652 = arith.constant 124 : i32
    %get3A_653 = arith.index_cast %get3A_652 : i32 to index
    %get3A_654 = arith.constant 48 : index
    %get3A_655 = tpu.vector_load %arg10[%get3A_653, %get3A_654] {strides = array<i32>} : memref<125x80xf32, #tpu.memory_space<vmem>>, vector<16xf32>,
    %broadcast_in_dim3A_656 = arith.constant 0 : i32
    %broadcast_in_dim3A_657 = vector.broadcast %broadcast_in_dim3A_656 : i32 to vector<16x1xi32>
    %gather3A_658 = vector.shape_cast %broadcast_in_dim3A_657 : vector<16x1xi32> to vector<16xi32>
    %gather3A_659 = tpu.dynamic_gather %get3A_655[%gather3A_658] in [0] : vector<16xf32>, vector<16xi32> -> vector<16xf32>
    %get3A_660 = arith.constant 48 : i32
    %get3A_661 = arith.index_cast %get3A_660 : i32 to index
    %get3A_662 = arith.constant 0 : index
    %get3A_663 = tpu.vector_load %arg11[%get3A_661, %get3A_662] {strides = array<i32>} : memref<80x16xf32, #tpu.memory_space<vmem>>, vector<16xf32>,
    %mul3A_664 = arith.mulf %get3A_663, %gather3A_659 : vector<16xf32>
    %swap3A_665 = arith.constant 48 : i32
    %swap3A_666 = arith.index_cast %swap3A_665 : i32 to index
    %swap3A_667 = arith.constant 0 : index
    %swap3A_668 = tpu.vector_load %arg11[%swap3A_666, %swap3A_667] {strides = array<i32>} : memref<80x16xf32, #tpu.memory_space<vmem>>, vector<16xf32>,
    tpu.vector_store %arg11[%swap3A_666, %swap3A_667], %mul3A_664 {strides = array<i32>} : memref<80x16xf32, #tpu.memory_space<vmem>>, vector<16xf32>,
    %broadcast_in_dim3A_669 = arith.constant 1 : i32
    %broadcast_in_dim3A_670 = vector.broadcast %broadcast_in_dim3A_669 : i32 to vector<16x1xi32>
    %gather3A_671 = vector.shape_cast %broadcast_in_dim3A_670 : vector<16x1xi32> to vector<16xi32>
    %gather3A_672 = tpu.dynamic_gather %get3A_655[%gather3A_671] in [0] : vector<16xf32>, vector<16xi32> -> vector<16xf32>
    %get3A_673 = arith.constant 49 : i32
    %get3A_674 = arith.index_cast %get3A_673 : i32 to index
    %get3A_675 = arith.constant 0 : index
    %get3A_676 = tpu.vector_load %arg11[%get3A_674, %get3A_675] {strides = array<i32>} : memref<80x16xf32, #tpu.memory_space<vmem>>, vector<16xf32>,
    %mul3A_677 = arith.mulf %get3A_676, %gather3A_672 : vector<16xf32>
    %swap3A_678 = arith.constant 49 : i32
    %swap3A_679 = arith.index_cast %swap3A_678 : i32 to index
    %swap3A_680 = arith.constant 0 : index
    %swap3A_681 = tpu.vector_load %arg11[%swap3A_679, %swap3A_680] {strides = array<i32>} : memref<80x16xf32, #tpu.memory_space<vmem>>, vector<16xf32>,
    tpu.vector_store %arg11[%swap3A_679, %swap3A_680], %mul3A_677 {strides = array<i32>} : memref<80x16xf32, #tpu.memory_space<vmem>>, vector<16xf32>,
    %broadcast_in_dim3A_682 = arith.constant 2 : i32
    %broadcast_in_dim3A_683 = vector.broadcast %broadcast_in_dim3A_682 : i32 to vector<16x1xi32>
    %gather3A_684 = vector.shape_cast %broadcast_in_dim3A_683 : vector<16x1xi32> to vector<16xi32>
    %gather3A_685 = tpu.dynamic_gather %get3A_655[%gather3A_684] in [0] : vector<16xf32>, vector<16xi32> -> vector<16xf32>
    %get3A_686 = arith.constant 50 : i32
    %get3A_687 = arith.index_cast %get3A_686 : i32 to index
    %get3A_688 = arith.constant 0 : index
    %get3A_689 = tpu.vector_load %arg11[%get3A_687, %get3A_688] {strides = array<i32>} : memref<80x16xf32, #tpu.memory_space<vmem>>, vector<16xf32>,
    %mul3A_690 = arith.mulf %get3A_689, %gather3A_685 : vector<16xf32>
    %swap3A_691 = arith.constant 50 : i32
    %swap3A_692 = arith.index_cast %swap3A_691 : i32 to index
    %swap3A_693 = arith.constant 0 : index
    %swap3A_694 = tpu.vector_load %arg11[%swap3A_692, %swap3A_693] {strides = array<i32>} : memref<80x16xf32, #tpu.memory_space<vmem>>, vector<16xf32>,
    tpu.vector_store %arg11[%swap3A_692, %swap3A_693], %mul3A_690 {strides = array<i32>} : memref<80x16xf32, #tpu.memory_space<vmem>>, vector<16xf32>,
    %broadcast_in_dim3A_695 = arith.constant 3 : i32
    %broadcast_in_dim3A_696 = vector.broadcast %broadcast_in_dim3A_695 : i32 to vector<16x1xi32>
    %gather3A_697 = vector.shape_cast %broadcast_in_dim3A_696 : vector<16x1xi32> to vector<16xi32>
    %gather3A_698 = tpu.dynamic_gather %get3A_655[%gather3A_697] in [0] : vector<16xf32>, vector<16xi32> -> vector<16xf32>
    %get3A_699 = arith.constant 51 : i32
    %get3A_700 = arith.index_cast %get3A_699 : i32 to index
    %get3A_701 = arith.constant 0 : index
    %get3A_702 = tpu.vector_load %arg11[%get3A_700, %get3A_701] {strides = array<i32>} : memref<80x16xf32, #tpu.memory_space<vmem>>, vector<16xf32>,
    %mul3A_703 = arith.mulf %get3A_702, %gather3A_698 : vector<16xf32>
    %swap3A_704 = arith.constant 51 : i32
    %swap3A_705 = arith.index_cast %swap3A_704 : i32 to index
    %swap3A_706 = arith.constant 0 : index
    %swap3A_707 = tpu.vector_load %arg11[%swap3A_705, %swap3A_706] {strides = array<i32>} : memref<80x16xf32, #tpu.memory_space<vmem>>, vector<16xf32>,
    tpu.vector_store %arg11[%swap3A_705, %swap3A_706], %mul3A_703 {strides = array<i32>} : memref<80x16xf32, #tpu.memory_space<vmem>>, vector<16xf32>,
    %broadcast_in_dim3A_708 = arith.constant 4 : i32
    %broadcast_in_dim3A_709 = vector.broadcast %broadcast_in_dim3A_708 : i32 to vector<16x1xi32>
    %gather3A_710 = vector.shape_cast %broadcast_in_dim3A_709 : vector<16x1xi32> to vector<16xi32>
    %gather3A_711 = tpu.dynamic_gather %get3A_655[%gather3A_710] in [0] : vector<16xf32>, vector<16xi32> -> vector<16xf32>
    %get3A_712 = arith.constant 52 : i32
    %get3A_713 = arith.index_cast %get3A_712 : i32 to index
    %get3A_714 = arith.constant 0 : index
    %get3A_715 = tpu.vector_load %arg11[%get3A_713, %get3A_714] {strides = array<i32>} : memref<80x16xf32, #tpu.memory_space<vmem>>, vector<16xf32>,
    %mul3A_716 = arith.mulf %get3A_715, %gather3A_711 : vector<16xf32>
    %swap3A_717 = arith.constant 52 : i32
    %swap3A_718 = arith.index_cast %swap3A_717 : i32 to index
    %swap3A_719 = arith.constant 0 : index
    %swap3A_720 = tpu.vector_load %arg11[%swap3A_718, %swap3A_719] {strides = array<i32>} : memref<80x16xf32, #tpu.memory_space<vmem>>, vector<16xf32>,
    tpu.vector_store %arg11[%swap3A_718, %swap3A_719], %mul3A_716 {strides = array<i32>} : memref<80x16xf32, #tpu.memory_space<vmem>>, vector<16xf32>,
    %broadcast_in_dim3A_721 = arith.constant 5 : i32
    %broadcast_in_dim3A_722 = vector.broadcast %broadcast_in_dim3A_721 : i32 to vector<16x1xi32>
    %gather3A_723 = vector.shape_cast %broadcast_in_dim3A_722 : vector<16x1xi32> to vector<16xi32>
    %gather3A_724 = tpu.dynamic_gather %get3A_655[%gather3A_723] in [0] : vector<16xf32>, vector<16xi32> -> vector<16xf32>
    %get3A_725 = arith.constant 53 : i32
    %get3A_726 = arith.index_cast %get3A_725 : i32 to index
    %get3A_727 = arith.constant 0 : index
    %get3A_728 = tpu.vector_load %arg11[%get3A_726, %get3A_727] {strides = array<i32>} : memref<80x16xf32, #tpu.memory_space<vmem>>, vector<16xf32>,
    %mul3A_729 = arith.mulf %get3A_728, %gather3A_724 : vector<16xf32>
    %swap3A_730 = arith.constant 53 : i32
    %swap3A_731 = arith.index_cast %swap3A_730 : i32 to index
    %swap3A_732 = arith.constant 0 : index
    %swap3A_733 = tpu.vector_load %arg11[%swap3A_731, %swap3A_732] {strides = array<i32>} : memref<80x16xf32, #tpu.memory_space<vmem>>, vector<16xf32>,
    tpu.vector_store %arg11[%swap3A_731, %swap3A_732], %mul3A_729 {strides = array<i32>} : memref<80x16xf32, #tpu.memory_space<vmem>>, vector<16xf32>,
    %broadcast_in_dim3A_734 = arith.constant 6 : i32
    %broadcast_in_dim3A_735 = vector.broadcast %broadcast_in_dim3A_734 : i32 to vector<16x1xi32>
    %gather3A_736 = vector.shape_cast %broadcast_in_dim3A_735 : vector<16x1xi32> to vector<16xi32>
    %gather3A_737 = tpu.dynamic_gather %get3A_655[%gather3A_736] in [0] : vector<16xf32>, vector<16xi32> -> vector<16xf32>
    %get3A_738 = arith.constant 54 : i32
    %get3A_739 = arith.index_cast %get3A_738 : i32 to index
    %get3A_740 = arith.constant 0 : index
    %get3A_741 = tpu.vector_load %arg11[%get3A_739, %get3A_740] {strides = array<i32>} : memref<80x16xf32, #tpu.memory_space<vmem>>, vector<16xf32>,
    %mul3A_742 = arith.mulf %get3A_741, %gather3A_737 : vector<16xf32>
    %swap3A_743 = arith.constant 54 : i32
    %swap3A_744 = arith.index_cast %swap3A_743 : i32 to index
    %swap3A_745 = arith.constant 0 : index
    %swap3A_746 = tpu.vector_load %arg11[%swap3A_744, %swap3A_745] {strides = array<i32>} : memref<80x16xf32, #tpu.memory_space<vmem>>, vector<16xf32>,
    tpu.vector_store %arg11[%swap3A_744, %swap3A_745], %mul3A_742 {strides = array<i32>} : memref<80x16xf32, #tpu.memory_space<vmem>>, vector<16xf32>,
    %broadcast_in_dim3A_747 = arith.constant 7 : i32
    %broadcast_in_dim3A_748 = vector.broadcast %broadcast_in_dim3A_747 : i32 to vector<16x1xi32>
    %gather3A_749 = vector.shape_cast %broadcast_in_dim3A_748 : vector<16x1xi32> to vector<16xi32>
    %gather3A_750 = tpu.dynamic_gather %get3A_655[%gather3A_749] in [0] : vector<16xf32>, vector<16xi32> -> vector<16xf32>
    %get3A_751 = arith.constant 55 : i32
    %get3A_752 = arith.index_cast %get3A_751 : i32 to index
    %get3A_753 = arith.constant 0 : index
    %get3A_754 = tpu.vector_load %arg11[%get3A_752, %get3A_753] {strides = array<i32>} : memref<80x16xf32, #tpu.memory_space<vmem>>, vector<16xf32>,
    %mul3A_755 = arith.mulf %get3A_754, %gather3A_750 : vector<16xf32>
    %swap3A_756 = arith.constant 55 : i32
    %swap3A_757 = arith.index_cast %swap3A_756 : i32 to index
    %swap3A_758 = arith.constant 0 : index
    %swap3A_759 = tpu.vector_load %arg11[%swap3A_757, %swap3A_758] {strides = array<i32>} : memref<80x16xf32, #tpu.memory_space<vmem>>, vector<16xf32>,
    tpu.vector_store %arg11[%swap3A_757, %swap3A_758], %mul3A_755 {strides = array<i32>} : memref<80x16xf32, #tpu.memory_space<vmem>>, vector<16xf32>,
    %broadcast_in_dim3A_760 = arith.constant 8 : i32
    %broadcast_in_dim3A_761 = vector.broadcast %broadcast_in_dim3A_760 : i32 to vector<16x1xi32>
    %gather3A_762 = vector.shape_cast %broadcast_in_dim3A_761 : vector<16x1xi32> to vector<16xi32>
    %gather3A_763 = tpu.dynamic_gather %get3A_655[%gather3A_762] in [0] : vector<16xf32>, vector<16xi32> -> vector<16xf32>
    %get3A_764 = arith.constant 56 : i32
    %get3A_765 = arith.index_cast %get3A_764 : i32 to index
    %get3A_766 = arith.constant 0 : index
    %get3A_767 = tpu.vector_load %arg11[%get3A_765, %get3A_766] {strides = array<i32>} : memref<80x16xf32, #tpu.memory_space<vmem>>, vector<16xf32>,
    %mul3A_768 = arith.mulf %get3A_767, %gather3A_763 : vector<16xf32>
    %swap3A_769 = arith.constant 56 : i32
    %swap3A_770 = arith.index_cast %swap3A_769 : i32 to index
    %swap3A_771 = arith.constant 0 : index
    %swap3A_772 = tpu.vector_load %arg11[%swap3A_770, %swap3A_771] {strides = array<i32>} : memref<80x16xf32, #tpu.memory_space<vmem>>, vector<16xf32>,
    tpu.vector_store %arg11[%swap3A_770, %swap3A_771], %mul3A_768 {strides = array<i32>} : memref<80x16xf32, #tpu.memory_space<vmem>>, vector<16xf32>,
    %broadcast_in_dim3A_773 = arith.constant 9 : i32
    %broadcast_in_dim3A_774 = vector.broadcast %broadcast_in_dim3A_773 : i32 to vector<16x1xi32>
    %gather3A_775 = vector.shape_cast %broadcast_in_dim3A_774 : vector<16x1xi32> to vector<16xi32>
    %gather3A_776 = tpu.dynamic_gather %get3A_655[%gather3A_775] in [0] : vector<16xf32>, vector<16xi32> -> vector<16xf32>
    %get3A_777 = arith.constant 57 : i32
    %get3A_778 = arith.index_cast %get3A_777 : i32 to index
    %get3A_779 = arith.constant 0 : index
    %get3A_780 = tpu.vector_load %arg11[%get3A_778, %get3A_779] {strides = array<i32>} : memref<80x16xf32, #tpu.memory_space<vmem>>, vector<16xf32>,
    %mul3A_781 = arith.mulf %get3A_780, %gather3A_776 : vector<16xf32>
    %swap3A_782 = arith.constant 57 : i32
    %swap3A_783 = arith.index_cast %swap3A_782 : i32 to index
    %swap3A_784 = arith.constant 0 : index
    %swap3A_785 = tpu.vector_load %arg11[%swap3A_783, %swap3A_784] {strides = array<i32>} : memref<80x16xf32, #tpu.memory_space<vmem>>, vector<16xf32>,
    tpu.vector_store %arg11[%swap3A_783, %swap3A_784], %mul3A_781 {strides = array<i32>} : memref<80x16xf32, #tpu.memory_space<vmem>>, vector<16xf32>,
    %broadcast_in_dim3A_786 = arith.constant 10 : i32
    %broadcast_in_dim3A_787 = vector.broadcast %broadcast_in_dim3A_786 : i32 to vector<16x1xi32>
    %gather3A_788 = vector.shape_cast %broadcast_in_dim3A_787 : vector<16x1xi32> to vector<16xi32>
    %gather3A_789 = tpu.dynamic_gather %get3A_655[%gather3A_788] in [0] : vector<16xf32>, vector<16xi32> -> vector<16xf32>
    %get3A_790 = arith.constant 58 : i32
    %get3A_791 = arith.index_cast %get3A_790 : i32 to index
    %get3A_792 = arith.constant 0 : index
    %get3A_793 = tpu.vector_load %arg11[%get3A_791, %get3A_792] {strides = array<i32>} : memref<80x16xf32, #tpu.memory_space<vmem>>, vector<16xf32>,
    %mul3A_794 = arith.mulf %get3A_793, %gather3A_789 : vector<16xf32>
    %swap3A_795 = arith.constant 58 : i32
    %swap3A_796 = arith.index_cast %swap3A_795 : i32 to index
    %swap3A_797 = arith.constant 0 : index
    %swap3A_798 = tpu.vector_load %arg11[%swap3A_796, %swap3A_797] {strides = array<i32>} : memref<80x16xf32, #tpu.memory_space<vmem>>, vector<16xf32>,
    tpu.vector_store %arg11[%swap3A_796, %swap3A_797], %mul3A_794 {strides = array<i32>} : memref<80x16xf32, #tpu.memory_space<vmem>>, vector<16xf32>,
    %broadcast_in_dim3A_799 = arith.constant 11 : i32
    %broadcast_in_dim3A_800 = vector.broadcast %broadcast_in_dim3A_799 : i32 to vector<16x1xi32>
    %gather3A_801 = vector.shape_cast %broadcast_in_dim3A_800 : vector<16x1xi32> to vector<16xi32>
    %gather3A_802 = tpu.dynamic_gather %get3A_655[%gather3A_801] in [0] : vector<16xf32>, vector<16xi32> -> vector<16xf32>
    %get3A_803 = arith.constant 59 : i32
    %get3A_804 = arith.index_cast %get3A_803 : i32 to index
    %get3A_805 = arith.constant 0 : index
    %get3A_806 = tpu.vector_load %arg11[%get3A_804, %get3A_805] {strides = array<i32>} : memref<80x16xf32, #tpu.memory_space<vmem>>, vector<16xf32>,
    %mul3A_807 = arith.mulf %get3A_806, %gather3A_802 : vector<16xf32>
    %swap3A_808 = arith.constant 59 : i32
    %swap3A_809 = arith.index_cast %swap3A_808 : i32 to index
    %swap3A_810 = arith.constant 0 : index
    %swap3A_811 = tpu.vector_load %arg11[%swap3A_809, %swap3A_810] {strides = array<i32>} : memref<80x16xf32, #tpu.memory_space<vmem>>, vector<16xf32>,
    tpu.vector_store %arg11[%swap3A_809, %swap3A_810], %mul3A_807 {strides = array<i32>} : memref<80x16xf32, #tpu.memory_space<vmem>>, vector<16xf32>,
    %broadcast_in_dim3A_812 = arith.constant 12 : i32
    %broadcast_in_dim3A_813 = vector.broadcast %broadcast_in_dim3A_812 : i32 to vector<16x1xi32>
    %gather3A_814 = vector.shape_cast %broadcast_in_dim3A_813 : vector<16x1xi32> to vector<16xi32>
    %gather3A_815 = tpu.dynamic_gather %get3A_655[%gather3A_814] in [0] : vector<16xf32>, vector<16xi32> -> vector<16xf32>
    %get3A_816 = arith.constant 60 : i32
    %get3A_817 = arith.index_cast %get3A_816 : i32 to index
    %get3A_818 = arith.constant 0 : index
    %get3A_819 = tpu.vector_load %arg11[%get3A_817, %get3A_818] {strides = array<i32>} : memref<80x16xf32, #tpu.memory_space<vmem>>, vector<16xf32>,
    %mul3A_820 = arith.mulf %get3A_819, %gather3A_815 : vector<16xf32>
    %swap3A_821 = arith.constant 60 : i32
    %swap3A_822 = arith.index_cast %swap3A_821 : i32 to index
    %swap3A_823 = arith.constant 0 : index
    %swap3A_824 = tpu.vector_load %arg11[%swap3A_822, %swap3A_823] {strides = array<i32>} : memref<80x16xf32, #tpu.memory_space<vmem>>, vector<16xf32>,
    tpu.vector_store %arg11[%swap3A_822, %swap3A_823], %mul3A_820 {strides = array<i32>} : memref<80x16xf32, #tpu.memory_space<vmem>>, vector<16xf32>,
    %broadcast_in_dim3A_825 = arith.constant 13 : i32
    %broadcast_in_dim3A_826 = vector.broadcast %broadcast_in_dim3A_825 : i32 to vector<16x1xi32>
    %gather3A_827 = vector.shape_cast %broadcast_in_dim3A_826 : vector<16x1xi32> to vector<16xi32>
    %gather3A_828 = tpu.dynamic_gather %get3A_655[%gather3A_827] in [0] : vector<16xf32>, vector<16xi32> -> vector<16xf32>
    %get3A_829 = arith.constant 61 : i32
    %get3A_830 = arith.index_cast %get3A_829 : i32 to index
    %get3A_831 = arith.constant 0 : index
    %get3A_832 = tpu.vector_load %arg11[%get3A_830, %get3A_831] {strides = array<i32>} : memref<80x16xf32, #tpu.memory_space<vmem>>, vector<16xf32>,
    %mul3A_833 = arith.mulf %get3A_832, %gather3A_828 : vector<16xf32>
    %swap3A_834 = arith.constant 61 : i32
    %swap3A_835 = arith.index_cast %swap3A_834 : i32 to index
    %swap3A_836 = arith.constant 0 : index
    %swap3A_837 = tpu.vector_load %arg11[%swap3A_835, %swap3A_836] {strides = array<i32>} : memref<80x16xf32, #tpu.memory_space<vmem>>, vector<16xf32>,
    tpu.vector_store %arg11[%swap3A_835, %swap3A_836], %mul3A_833 {strides = array<i32>} : memref<80x16xf32, #tpu.memory_space<vmem>>, vector<16xf32>,
    %broadcast_in_dim3A_838 = arith.constant 14 : i32
    %broadcast_in_dim3A_839 = vector.broadcast %broadcast_in_dim3A_838 : i32 to vector<16x1xi32>
    %gather3A_840 = vector.shape_cast %broadcast_in_dim3A_839 : vector<16x1xi32> to vector<16xi32>
    %gather3A_841 = tpu.dynamic_gather %get3A_655[%gather3A_840] in [0] : vector<16xf32>, vector<16xi32> -> vector<16xf32>
    %get3A_842 = arith.constant 62 : i32
    %get3A_843 = arith.index_cast %get3A_842 : i32 to index
    %get3A_844 = arith.constant 0 : index
    %get3A_845 = tpu.vector_load %arg11[%get3A_843, %get3A_844] {strides = array<i32>} : memref<80x16xf32, #tpu.memory_space<vmem>>, vector<16xf32>,
    %mul3A_846 = arith.mulf %get3A_845, %gather3A_841 : vector<16xf32>
    %swap3A_847 = arith.constant 62 : i32
    %swap3A_848 = arith.index_cast %swap3A_847 : i32 to index
    %swap3A_849 = arith.constant 0 : index
    %swap3A_850 = tpu.vector_load %arg11[%swap3A_848, %swap3A_849] {strides = array<i32>} : memref<80x16xf32, #tpu.memory_space<vmem>>, vector<16xf32>,
    tpu.vector_store %arg11[%swap3A_848, %swap3A_849], %mul3A_846 {strides = array<i32>} : memref<80x16xf32, #tpu.memory_space<vmem>>, vector<16xf32>,
    %broadcast_in_dim3A_851 = arith.constant 15 : i32
    %broadcast_in_dim3A_852 = vector.broadcast %broadcast_in_dim3A_851 : i32 to vector<16x1xi32>
    %gather3A_853 = vector.shape_cast %broadcast_in_dim3A_852 : vector<16x1xi32> to vector<16xi32>
    %gather3A_854 = tpu.dynamic_gather %get3A_655[%gather3A_853] in [0] : vector<16xf32>, vector<16xi32> -> vector<16xf32>
    %get3A_855 = arith.constant 63 : i32
    %get3A_856 = arith.index_cast %get3A_855 : i32 to index
    %get3A_857 = arith.constant 0 : index
    %get3A_858 = tpu.vector_load %arg11[%get3A_856, %get3A_857] {strides = array<i32>} : memref<80x16xf32, #tpu.memory_space<vmem>>, vector<16xf32>,
    %mul3A_859 = arith.mulf %get3A_858, %gather3A_854 : vector<16xf32>
    %swap3A_860 = arith.constant 63 : i32
    %swap3A_861 = arith.index_cast %swap3A_860 : i32 to index
    %swap3A_862 = arith.constant 0 : index
    %swap3A_863 = tpu.vector_load %arg11[%swap3A_861, %swap3A_862] {strides = array<i32>} : memref<80x16xf32, #tpu.memory_space<vmem>>, vector<16xf32>,
    tpu.vector_store %arg11[%swap3A_861, %swap3A_862], %mul3A_859 {strides = array<i32>} : memref<80x16xf32, #tpu.memory_space<vmem>>, vector<16xf32>,
    %get3A_864 = arith.constant 124 : i32
    %get3A_865 = arith.index_cast %get3A_864 : i32 to index
    %get3A_866 = arith.constant 64 : index
    %get3A_867 = tpu.vector_load %arg10[%get3A_865, %get3A_866] {strides = array<i32>} : memref<125x80xf32, #tpu.memory_space<vmem>>, vector<16xf32>,
    %broadcast_in_dim3A_868 = arith.constant 0 : i32
    %broadcast_in_dim3A_869 = vector.broadcast %broadcast_in_dim3A_868 : i32 to vector<16x1xi32>
    %gather3A_870 = vector.shape_cast %broadcast_in_dim3A_869 : vector<16x1xi32> to vector<16xi32>
    %gather3A_871 = tpu.dynamic_gather %get3A_867[%gather3A_870] in [0] : vector<16xf32>, vector<16xi32> -> vector<16xf32>
    %get3A_872 = arith.constant 64 : i32
    %get3A_873 = arith.index_cast %get3A_872 : i32 to index
    %get3A_874 = arith.constant 0 : index
    %get3A_875 = tpu.vector_load %arg11[%get3A_873, %get3A_874] {strides = array<i32>} : memref<80x16xf32, #tpu.memory_space<vmem>>, vector<16xf32>,
    %mul3A_876 = arith.mulf %get3A_875, %gather3A_871 : vector<16xf32>
    %swap3A_877 = arith.constant 64 : i32
    %swap3A_878 = arith.index_cast %swap3A_877 : i32 to index
    %swap3A_879 = arith.constant 0 : index
    %swap3A_880 = tpu.vector_load %arg11[%swap3A_878, %swap3A_879] {strides = array<i32>} : memref<80x16xf32, #tpu.memory_space<vmem>>, vector<16xf32>,
    tpu.vector_store %arg11[%swap3A_878, %swap3A_879], %mul3A_876 {strides = array<i32>} : memref<80x16xf32, #tpu.memory_space<vmem>>, vector<16xf32>,
    %broadcast_in_dim3A_881 = arith.constant 1 : i32
    %broadcast_in_dim3A_882 = vector.broadcast %broadcast_in_dim3A_881 : i32 to vector<16x1xi32>
    %gather3A_883 = vector.shape_cast %broadcast_in_dim3A_882 : vector<16x1xi32> to vector<16xi32>
    %gather3A_884 = tpu.dynamic_gather %get3A_867[%gather3A_883] in [0] : vector<16xf32>, vector<16xi32> -> vector<16xf32>
    %get3A_885 = arith.constant 65 : i32
    %get3A_886 = arith.index_cast %get3A_885 : i32 to index
    %get3A_887 = arith.constant 0 : index
    %get3A_888 = tpu.vector_load %arg11[%get3A_886, %get3A_887] {strides = array<i32>} : memref<80x16xf32, #tpu.memory_space<vmem>>, vector<16xf32>,
    %mul3A_889 = arith.mulf %get3A_888, %gather3A_884 : vector<16xf32>
    %swap3A_890 = arith.constant 65 : i32
    %swap3A_891 = arith.index_cast %swap3A_890 : i32 to index
    %swap3A_892 = arith.constant 0 : index
    %swap3A_893 = tpu.vector_load %arg11[%swap3A_891, %swap3A_892] {strides = array<i32>} : memref<80x16xf32, #tpu.memory_space<vmem>>, vector<16xf32>,
    tpu.vector_store %arg11[%swap3A_891, %swap3A_892], %mul3A_889 {strides = array<i32>} : memref<80x16xf32, #tpu.memory_space<vmem>>, vector<16xf32>,
    %broadcast_in_dim3A_894 = arith.constant 2 : i32
    %broadcast_in_dim3A_895 = vector.broadcast %broadcast_in_dim3A_894 : i32 to vector<16x1xi32>
    %gather3A_896 = vector.shape_cast %broadcast_in_dim3A_895 : vector<16x1xi32> to vector<16xi32>
    %gather3A_897 = tpu.dynamic_gather %get3A_867[%gather3A_896] in [0] : vector<16xf32>, vector<16xi32> -> vector<16xf32>
    %get3A_898 = arith.constant 66 : i32
    %get3A_899 = arith.index_cast %get3A_898 : i32 to index
    %get3A_900 = arith.constant 0 : index
    %get3A_901 = tpu.vector_load %arg11[%get3A_899, %get3A_900] {strides = array<i32>} : memref<80x16xf32, #tpu.memory_space<vmem>>, vector<16xf32>,
    %mul3A_902 = arith.mulf %get3A_901, %gather3A_897 : vector<16xf32>
    %swap3A_903 = arith.constant 66 : i32
    %swap3A_904 = arith.index_cast %swap3A_903 : i32 to index
    %swap3A_905 = arith.constant 0 : index
    %swap3A_906 = tpu.vector_load %arg11[%swap3A_904, %swap3A_905] {strides = array<i32>} : memref<80x16xf32, #tpu.memory_space<vmem>>, vector<16xf32>,
    tpu.vector_store %arg11[%swap3A_904, %swap3A_905], %mul3A_902 {strides = array<i32>} : memref<80x16xf32, #tpu.memory_space<vmem>>, vector<16xf32>,
    %broadcast_in_dim3A_907 = arith.constant 3 : i32
    %broadcast_in_dim3A_908 = vector.broadcast %broadcast_in_dim3A_907 : i32 to vector<16x1xi32>
    %gather3A_909 = vector.shape_cast %broadcast_in_dim3A_908 : vector<16x1xi32> to vector<16xi32>
    %gather3A_910 = tpu.dynamic_gather %get3A_867[%gather3A_909] in [0] : vector<16xf32>, vector<16xi32> -> vector<16xf32>
    %get3A_911 = arith.constant 67 : i32
    %get3A_912 = arith.index_cast %get3A_911 : i32 to index
    %get3A_913 = arith.constant 0 : index
    %get3A_914 = tpu.vector_load %arg11[%get3A_912, %get3A_913] {strides = array<i32>} : memref<80x16xf32, #tpu.memory_space<vmem>>, vector<16xf32>,
    %mul3A_915 = arith.mulf %get3A_914, %gather3A_910 : vector<16xf32>
    %swap3A_916 = arith.constant 67 : i32
    %swap3A_917 = arith.index_cast %swap3A_916 : i32 to index
    %swap3A_918 = arith.constant 0 : index
    %swap3A_919 = tpu.vector_load %arg11[%swap3A_917, %swap3A_918] {strides = array<i32>} : memref<80x16xf32, #tpu.memory_space<vmem>>, vector<16xf32>,
    tpu.vector_store %arg11[%swap3A_917, %swap3A_918], %mul3A_915 {strides = array<i32>} : memref<80x16xf32, #tpu.memory_space<vmem>>, vector<16xf32>,
    %broadcast_in_dim3A_920 = arith.constant 4 : i32
    %broadcast_in_dim3A_921 = vector.broadcast %broadcast_in_dim3A_920 : i32 to vector<16x1xi32>
    %gather3A_922 = vector.shape_cast %broadcast_in_dim3A_921 : vector<16x1xi32> to vector<16xi32>
    %gather3A_923 = tpu.dynamic_gather %get3A_867[%gather3A_922] in [0] : vector<16xf32>, vector<16xi32> -> vector<16xf32>
    %get3A_924 = arith.constant 68 : i32
    %get3A_925 = arith.index_cast %get3A_924 : i32 to index
    %get3A_926 = arith.constant 0 : index
    %get3A_927 = tpu.vector_load %arg11[%get3A_925, %get3A_926] {strides = array<i32>} : memref<80x16xf32, #tpu.memory_space<vmem>>, vector<16xf32>,
    %mul3A_928 = arith.mulf %get3A_927, %gather3A_923 : vector<16xf32>
    %swap3A_929 = arith.constant 68 : i32
    %swap3A_930 = arith.index_cast %swap3A_929 : i32 to index
    %swap3A_931 = arith.constant 0 : index
    %swap3A_932 = tpu.vector_load %arg11[%swap3A_930, %swap3A_931] {strides = array<i32>} : memref<80x16xf32, #tpu.memory_space<vmem>>, vector<16xf32>,
    tpu.vector_store %arg11[%swap3A_930, %swap3A_931], %mul3A_928 {strides = array<i32>} : memref<80x16xf32, #tpu.memory_space<vmem>>, vector<16xf32>,
    %broadcast_in_dim3A_933 = arith.constant 5 : i32
    %broadcast_in_dim3A_934 = vector.broadcast %broadcast_in_dim3A_933 : i32 to vector<16x1xi32>
    %gather3A_935 = vector.shape_cast %broadcast_in_dim3A_934 : vector<16x1xi32> to vector<16xi32>
    %gather3A_936 = tpu.dynamic_gather %get3A_867[%gather3A_935] in [0] : vector<16xf32>, vector<16xi32> -> vector<16xf32>
    %get3A_937 = arith.constant 69 : i32
    %get3A_938 = arith.index_cast %get3A_937 : i32 to index
    %get3A_939 = arith.constant 0 : index
    %get3A_940 = tpu.vector_load %arg11[%get3A_938, %get3A_939] {strides = array<i32>} : memref<80x16xf32, #tpu.memory_space<vmem>>, vector<16xf32>,
    %mul3A_941 = arith.mulf %get3A_940, %gather3A_936 : vector<16xf32>
    %swap3A_942 = arith.constant 69 : i32
    %swap3A_943 = arith.index_cast %swap3A_942 : i32 to index
    %swap3A_944 = arith.constant 0 : index
    %swap3A_945 = tpu.vector_load %arg11[%swap3A_943, %swap3A_944] {strides = array<i32>} : memref<80x16xf32, #tpu.memory_space<vmem>>, vector<16xf32>,
    tpu.vector_store %arg11[%swap3A_943, %swap3A_944], %mul3A_941 {strides = array<i32>} : memref<80x16xf32, #tpu.memory_space<vmem>>, vector<16xf32>,
    %broadcast_in_dim3A_946 = arith.constant 6 : i32
    %broadcast_in_dim3A_947 = vector.broadcast %broadcast_in_dim3A_946 : i32 to vector<16x1xi32>
    %gather3A_948 = vector.shape_cast %broadcast_in_dim3A_947 : vector<16x1xi32> to vector<16xi32>
    %gather3A_949 = tpu.dynamic_gather %get3A_867[%gather3A_948] in [0] : vector<16xf32>, vector<16xi32> -> vector<16xf32>
    %get3A_950 = arith.constant 70 : i32
    %get3A_951 = arith.index_cast %get3A_950 : i32 to index
    %get3A_952 = arith.constant 0 : index
    %get3A_953 = tpu.vector_load %arg11[%get3A_951, %get3A_952] {strides = array<i32>} : memref<80x16xf32, #tpu.memory_space<vmem>>, vector<16xf32>,
    %mul3A_954 = arith.mulf %get3A_953, %gather3A_949 : vector<16xf32>
    %swap3A_955 = arith.constant 70 : i32
    %swap3A_956 = arith.index_cast %swap3A_955 : i32 to index
    %swap3A_957 = arith.constant 0 : index
    %swap3A_958 = tpu.vector_load %arg11[%swap3A_956, %swap3A_957] {strides = array<i32>} : memref<80x16xf32, #tpu.memory_space<vmem>>, vector<16xf32>,
    tpu.vector_store %arg11[%swap3A_956, %swap3A_957], %mul3A_954 {strides = array<i32>} : memref<80x16xf32, #tpu.memory_space<vmem>>, vector<16xf32>,
    %broadcast_in_dim3A_959 = arith.constant 7 : i32
    %broadcast_in_dim3A_960 = vector.broadcast %broadcast_in_dim3A_959 : i32 to vector<16x1xi32>
    %gather3A_961 = vector.shape_cast %broadcast_in_dim3A_960 : vector<16x1xi32> to vector<16xi32>
    %gather3A_962 = tpu.dynamic_gather %get3A_867[%gather3A_961] in [0] : vector<16xf32>, vector<16xi32> -> vector<16xf32>
    %get3A_963 = arith.constant 71 : i32
    %get3A_964 = arith.index_cast %get3A_963 : i32 to index
    %get3A_965 = arith.constant 0 : index
    %get3A_966 = tpu.vector_load %arg11[%get3A_964, %get3A_965] {strides = array<i32>} : memref<80x16xf32, #tpu.memory_space<vmem>>, vector<16xf32>,
    %mul3A_967 = arith.mulf %get3A_966, %gather3A_962 : vector<16xf32>
    %swap3A_968 = arith.constant 71 : i32
    %swap3A_969 = arith.index_cast %swap3A_968 : i32 to index
    %swap3A_970 = arith.constant 0 : index
    %swap3A_971 = tpu.vector_load %arg11[%swap3A_969, %swap3A_970] {strides = array<i32>} : memref<80x16xf32, #tpu.memory_space<vmem>>, vector<16xf32>,
    tpu.vector_store %arg11[%swap3A_969, %swap3A_970], %mul3A_967 {strides = array<i32>} : memref<80x16xf32, #tpu.memory_space<vmem>>, vector<16xf32>,
    %broadcast_in_dim3A_972 = arith.constant 8 : i32
    %broadcast_in_dim3A_973 = vector.broadcast %broadcast_in_dim3A_972 : i32 to vector<16x1xi32>
    %gather3A_974 = vector.shape_cast %broadcast_in_dim3A_973 : vector<16x1xi32> to vector<16xi32>
    %gather3A_975 = tpu.dynamic_gather %get3A_867[%gather3A_974] in [0] : vector<16xf32>, vector<16xi32> -> vector<16xf32>
    %get3A_976 = arith.constant 72 : i32
    %get3A_977 = arith.index_cast %get3A_976 : i32 to index
    %get3A_978 = arith.constant 0 : index
    %get3A_979 = tpu.vector_load %arg11[%get3A_977, %get3A_978] {strides = array<i32>} : memref<80x16xf32, #tpu.memory_space<vmem>>, vector<16xf32>,
    %mul3A_980 = arith.mulf %get3A_979, %gather3A_975 : vector<16xf32>
    %swap3A_981 = arith.constant 72 : i32
    %swap3A_982 = arith.index_cast %swap3A_981 : i32 to index
    %swap3A_983 = arith.constant 0 : index
    %swap3A_984 = tpu.vector_load %arg11[%swap3A_982, %swap3A_983] {strides = array<i32>} : memref<80x16xf32, #tpu.memory_space<vmem>>, vector<16xf32>,
    tpu.vector_store %arg11[%swap3A_982, %swap3A_983], %mul3A_980 {strides = array<i32>} : memref<80x16xf32, #tpu.memory_space<vmem>>, vector<16xf32>,
    %broadcast_in_dim3A_985 = arith.constant 9 : i32
    %broadcast_in_dim3A_986 = vector.broadcast %broadcast_in_dim3A_985 : i32 to vector<16x1xi32>
    %gather3A_987 = vector.shape_cast %broadcast_in_dim3A_986 : vector<16x1xi32> to vector<16xi32>
    %gather3A_988 = tpu.dynamic_gather %get3A_867[%gather3A_987] in [0] : vector<16xf32>, vector<16xi32> -> vector<16xf32>
    %get3A_989 = arith.constant 73 : i32
    %get3A_990 = arith.index_cast %get3A_989 : i32 to index
    %get3A_991 = arith.constant 0 : index
    %get3A_992 = tpu.vector_load %arg11[%get3A_990, %get3A_991] {strides = array<i32>} : memref<80x16xf32, #tpu.memory_space<vmem>>, vector<16xf32>,
    %mul3A_993 = arith.mulf %get3A_992, %gather3A_988 : vector<16xf32>
    %swap3A_994 = arith.constant 73 : i32
    %swap3A_995 = arith.index_cast %swap3A_994 : i32 to index
    %swap3A_996 = arith.constant 0 : index
    %swap3A_997 = tpu.vector_load %arg11[%swap3A_995, %swap3A_996] {strides = array<i32>} : memref<80x16xf32, #tpu.memory_space<vmem>>, vector<16xf32>,
    tpu.vector_store %arg11[%swap3A_995, %swap3A_996], %mul3A_993 {strides = array<i32>} : memref<80x16xf32, #tpu.memory_space<vmem>>, vector<16xf32>,
    %broadcast_in_dim3A_998 = arith.constant 10 : i32
    %broadcast_in_dim3A_999 = vector.broadcast %broadcast_in_dim3A_998 : i32 to vector<16x1xi32>
    %gather3A_1000 = vector.shape_cast %broadcast_in_dim3A_999 : vector<16x1xi32> to vector<16xi32>
    %gather3A_1001 = tpu.dynamic_gather %get3A_867[%gather3A_1000] in [0] : vector<16xf32>, vector<16xi32> -> vector<16xf32>
    %get3A_1002 = arith.constant 74 : i32
    %get3A_1003 = arith.index_cast %get3A_1002 : i32 to index
    %get3A_1004 = arith.constant 0 : index
    %get3A_1005 = tpu.vector_load %arg11[%get3A_1003, %get3A_1004] {strides = array<i32>} : memref<80x16xf32, #tpu.memory_space<vmem>>, vector<16xf32>,
    %mul3A_1006 = arith.mulf %get3A_1005, %gather3A_1001 : vector<16xf32>
    %swap3A_1007 = arith.constant 74 : i32
    %swap3A_1008 = arith.index_cast %swap3A_1007 : i32 to index
    %swap3A_1009 = arith.constant 0 : index
    %swap3A_1010 = tpu.vector_load %arg11[%swap3A_1008, %swap3A_1009] {strides = array<i32>} : memref<80x16xf32, #tpu.memory_space<vmem>>, vector<16xf32>,
    tpu.vector_store %arg11[%swap3A_1008, %swap3A_1009], %mul3A_1006 {strides = array<i32>} : memref<80x16xf32, #tpu.memory_space<vmem>>, vector<16xf32>,
    %broadcast_in_dim3A_1011 = arith.constant 11 : i32
    %broadcast_in_dim3A_1012 = vector.broadcast %broadcast_in_dim3A_1011 : i32 to vector<16x1xi32>
    %gather3A_1013 = vector.shape_cast %broadcast_in_dim3A_1012 : vector<16x1xi32> to vector<16xi32>
    %gather3A_1014 = tpu.dynamic_gather %get3A_867[%gather3A_1013] in [0] : vector<16xf32>, vector<16xi32> -> vector<16xf32>
    %get3A_1015 = arith.constant 75 : i32
    %get3A_1016 = arith.index_cast %get3A_1015 : i32 to index
    %get3A_1017 = arith.constant 0 : index
    %get3A_1018 = tpu.vector_load %arg11[%get3A_1016, %get3A_1017] {strides = array<i32>} : memref<80x16xf32, #tpu.memory_space<vmem>>, vector<16xf32>,
    %mul3A_1019 = arith.mulf %get3A_1018, %gather3A_1014 : vector<16xf32>
    %swap3A_1020 = arith.constant 75 : i32
    %swap3A_1021 = arith.index_cast %swap3A_1020 : i32 to index
    %swap3A_1022 = arith.constant 0 : index
    %swap3A_1023 = tpu.vector_load %arg11[%swap3A_1021, %swap3A_1022] {strides = array<i32>} : memref<80x16xf32, #tpu.memory_space<vmem>>, vector<16xf32>,
    tpu.vector_store %arg11[%swap3A_1021, %swap3A_1022], %mul3A_1019 {strides = array<i32>} : memref<80x16xf32, #tpu.memory_space<vmem>>, vector<16xf32>,
    %broadcast_in_dim3A_1024 = arith.constant 12 : i32
    %broadcast_in_dim3A_1025 = vector.broadcast %broadcast_in_dim3A_1024 : i32 to vector<16x1xi32>
    %gather3A_1026 = vector.shape_cast %broadcast_in_dim3A_1025 : vector<16x1xi32> to vector<16xi32>
    %gather3A_1027 = tpu.dynamic_gather %get3A_867[%gather3A_1026] in [0] : vector<16xf32>, vector<16xi32> -> vector<16xf32>
    %get3A_1028 = arith.constant 76 : i32
    %get3A_1029 = arith.index_cast %get3A_1028 : i32 to index
    %get3A_1030 = arith.constant 0 : index
    %get3A_1031 = tpu.vector_load %arg11[%get3A_1029, %get3A_1030] {strides = array<i32>} : memref<80x16xf32, #tpu.memory_space<vmem>>, vector<16xf32>,
    %mul3A_1032 = arith.mulf %get3A_1031, %gather3A_1027 : vector<16xf32>
    %swap3A_1033 = arith.constant 76 : i32
    %swap3A_1034 = arith.index_cast %swap3A_1033 : i32 to index
    %swap3A_1035 = arith.constant 0 : index
    %swap3A_1036 = tpu.vector_load %arg11[%swap3A_1034, %swap3A_1035] {strides = array<i32>} : memref<80x16xf32, #tpu.memory_space<vmem>>, vector<16xf32>,
    tpu.vector_store %arg11[%swap3A_1034, %swap3A_1035], %mul3A_1032 {strides = array<i32>} : memref<80x16xf32, #tpu.memory_space<vmem>>, vector<16xf32>,
    %broadcast_in_dim3A_1037 = arith.constant 13 : i32
    %broadcast_in_dim3A_1038 = vector.broadcast %broadcast_in_dim3A_1037 : i32 to vector<16x1xi32>
    %gather3A_1039 = vector.shape_cast %broadcast_in_dim3A_1038 : vector<16x1xi32> to vector<16xi32>
    %gather3A_1040 = tpu.dynamic_gather %get3A_867[%gather3A_1039] in [0] : vector<16xf32>, vector<16xi32> -> vector<16xf32>
    %get3A_1041 = arith.constant 77 : i32
    %get3A_1042 = arith.index_cast %get3A_1041 : i32 to index
    %get3A_1043 = arith.constant 0 : index
    %get3A_1044 = tpu.vector_load %arg11[%get3A_1042, %get3A_1043] {strides = array<i32>} : memref<80x16xf32, #tpu.memory_space<vmem>>, vector<16xf32>,
    %mul3A_1045 = arith.mulf %get3A_1044, %gather3A_1040 : vector<16xf32>
    %swap3A_1046 = arith.constant 77 : i32
    %swap3A_1047 = arith.index_cast %swap3A_1046 : i32 to index
    %swap3A_1048 = arith.constant 0 : index
    %swap3A_1049 = tpu.vector_load %arg11[%swap3A_1047, %swap3A_1048] {strides = array<i32>} : memref<80x16xf32, #tpu.memory_space<vmem>>, vector<16xf32>,
    tpu.vector_store %arg11[%swap3A_1047, %swap3A_1048], %mul3A_1045 {strides = array<i32>} : memref<80x16xf32, #tpu.memory_space<vmem>>, vector<16xf32>,
    %broadcast_in_dim3A_1050 = arith.constant 14 : i32
    %broadcast_in_dim3A_1051 = vector.broadcast %broadcast_in_dim3A_1050 : i32 to vector<16x1xi32>
    %gather3A_1052 = vector.shape_cast %broadcast_in_dim3A_1051 : vector<16x1xi32> to vector<16xi32>
    %gather3A_1053 = tpu.dynamic_gather %get3A_867[%gather3A_1052] in [0] : vector<16xf32>, vector<16xi32> -> vector<16xf32>
    %get3A_1054 = arith.constant 78 : i32
    %get3A_1055 = arith.index_cast %get3A_1054 : i32 to index
    %get3A_1056 = arith.constant 0 : index
    %get3A_1057 = tpu.vector_load %arg11[%get3A_1055, %get3A_1056] {strides = array<i32>} : memref<80x16xf32, #tpu.memory_space<vmem>>, vector<16xf32>,
    %mul3A_1058 = arith.mulf %get3A_1057, %gather3A_1053 : vector<16xf32>
    %swap3A_1059 = arith.constant 78 : i32
    %swap3A_1060 = arith.index_cast %swap3A_1059 : i32 to index
    %swap3A_1061 = arith.constant 0 : index
    %swap3A_1062 = tpu.vector_load %arg11[%swap3A_1060, %swap3A_1061] {strides = array<i32>} : memref<80x16xf32, #tpu.memory_space<vmem>>, vector<16xf32>,
    tpu.vector_store %arg11[%swap3A_1060, %swap3A_1061], %mul3A_1058 {strides = array<i32>} : memref<80x16xf32, #tpu.memory_space<vmem>>, vector<16xf32>,
    %broadcast_in_dim3A_1063 = arith.constant 15 : i32
    %broadcast_in_dim3A_1064 = vector.broadcast %broadcast_in_dim3A_1063 : i32 to vector<16x1xi32>
    %gather3A_1065 = vector.shape_cast %broadcast_in_dim3A_1064 : vector<16x1xi32> to vector<16xi32>
    %gather3A_1066 = tpu.dynamic_gather %get3A_867[%gather3A_1065] in [0] : vector<16xf32>, vector<16xi32> -> vector<16xf32>
    %get3A_1067 = arith.constant 79 : i32
    %get3A_1068 = arith.index_cast %get3A_1067 : i32 to index
    %get3A_1069 = arith.constant 0 : index
    %get3A_1070 = tpu.vector_load %arg11[%get3A_1068, %get3A_1069] {strides = array<i32>} : memref<80x16xf32, #tpu.memory_space<vmem>>, vector<16xf32>,
    %mul3A_1071 = arith.mulf %get3A_1070, %gather3A_1066 : vector<16xf32>
    %swap3A_1072 = arith.constant 79 : i32
    %swap3A_1073 = arith.index_cast %swap3A_1072 : i32 to index
    %swap3A_1074 = arith.constant 0 : index
    %swap3A_1075 = tpu.vector_load %arg11[%swap3A_1073, %swap3A_1074] {strides = array<i32>} : memref<80x16xf32, #tpu.memory_space<vmem>>, vector<16xf32>,
    tpu.vector_store %arg11[%swap3A_1073, %swap3A_1074], %mul3A_1071 {strides = array<i32>} : memref<80x16xf32, #tpu.memory_space<vmem>>, vector<16xf32>,
    %run_scoped3A = arith.constant 124 : i32
    "tpu.region"() ({
      %run_scoped3A_1082 = tpu.sem_alloc : memref<!tpu.dma_semaphore, #tpu.memory_space<semaphore_mem>>
      %dma_start3A_1083 = arith.constant 0 : i32
      %dma_start3A_1084 = tpu.memref_slice %arg9[%run_scoped3A, %dma_start3A_1083] : memref<125x80xi32, #tpu.memory_space<vmem>> -> memref<1x80xi32, #tpu.memory_space<vmem>>
      %dma_start3A_1085 = tpu.memref_squeeze %dma_start3A_1084 : memref<1x80xi32, #tpu.memory_space<vmem>> -> memref<80xi32, #tpu.memory_space<vmem>>
      %dma_start3A_1086 = arith.constant 0 : i32
      %dma_start3A_1087 = arith.constant 0 : i32
      %dma_start3A_1088 = tpu.memref_slice %arg13[%dma_start3A_1086, %dma_start3A_1087] : memref<10000x16xf32, #tpu.memory_space<vmem_shared>> -> memref<10000x16xf32, #tpu.memory_space<vmem_shared>>
      tpu.enqueue_indirect_dma source(%arg11 : memref<80x16xf32, #tpu.memory_space<vmem>>) target(%dma_start3A_1088 : memref<10000x16xf32, #tpu.memory_space<vmem_shared>>) offsets(%dma_start3A_1085 : memref<80xi32, #tpu.memory_space<vmem>>) semaphore(%run_scoped3A_1082 : memref<!tpu.dma_semaphore, #tpu.memory_space<semaphore_mem>>) {add = true}
      %dma_wait3A_1089 = arith.constant 0 : i32
      %dma_wait3A_1090 = tpu.memref_slice %arg9[%run_scoped3A, %dma_wait3A_1089] : memref<125x80xi32, #tpu.memory_space<vmem>> -> memref<1x80xi32, #tpu.memory_space<vmem>>
      %dma_wait3A_1091 = tpu.memref_squeeze %dma_wait3A_1090 : memref<1x80xi32, #tpu.memory_space<vmem>> -> memref<80xi32, #tpu.memory_space<vmem>>
      %dma_wait3A_1092 = arith.constant 0 : i32
      %dma_wait3A_1093 = arith.constant 0 : i32
      %dma_wait3A_1094 = tpu.memref_slice %arg13[%dma_wait3A_1092, %dma_wait3A_1093] : memref<10000x16xf32, #tpu.memory_space<vmem_shared>> -> memref<10000x16xf32, #tpu.memory_space<vmem_shared>>
      tpu.wait_indirect_dma semaphore(%run_scoped3A_1082 : memref<!tpu.dma_semaphore, #tpu.memory_space<semaphore_mem>>) src(%arg11 : memref<80x16xf32, #tpu.memory_space<vmem>>) dst(%dma_wait3A_1094 : memref<10000x16xf32, #tpu.memory_space<vmem_shared>>)
      tpu.yield
    }) : () -> ()
    %barrier3A_1076 = arith.constant 0 : index
    tpu.barrier barrier_id(%barrier3A_1076)
    %eq3A_1077 = arith.constant 0 : i32
    %eq3A_1078 = arith.cmpi eq, %arg1, %eq3A_1077 : i32
    %convert_element_type3A_1079 = arith.extui %eq3A_1078 : i1 to i32
    %cond3A_1080 = arith.constant 0 : i32
    %cond3A_1081 = arith.cmpi ne, %convert_element_type3A_1079, %cond3A_1080 : i32
    scf.if %cond3A_1081 {
      "tpu.region"() ({
        %run_scoped3A_1082 = tpu.sem_alloc : memref<!tpu.dma_semaphore, #tpu.memory_space<semaphore_mem>>
        %dma_start3A_1083 = arith.constant 0 : i32
        %dma_start3A_1084 = arith.constant 0 : i32
        %dma_start3A_1085 = tpu.memref_slice %arg7[%arg0, %dma_start3A_1083, %dma_start3A_1084] : memref<2x10000x16xf32, #tpu.memory_space<hbm>> -> memref<1x10000x16xf32, #tpu.memory_space<hbm>>
        %dma_start3A_1086 = tpu.memref_squeeze %dma_start3A_1085 : memref<1x10000x16xf32, #tpu.memory_space<hbm>> -> memref<10000x16xf32, #tpu.memory_space<hbm>>
        tpu.enqueue_dma source(%arg13 : memref<10000x16xf32, #tpu.memory_space<vmem_shared>>) target(%dma_start3A_1086 : memref<10000x16xf32, #tpu.memory_space<hbm>>) target_semaphore(%run_scoped3A_1082 : memref<!tpu.dma_semaphore, #tpu.memory_space<semaphore_mem>>)
        %dma_wait3A_1087 = arith.constant 0 : i32
        %dma_wait3A_1088 = arith.constant 0 : i32
        %dma_wait3A_1089 = tpu.memref_slice %arg7[%arg0, %dma_wait3A_1087, %dma_wait3A_1088] : memref<2x10000x16xf32, #tpu.memory_space<hbm>> -> memref<1x10000x16xf32, #tpu.memory_space<hbm>>
        %dma_wait3A_1090 = tpu.memref_squeeze %dma_wait3A_1089 : memref<1x10000x16xf32, #tpu.memory_space<hbm>> -> memref<10000x16xf32, #tpu.memory_space<hbm>>
        tpu.wait_dma2 semaphore(%run_scoped3A_1082 : memref<!tpu.dma_semaphore, #tpu.memory_space<semaphore_mem>>) src(%arg13 : memref<10000x16xf32, #tpu.memory_space<vmem_shared>>) dst(%dma_wait3A_1090 : memref<10000x16xf32, #tpu.memory_space<hbm>>)
        tpu.yield
      }) : () -> ()
    } else {
    }
    return
  }
}

module attributes {stable_mosaic.version = 14 : i64} {
  func.func @_tc1_body(%arg0: i32, %arg1: memref<2x10000xf32, #tpu.memory_space<vmem>>, %arg2: memref<1x10000xf32, #tpu.memory_space<vmem>>, %arg3: memref<256x3xf32, #tpu.memory_space<vmem>>, %arg4: memref<256x16xf32, #tpu.memory_space<vmem>>, %arg5: memref<256x16xf32, #tpu.memory_space<vmem>>, %arg6: memref<10000x16xf32, #tpu.memory_space<vmem>>, %arg7: memref<10000x16xf32, #tpu.memory_space<vmem>>) attributes {dimension_semantics = [#tpu.dimension_semantics<arbitrary>], iteration_bounds = array<i64: 1>, scalar_prefetch = 0 : i64, scratch_operands = 0 : i64, tpu.core_type = #tpu.core_type<tc>, window_params = [{transform_indices = @transform_0, window_bounds = array<i64: 2, 10000>}, {transform_indices = @transform_1, window_bounds = array<i64: 1, 10000>}, {pipeline_mode = #tpu.pipeline_mode<synchronous>, transform_indices = @transform_2, window_bounds = array<i64: 256, 3>}, {pipeline_mode = #tpu.pipeline_mode<synchronous>, transform_indices = @transform_3, window_bounds = array<i64: 256, 16>}, {pipeline_mode = #tpu.pipeline_mode<synchronous>, transform_indices = @transform_4, window_bounds = array<i64: 256, 16>}, {transform_indices = @transform_5, window_bounds = array<i64: 10000, 16>}, {transform_indices = @transform_6, window_bounds = array<i64: 10000, 16>}]} {
    %get3A = arith.constant 0 : index
    %get3A_0 = arith.constant 0 : index
    %get3A_1 = vector.load %arg1[%get3A, %get3A_0] : memref<2x10000xf32, #tpu.memory_space<vmem>>, vector<1x10000xf32>
    %get3A_2 = arith.constant 1 : index
    %get3A_3 = arith.constant 0 : index
    %get3A_4 = vector.load %arg1[%get3A_2, %get3A_3] : memref<2x10000xf32, #tpu.memory_space<vmem>>, vector<1x10000xf32>
    %add3A = arith.addf %get3A_1, %get3A_4 : vector<1x10000xf32>
    %broadcast_in_dim3A = arith.constant 1.000000e+00 : f32
    %broadcast_in_dim3A_5 = vector.broadcast %broadcast_in_dim3A : f32 to vector<1x10000xf32>
    %get3A_6 = arith.constant 0 : index
    %get3A_7 = arith.constant 0 : index
    %get3A_8 = vector.load %arg2[%get3A_6, %get3A_7] : memref<1x10000xf32, #tpu.memory_space<vmem>>, vector<1x10000xf32>
    %concatenate3A = tpu.concatenate %add3A, %get3A_8, %broadcast_in_dim3A_5 in 0 : vector<1x10000xf32>, vector<1x10000xf32>, vector<1x10000xf32> -> vector<3x10000xf32>
    %get3A_9 = arith.constant 0 : index
    %get3A_10 = arith.constant 0 : index
    %get3A_11 = vector.load %arg3[%get3A_9, %get3A_10] : memref<256x3xf32, #tpu.memory_space<vmem>>, vector<256x3xf32>
    %dot_general3A = arith.constant dense<0.000000e+00> : vector<256x10000xf32>
    %dot_general3A_12 = tpu.matmul %get3A_11, %concatenate3A, %dot_general3A {dimension_numbers = #tpu.dot_dimension_numbers<[1], [0], [0], [1], [0, 0, 1, 1], [], []>, transpose_lhs_hint = false} : vector<256x3xf32>, vector<3x10000xf32>, vector<256x10000xf32> -> vector<256x10000xf32>
    %max3A = arith.constant 0.000000e+00 : f32
    %max3A_13 = vector.broadcast %max3A : f32 to vector<256x10000xf32>
    %max3A_14 = arith.maximumf %dot_general3A_12, %max3A_13 : vector<256x10000xf32>
    %get3A_15 = arith.constant 0 : index
    %get3A_16 = arith.constant 0 : index
    %get3A_17 = vector.load %arg4[%get3A_15, %get3A_16] : memref<256x16xf32, #tpu.memory_space<vmem>>, vector<256x16xf32>
    %dot_general3A_18 = arith.constant dense<0.000000e+00> : vector<10000x16xf32>
    %dot_general3A_19 = tpu.matmul %max3A_14, %get3A_17, %dot_general3A_18 {dimension_numbers = #tpu.dot_dimension_numbers<[0], [0], [1], [1], [0, 1, 1, 1], [], []>, transpose_lhs_hint = false} : vector<256x10000xf32>, vector<256x16xf32>, vector<10000x16xf32> -> vector<10000x16xf32>
    %swap3A = arith.constant 0 : index
    %swap3A_20 = arith.constant 0 : index
    %swap3A_21 = vector.load %arg6[%swap3A, %swap3A_20] : memref<10000x16xf32, #tpu.memory_space<vmem>>, vector<10000x16xf32>
    tpu.vector_store %arg6[%swap3A, %swap3A_20], %dot_general3A_19 {strides = array<i32>} : memref<10000x16xf32, #tpu.memory_space<vmem>>, vector<10000x16xf32>,
    %get3A_22 = arith.constant 0 : index
    %get3A_23 = arith.constant 0 : index
    %get3A_24 = vector.load %arg5[%get3A_22, %get3A_23] : memref<256x16xf32, #tpu.memory_space<vmem>>, vector<256x16xf32>
    %dot_general3A_25 = arith.constant dense<0.000000e+00> : vector<10000x16xf32>
    %dot_general3A_26 = tpu.matmul %max3A_14, %get3A_24, %dot_general3A_25 {dimension_numbers = #tpu.dot_dimension_numbers<[0], [0], [1], [1], [0, 1, 1, 1], [], []>, transpose_lhs_hint = false} : vector<256x10000xf32>, vector<256x16xf32>, vector<10000x16xf32> -> vector<10000x16xf32>
    %swap3A_27 = arith.constant 0 : index
    %swap3A_28 = arith.constant 0 : index
    %swap3A_29 = vector.load %arg7[%swap3A_27, %swap3A_28] : memref<10000x16xf32, #tpu.memory_space<vmem>>, vector<10000x16xf32>
    tpu.vector_store %arg7[%swap3A_27, %swap3A_28], %dot_general3A_26 {strides = array<i32>} : memref<10000x16xf32, #tpu.memory_space<vmem>>, vector<10000x16xf32>,
    return
  }
  func.func @transform_0(%arg0: i32) -> (i32, i32) {
    %c0_i32 = arith.constant 0 : i32
    %c0_i32_0 = arith.constant 0 : i32
    return %c0_i32, %arg0 : i32, i32
  }
  func.func @transform_1(%arg0: i32) -> (i32, i32) {
    %c0_i32 = arith.constant 0 : i32
    %c0_i32_0 = arith.constant 0 : i32
    return %c0_i32, %arg0 : i32, i32
  }
  func.func @transform_2(%arg0: i32) -> (i32, i32) {
    %c0_i32 = arith.constant 0 : i32
    %c0_i32_0 = arith.constant 0 : i32
    %c0_i32_1 = arith.constant 0 : i32
    return %c0_i32, %c0_i32_0 : i32, i32
  }
  func.func @transform_3(%arg0: i32) -> (i32, i32) {
    %c0_i32 = arith.constant 0 : i32
    %c0_i32_0 = arith.constant 0 : i32
    %c0_i32_1 = arith.constant 0 : i32
    return %c0_i32, %c0_i32_0 : i32, i32
  }
  func.func @transform_4(%arg0: i32) -> (i32, i32) {
    %c0_i32 = arith.constant 0 : i32
    %c0_i32_0 = arith.constant 0 : i32
    %c0_i32_1 = arith.constant 0 : i32
    return %c0_i32, %c0_i32_0 : i32, i32
  }
  func.func @transform_5(%arg0: i32) -> (i32, i32) {
    %c0_i32 = arith.constant 0 : i32
    %c0_i32_0 = arith.constant 0 : i32
    return %arg0, %c0_i32 : i32, i32
  }
  func.func @transform_6(%arg0: i32) -> (i32, i32) {
    %c0_i32 = arith.constant 0 : i32
    %c0_i32_0 = arith.constant 0 : i32
    return %arg0, %c0_i32 : i32, i32
  }
}

module attributes {stable_mosaic.version = 14 : i64} {
  func.func @_tc2_body(%arg0: i32, %arg1: memref<2x1250x128xf32, #tpu.memory_space<vmem>>, %arg2: memref<1250x128xf32, #tpu.memory_space<vmem>>, %arg3: memref<1x128xf32, #tpu.memory_space<vmem>>, %arg4: memref<128x8xf32, #tpu.memory_space<vmem>>, %arg5: memref<1x8xf32, #tpu.memory_space<vmem>>, %arg6: memref<1250x8xf32, #tpu.memory_space<vmem>>) attributes {dimension_semantics = [#tpu.dimension_semantics<arbitrary>], iteration_bounds = array<i64: 1>, scalar_prefetch = 0 : i64, scratch_operands = 0 : i64, tpu.core_type = #tpu.core_type<tc>, window_params = [{pipeline_mode = #tpu.pipeline_mode<synchronous>, transform_indices = @transform_0, window_bounds = array<i64: 2, 1250, 128>}, {pipeline_mode = #tpu.pipeline_mode<synchronous>, transform_indices = @transform_1, window_bounds = array<i64: 1250, 128>}, {pipeline_mode = #tpu.pipeline_mode<synchronous>, transform_indices = @transform_2, window_bounds = array<i64: 1, 128>}, {pipeline_mode = #tpu.pipeline_mode<synchronous>, transform_indices = @transform_3, window_bounds = array<i64: 128, 8>}, {pipeline_mode = #tpu.pipeline_mode<synchronous>, transform_indices = @transform_4, window_bounds = array<i64: 1, 8>}, {pipeline_mode = #tpu.pipeline_mode<synchronous>, transform_indices = @transform_5, window_bounds = array<i64: 1250, 8>}]} {
    %get3A = arith.constant 0 : index
    %get3A_0 = arith.constant 0 : index
    %get3A_1 = arith.constant 0 : index
    %get3A_2 = vector.load %arg1[%get3A, %get3A_0, %get3A_1] : memref<2x1250x128xf32, #tpu.memory_space<vmem>>, vector<1x1250x128xf32>
    %get3A_3 = vector.shape_cast %get3A_2 : vector<1x1250x128xf32> to vector<1250x128xf32>
    %get3A_4 = arith.constant 1 : index
    %get3A_5 = arith.constant 0 : index
    %get3A_6 = arith.constant 0 : index
    %get3A_7 = vector.load %arg1[%get3A_4, %get3A_5, %get3A_6] : memref<2x1250x128xf32, #tpu.memory_space<vmem>>, vector<1x1250x128xf32>
    %get3A_8 = vector.shape_cast %get3A_7 : vector<1x1250x128xf32> to vector<1250x128xf32>
    %add3A = arith.addf %get3A_3, %get3A_8 : vector<1250x128xf32>
    %get3A_9 = arith.constant 0 : index
    %get3A_10 = arith.constant 0 : index
    %get3A_11 = vector.load %arg2[%get3A_9, %get3A_10] : memref<1250x128xf32, #tpu.memory_space<vmem>>, vector<1250x128xf32>
    %add3A_12 = arith.addf %add3A, %get3A_11 : vector<1250x128xf32>
    %get3A_13 = arith.constant 0 : index
    %get3A_14 = arith.constant 0 : index
    %get3A_15 = vector.load %arg3[%get3A_13, %get3A_14] : memref<1x128xf32, #tpu.memory_space<vmem>>, vector<1x128xf32>
    %add3A_16 = vector.broadcast %get3A_15 : vector<1x128xf32> to vector<1250x128xf32>
    %add3A_17 = arith.addf %add3A_12, %add3A_16 : vector<1250x128xf32>
    %max3A = arith.constant 0.000000e+00 : f32
    %max3A_18 = vector.broadcast %max3A : f32 to vector<1250x128xf32>
    %max3A_19 = arith.maximumf %add3A_17, %max3A_18 : vector<1250x128xf32>
    %get3A_20 = arith.constant 0 : index
    %get3A_21 = arith.constant 0 : index
    %get3A_22 = vector.load %arg4[%get3A_20, %get3A_21] : memref<128x8xf32, #tpu.memory_space<vmem>>, vector<128x8xf32>
    %dot_general3A = arith.constant dense<0.000000e+00> : vector<1250x8xf32>
    %dot_general3A_23 = tpu.matmul %max3A_19, %get3A_22, %dot_general3A {dimension_numbers = #tpu.dot_dimension_numbers<[1], [0], [0], [1], [0, 0, 1, 1], [], []>, transpose_lhs_hint = false} : vector<1250x128xf32>, vector<128x8xf32>, vector<1250x8xf32> -> vector<1250x8xf32>
    %get3A_24 = arith.constant 0 : index
    %get3A_25 = arith.constant 0 : index
    %get3A_26 = vector.load %arg5[%get3A_24, %get3A_25] : memref<1x8xf32, #tpu.memory_space<vmem>>, vector<1x8xf32>
    %add3A_27 = vector.broadcast %get3A_26 : vector<1x8xf32> to vector<1250x8xf32>
    %add3A_28 = arith.addf %dot_general3A_23, %add3A_27 : vector<1250x8xf32>
    %swap3A = arith.constant 0 : index
    %swap3A_29 = arith.constant 0 : index
    %swap3A_30 = vector.load %arg6[%swap3A, %swap3A_29] : memref<1250x8xf32, #tpu.memory_space<vmem>>, vector<1250x8xf32>
    tpu.vector_store %arg6[%swap3A, %swap3A_29], %add3A_28 {strides = array<i32>} : memref<1250x8xf32, #tpu.memory_space<vmem>>, vector<1250x8xf32>,
    return
  }
  func.func @transform_0(%arg0: i32) -> (i32, i32, i32) {
    %c0_i32 = arith.constant 0 : i32
    %c0_i32_0 = arith.constant 0 : i32
    %c0_i32_1 = arith.constant 0 : i32
    %c0_i32_2 = arith.constant 0 : i32
    return %c0_i32, %c0_i32_0, %c0_i32_1 : i32, i32, i32
  }
  func.func @transform_1(%arg0: i32) -> (i32, i32) {
    %c0_i32 = arith.constant 0 : i32
    %c0_i32_0 = arith.constant 0 : i32
    %c0_i32_1 = arith.constant 0 : i32
    return %c0_i32, %c0_i32_0 : i32, i32
  }
  func.func @transform_2(%arg0: i32) -> (i32, i32) {
    %c0_i32 = arith.constant 0 : i32
    %c0_i32_0 = arith.constant 0 : i32
    %c0_i32_1 = arith.constant 0 : i32
    return %c0_i32, %c0_i32_0 : i32, i32
  }
  func.func @transform_3(%arg0: i32) -> (i32, i32) {
    %c0_i32 = arith.constant 0 : i32
    %c0_i32_0 = arith.constant 0 : i32
    %c0_i32_1 = arith.constant 0 : i32
    return %c0_i32, %c0_i32_0 : i32, i32
  }
  func.func @transform_4(%arg0: i32) -> (i32, i32) {
    %c0_i32 = arith.constant 0 : i32
    %c0_i32_0 = arith.constant 0 : i32
    %c0_i32_1 = arith.constant 0 : i32
    return %c0_i32, %c0_i32_0 : i32, i32
  }
  func.func @transform_5(%arg0: i32) -> (i32, i32) {
    %c0_i32 = arith.constant 0 : i32
    %c0_i32_0 = arith.constant 0 : i32
    %c0_i32_1 = arith.constant 0 : i32
    return %c0_i32, %c0_i32_0 : i32, i32
  }
}

</mosaic_0001>

<sc_bundles>
// kernel: kernel.6.cloned.1.call-start
scs
__scs_entry_jumppad:
0x0: {  	(pc) =	sbr.rel $0x88, $3  }
0x1: {  	(tag) =	ssettag $0x0;
	lr =	simm.s32 $0x1  }
0x2: {  	[smem:$0x3F92] =	sst lr;
	_ =	strace $0xD0000000  }
0x3: {  	_ = 	snop  }
0x4: {  	_ = 	snop  }
0x5: {  	_ = 	snop  }
0x6: {  	_ = 	snop  }
0x7: {  	_ = 	snop  }
__scs_overlays_trampoline_lowered:
0x8: {  	[smem:$0x3FA1] =	sst s0  }
0x9: {  	[smem:$0x3FA2] =	sst s1  }
0xa: {  	[smem:$0x3FA3] =	sst s2  }
0xb: {  	[smem:$0x3FA4] =	sst s3  }
0xc: {  	[smem:$0x3FA5] =	sst s4  }
0xd: {  	[smem:$0x3FA6] =	sst s5  }
0xe: {  	[smem:$0x3FA7] =	sst s6  }
0xf: {  	[smem:$0x3FA8] =	sst s7  }
0x10: {  	[smem:$0x3FA9] =	sst s8  }
0x11: {  	[smem:$0x3FAA] =	sst s9;
	s0 =	simm.s32 @!p0 $0x0  }
0x12: {  	s1 =	sld [smem:$0x3F90];
	s0 =	simm.s32 @p0 $0x1  }
0x13: {  	[smem:$0x3FAB] =	sst s0;
	s0 =	simm.s32 @!p1 $0x0  }
0x14: {  	s2 =	sld [smem:$0x3F8F];
	s0 =	simm.s32 @p1 $0x1  }
0x15: {  	[smem:$0x3FAC] =	sst s0;
	s0 =	simm.s32 @!p2 $0x0  }
0x16: {  	s3 =	sld [smem:$0x3FDB];
	s0 =	simm.s32 @p2 $0x1  }
0x17: {  	s4 =	simm.s32 $0x1BF5;
	[smem:$0x3FAE] =	sst s0  }
0x18: {  	s0 =	sld [smem:$0x3F91];
	_ =	swait.ge [sflag:s4], $0x0  }
0x19: {  	s7 =	sld [smem:$0x3F92]  }
0x1a: {  	s8 =	sadd.s32 $0xFFFFE003, lr  }
0x1b: {  	s9 =	sadd.s32 $0xFFFFFEF7, lr;
	s5 =	simm.s32 $0xFFFFFFFF;
	p2 =	slt.u32 s8, $0xFFFFF086  }
0x1c: {  	p1 =	slt.u32 s9, $0xF7A;
	s5 =	simm.s32 @!p2 $0x0  }
0x1d: {  	s5 =	simm.s32 @p1 $0x1;
	p0 =	seq.s32 s7, s2  }
0x1e: {  	s7 =	smul.u32 @!p0 $0xF7A, s2;
	p2 =	seq.s32 @!p0 s5, $0x0  }
0x1f: {  	s9 =	smul.u32 $0xF7A, s1;
	s8 =	simm.s32 @!p0 $0x1BF5;
	p2 =	por !p2, p0  }
0x20: {  	[sflag:s8] =	ssyncset.s32 @!p0 $0xFFFFF086;
	s6 =	sadd.s32 @!p0 s3, s7;
	s7 =	simm.s32 @!p0 $0x108  }
0x21: {  	s3 =	sadd.s32 s3, s9;
	s6 =	sadd.s32 @!p0 $0x88, s6;
	s7 =	simm.s32 @p2 $0x1082  }
0x22: {  	[simem:s7], [sflag:s8] =	dma.local @!p0 [hbm:s6], $0xF7A  }
0x23: {  	s9 =	sor.u32 $0xD0000000, s2;
	s6 =	simm.s32 $0x108;
	_ =	swait.ge @!p0 [sflag:s8], $0x0  }
0x24: {  	s3 =	sadd.s32 $0x88, s3;
	s6 =	simm.s32 @!p1 $0x1082;
	[sflag:s4] =	ssyncset.s32 $0xFFFFF086  }
0x25: {  	[simem:s6], [sflag:s4] =	dma.local [hbm:s3], $0xF7A  }
0x26: {  	[smem:$0x3F92] =	sst s1;
	(tag) =	ssettag s2;
	_ =	strace s9  }
0x27: {  	s1 =	sld [smem:$0x3FA2]  }
0x28: {  	s2 =	sld [smem:$0x3FA3]  }
0x29: {  	s4 =	sld [smem:$0x3FA5]  }
0x2a: {  	p0 =	seq.s32 s5, $0x0;
	s5 =	sld [smem:$0x3FA6]  }
0x2b: {  	s6 =	sld [smem:$0x3FA7]  }
0x2c: {  	s7 =	sld [smem:$0x3FA8]  }
0x2d: {  	s3 =	simm.s32 $0x108;
	s8 =	sld [smem:$0x3FA9]  }
0x2e: {  	s3 =	simm.s32 @!p0 $0x1082;
	s9 =	sld [smem:$0x3FAA]  }
0x2f: {  	lr =	sadd.s32 s0, s3;
	s0 =	sld [smem:$0x3FA1]  }
0x30: {  	s3 =	sld [smem:$0x3FA4]  }
0x31: {  	[smem:$0x3FAD] =	sst s10  }
0x32: {  	s10 =	sld [smem:$0x3FAB];
	_ =	sdelay $0x3  }
0x33: {  	p0 =	seq.s32 s10, $0x1;
	s10 =	sld [smem:$0x3FAD];
	_ =	sdelay $0x3  }
0x34: {  	[smem:$0x3FAD] =	sst s10  }
0x35: {  	s10 =	sld [smem:$0x3FAC];
	_ =	sdelay $0x3  }
0x36: {  	p1 =	seq.s32 s10, $0x1;
	s10 =	sld [smem:$0x3FAD];
	_ =	sdelay $0x3  }
0x37: {  	[smem:$0x3FAD] =	sst s10  }
0x38: {  	s10 =	sld [smem:$0x3FAE]  }
0x39: {  	_ = 	snop;
	(pc) =	sbr.ind lr, $3  }
0x3a: {  	_ = 	snop  }
0x3b: {  	_ = 	snop  }
0x3c: {  	p2 =	seq.s32 s10, $0x1;
	s10 =	sld [smem:$0x3FAD]  }
0x3d: {  	_ =	shalt  }
0x3e: {  	_ =	shalt  }
0x3f: {  	_ =	shalt  }
0x40: {  	_ =	shalt  }
0x41: {  	_ =	shalt  }
0x42: {  	_ =	shalt  }
0x43: {  	_ =	shalt  }
0x44: {  	_ =	shalt  }
0x45: {  	_ =	shalt  }
0x46: {  	_ =	shalt  }
0x47: {  	_ =	shalt  }
0x48: {  	_ =	shalt  }
0x49: {  	_ =	shalt  }
0x4a: {  	_ =	shalt  }
0x4b: {  	_ =	shalt  }
0x4c: {  	_ =	shalt  }
0x4d: {  	_ =	shalt  }
0x4e: {  	_ =	shalt  }
0x4f: {  	_ =	shalt  }
0x50: {  	_ =	shalt  }
0x51: {  	_ =	shalt  }
0x52: {  	_ =	shalt  }
0x53: {  	_ =	shalt  }
0x54: {  	_ =	shalt  }
0x55: {  	_ =	shalt  }
0x56: {  	_ =	shalt  }
0x57: {  	_ =	shalt  }
0x58: {  	_ =	shalt  }
0x59: {  	_ =	shalt  }
0x5a: {  	_ =	shalt  }
0x5b: {  	_ =	shalt  }
0x5c: {  	_ =	shalt  }
0x5d: {  	_ =	shalt  }
0x5e: {  	_ =	shalt  }
0x5f: {  	_ =	shalt  }
0x60: {  	_ =	shalt  }
0x61: {  	_ =	shalt  }
0x62: {  	_ =	shalt  }
0x63: {  	_ =	shalt  }
0x64: {  	_ =	shalt  }
0x65: {  	_ =	shalt  }
0x66: {  	_ =	shalt  }
0x67: {  	_ =	shalt  }
0x68: {  	_ =	shalt  }
0x69: {  	_ =	shalt  }
0x6a: {  	_ =	shalt  }
0x6b: {  	_ =	shalt  }
0x6c: {  	_ =	shalt  }
0x6d: {  	_ =	shalt  }
0x6e: {  	_ =	shalt  }
0x6f: {  	_ =	shalt  }
0x70: {  	_ =	shalt  }
0x71: {  	_ =	shalt  }
0x72: {  	_ =	shalt  }
0x73: {  	_ =	shalt  }
0x74: {  	_ =	shalt  }
0x75: {  	_ =	shalt  }
0x76: {  	_ =	shalt  }
0x77: {  	_ =	shalt  }
0x78: {  	_ =	shalt  }
0x79: {  	_ =	shalt  }
0x7a: {  	_ =	shalt  }
0x7b: {  	_ =	shalt  }
0x7c: {  	_ =	shalt  }
0x7d: {  	_ =	shalt  }
0x7e: {  	_ =	shalt  }
0x7f: {  	_ =	shalt  }
0x80: {  	_ =	shalt  }
0x81: {  	_ =	shalt  }
0x82: {  	_ =	shalt  }
0x83: {  	_ =	shalt  }
0x84: {  	_ =	shalt  }
0x85: {  	_ =	shalt  }
0x86: {  	_ =	shalt  }
0x87: {  	_ =	shalt  }
.Lfunc_end0:
.L_simem_size_0:
called_computation_lowered:
.L_overlay_start_0:
0x88: {  	s2 =	sld [smem:$0x3FD9]  }
0x89: {  	s3 =	sld [smem:$0x3FFE];
	_ =	sdelay $0x1  }
0x8a: {  	s1 =	srdreg.scid  }
0x8b: {  	s0 =	sand.u32 $0x1, s1  }
0x8c: {  	s17 =	sshll.u32 s0, $0xA;
	s2 =	sadd.s32 s3, s2  }
0x8d: {  	s2 =	sadd.s32 s2, s17  }
0x8e: {  	[smem:$0x3FB9] =	sst s2  }
0x8f: {  	_ = 	snop  }
0x90: {  	s2 =	sld [smem:$0x3FC7];
	(tm) =	ssettm $0x1  }
0x91: {  	s18 =	sld [smem:$0x3FFB];
	_ =	sdelay $0x3  }
0x92: {  	_ =	strace s18  }
0x93: {  	s3 =	sld [smem:$0x3FFC];
	_ =	sdelay $0x3  }
0x94: {  	_ =	strace s3  }
0x95: {  	s3 =	sld [smem:$0x3FFD];
	_ =	sdelay $0x3  }
0x96: {  	_ =	strace s3  }
0x97: {  	_ =	strace $0x8FFFFFFF  }
0x98: {  	s19 =	sld [smem:$0x3FDB];
	_ =	sdelay $0x1  }
0x99: {  	s4 =	simm.s32 $_scs_section_size  }
0x9a: {  	s5 =	simm.s32 $_size__tile_overlayer_lowered;
	s6 =	simm.s32 $_tile_overlayer_lowered  }
0x9b: {  	s22 =	simm.s32 $0x1BFF;
	s21 =	sshll.u32 s6, $0x1;
	s3 =	sadd.s32 s4, s19  }
0x9c: {  	s7 =	simm.s32 $0x0;
	s20 =	sshll.u32 s5, $0x1;
	s5 =	sadd.s32 s21, s3  }
0x9d: {  	[timem:s7], [sflag:s22] =	dma.local [hbm:s5], s20  }
0x9e: {  	_ =	swait.ge [sflag:s22], s20  }
0x9f: {  	s4 =	ssub.s32 $0x0, s20;
	[sflag:s22] =	ssyncset.done $0x0  }
0xa0: {  	[sflag:s22] =	ssyncadd.s32 s4;
	_ =	sdelay $0x1  }
0xa1: {  	s23 =	simm.s32 $0x1B8B  }
0xa2: {  	_ =	swait.ge [sflag:s23], $0x1  }
0xa3: {  	[sflag:s23] =	ssyncset.done $0x0  }
0xa4: {  	s25 =	simm.s32 $0x1B8E;
	s24 =	sld [smem:$0x3FFE];
	[sflag:s23] =	ssyncadd.s32 $0xFFFFFFFF  }
0xa5: {  	s26 =	simm.s32 $execute0_lowered;
	[smem:$0x3FD2] =	sst s25  }
0xa6: {  	s5 =	sshll.u32 s26, $0x1;
	_ =	strace $0x80000046;
	[dreg:$0x1] =	wrdreg $0xFFFFFFFF  }
0xa7: {  	s28 =	simm.s32 $_size_execute0_lowered;
	s3 =	sadd.s32 s3, s5;
	[dreg:$0x0] =	wrdreg $0x0  }
0xa8: {  	s5 =	sshll.u32 s28, $0x1;
	[dreg:$0x2] =	wrdreg s3  }
0xa9: {  	[dreg:$0x3] =	wrdreg s5  }
0xaa: {  	[dreg:$0x4] =	wrdreg $0xC0  }
0xab: {  	_ =	task [dreg:s7], $0x5FFFF  }
0xac: {  	[dreg:$0x1] =	wrdreg $0xFFFFFFFF  }
0xad: {  	[dreg:$0x0] =	wrdreg $0x60  }
0xae: {  	[dreg:$0x2] =	wrdreg s24  }
0xaf: {  	[dreg:$0x3] =	wrdreg s2  }
0xb0: {  	[dreg:$0x4] =	wrdreg $0xC3500  }
0xb1: {  	[dreg:$0x5] =	wrdreg $0x9  }
0xb2: {  	_ =	task.clear_ibuf [dreg:s7], $0x6FFFF;
	_ =	strace $0x90000046  }
0xb3: {  	s29 =	simm.s32 $0x9;
	_ =	strace $0x80000048  }
0xb4: {  	_ =	swait.ge [sflag:s29], $0x1  }
0xb5: {  	[sflag:s29] =	ssyncadd.s32 $0xFFFFFFFF  }
0xb6: {  	_ =	strace $0x90000048  }
0xb7: {  	_ =	sfence  }
0xb8: {  	s30 =	sld [smem:$0x0];
	_ =	sdelay $0x2  }
0xb9: {  	s31 =	sshll.u32 s1, $0xD;
	s1 =	sshrl.u32 s1, $0x2  }
0xba: {  	s3 =	sand.u32 $0x4000, s31;
	s1 =	sadd.s32 s1, s30  }
0xbb: {  	s0 =	sor.u32 s3, s0;
	s1 =	sshll.u32 s1, $0x11  }
0xbc: {  	s0 =	sor.u32 s1, s0  }
0xbd: {  	s0 =	sadd.s32 $0x8F2B, s0  }
0xbe: {  	[sflag:s0] =	ssyncadd.remote.s32 $0x1  }
0xbf: {  	_ =	sfence.sel $0xFFFF  }
0xc0: {  	[dreg:$0x0] =	wrdreg $0xFFFFFFFF;
	(pc) =	sbr.abs _section_cstart, $3  }
0xc1: {  	[dreg:$0x1] =	wrdreg $0xFFFFFFFF  }
0xc2: {  	_ =	task.clear_ibuf [dreg:s7], $0x2FFFF;
	_ =	strace $0x9FFFFFFF  }
0xc3: {  	(tm) =	ssettm $0x7FFFFFFF  }
tec
execute0_lowered:
.L_overlay_start_1:
0x0: {  	(tag) =	ssettag $0x1  }
0x1: {  	s5 =	rddreg [dreg:$0x0]  }
0x2: {  	s0 =	srdreg.scid;
	s7 =	rddreg [dreg:$0x1]  }
0x3: {  	s1 =	rddreg [dreg:$0x2];
	s10 =	stileid.u32  }
0x4: {  	s2 =	simm.s32 $0x0;
	s13 =	simm.s32 $0x7530;
	s15 =	simm.s32 $0x50  }
0x5: {  	s16 =	simm.s32 $0x1;
	s4 =	sand.u32 $0x1, s0;
	s0 =	rddreg [dreg:$0x3]  }
0x6: {  	s17 =	simm.s32 $0x0;
	[smem:$0x7FF] =	sst s2;
	p0 =	sne.s32 s10, $0x0  }
0x7: {  	s3 =	sshll.u32 s4, $0x4;
	_ =	strace $0x80000047;
	s6 =	smul.u32 $0x4E2, s4  }
0x8: {  	s11 =	ssub.s32 $0x2, s4;
	s4 =	sadd.s32 $0x15800, s5;
	s3 =	sor.u32 s10, s3  }
0x9: {  	s14 =	sshrl.u32 @!p0 s1, $0x3;
	s31 =	sshrl.u32 s11, $0x1;
	s8 =	smul.u32 $0x4E2, s3  }
0xa: {  	s10 =	simm.s32 $0x2;
	s3 =	sadd.s32 $0x15200, s5;
	s12 =	sadd.s32 s6, s5  }
0xb: {  	s11 =	ssub.s32 s11, s31;
	s9 =	sadd.s32 s8, s5;
	s7 =	sadd.s32 s7, s8  }
0xc: {  	s8 =	sadd.s32 $0x15E00, s12;
	s12 =	simm.s32 $0x4E20;
	s5 =	sadd.s32 $0xB400, s9  }
0xd: {  	s6 =	sadd.s32 $0x1600, s9;
	s9 =	smax.u32 s11, $0x1;
	s11 =	simm.s32 $0x2710  }
.LBB2_1:
0xe: {  	[tilespmem:s2], [sflag:$0x2] =	stream.linear.gather [hbm4b:s3+s2], $0x2710, $0x38;
	[tilespmem:$0xC5C8] =	vst v63  }
0xf: {  	_ =	swait.ge [sflag:s10], $0x2710  }
0x10: {  	[sflag:s10] =	ssyncset.done $0x0  }
0x11: {  	[sflag:s10] =	ssyncadd.s32 $0xFFFFD8F0  }
0x12: {  	[tilespmem:s11], [sflag:$0x2] =	stream.linear.gather [hbm4b:s5+s2], $0x2710, $0x38;
	[tilespmem:$0xC5C8] =	vst v63  }
0x13: {  	_ =	swait.ge [sflag:s10], $0x2710  }
0x14: {  	[sflag:s10] =	ssyncset.done $0x0  }
0x15: {  	[sflag:s10] =	ssyncadd.s32 $0xFFFFD8F0  }
0x16: {  	[tilespmem:s12], [sflag:$0x2] =	stream.linear.gather [hbm4b:s6+s2], $0x2710, $0x38;
	[tilespmem:$0xC5C8] =	vst v63  }
0x17: {  	_ =	swait.ge [sflag:s10], $0x2710  }
0x18: {  	[sflag:s10] =	ssyncset.done $0x0  }
0x19: {  	[sflag:s10] =	ssyncadd.s32 $0xFFFFD8F0  }
0x1a: {  	[tilespmem:s13], [sflag:$0x2] =	stream.linear.gather [hbm4b:s7+s2], $0x2710, $0x38;
	[tilespmem:$0xC5C8] =	vst v63  }
0x1b: {  	_ =	swait.ge [sflag:s10], $0x2710  }
0x1c: {  	[sflag:s10] =	ssyncset.done $0x0  }
0x1d: {  	s18 =	simm.s32 @!p0 $0x1C02;
	[sflag:s10] =	ssyncadd.s32 $0xFFFFD8F0  }
0x1e: {  	[spmem:s14], [sflag:s18] =	dma.local @!p0 [hbm:s4], $0x4E2  }
0x1f: {  	s18 =	simm.s32 @!p0 $0x2  }
0x20: {  	_ =	swait.ge @!p0 [sflag:s18], $0x4E2  }
0x21: {  	[sflag:s18] =	ssyncset.done @!p0 $0x0  }
0x22: {  	[sflag:s18] =	ssyncadd.s32 @!p0 $0xFFFFFB1E  }
0x23: {  	s20 =	simm.s32 $0x0;
	[bflag:$0x0] =	sbarrier.arrive $0xFFFF  }
0x24: {  	v0 =	vld [tilespmem:s20+$0x2710];
	_ =	sdelay $0x5  }
0x25: {  	v1 =	vld [tilespmem:s20+$0x2720]  }
0x26: {  	v2 =	vld [tilespmem:s20+$0x7530]  }
0x27: {  	v0 =	vld.idx.msk [tilespmem:v0+s2+$0x0], $0xffff;
	_ =	sdelay $0x4  }
0x28: {  	v0 =	vmul.f32 v0, v2  }
0x29: {  	v57 =	vld [tilespmem:s20+$0x2730]  }
0x2a: {  	v58 =	vld [tilespmem:s20+$0x7540];
	[tilespmem:s20+$0x9C40] =	vst v0  }
0x2b: {  	v1 =	vld.idx.msk [tilespmem:v1+s2+$0x0], $0xffff;
	_ =	sdelay $0x4  }
0x2c: {  	v1 =	vmul.f32 v1, v58  }
0x2d: {  	v59 =	vld [tilespmem:s20+$0x2740]  }
0x2e: {  	v60 =	vld [tilespmem:s20+$0x7550];
	[tilespmem:s20+$0x9C50] =	vst v1  }
0x2f: {  	v0 =	vld.idx.msk [tilespmem:v57+s2+$0x0], $0xffff;
	_ =	sdelay $0x4  }
0x30: {  	v0 =	vmul.f32 v0, v60  }
0x31: {  	v61 =	vld [tilespmem:s20+$0x2750]  }
0x32: {  	v62 =	vld [tilespmem:s20+$0x7560];
	[tilespmem:s20+$0x9C60] =	vst v0  }
0x33: {  	v1 =	vld.idx.msk [tilespmem:v59+s2+$0x0], $0xffff;
	_ =	sdelay $0x4  }
0x34: {  	v1 =	vmul.f32 v1, v62;
	_ =	sdelay $0x1  }
0x35: {  	v63 =	vld [tilespmem:s20+$0x7570];
	[tilespmem:s20+$0x9C70] =	vst v1  }
0x36: {  	v0 =	vld.idx.msk [tilespmem:v61+s2+$0x0], $0xffff;
	_ =	sdelay $0x4  }
0x37: {  	v0 =	vmul.f32 v0, v63  }
0x38: {  	s19 =	simm.s32 $0x280  }
0x39: {  	s21 =	simm.s32 $0x9C40;
	s22 =	simm.s32 $0x4E20;
	s18 =	simm.s32 $0x50;
	[tilespmem:s20+$0x9C80] =	vst v0  }
.LBB2_2:
0x3a: {  	[spmem:s1] =	stream.indirect.scatter.add.f32 [tilespmem:s21], [sflag:$0x1], $0x1, s22, s15, $0xb8;
	[tilespmem:$0xC5C8] =	vst v63  }
0x3b: {  	s20 =	sshra.s32 s19, $0x2;
	p1 =	sne.s32 s19, $0x9B00;
	s19 =	sadd.s32 $0x140, s19;
	v0 =	vld [tilespmem:s18+$0x2710]  }
0x3c: {  	_ =	sdelay $0x5  }
0x3d: {  	v1 =	vld [tilespmem:s18+$0x2720]  }
0x3e: {  	v0 =	vld.idx.msk [tilespmem:v0+s2+$0x0], $0xffff  }
0x3f: {  	v2 =	vld [tilespmem:s18+$0x7530];
	_ =	sdelay $0x4  }
0x40: {  	v0 =	vmul.f32 v0, v2;
	_ =	sdelay $0x1  }
0x41: {  	[tilespmem:s18+$0x9C40] =	vst v0;
	v0 =	vld [tilespmem:s18+$0x2730]  }
0x42: {  	v1 =	vld.idx.msk [tilespmem:v1+s2+$0x0], $0xffff  }
0x43: {  	v2 =	vld [tilespmem:s18+$0x7540];
	_ =	sdelay $0x4  }
0x44: {  	v1 =	vmul.f32 v1, v2;
	_ =	sdelay $0x1  }
0x45: {  	[tilespmem:s18+$0x9C50] =	vst v1;
	v1 =	vld [tilespmem:s18+$0x2740]  }
0x46: {  	v0 =	vld.idx.msk [tilespmem:v0+s2+$0x0], $0xffff  }
0x47: {  	v2 =	vld [tilespmem:s18+$0x7550];
	_ =	sdelay $0x4  }
0x48: {  	v0 =	vmul.f32 v0, v2;
	_ =	sdelay $0x1  }
0x49: {  	[tilespmem:s18+$0x9C60] =	vst v0;
	v0 =	vld [tilespmem:s18+$0x2750]  }
0x4a: {  	v1 =	vld.idx.msk [tilespmem:v1+s2+$0x0], $0xffff  }
0x4b: {  	v2 =	vld [tilespmem:s18+$0x7560];
	_ =	sdelay $0x4  }
0x4c: {  	v1 =	vmul.f32 v1, v2;
	_ =	sdelay $0x1  }
0x4d: {  	[tilespmem:s18+$0x9C70] =	vst v1  }
0x4e: {  	v0 =	vld.idx.msk [tilespmem:v0+s2+$0x0], $0xffff  }
0x4f: {  	v1 =	vld [tilespmem:s18+$0x7570];
	_ =	sdelay $0x2  }
.Ltmp0:
0x50: {  	(pc) =	sbr.rel @p1 .LBB2_2-.Ltmp0, $3  }
0x51: {  	_ = 	snop  }
0x52: {  	v0 =	vmul.f32 v0, v1;
	_ =	sdelay $0x1  }
0x53: {  	s21 =	sadd.s32 $0x9C40, s18;
	s22 =	sadd.s32 $0x4E20, s18;
	[tilespmem:s18+$0x9C80] =	vst v0;
	s18 =	smov.u32 s20  }
0x54: {  	[spmem:s1] =	stream.indirect.scatter.add.f32 [tilespmem:s21], [sflag:$0x1], $0x1, s22, s15, $0xb8;
	[tilespmem:$0xC5C8] =	vst v63  }
0x55: {  	v0 =	vld [tilespmem:s18+$0x2710];
	_ =	sdelay $0x5  }
0x56: {  	v1 =	vld [tilespmem:s18+$0x7530]  }
0x57: {  	v2 =	vld [tilespmem:s18+$0x2720]  }
0x58: {  	v0 =	vld.idx.msk [tilespmem:v0+s2+$0x0], $0xffff;
	_ =	sdelay $0x4  }
0x59: {  	v0 =	vmul.f32 v0, v1  }
0x5a: {  	v55 =	vld [tilespmem:s18+$0x2730]  }
0x5b: {  	v57 =	vld [tilespmem:s18+$0x7540];
	[tilespmem:s18+$0x9C40] =	vst v0  }
0x5c: {  	v56 =	vld.idx.msk [tilespmem:v2+s2+$0x0], $0xffff;
	_ =	sdelay $0x4  }
0x5d: {  	v1 =	vmul.f32 v56, v57  }
0x5e: {  	v58 =	vld [tilespmem:s18+$0x7550]  }
0x5f: {  	v59 =	vld [tilespmem:s18+$0x2740];
	[tilespmem:s18+$0x9C50] =	vst v1  }
0x60: {  	v0 =	vld.idx.msk [tilespmem:v55+s2+$0x0], $0xffff;
	_ =	sdelay $0x4  }
0x61: {  	v0 =	vmul.f32 v0, v58  }
0x62: {  	v60 =	vld [tilespmem:s18+$0x2750]  }
0x63: {  	v62 =	vld [tilespmem:s18+$0x7560];
	[tilespmem:s18+$0x9C60] =	vst v0  }
0x64: {  	v61 =	vld.idx.msk [tilespmem:v59+s2+$0x0], $0xffff;
	_ =	sdelay $0x4  }
0x65: {  	v1 =	vmul.f32 v61, v62;
	_ =	sdelay $0x1  }
0x66: {  	v63 =	vld [tilespmem:s18+$0x7570];
	[tilespmem:s18+$0x9C70] =	vst v1  }
0x67: {  	v0 =	vld.idx.msk [tilespmem:v60+s2+$0x0], $0xffff;
	_ =	sdelay $0x4  }
0x68: {  	v0 =	vmul.f32 v0, v63;
	_ =	sdelay $0x1  }
0x69: {  	s19 =	sadd.s32 $0x9C40, s18;
	s31 =	sadd.s32 $0x4E20, s18;
	[tilespmem:s18+$0x9C80] =	vst v0  }
0x6a: {  	[spmem:s1] =	stream.indirect.scatter.add.f32 [tilespmem:s19], [sflag:$0x1], $0x1, s31, s15, $0xb8;
	[tilespmem:$0xC5C8] =	vst v63  }
0x6b: {  	_ =	swait.ge [sflag:s16], $0x50  }
0x6c: {  	s18 =	simm.s32 $0x7C;
	[sflag:s16] =	ssyncset.done $0x0  }
.LBB2_4:
0x6d: {  	p1 =	sne.s32 s18, $0x1;
	s18 =	sadd.s32 $0xFFFFFFFF, s18;
	[sflag:s16] =	ssyncadd.s32 $0xFFFFFFB0  }
.Ltmp1:
0x6e: {  	(pc) =	sbr.rel @p1 .LBB2_4-.Ltmp1, $3  }
0x6f: {  	_ =	sdelay $0x1  }
0x70: {  	_ =	swait.ge [sflag:s16], $0x50  }
0x71: {  	[sflag:s16] =	ssyncset.done $0x0  }
0x72: {  	[sflag:s16] =	ssyncadd.s32 $0xFFFFFFB0;
	s17 =	sadd.s32 $0x1, s17  }
0x73: {  	s18 =	simm.s32 @!p0 $0x1C02;
	[bflag:$0x0] =	sbarrier.arrive $0xFFFF;
	p1 =	sne.s32 s17, s9  }
0x74: {  	[hbm:s8], [sflag:s18] =	dma.local @!p0 [spmem:s14], $0x4E2  }
.Ltmp2:
0x75: {  	_ = 	snop;
	(pc) =	sbr.rel @p1 .LBB2_1-.Ltmp2, $4  }
0x76: {  	s18 =	simm.s32 @!p0 $0x2  }
0x77: {  	_ =	swait.ge @!p0 [sflag:s18], $0x4E2  }
0x78: {  	[sflag:s18] =	ssyncset.done @!p0 $0x0  }
0x79: {  	[sflag:s18] =	ssyncadd.s32 @!p0 $0xFFFFFB1E  }
0x7a: {  	_ =	sfence.sel $0x180000  }
0x7b: {  	[bflag:$0x0] =	sbarrier.arrive $0xFFFF  }
0x7c: {  	_ =	strace $0x90000047  }
0x7d: {  	s0 =	sadd.s32 @!p0 $0x100000, s0;
	[bflag:$0x2] =	sbarrier.arrive $0xFFFF  }
0x7e: {  	[sflag:s0] =	ssyncadd.tile.s32 @!p0 $0x1;
	_ =	shalt  }
.Lfunc_end2:
_tile_overlayer_lowered:
.L_overlay_start_2:
0x7f: {  	(tag) =	ssettag $0x2  }
0x80: {  	s0 =	rddreg [dreg:$0x0];
	s2 =	stileid.u32  }
0x81: {  	s1 =	rddreg [dreg:$0x1];
	p0 =	sne.s32 s2, $0x0  }
0x82: {  	s3 =	rddreg [dreg:$0x2];
	[bflag:$0x3] =	sbarrier.arrive $0xFFFF;
	s2 =	simm.s32 @!p0 $0x1C02  }
0x83: {  	[timem:s3], [sflag:s2] =	dma.local @!p0 [hbm:s0], s1  }
0x84: {  	s0 =	simm.s32 @!p0 $0x2  }
0x85: {  	_ =	swait.ge @!p0 [sflag:s0], s1  }
0x86: {  	s1 =	ssub.s32 @!p0 $0x0, s1;
	[sflag:s0] =	ssyncset.done @!p0 $0x0  }
0x87: {  	[sflag:s0] =	ssyncadd.s32 @!p0 s1  }
0x88: {  	[bflag:$0x3] =	sbarrier.arrive $0xFFFF  }
0x89: {  	_ =	shalt  }

// kernel: kernel.9.cloned.1.call-start
scs
__scs_entry_jumppad:
0x0: {  	(pc) =	sbr.rel $0x88, $3  }
0x1: {  	(tag) =	ssettag $0x0;
	lr =	simm.s32 $0x1  }
0x2: {  	[smem:$0x3F92] =	sst lr;
	_ =	strace $0xD0000000  }
0x3: {  	_ = 	snop  }
0x4: {  	_ = 	snop  }
0x5: {  	_ = 	snop  }
0x6: {  	_ = 	snop  }
0x7: {  	_ = 	snop  }
__scs_overlays_trampoline_lowered:
0x8: {  	[smem:$0x3FA1] =	sst s0  }
0x9: {  	[smem:$0x3FA2] =	sst s1  }
0xa: {  	[smem:$0x3FA3] =	sst s2  }
0xb: {  	[smem:$0x3FA4] =	sst s3  }
0xc: {  	[smem:$0x3FA5] =	sst s4  }
0xd: {  	[smem:$0x3FA6] =	sst s5  }
0xe: {  	[smem:$0x3FA7] =	sst s6  }
0xf: {  	[smem:$0x3FA8] =	sst s7  }
0x10: {  	[smem:$0x3FA9] =	sst s8  }
0x11: {  	[smem:$0x3FAA] =	sst s9;
	s0 =	simm.s32 @!p0 $0x0  }
0x12: {  	s1 =	sld [smem:$0x3F90];
	s0 =	simm.s32 @p0 $0x1  }
0x13: {  	[smem:$0x3FAB] =	sst s0;
	s0 =	simm.s32 @!p1 $0x0  }
0x14: {  	s2 =	sld [smem:$0x3F8F];
	s0 =	simm.s32 @p1 $0x1  }
0x15: {  	[smem:$0x3FAC] =	sst s0;
	s0 =	simm.s32 @!p2 $0x0  }
0x16: {  	s3 =	sld [smem:$0x3FDB];
	s0 =	simm.s32 @p2 $0x1  }
0x17: {  	s4 =	simm.s32 $0x1BF5;
	[smem:$0x3FAE] =	sst s0  }
0x18: {  	s0 =	sld [smem:$0x3F91];
	_ =	swait.ge [sflag:s4], $0x0  }
0x19: {  	s7 =	sld [smem:$0x3F92]  }
0x1a: {  	s8 =	sadd.s32 $0xFFFFE003, lr  }
0x1b: {  	s9 =	sadd.s32 $0xFFFFFEF7, lr;
	s5 =	simm.s32 $0xFFFFFFFF;
	p2 =	slt.u32 s8, $0xFFFFF086  }
0x1c: {  	p1 =	slt.u32 s9, $0xF7A;
	s5 =	simm.s32 @!p2 $0x0  }
0x1d: {  	s5 =	simm.s32 @p1 $0x1;
	p0 =	seq.s32 s7, s2  }
0x1e: {  	s7 =	smul.u32 @!p0 $0xF7A, s2;
	p2 =	seq.s32 @!p0 s5, $0x0  }
0x1f: {  	s9 =	smul.u32 $0xF7A, s1;
	s8 =	simm.s32 @!p0 $0x1BF5;
	p2 =	por !p2, p0  }
0x20: {  	[sflag:s8] =	ssyncset.s32 @!p0 $0xFFFFF086;
	s6 =	sadd.s32 @!p0 s3, s7;
	s7 =	simm.s32 @!p0 $0x108  }
0x21: {  	s3 =	sadd.s32 s3, s9;
	s6 =	sadd.s32 @!p0 $0x88, s6;
	s7 =	simm.s32 @p2 $0x1082  }
0x22: {  	[simem:s7], [sflag:s8] =	dma.local @!p0 [hbm:s6], $0xF7A  }
0x23: {  	s9 =	sor.u32 $0xD0000000, s2;
	s6 =	simm.s32 $0x108;
	_ =	swait.ge @!p0 [sflag:s8], $0x0  }
0x24: {  	s3 =	sadd.s32 $0x88, s3;
	s6 =	simm.s32 @!p1 $0x1082;
	[sflag:s4] =	ssyncset.s32 $0xFFFFF086  }
0x25: {  	[simem:s6], [sflag:s4] =	dma.local [hbm:s3], $0xF7A  }
0x26: {  	[smem:$0x3F92] =	sst s1;
	(tag) =	ssettag s2;
	_ =	strace s9  }
0x27: {  	s1 =	sld [smem:$0x3FA2]  }
0x28: {  	s2 =	sld [smem:$0x3FA3]  }
0x29: {  	s4 =	sld [smem:$0x3FA5]  }
0x2a: {  	p0 =	seq.s32 s5, $0x0;
	s5 =	sld [smem:$0x3FA6]  }
0x2b: {  	s6 =	sld [smem:$0x3FA7]  }
0x2c: {  	s7 =	sld [smem:$0x3FA8]  }
0x2d: {  	s3 =	simm.s32 $0x108;
	s8 =	sld [smem:$0x3FA9]  }
0x2e: {  	s3 =	simm.s32 @!p0 $0x1082;
	s9 =	sld [smem:$0x3FAA]  }
0x2f: {  	lr =	sadd.s32 s0, s3;
	s0 =	sld [smem:$0x3FA1]  }
0x30: {  	s3 =	sld [smem:$0x3FA4]  }
0x31: {  	[smem:$0x3FAD] =	sst s10  }
0x32: {  	s10 =	sld [smem:$0x3FAB];
	_ =	sdelay $0x3  }
0x33: {  	p0 =	seq.s32 s10, $0x1;
	s10 =	sld [smem:$0x3FAD];
	_ =	sdelay $0x3  }
0x34: {  	[smem:$0x3FAD] =	sst s10  }
0x35: {  	s10 =	sld [smem:$0x3FAC];
	_ =	sdelay $0x3  }
0x36: {  	p1 =	seq.s32 s10, $0x1;
	s10 =	sld [smem:$0x3FAD];
	_ =	sdelay $0x3  }
0x37: {  	[smem:$0x3FAD] =	sst s10  }
0x38: {  	s10 =	sld [smem:$0x3FAE]  }
0x39: {  	_ = 	snop;
	(pc) =	sbr.ind lr, $3  }
0x3a: {  	_ = 	snop  }
0x3b: {  	_ = 	snop  }
0x3c: {  	p2 =	seq.s32 s10, $0x1;
	s10 =	sld [smem:$0x3FAD]  }
0x3d: {  	_ =	shalt  }
0x3e: {  	_ =	shalt  }
0x3f: {  	_ =	shalt  }
0x40: {  	_ =	shalt  }
0x41: {  	_ =	shalt  }
0x42: {  	_ =	shalt  }
0x43: {  	_ =	shalt  }
0x44: {  	_ =	shalt  }
0x45: {  	_ =	shalt  }
0x46: {  	_ =	shalt  }
0x47: {  	_ =	shalt  }
0x48: {  	_ =	shalt  }
0x49: {  	_ =	shalt  }
0x4a: {  	_ =	shalt  }
0x4b: {  	_ =	shalt  }
0x4c: {  	_ =	shalt  }
0x4d: {  	_ =	shalt  }
0x4e: {  	_ =	shalt  }
0x4f: {  	_ =	shalt  }
0x50: {  	_ =	shalt  }
0x51: {  	_ =	shalt  }
0x52: {  	_ =	shalt  }
0x53: {  	_ =	shalt  }
0x54: {  	_ =	shalt  }
0x55: {  	_ =	shalt  }
0x56: {  	_ =	shalt  }
0x57: {  	_ =	shalt  }
0x58: {  	_ =	shalt  }
0x59: {  	_ =	shalt  }
0x5a: {  	_ =	shalt  }
0x5b: {  	_ =	shalt  }
0x5c: {  	_ =	shalt  }
0x5d: {  	_ =	shalt  }
0x5e: {  	_ =	shalt  }
0x5f: {  	_ =	shalt  }
0x60: {  	_ =	shalt  }
0x61: {  	_ =	shalt  }
0x62: {  	_ =	shalt  }
0x63: {  	_ =	shalt  }
0x64: {  	_ =	shalt  }
0x65: {  	_ =	shalt  }
0x66: {  	_ =	shalt  }
0x67: {  	_ =	shalt  }
0x68: {  	_ =	shalt  }
0x69: {  	_ =	shalt  }
0x6a: {  	_ =	shalt  }
0x6b: {  	_ =	shalt  }
0x6c: {  	_ =	shalt  }
0x6d: {  	_ =	shalt  }
0x6e: {  	_ =	shalt  }
0x6f: {  	_ =	shalt  }
0x70: {  	_ =	shalt  }
0x71: {  	_ =	shalt  }
0x72: {  	_ =	shalt  }
0x73: {  	_ =	shalt  }
0x74: {  	_ =	shalt  }
0x75: {  	_ =	shalt  }
0x76: {  	_ =	shalt  }
0x77: {  	_ =	shalt  }
0x78: {  	_ =	shalt  }
0x79: {  	_ =	shalt  }
0x7a: {  	_ =	shalt  }
0x7b: {  	_ =	shalt  }
0x7c: {  	_ =	shalt  }
0x7d: {  	_ =	shalt  }
0x7e: {  	_ =	shalt  }
0x7f: {  	_ =	shalt  }
0x80: {  	_ =	shalt  }
0x81: {  	_ =	shalt  }
0x82: {  	_ =	shalt  }
0x83: {  	_ =	shalt  }
0x84: {  	_ =	shalt  }
0x85: {  	_ =	shalt  }
0x86: {  	_ =	shalt  }
0x87: {  	_ =	shalt  }
.Lfunc_end0:
.L_simem_size_0:
called_computation.1_lowered:
.L_overlay_start_0:
0x88: {  	s2 =	sld [smem:$0x3FD9]  }
0x89: {  	s3 =	sld [smem:$0x3FFE];
	_ =	sdelay $0x1  }
0x8a: {  	s1 =	srdreg.scid  }
0x8b: {  	s0 =	sand.u32 $0x1, s1  }
0x8c: {  	s17 =	sshll.u32 s0, $0xA;
	s2 =	sadd.s32 s3, s2  }
0x8d: {  	s2 =	sadd.s32 s2, s17  }
0x8e: {  	[smem:$0x3FB9] =	sst s2  }
0x8f: {  	_ = 	snop  }
0x90: {  	s2 =	sld [smem:$0x3FC7];
	(tm) =	ssettm $0x1  }
0x91: {  	s18 =	sld [smem:$0x3FFB];
	_ =	sdelay $0x3  }
0x92: {  	_ =	strace s18  }
0x93: {  	s3 =	sld [smem:$0x3FFC];
	_ =	sdelay $0x3  }
0x94: {  	_ =	strace s3  }
0x95: {  	s3 =	sld [smem:$0x3FFD];
	_ =	sdelay $0x3  }
0x96: {  	_ =	strace s3  }
0x97: {  	_ =	strace $0x8FFFFFFF  }
0x98: {  	s19 =	sld [smem:$0x3FDB];
	_ =	sdelay $0x1  }
0x99: {  	s4 =	simm.s32 $_scs_section_size  }
0x9a: {  	s5 =	simm.s32 $_size__tile_overlayer_lowered;
	s6 =	simm.s32 $_tile_overlayer_lowered  }
0x9b: {  	s22 =	simm.s32 $0x1BFF;
	s21 =	sshll.u32 s6, $0x1;
	s3 =	sadd.s32 s4, s19  }
0x9c: {  	s7 =	simm.s32 $0x0;
	s20 =	sshll.u32 s5, $0x1;
	s5 =	sadd.s32 s21, s3  }
0x9d: {  	[timem:s7], [sflag:s22] =	dma.local [hbm:s5], s20  }
0x9e: {  	_ =	swait.ge [sflag:s22], s20  }
0x9f: {  	s4 =	ssub.s32 $0x0, s20;
	[sflag:s22] =	ssyncset.done $0x0  }
0xa0: {  	[sflag:s22] =	ssyncadd.s32 s4;
	_ =	sdelay $0x1  }
0xa1: {  	s23 =	simm.s32 $0x1B8B  }
0xa2: {  	_ =	swait.ge [sflag:s23], $0x1  }
0xa3: {  	[sflag:s23] =	ssyncset.done $0x0  }
0xa4: {  	s25 =	simm.s32 $0x1B8E;
	s24 =	sld [smem:$0x3FFE];
	[sflag:s23] =	ssyncadd.s32 $0xFFFFFFFF  }
0xa5: {  	s26 =	simm.s32 $execute0_lowered;
	[smem:$0x3FD2] =	sst s25  }
0xa6: {  	s5 =	sshll.u32 s26, $0x1;
	_ =	strace $0x80000049;
	[dreg:$0x1] =	wrdreg $0xFFFFFFFF  }
0xa7: {  	s28 =	simm.s32 $_size_execute0_lowered;
	s3 =	sadd.s32 s3, s5;
	[dreg:$0x0] =	wrdreg $0x0  }
0xa8: {  	s5 =	sshll.u32 s28, $0x1;
	[dreg:$0x2] =	wrdreg s3  }
0xa9: {  	[dreg:$0x3] =	wrdreg s5  }
0xaa: {  	[dreg:$0x4] =	wrdreg $0xC0  }
0xab: {  	_ =	task [dreg:s7], $0x5FFFF  }
0xac: {  	[dreg:$0x1] =	wrdreg $0xFFFFFFFF  }
0xad: {  	[dreg:$0x0] =	wrdreg $0x60  }
0xae: {  	[dreg:$0x2] =	wrdreg s24  }
0xaf: {  	[dreg:$0x3] =	wrdreg s2  }
0xb0: {  	[dreg:$0x4] =	wrdreg $0x7F300  }
0xb1: {  	[dreg:$0x5] =	wrdreg $0x9  }
0xb2: {  	_ =	task.clear_ibuf [dreg:s7], $0x6FFFF;
	_ =	strace $0x90000049  }
0xb3: {  	s29 =	simm.s32 $0x9;
	_ =	strace $0x8000004B  }
0xb4: {  	_ =	swait.ge [sflag:s29], $0x1  }
0xb5: {  	[sflag:s29] =	ssyncadd.s32 $0xFFFFFFFF  }
0xb6: {  	_ =	strace $0x9000004B  }
0xb7: {  	_ =	sfence  }
0xb8: {  	s30 =	sld [smem:$0x0];
	_ =	sdelay $0x2  }
0xb9: {  	s31 =	sshll.u32 s1, $0xD;
	s1 =	sshrl.u32 s1, $0x2  }
0xba: {  	s3 =	sand.u32 $0x4000, s31;
	s1 =	sadd.s32 s1, s30  }
0xbb: {  	s0 =	sor.u32 s3, s0;
	s1 =	sshll.u32 s1, $0x11  }
0xbc: {  	s0 =	sor.u32 s1, s0  }
0xbd: {  	s0 =	sadd.s32 $0x8F2B, s0  }
0xbe: {  	[sflag:s0] =	ssyncadd.remote.s32 $0x1  }
0xbf: {  	_ =	sfence.sel $0xFFFF  }
0xc0: {  	[dreg:$0x0] =	wrdreg $0xFFFFFFFF;
	(pc) =	sbr.abs _section_cstart, $3  }
0xc1: {  	[dreg:$0x1] =	wrdreg $0xFFFFFFFF  }
0xc2: {  	_ =	task.clear_ibuf [dreg:s7], $0x2FFFF;
	_ =	strace $0x9FFFFFFF  }
0xc3: {  	(tm) =	ssettm $0x7FFFFFFF  }
tec
execute0_lowered:
.L_overlay_start_1:
0x0: {  	(tag) =	ssettag $0x1  }
0x1: {  	s5 =	rddreg [dreg:$0x0]  }
0x2: {  	s0 =	srdreg.scid;
	s7 =	rddreg [dreg:$0x1]  }
0x3: {  	s1 =	rddreg [dreg:$0x2];
	s10 =	stileid.u32  }
0x4: {  	s2 =	simm.s32 $0x0;
	s14 =	simm.s32 $0x50;
	s15 =	simm.s32 $0x7530  }
0x5: {  	s16 =	simm.s32 $0x1;
	s17 =	simm.s32 $0x7A30;
	s18 =	simm.s32 $0x2  }
0x6: {  	s19 =	simm.s32 $0x4DD0;
	s4 =	sand.u32 $0x1, s0;
	s0 =	rddreg [dreg:$0x3]  }
0x7: {  	s20 =	simm.s32 $0x0;
	[smem:$0x7FF] =	sst s2;
	p0 =	sne.s32 s10, $0x0  }
0x8: {  	s3 =	sshll.u32 s4, $0x4;
	_ =	strace $0x8000004A;
	s6 =	smul.u32 $0x4E20, s4  }
0x9: {  	v0 =	vimm.s32 $0x0;
	s11 =	ssub.s32 $0x2, s4;
	s4 =	sadd.s32 $0x1A200, s5;
	s3 =	sor.u32 s10, s3  }
0xa: {  	v1 =	vimm.s32 $0x1;
	v2 =	vimm.s32 $0x2;
	v3 =	vimm.s32 $0x3;
	s13 =	sshrl.u32 @!p0 s1, $0x3;
	s31 =	sshrl.u32 s11, $0x1;
	s8 =	smul.u32 $0x4E2, s3  }
0xb: {  	v4 =	vimm.s32 $0x4;
	v5 =	vimm.s32 $0x5;
	v6 =	vimm.s32 $0x6;
	s10 =	simm.s32 $0x3;
	s3 =	sadd.s32 $0x15200, s5;
	s12 =	sadd.s32 s6, s5  }
0xc: {  	v7 =	vimm.s32 $0x7;
	v8 =	vimm.s32 $0x8;
	v9 =	vimm.s32 $0x9;
	s11 =	ssub.s32 s11, s31;
	s9 =	sadd.s32 s8, s5;
	s7 =	sadd.s32 s7, s8  }
0xd: {  	v10 =	vimm.s32 $0xA;
	v11 =	vimm.s32 $0xB;
	v12 =	vimm.s32 $0xC;
	s8 =	sadd.s32 $0x1F200, s12;
	s12 =	simm.s32 $0x4E20;
	s5 =	sadd.s32 $0xB400, s9  }
0xe: {  	v13 =	vimm.s32 $0xD;
	v14 =	vimm.s32 $0xE;
	v15 =	vimm.s32 $0xF;
	s6 =	sadd.s32 $0x1600, s9;
	s9 =	smax.u32 s11, $0x1;
	s11 =	simm.s32 $0x2710  }
.LBB2_1:
0xf: {  	[tilespmem:s2], [sflag:$0x3] =	stream.linear.gather [hbm4b:s5+s2], $0x2710, $0x38;
	[tilespmem:$0xA640] =	vst v63  }
0x10: {  	_ =	swait.ge [sflag:s10], $0x2710  }
0x11: {  	[sflag:s10] =	ssyncset.done $0x0  }
0x12: {  	[sflag:s10] =	ssyncadd.s32 $0xFFFFD8F0  }
0x13: {  	[tilespmem:s11], [sflag:$0x3] =	stream.linear.gather [hbm4b:s6+s2], $0x2710, $0x38;
	[tilespmem:$0xA640] =	vst v63  }
0x14: {  	_ =	swait.ge [sflag:s10], $0x2710  }
0x15: {  	[sflag:s10] =	ssyncset.done $0x0  }
0x16: {  	[sflag:s10] =	ssyncadd.s32 $0xFFFFD8F0  }
0x17: {  	[tilespmem:s12], [sflag:$0x3] =	stream.linear.gather [hbm4b:s7+s2], $0x2710, $0x38;
	[tilespmem:$0xA640] =	vst v63  }
0x18: {  	_ =	swait.ge [sflag:s10], $0x2710  }
0x19: {  	[sflag:s10] =	ssyncset.done $0x0  }
0x1a: {  	s21 =	simm.s32 @!p0 $0x1C03;
	[sflag:s10] =	ssyncadd.s32 $0xFFFFD8F0  }
0x1b: {  	[spmem:s13], [sflag:s21] =	dma.local @!p0 [hbm:s4], $0x4E20  }
0x1c: {  	s21 =	simm.s32 @!p0 $0x3  }
0x1d: {  	_ =	swait.ge @!p0 [sflag:s21], $0x4E20  }
0x1e: {  	[sflag:s21] =	ssyncset.done @!p0 $0x0  }
0x1f: {  	[sflag:s21] =	ssyncadd.s32 @!p0 $0xFFFFB1E0  }
0x20: {  	s21 =	simm.s32 $0x0;
	[bflag:$0x0] =	sbarrier.arrive $0xFFFF  }
0x21: {  	[tilespmem:s15], [sflag:$0x1] =	stream.indirect.gather [hbm4b:s3+s14], $0x10, s2, s14, $0xb8;
	[tilespmem:$0xA640] =	vst v63  }
.LBB2_2:
0x22: {  	_ =	swait.ge [sflag:s16], $0x500  }
0x23: {  	s22 =	sshra.s32 s21, $0x2;
	[sflag:s16] =	ssyncset.done $0x0  }
0x24: {  	s23 =	sadd.s32 $0x50, s22;
	[sflag:s16] =	ssyncadd.s32 $0xFFFFFB00  }
0x25: {  	[tilespmem:s17], [sflag:$0x2] =	stream.indirect.gather [hbm4b:s3+s14], $0x10, s23, s14, $0xb8;
	[tilespmem:$0xA640] =	vst v63  }
0x26: {  	v16 =	vld [tilespmem:s22+$0x4E20];
	_ =	sdelay $0x1  }
0x27: {  	v17 =	vld [tilespmem:$0x7530]  }
0x28: {  	v18 =	vld [tilespmem:$0x7540]  }
0x29: {  	v21 =	vld [tilespmem:$0x7560]  }
0x2a: {  	v19 =	vld [tilespmem:$0x7550];
	v20 =	vperm.xlane v16, v0  }
0x2b: {  	v24 =	vld [tilespmem:$0x7580];
	v22 =	vperm.xlane v16, v1;
	v40 =	vperm.xlane v16, v2  }
0x2c: {  	v23 =	vld [tilespmem:$0x7570];
	v41 =	vperm.xlane v16, v3;
	v17 =	vmul.f32 v17, v20  }
0x2d: {  	v43 =	vld [tilespmem:$0x75A0];
	v42 =	vperm.xlane v16, v4;
	v18 =	vmul.f32 v18, v22  }
0x2e: {  	v25 =	vld [tilespmem:$0x7590];
	v45 =	vperm.xlane v16, v5;
	v44 =	vmul.f32 v21, v41;
	[tilespmem:$0x7530] =	vst v17  }
0x2f: {  	v48 =	vld [tilespmem:$0x75C0];
	v47 =	vperm.xlane v16, v6;
	v17 =	vmul.f32 v19, v40;
	[tilespmem:$0x7540] =	vst v18  }
0x30: {  	v46 =	vld [tilespmem:$0x75B0];
	v50 =	vperm.xlane v16, v7;
	v49 =	vmul.f32 v24, v45;
	[tilespmem:$0x7560] =	vst v44  }
0x31: {  	v53 =	vld [tilespmem:$0x75E0];
	v52 =	vperm.xlane v16, v8;
	[tilespmem:$0x7550] =	vst v17;
	v17 =	vmul.f32 v23, v42  }
0x32: {  	v51 =	vld [tilespmem:$0x75D0];
	v55 =	vperm.xlane v16, v9;
	v54 =	vmul.f32 v43, v50;
	[tilespmem:$0x7580] =	vst v49  }
0x33: {  	v58 =	vld [tilespmem:$0x7600];
	v57 =	vperm.xlane v16, v10;
	[tilespmem:$0x7570] =	vst v17;
	v17 =	vmul.f32 v25, v47  }
0x34: {  	v56 =	vld [tilespmem:$0x75F0];
	v60 =	vperm.xlane v16, v11;
	v59 =	vmul.f32 v48, v55;
	[tilespmem:$0x75A0] =	vst v54  }
0x35: {  	v63 =	vld [tilespmem:$0x7620];
	v62 =	vperm.xlane v16, v12;
	[tilespmem:$0x7590] =	vst v17;
	v17 =	vmul.f32 v46, v52  }
0x36: {  	v61 =	vld [tilespmem:$0x7610];
	v29 =	vperm.xlane v16, v13;
	v28 =	vmul.f32 v53, v60;
	[tilespmem:$0x75C0] =	vst v59  }
0x37: {  	v30 =	vperm.xlane v16, v14;
	[tilespmem:$0x75B0] =	vst v17;
	v17 =	vmul.f32 v51, v57  }
0x38: {  	v16 =	vperm.xlane v16, v15;
	v31 =	vmul.f32 v58, v29;
	[tilespmem:$0x75E0] =	vst v28  }
0x39: {  	[tilespmem:$0x75D0] =	vst v17;
	v17 =	vmul.f32 v56, v62  }
0x3a: {  	v16 =	vmul.f32 v63, v16;
	[tilespmem:$0x7600] =	vst v31  }
0x3b: {  	[tilespmem:$0x75F0] =	vst v17;
	v17 =	vmul.f32 v61, v30  }
0x3c: {  	[tilespmem:$0x7620] =	vst v16  }
0x3d: {  	[tilespmem:$0x7610] =	vst v17  }
0x3e: {  	v16 =	vld [tilespmem:s22+$0x4E30];
	_ =	sdelay $0x1  }
0x3f: {  	v17 =	vld [tilespmem:$0x7630]  }
0x40: {  	v32 =	vld [tilespmem:$0x7640]  }
0x41: {  	v35 =	vld [tilespmem:$0x7660]  }
0x42: {  	v33 =	vld [tilespmem:$0x7650];
	v34 =	vperm.xlane v16, v0  }
0x43: {  	v39 =	vld [tilespmem:$0x7680];
	v36 =	vperm.xlane v16, v1;
	v38 =	vperm.xlane v16, v2  }
0x44: {  	v37 =	vld [tilespmem:$0x7670];
	v40 =	vperm.xlane v16, v3;
	v17 =	vmul.f32 v17, v34  }
0x45: {  	v43 =	vld [tilespmem:$0x76A0];
	v42 =	vperm.xlane v16, v4;
	v18 =	vmul.f32 v32, v36  }
0x46: {  	v41 =	vld [tilespmem:$0x7690];
	v45 =	vperm.xlane v16, v5;
	v44 =	vmul.f32 v35, v40;
	[tilespmem:$0x7630] =	vst v17  }
0x47: {  	v48 =	vld [tilespmem:$0x76C0];
	v47 =	vperm.xlane v16, v6;
	v17 =	vmul.f32 v33, v38;
	[tilespmem:$0x7640] =	vst v18  }
0x48: {  	v46 =	vld [tilespmem:$0x76B0];
	v50 =	vperm.xlane v16, v7;
	v49 =	vmul.f32 v39, v45;
	[tilespmem:$0x7660] =	vst v44  }
0x49: {  	v53 =	vld [tilespmem:$0x76E0];
	v52 =	vperm.xlane v16, v8;
	[tilespmem:$0x7650] =	vst v17;
	v17 =	vmul.f32 v37, v42  }
0x4a: {  	v51 =	vld [tilespmem:$0x76D0];
	v55 =	vperm.xlane v16, v9;
	v54 =	vmul.f32 v43, v50;
	[tilespmem:$0x7680] =	vst v49  }
0x4b: {  	v58 =	vld [tilespmem:$0x7700];
	v57 =	vperm.xlane v16, v10;
	[tilespmem:$0x7670] =	vst v17;
	v17 =	vmul.f32 v41, v47  }
0x4c: {  	v56 =	vld [tilespmem:$0x76F0];
	v60 =	vperm.xlane v16, v11;
	v59 =	vmul.f32 v48, v55;
	[tilespmem:$0x76A0] =	vst v54  }
0x4d: {  	v63 =	vld [tilespmem:$0x7720];
	v62 =	vperm.xlane v16, v12;
	[tilespmem:$0x7690] =	vst v17;
	v17 =	vmul.f32 v46, v52  }
0x4e: {  	v61 =	vld [tilespmem:$0x7710];
	v29 =	vperm.xlane v16, v13;
	v28 =	vmul.f32 v53, v60;
	[tilespmem:$0x76C0] =	vst v59  }
0x4f: {  	v30 =	vperm.xlane v16, v14;
	[tilespmem:$0x76B0] =	vst v17;
	v17 =	vmul.f32 v51, v57  }
0x50: {  	v16 =	vperm.xlane v16, v15;
	v31 =	vmul.f32 v58, v29;
	[tilespmem:$0x76E0] =	vst v28  }
0x51: {  	[tilespmem:$0x76D0] =	vst v17;
	v17 =	vmul.f32 v56, v62  }
0x52: {  	v16 =	vmul.f32 v63, v16;
	[tilespmem:$0x7700] =	vst v31  }
0x53: {  	[tilespmem:$0x76F0] =	vst v17;
	v17 =	vmul.f32 v61, v30  }
0x54: {  	[tilespmem:$0x7720] =	vst v16  }
0x55: {  	[tilespmem:$0x7710] =	vst v17  }
0x56: {  	v16 =	vld [tilespmem:s22+$0x4E40];
	_ =	sdelay $0x1  }
0x57: {  	v17 =	vld [tilespmem:$0x7730]  }
0x58: {  	v32 =	vld [tilespmem:$0x7740]  }
0x59: {  	v35 =	vld [tilespmem:$0x7760]  }
0x5a: {  	v33 =	vld [tilespmem:$0x7750];
	v34 =	vperm.xlane v16, v0  }
0x5b: {  	v39 =	vld [tilespmem:$0x7780];
	v36 =	vperm.xlane v16, v1;
	v38 =	vperm.xlane v16, v2  }
0x5c: {  	v37 =	vld [tilespmem:$0x7770];
	v40 =	vperm.xlane v16, v3;
	v17 =	vmul.f32 v17, v34  }
0x5d: {  	v43 =	vld [tilespmem:$0x77A0];
	v42 =	vperm.xlane v16, v4;
	v18 =	vmul.f32 v32, v36  }
0x5e: {  	v41 =	vld [tilespmem:$0x7790];
	v45 =	vperm.xlane v16, v5;
	v44 =	vmul.f32 v35, v40;
	[tilespmem:$0x7730] =	vst v17  }
0x5f: {  	v48 =	vld [tilespmem:$0x77C0];
	v47 =	vperm.xlane v16, v6;
	v17 =	vmul.f32 v33, v38;
	[tilespmem:$0x7740] =	vst v18  }
0x60: {  	v46 =	vld [tilespmem:$0x77B0];
	v50 =	vperm.xlane v16, v7;
	v49 =	vmul.f32 v39, v45;
	[tilespmem:$0x7760] =	vst v44  }
0x61: {  	v53 =	vld [tilespmem:$0x77E0];
	v52 =	vperm.xlane v16, v8;
	[tilespmem:$0x7750] =	vst v17;
	v17 =	vmul.f32 v37, v42  }
0x62: {  	v51 =	vld [tilespmem:$0x77D0];
	v55 =	vperm.xlane v16, v9;
	v54 =	vmul.f32 v43, v50;
	[tilespmem:$0x7780] =	vst v49  }
0x63: {  	v58 =	vld [tilespmem:$0x7800];
	v57 =	vperm.xlane v16, v10;
	[tilespmem:$0x7770] =	vst v17;
	v17 =	vmul.f32 v41, v47  }
0x64: {  	v56 =	vld [tilespmem:$0x77F0];
	v60 =	vperm.xlane v16, v11;
	v59 =	vmul.f32 v48, v55;
	[tilespmem:$0x77A0] =	vst v54  }
0x65: {  	v63 =	vld [tilespmem:$0x7820];
	v62 =	vperm.xlane v16, v12;
	[tilespmem:$0x7790] =	vst v17;
	v17 =	vmul.f32 v46, v52  }
0x66: {  	v61 =	vld [tilespmem:$0x7810];
	v29 =	vperm.xlane v16, v13;
	v28 =	vmul.f32 v53, v60;
	[tilespmem:$0x77C0] =	vst v59  }
0x67: {  	v30 =	vperm.xlane v16, v14;
	[tilespmem:$0x77B0] =	vst v17;
	v17 =	vmul.f32 v51, v57  }
0x68: {  	v16 =	vperm.xlane v16, v15;
	v31 =	vmul.f32 v58, v29;
	[tilespmem:$0x77E0] =	vst v28  }
0x69: {  	[tilespmem:$0x77D0] =	vst v17;
	v17 =	vmul.f32 v56, v62  }
0x6a: {  	v16 =	vmul.f32 v63, v16;
	[tilespmem:$0x7800] =	vst v31  }
0x6b: {  	[tilespmem:$0x77F0] =	vst v17;
	v17 =	vmul.f32 v61, v30  }
0x6c: {  	[tilespmem:$0x7820] =	vst v16  }
0x6d: {  	[tilespmem:$0x7810] =	vst v17  }
0x6e: {  	v16 =	vld [tilespmem:s22+$0x4E50];
	_ =	sdelay $0x1  }
0x6f: {  	v17 =	vld [tilespmem:$0x7830]  }
0x70: {  	v32 =	vld [tilespmem:$0x7840]  }
0x71: {  	v35 =	vld [tilespmem:$0x7860]  }
0x72: {  	v33 =	vld [tilespmem:$0x7850];
	v34 =	vperm.xlane v16, v0  }
0x73: {  	v39 =	vld [tilespmem:$0x7880];
	v36 =	vperm.xlane v16, v1;
	v38 =	vperm.xlane v16, v2  }
0x74: {  	v37 =	vld [tilespmem:$0x7870];
	v40 =	vperm.xlane v16, v3;
	v17 =	vmul.f32 v17, v34  }
0x75: {  	v43 =	vld [tilespmem:$0x78A0];
	v42 =	vperm.xlane v16, v4;
	v18 =	vmul.f32 v32, v36  }
0x76: {  	v41 =	vld [tilespmem:$0x7890];
	v45 =	vperm.xlane v16, v5;
	v44 =	vmul.f32 v35, v40;
	[tilespmem:$0x7830] =	vst v17  }
0x77: {  	v48 =	vld [tilespmem:$0x78C0];
	v47 =	vperm.xlane v16, v6;
	v17 =	vmul.f32 v33, v38;
	[tilespmem:$0x7840] =	vst v18  }
0x78: {  	v46 =	vld [tilespmem:$0x78B0];
	v50 =	vperm.xlane v16, v7;
	v49 =	vmul.f32 v39, v45;
	[tilespmem:$0x7860] =	vst v44  }
0x79: {  	v53 =	vld [tilespmem:$0x78E0];
	v52 =	vperm.xlane v16, v8;
	[tilespmem:$0x7850] =	vst v17;
	v17 =	vmul.f32 v37, v42  }
0x7a: {  	v51 =	vld [tilespmem:$0x78D0];
	v55 =	vperm.xlane v16, v9;
	v54 =	vmul.f32 v43, v50;
	[tilespmem:$0x7880] =	vst v49  }
0x7b: {  	v58 =	vld [tilespmem:$0x7900];
	v57 =	vperm.xlane v16, v10;
	[tilespmem:$0x7870] =	vst v17;
	v17 =	vmul.f32 v41, v47  }
0x7c: {  	v56 =	vld [tilespmem:$0x78F0];
	v60 =	vperm.xlane v16, v11;
	v59 =	vmul.f32 v48, v55;
	[tilespmem:$0x78A0] =	vst v54  }
0x7d: {  	v63 =	vld [tilespmem:$0x7920];
	v62 =	vperm.xlane v16, v12;
	[tilespmem:$0x7890] =	vst v17;
	v17 =	vmul.f32 v46, v52  }
0x7e: {  	v61 =	vld [tilespmem:$0x7910];
	v29 =	vperm.xlane v16, v13;
	v28 =	vmul.f32 v53, v60;
	[tilespmem:$0x78C0] =	vst v59  }
0x7f: {  	v30 =	vperm.xlane v16, v14;
	[tilespmem:$0x78B0] =	vst v17;
	v17 =	vmul.f32 v51, v57  }
0x80: {  	v16 =	vperm.xlane v16, v15;
	v31 =	vmul.f32 v58, v29;
	[tilespmem:$0x78E0] =	vst v28  }
0x81: {  	[tilespmem:$0x78D0] =	vst v17;
	v17 =	vmul.f32 v56, v62  }
0x82: {  	v16 =	vmul.f32 v63, v16;
	[tilespmem:$0x7900] =	vst v31  }
0x83: {  	[tilespmem:$0x78F0] =	vst v17;
	v17 =	vmul.f32 v61, v30  }
0x84: {  	[tilespmem:$0x7920] =	vst v16  }
0x85: {  	[tilespmem:$0x7910] =	vst v17  }
0x86: {  	v16 =	vld [tilespmem:s22+$0x4E60];
	_ =	sdelay $0x1  }
0x87: {  	v17 =	vld [tilespmem:$0x7930]  }
0x88: {  	v32 =	vld [tilespmem:$0x7940]  }
0x89: {  	v35 =	vld [tilespmem:$0x7960]  }
0x8a: {  	v33 =	vld [tilespmem:$0x7950];
	v34 =	vperm.xlane v16, v0  }
0x8b: {  	v39 =	vld [tilespmem:$0x7980];
	v36 =	vperm.xlane v16, v1;
	v38 =	vperm.xlane v16, v2  }
0x8c: {  	v37 =	vld [tilespmem:$0x7970];
	v40 =	vperm.xlane v16, v3;
	v17 =	vmul.f32 v17, v34  }
0x8d: {  	v43 =	vld [tilespmem:$0x79A0];
	v42 =	vperm.xlane v16, v4;
	v18 =	vmul.f32 v32, v36  }
0x8e: {  	v41 =	vld [tilespmem:$0x7990];
	v45 =	vperm.xlane v16, v5;
	v44 =	vmul.f32 v35, v40;
	[tilespmem:$0x7930] =	vst v17  }
0x8f: {  	v48 =	vld [tilespmem:$0x79C0];
	v47 =	vperm.xlane v16, v6;
	v17 =	vmul.f32 v33, v38;
	[tilespmem:$0x7940] =	vst v18  }
0x90: {  	v46 =	vld [tilespmem:$0x79B0];
	v50 =	vperm.xlane v16, v7;
	v49 =	vmul.f32 v39, v45;
	[tilespmem:$0x7960] =	vst v44  }
0x91: {  	v53 =	vld [tilespmem:$0x79E0];
	v52 =	vperm.xlane v16, v8;
	[tilespmem:$0x7950] =	vst v17;
	v17 =	vmul.f32 v37, v42  }
0x92: {  	v51 =	vld [tilespmem:$0x79D0];
	v55 =	vperm.xlane v16, v9;
	v54 =	vmul.f32 v43, v50;
	[tilespmem:$0x7980] =	vst v49  }
0x93: {  	v58 =	vld [tilespmem:$0x7A00];
	v57 =	vperm.xlane v16, v10;
	[tilespmem:$0x7970] =	vst v17;
	v17 =	vmul.f32 v41, v47  }
0x94: {  	v56 =	vld [tilespmem:$0x79F0];
	v60 =	vperm.xlane v16, v11;
	v59 =	vmul.f32 v48, v55;
	[tilespmem:$0x79A0] =	vst v54  }
0x95: {  	v63 =	vld [tilespmem:$0x7A20];
	v62 =	vperm.xlane v16, v12;
	[tilespmem:$0x7990] =	vst v17;
	v17 =	vmul.f32 v46, v52  }
0x96: {  	v61 =	vld [tilespmem:$0x7A10];
	v29 =	vperm.xlane v16, v13;
	v28 =	vmul.f32 v53, v60;
	[tilespmem:$0x79C0] =	vst v59  }
0x97: {  	v30 =	vperm.xlane v16, v14;
	[tilespmem:$0x79B0] =	vst v17;
	v17 =	vmul.f32 v51, v57  }
0x98: {  	v16 =	vperm.xlane v16, v15;
	v31 =	vmul.f32 v58, v29;
	[tilespmem:$0x79E0] =	vst v28  }
0x99: {  	[tilespmem:$0x79D0] =	vst v17;
	v17 =	vmul.f32 v56, v62  }
0x9a: {  	v16 =	vmul.f32 v63, v16;
	[tilespmem:$0x7A00] =	vst v31  }
0x9b: {  	[tilespmem:$0x79F0] =	vst v17;
	v17 =	vmul.f32 v61, v30  }
0x9c: {  	[tilespmem:$0x7A20] =	vst v16  }
0x9d: {  	s30 =	sadd.s32 $0x2710, s22;
	[tilespmem:$0x7A10] =	vst v17  }
0x9e: {  	[spmem:s1] =	stream.indirect.scatter.add.f32 [tilespmem:s15], [sflag:$0x3], $0x10, s30, s14, $0xb8;
	[tilespmem:$0xA640] =	vst v63  }
0x9f: {  	_ =	swait.ge [sflag:s10], $0x500  }
0xa0: {  	[sflag:s10] =	ssyncset.done $0x0  }
0xa1: {  	[sflag:s10] =	ssyncadd.s32 $0xFFFFFB00  }
0xa2: {  	_ =	swait.ge [sflag:s18], $0x500  }
0xa3: {  	[sflag:s18] =	ssyncset.done $0x0  }
0xa4: {  	s31 =	sadd.s32 $0xA0, s22;
	[sflag:s18] =	ssyncadd.s32 $0xFFFFFB00  }
0xa5: {  	[tilespmem:s15], [sflag:$0x1] =	stream.indirect.gather [hbm4b:s3+s14], $0x10, s31, s14, $0xb8;
	[tilespmem:$0xA640] =	vst v63  }
0xa6: {  	v16 =	vld [tilespmem:s22+$0x4E70];
	_ =	sdelay $0x1  }
0xa7: {  	v17 =	vld [tilespmem:$0x7A30]  }
0xa8: {  	v32 =	vld [tilespmem:$0x7A40]  }
0xa9: {  	v35 =	vld [tilespmem:$0x7A60]  }
0xaa: {  	v33 =	vld [tilespmem:$0x7A50];
	v34 =	vperm.xlane v16, v0  }
0xab: {  	v39 =	vld [tilespmem:$0x7A80];
	v36 =	vperm.xlane v16, v1;
	v38 =	vperm.xlane v16, v2  }
0xac: {  	v37 =	vld [tilespmem:$0x7A70];
	v40 =	vperm.xlane v16, v3;
	v17 =	vmul.f32 v17, v34  }
0xad: {  	v43 =	vld [tilespmem:$0x7AA0];
	v42 =	vperm.xlane v16, v4;
	v18 =	vmul.f32 v32, v36  }
0xae: {  	v41 =	vld [tilespmem:$0x7A90];
	v45 =	vperm.xlane v16, v5;
	v44 =	vmul.f32 v35, v40;
	[tilespmem:$0x7A30] =	vst v17  }
0xaf: {  	v48 =	vld [tilespmem:$0x7AC0];
	v47 =	vperm.xlane v16, v6;
	v17 =	vmul.f32 v33, v38;
	[tilespmem:$0x7A40] =	vst v18  }
0xb0: {  	v46 =	vld [tilespmem:$0x7AB0];
	v50 =	vperm.xlane v16, v7;
	v49 =	vmul.f32 v39, v45;
	[tilespmem:$0x7A60] =	vst v44  }
0xb1: {  	v53 =	vld [tilespmem:$0x7AE0];
	v52 =	vperm.xlane v16, v8;
	[tilespmem:$0x7A50] =	vst v17;
	v17 =	vmul.f32 v37, v42  }
0xb2: {  	v51 =	vld [tilespmem:$0x7AD0];
	v55 =	vperm.xlane v16, v9;
	v54 =	vmul.f32 v43, v50;
	[tilespmem:$0x7A80] =	vst v49  }
0xb3: {  	v58 =	vld [tilespmem:$0x7B00];
	v57 =	vperm.xlane v16, v10;
	[tilespmem:$0x7A70] =	vst v17;
	v17 =	vmul.f32 v41, v47  }
0xb4: {  	v56 =	vld [tilespmem:$0x7AF0];
	v60 =	vperm.xlane v16, v11;
	v59 =	vmul.f32 v48, v55;
	[tilespmem:$0x7AA0] =	vst v54  }
0xb5: {  	v63 =	vld [tilespmem:$0x7B20];
	v62 =	vperm.xlane v16, v12;
	[tilespmem:$0x7A90] =	vst v17;
	v17 =	vmul.f32 v46, v52  }
0xb6: {  	v61 =	vld [tilespmem:$0x7B10];
	v29 =	vperm.xlane v16, v13;
	v28 =	vmul.f32 v53, v60;
	[tilespmem:$0x7AC0] =	vst v59  }
0xb7: {  	v30 =	vperm.xlane v16, v14;
	[tilespmem:$0x7AB0] =	vst v17;
	v17 =	vmul.f32 v51, v57  }
0xb8: {  	v16 =	vperm.xlane v16, v15;
	v31 =	vmul.f32 v58, v29;
	[tilespmem:$0x7AE0] =	vst v28  }
0xb9: {  	[tilespmem:$0x7AD0] =	vst v17;
	v17 =	vmul.f32 v56, v62  }
0xba: {  	v16 =	vmul.f32 v63, v16;
	[tilespmem:$0x7B00] =	vst v31  }
0xbb: {  	[tilespmem:$0x7AF0] =	vst v17;
	v17 =	vmul.f32 v61, v30  }
0xbc: {  	[tilespmem:$0x7B20] =	vst v16  }
0xbd: {  	[tilespmem:$0x7B10] =	vst v17  }
0xbe: {  	v16 =	vld [tilespmem:s22+$0x4E80];
	_ =	sdelay $0x1  }
0xbf: {  	v17 =	vld [tilespmem:$0x7B30]  }
0xc0: {  	v32 =	vld [tilespmem:$0x7B40]  }
0xc1: {  	v35 =	vld [tilespmem:$0x7B60]  }
0xc2: {  	v33 =	vld [tilespmem:$0x7B50];
	v34 =	vperm.xlane v16, v0  }
0xc3: {  	v39 =	vld [tilespmem:$0x7B80];
	v36 =	vperm.xlane v16, v1;
	v38 =	vperm.xlane v16, v2  }
0xc4: {  	v37 =	vld [tilespmem:$0x7B70];
	v40 =	vperm.xlane v16, v3;
	v17 =	vmul.f32 v17, v34  }
0xc5: {  	v43 =	vld [tilespmem:$0x7BA0];
	v42 =	vperm.xlane v16, v4;
	v18 =	vmul.f32 v32, v36  }
0xc6: {  	v41 =	vld [tilespmem:$0x7B90];
	v45 =	vperm.xlane v16, v5;
	v44 =	vmul.f32 v35, v40;
	[tilespmem:$0x7B30] =	vst v17  }
0xc7: {  	v48 =	vld [tilespmem:$0x7BC0];
	v47 =	vperm.xlane v16, v6;
	v17 =	vmul.f32 v33, v38;
	[tilespmem:$0x7B40] =	vst v18  }
0xc8: {  	v46 =	vld [tilespmem:$0x7BB0];
	v50 =	vperm.xlane v16, v7;
	v49 =	vmul.f32 v39, v45;
	[tilespmem:$0x7B60] =	vst v44  }
0xc9: {  	v53 =	vld [tilespmem:$0x7BE0];
	v52 =	vperm.xlane v16, v8;
	[tilespmem:$0x7B50] =	vst v17;
	v17 =	vmul.f32 v37, v42  }
0xca: {  	v51 =	vld [tilespmem:$0x7BD0];
	v55 =	vperm.xlane v16, v9;
	v54 =	vmul.f32 v43, v50;
	[tilespmem:$0x7B80] =	vst v49  }
0xcb: {  	v58 =	vld [tilespmem:$0x7C00];
	v57 =	vperm.xlane v16, v10;
	[tilespmem:$0x7B70] =	vst v17;
	v17 =	vmul.f32 v41, v47  }
0xcc: {  	v56 =	vld [tilespmem:$0x7BF0];
	v60 =	vperm.xlane v16, v11;
	v59 =	vmul.f32 v48, v55;
	[tilespmem:$0x7BA0] =	vst v54  }
0xcd: {  	v63 =	vld [tilespmem:$0x7C20];
	v62 =	vperm.xlane v16, v12;
	[tilespmem:$0x7B90] =	vst v17;
	v17 =	vmul.f32 v46, v52  }
0xce: {  	v61 =	vld [tilespmem:$0x7C10];
	v29 =	vperm.xlane v16, v13;
	v28 =	vmul.f32 v53, v60;
	[tilespmem:$0x7BC0] =	vst v59  }
0xcf: {  	v30 =	vperm.xlane v16, v14;
	[tilespmem:$0x7BB0] =	vst v17;
	v17 =	vmul.f32 v51, v57  }
0xd0: {  	v16 =	vperm.xlane v16, v15;
	v31 =	vmul.f32 v58, v29;
	[tilespmem:$0x7BE0] =	vst v28  }
0xd1: {  	[tilespmem:$0x7BD0] =	vst v17;
	v17 =	vmul.f32 v56, v62  }
0xd2: {  	v16 =	vmul.f32 v63, v16;
	[tilespmem:$0x7C00] =	vst v31  }
0xd3: {  	[tilespmem:$0x7BF0] =	vst v17;
	v17 =	vmul.f32 v61, v30  }
0xd4: {  	[tilespmem:$0x7C20] =	vst v16  }
0xd5: {  	[tilespmem:$0x7C10] =	vst v17  }
0xd6: {  	v16 =	vld [tilespmem:s22+$0x4E90];
	_ =	sdelay $0x1  }
0xd7: {  	v17 =	vld [tilespmem:$0x7C30]  }
0xd8: {  	v32 =	vld [tilespmem:$0x7C40]  }
0xd9: {  	v35 =	vld [tilespmem:$0x7C60]  }
0xda: {  	v33 =	vld [tilespmem:$0x7C50];
	v34 =	vperm.xlane v16, v0  }
0xdb: {  	v39 =	vld [tilespmem:$0x7C80];
	v36 =	vperm.xlane v16, v1;
	v38 =	vperm.xlane v16, v2  }
0xdc: {  	v37 =	vld [tilespmem:$0x7C70];
	v40 =	vperm.xlane v16, v3;
	v17 =	vmul.f32 v17, v34  }
0xdd: {  	v43 =	vld [tilespmem:$0x7CA0];
	v42 =	vperm.xlane v16, v4;
	v18 =	vmul.f32 v32, v36  }
0xde: {  	v41 =	vld [tilespmem:$0x7C90];
	v45 =	vperm.xlane v16, v5;
	v44 =	vmul.f32 v35, v40;
	[tilespmem:$0x7C30] =	vst v17  }
0xdf: {  	v48 =	vld [tilespmem:$0x7CC0];
	v47 =	vperm.xlane v16, v6;
	v17 =	vmul.f32 v33, v38;
	[tilespmem:$0x7C40] =	vst v18  }
0xe0: {  	v46 =	vld [tilespmem:$0x7CB0];
	v50 =	vperm.xlane v16, v7;
	v49 =	vmul.f32 v39, v45;
	[tilespmem:$0x7C60] =	vst v44  }
0xe1: {  	v53 =	vld [tilespmem:$0x7CE0];
	v52 =	vperm.xlane v16, v8;
	[tilespmem:$0x7C50] =	vst v17;
	v17 =	vmul.f32 v37, v42  }
0xe2: {  	v51 =	vld [tilespmem:$0x7CD0];
	v55 =	vperm.xlane v16, v9;
	v54 =	vmul.f32 v43, v50;
	[tilespmem:$0x7C80] =	vst v49  }
0xe3: {  	v58 =	vld [tilespmem:$0x7D00];
	v57 =	vperm.xlane v16, v10;
	[tilespmem:$0x7C70] =	vst v17;
	v17 =	vmul.f32 v41, v47  }
0xe4: {  	v56 =	vld [tilespmem:$0x7CF0];
	v60 =	vperm.xlane v16, v11;
	v59 =	vmul.f32 v48, v55;
	[tilespmem:$0x7CA0] =	vst v54  }
0xe5: {  	v63 =	vld [tilespmem:$0x7D20];
	v62 =	vperm.xlane v16, v12;
	[tilespmem:$0x7C90] =	vst v17;
	v17 =	vmul.f32 v46, v52  }
0xe6: {  	v61 =	vld [tilespmem:$0x7D10];
	v28 =	vperm.xlane v16, v13;
	v27 =	vmul.f32 v53, v60;
	[tilespmem:$0x7CC0] =	vst v59  }
0xe7: {  	v29 =	vperm.xlane v16, v14;
	[tilespmem:$0x7CB0] =	vst v17;
	v17 =	vmul.f32 v51, v57  }
0xe8: {  	v16 =	vperm.xlane v16, v15;
	v30 =	vmul.f32 v58, v28;
	[tilespmem:$0x7CE0] =	vst v27  }
0xe9: {  	[tilespmem:$0x7CD0] =	vst v17;
	v17 =	vmul.f32 v56, v62  }
0xea: {  	v16 =	vmul.f32 v63, v16;
	[tilespmem:$0x7D00] =	vst v30  }
0xeb: {  	[tilespmem:$0x7CF0] =	vst v17;
	v17 =	vmul.f32 v61, v29  }
0xec: {  	[tilespmem:$0x7D20] =	vst v16  }
0xed: {  	[tilespmem:$0x7D10] =	vst v17  }
0xee: {  	v16 =	vld [tilespmem:s22+$0x4EA0];
	_ =	sdelay $0x1  }
0xef: {  	v17 =	vld [tilespmem:$0x7D30]  }
0xf0: {  	v31 =	vld [tilespmem:$0x7D40]  }
0xf1: {  	v34 =	vld [tilespmem:$0x7D60]  }
0xf2: {  	v32 =	vld [tilespmem:$0x7D50];
	v33 =	vperm.xlane v16, v0  }
0xf3: {  	v38 =	vld [tilespmem:$0x7D80];
	v35 =	vperm.xlane v16, v1;
	v37 =	vperm.xlane v16, v2  }
0xf4: {  	v36 =	vld [tilespmem:$0x7D70];
	v39 =	vperm.xlane v16, v3;
	v17 =	vmul.f32 v17, v33  }
0xf5: {  	v42 =	vld [tilespmem:$0x7DA0];
	v41 =	vperm.xlane v16, v4;
	v18 =	vmul.f32 v31, v35  }
0xf6: {  	v40 =	vld [tilespmem:$0x7D90];
	v44 =	vperm.xlane v16, v5;
	v43 =	vmul.f32 v34, v39;
	[tilespmem:$0x7D30] =	vst v17  }
0xf7: {  	v47 =	vld [tilespmem:$0x7DC0];
	v46 =	vperm.xlane v16, v6;
	v17 =	vmul.f32 v32, v37;
	[tilespmem:$0x7D40] =	vst v18  }
0xf8: {  	v45 =	vld [tilespmem:$0x7DB0];
	v49 =	vperm.xlane v16, v7;
	v48 =	vmul.f32 v38, v44;
	[tilespmem:$0x7D60] =	vst v43  }
0xf9: {  	v52 =	vld [tilespmem:$0x7DE0];
	v51 =	vperm.xlane v16, v8;
	[tilespmem:$0x7D50] =	vst v17;
	v17 =	vmul.f32 v36, v41  }
0xfa: {  	v50 =	vld [tilespmem:$0x7DD0];
	v54 =	vperm.xlane v16, v9;
	v53 =	vmul.f32 v42, v49;
	[tilespmem:$0x7D80] =	vst v48  }
0xfb: {  	v57 =	vld [tilespmem:$0x7E00];
	v56 =	vperm.xlane v16, v10;
	[tilespmem:$0x7D70] =	vst v17;
	v17 =	vmul.f32 v40, v46  }
0xfc: {  	v55 =	vld [tilespmem:$0x7DF0];
	v59 =	vperm.xlane v16, v11;
	v58 =	vmul.f32 v47, v54;
	[tilespmem:$0x7DA0] =	vst v53  }
0xfd: {  	v62 =	vld [tilespmem:$0x7E20];
	v61 =	vperm.xlane v16, v12;
	[tilespmem:$0x7D90] =	vst v17;
	v17 =	vmul.f32 v45, v51  }
0xfe: {  	v60 =	vld [tilespmem:$0x7E10];
	v25 =	vperm.xlane v16, v13;
	v63 =	vmul.f32 v52, v59;
	[tilespmem:$0x7DC0] =	vst v58  }
0xff: {  	v26 =	vperm.xlane v16, v14;
	[tilespmem:$0x7DB0] =	vst v17;
	v17 =	vmul.f32 v50, v56  }
0x100: {  	v16 =	vperm.xlane v16, v15;
	v27 =	vmul.f32 v57, v25;
	[tilespmem:$0x7DE0] =	vst v63  }
0x101: {  	[tilespmem:$0x7DD0] =	vst v17;
	v17 =	vmul.f32 v55, v61  }
0x102: {  	v16 =	vmul.f32 v62, v16;
	[tilespmem:$0x7E00] =	vst v27  }
0x103: {  	[tilespmem:$0x7DF0] =	vst v17;
	v17 =	vmul.f32 v60, v26  }
0x104: {  	[tilespmem:$0x7E20] =	vst v16  }
0x105: {  	[tilespmem:$0x7E10] =	vst v17  }
0x106: {  	v16 =	vld [tilespmem:s22+$0x4EB0];
	_ =	sdelay $0x1  }
0x107: {  	v17 =	vld [tilespmem:$0x7E30]  }
0x108: {  	v28 =	vld [tilespmem:$0x7E40]  }
0x109: {  	v31 =	vld [tilespmem:$0x7E60]  }
0x10a: {  	v29 =	vld [tilespmem:$0x7E50];
	v30 =	vperm.xlane v16, v0  }
0x10b: {  	v35 =	vld [tilespmem:$0x7E80];
	v32 =	vperm.xlane v16, v1;
	v34 =	vperm.xlane v16, v2  }
0x10c: {  	v33 =	vld [tilespmem:$0x7E70];
	v36 =	vperm.xlane v16, v3;
	v17 =	vmul.f32 v17, v30  }
0x10d: {  	v39 =	vld [tilespmem:$0x7EA0];
	v38 =	vperm.xlane v16, v4;
	v18 =	vmul.f32 v28, v32  }
0x10e: {  	v37 =	vld [tilespmem:$0x7E90];
	v41 =	vperm.xlane v16, v5;
	v40 =	vmul.f32 v31, v36;
	[tilespmem:$0x7E30] =	vst v17  }
0x10f: {  	v44 =	vld [tilespmem:$0x7EC0];
	v43 =	vperm.xlane v16, v6;
	v17 =	vmul.f32 v29, v34;
	[tilespmem:$0x7E40] =	vst v18  }
0x110: {  	v42 =	vld [tilespmem:$0x7EB0];
	v46 =	vperm.xlane v16, v7;
	v45 =	vmul.f32 v35, v41;
	[tilespmem:$0x7E60] =	vst v40  }
0x111: {  	v49 =	vld [tilespmem:$0x7EE0];
	v48 =	vperm.xlane v16, v8;
	[tilespmem:$0x7E50] =	vst v17;
	v17 =	vmul.f32 v33, v38  }
0x112: {  	v47 =	vld [tilespmem:$0x7ED0];
	v51 =	vperm.xlane v16, v9;
	v50 =	vmul.f32 v39, v46;
	[tilespmem:$0x7E80] =	vst v45  }
0x113: {  	v54 =	vld [tilespmem:$0x7F00];
	v53 =	vperm.xlane v16, v10;
	[tilespmem:$0x7E70] =	vst v17;
	v17 =	vmul.f32 v37, v43  }
0x114: {  	v52 =	vld [tilespmem:$0x7EF0];
	v56 =	vperm.xlane v16, v11;
	v55 =	vmul.f32 v44, v51;
	[tilespmem:$0x7EA0] =	vst v50  }
0x115: {  	v59 =	vld [tilespmem:$0x7F20];
	v58 =	vperm.xlane v16, v12;
	[tilespmem:$0x7E90] =	vst v17;
	v17 =	vmul.f32 v42, v48  }
0x116: {  	v57 =	vld [tilespmem:$0x7F10];
	v61 =	vperm.xlane v16, v13;
	v60 =	vmul.f32 v49, v56;
	[tilespmem:$0x7EC0] =	vst v55  }
0x117: {  	v62 =	vperm.xlane v16, v14;
	[tilespmem:$0x7EB0] =	vst v17;
	v17 =	vmul.f32 v47, v53  }
0x118: {  	v16 =	vperm.xlane v16, v15;
	v63 =	vmul.f32 v54, v61;
	[tilespmem:$0x7EE0] =	vst v60  }
0x119: {  	[tilespmem:$0x7ED0] =	vst v17;
	v17 =	vmul.f32 v52, v58  }
0x11a: {  	v16 =	vmul.f32 v59, v16;
	[tilespmem:$0x7F00] =	vst v63  }
0x11b: {  	[tilespmem:$0x7EF0] =	vst v17;
	v17 =	vmul.f32 v57, v62  }
0x11c: {  	p1 =	sne.s32 s21, $0x9880;
	[tilespmem:$0x7F20] =	vst v16  }
.Ltmp0:
0x11d: {  	s22 =	sadd.s32 $0x2760, s22;
	[tilespmem:$0x7F10] =	vst v17;
	(pc) =	sbr.rel @p1 .LBB2_2-.Ltmp0, $4  }
0x11e: {  	[spmem:s1] =	stream.indirect.scatter.add.f32 [tilespmem:s17], [sflag:$0x3], $0x10, s22, s14, $0xb8;
	[tilespmem:$0xA640] =	vst v63  }
0x11f: {  	_ =	swait.ge [sflag:s10], $0x500  }
0x120: {  	[sflag:s10] =	ssyncset.done $0x0  }
0x121: {  	s21 =	sadd.s32 $0x280, s21;
	[sflag:s10] =	ssyncadd.s32 $0xFFFFFB00  }
0x122: {  	_ =	swait.ge [sflag:s16], $0x500  }
0x123: {  	[sflag:s16] =	ssyncset.done $0x0  }
0x124: {  	[sflag:s16] =	ssyncadd.s32 $0xFFFFFB00  }
0x125: {  	v16 =	vld [tilespmem:$0x74E0]  }
0x126: {  	v17 =	vld [tilespmem:$0x7530]  }
0x127: {  	v18 =	vld [tilespmem:$0x7540]  }
0x128: {  	v19 =	vld [tilespmem:$0x7550]  }
0x129: {  	v20 =	vld [tilespmem:$0x7560]  }
0x12a: {  	v21 =	vld [tilespmem:$0x7570]  }
0x12b: {  	v22 =	vld [tilespmem:$0x7580]  }
0x12c: {  	v23 =	vld [tilespmem:$0x7590]  }
0x12d: {  	v25 =	vld [tilespmem:$0x75A0];
	v24 =	vperm.xlane v16, v0  }
0x12e: {  	v27 =	vld [tilespmem:$0x75B0];
	v26 =	vperm.xlane v16, v1;
	v46 =	vperm.xlane v16, v2  }
0x12f: {  	v28 =	vld [tilespmem:$0x75C0];
	v47 =	vperm.xlane v16, v3;
	v17 =	vmul.f32 v17, v24  }
0x130: {  	v29 =	vld [tilespmem:$0x75D0];
	v48 =	vperm.xlane v16, v4;
	v18 =	vmul.f32 v18, v26  }
0x131: {  	v49 =	vld [tilespmem:$0x75E0];
	v51 =	vperm.xlane v16, v5;
	v50 =	vmul.f32 v20, v47;
	[tilespmem:$0x7530] =	vst v17  }
0x132: {  	v52 =	vld [tilespmem:$0x75F0];
	v53 =	vperm.xlane v16, v6;
	v17 =	vmul.f32 v19, v46;
	[tilespmem:$0x7540] =	vst v18  }
0x133: {  	v54 =	vld [tilespmem:$0x7600];
	v56 =	vperm.xlane v16, v7;
	v55 =	vmul.f32 v22, v51;
	[tilespmem:$0x7560] =	vst v50  }
0x134: {  	v57 =	vld [tilespmem:$0x7610];
	v58 =	vperm.xlane v16, v8;
	[tilespmem:$0x7550] =	vst v17;
	v17 =	vmul.f32 v21, v48  }
0x135: {  	v59 =	vld [tilespmem:$0x7620];
	v61 =	vperm.xlane v16, v9;
	v60 =	vmul.f32 v25, v56;
	[tilespmem:$0x7580] =	vst v55  }
0x136: {  	v63 =	vld [tilespmem:$0x7630];
	v62 =	vperm.xlane v16, v10;
	[tilespmem:$0x7570] =	vst v17;
	v17 =	vmul.f32 v23, v53  }
0x137: {  	v34 =	vld [tilespmem:$0x7640];
	v33 =	vperm.xlane v16, v11;
	v32 =	vmul.f32 v28, v61;
	[tilespmem:$0x75A0] =	vst v60  }
0x138: {  	v35 =	vperm.xlane v16, v12;
	v25 =	vld [tilespmem:$0x74F0];
	[tilespmem:$0x7590] =	vst v17;
	v17 =	vmul.f32 v27, v58  }
0x139: {  	v36 =	vld [tilespmem:$0x7650];
	v38 =	vperm.xlane v16, v13;
	v37 =	vmul.f32 v49, v33;
	[tilespmem:$0x75C0] =	vst v32  }
0x13a: {  	v39 =	vld [tilespmem:$0x7660];
	v40 =	vperm.xlane v16, v14;
	[tilespmem:$0x75B0] =	vst v17;
	v17 =	vmul.f32 v29, v62  }
0x13b: {  	v41 =	vld [tilespmem:$0x7670];
	v16 =	vperm.xlane v16, v15;
	v42 =	vmul.f32 v54, v38;
	[tilespmem:$0x75E0] =	vst v37  }
0x13c: {  	v43 =	vld [tilespmem:$0x7680];
	[tilespmem:$0x75D0] =	vst v17;
	v17 =	vmul.f32 v52, v35  }
0x13d: {  	v45 =	vld [tilespmem:$0x7690];
	v16 =	vmul.f32 v59, v16;
	[tilespmem:$0x7600] =	vst v42;
	v46 =	vperm.xlane v25, v1  }
0x13e: {  	v30 =	vld [tilespmem:$0x7820];
	v44 =	vperm.xlane v25, v0;
	[tilespmem:$0x75F0] =	vst v17;
	v17 =	vmul.f32 v57, v40  }
0x13f: {  	v47 =	vld [tilespmem:$0x76A0];
	[tilespmem:$0x7620] =	vst v16;
	v50 =	vperm.xlane v25, v3;
	v16 =	vmul.f32 v34, v46  }
0x140: {  	v49 =	vld [tilespmem:$0x76B0];
	v48 =	vperm.xlane v25, v2;
	[tilespmem:$0x7610] =	vst v17;
	v17 =	vmul.f32 v63, v44  }
0x141: {  	v51 =	vld [tilespmem:$0x76C0];
	v54 =	vperm.xlane v25, v5;
	[tilespmem:$0x7640] =	vst v16;
	v16 =	vmul.f32 v39, v50  }
0x142: {  	v59 =	vld [tilespmem:$0x7700];
	v52 =	vperm.xlane v25, v4;
	[tilespmem:$0x7630] =	vst v17;
	v17 =	vmul.f32 v36, v48  }
0x143: {  	v61 =	vld [tilespmem:$0x7710];
	v58 =	vperm.xlane v25, v7;
	[tilespmem:$0x7660] =	vst v16;
	v16 =	vmul.f32 v43, v54  }
0x144: {  	v55 =	vld [tilespmem:$0x76E0];
	v56 =	vperm.xlane v25, v6;
	[tilespmem:$0x7650] =	vst v17;
	v17 =	vmul.f32 v41, v52  }
0x145: {  	v53 =	vld [tilespmem:$0x76D0];
	v62 =	vperm.xlane v25, v9;
	[tilespmem:$0x7680] =	vst v16;
	v16 =	vmul.f32 v47, v58  }
0x146: {  	v60 =	vperm.xlane v25, v8;
	v23 =	vld [tilespmem:$0x7500];
	[tilespmem:$0x7670] =	vst v17;
	v17 =	vmul.f32 v45, v56  }
0x147: {  	v33 =	vperm.xlane v25, v11;
	v57 =	vld [tilespmem:$0x76F0];
	[tilespmem:$0x76A0] =	vst v16;
	v16 =	vmul.f32 v51, v62  }
0x148: {  	v32 =	vperm.xlane v25, v10;
	v63 =	vld [tilespmem:$0x7720];
	[tilespmem:$0x7690] =	vst v17;
	v17 =	vmul.f32 v49, v60  }
0x149: {  	v38 =	vld [tilespmem:$0x7750];
	v37 =	vperm.xlane v25, v13;
	[tilespmem:$0x76C0] =	vst v16;
	v16 =	vmul.f32 v55, v33  }
0x14a: {  	v35 =	vperm.xlane v25, v12;
	v36 =	vld [tilespmem:$0x7740];
	[tilespmem:$0x76B0] =	vst v17;
	v17 =	vmul.f32 v53, v32  }
0x14b: {  	v34 =	vld [tilespmem:$0x7730];
	[tilespmem:$0x76E0] =	vst v16;
	v16 =	vmul.f32 v59, v37;
	v41 =	vperm.xlane v25, v15  }
0x14c: {  	v39 =	vperm.xlane v25, v14;
	v40 =	vld [tilespmem:$0x7760];
	[tilespmem:$0x76D0] =	vst v17;
	v17 =	vmul.f32 v57, v35  }
0x14d: {  	v24 =	vld [tilespmem:$0x7510];
	[tilespmem:$0x7700] =	vst v16;
	v16 =	vmul.f32 v63, v41;
	v45 =	vperm.xlane v23, v1  }
0x14e: {  	v43 =	vperm.xlane v23, v0;
	v44 =	vld [tilespmem:$0x7780];
	[tilespmem:$0x76F0] =	vst v17;
	v17 =	vmul.f32 v61, v39  }
0x14f: {  	v42 =	vld [tilespmem:$0x7770];
	[tilespmem:$0x7720] =	vst v16;
	v16 =	vmul.f32 v36, v45;
	v49 =	vperm.xlane v23, v3  }
0x150: {  	v47 =	vperm.xlane v23, v2;
	v48 =	vld [tilespmem:$0x77A0];
	[tilespmem:$0x7710] =	vst v17;
	v17 =	vmul.f32 v34, v43  }
0x151: {  	v46 =	vld [tilespmem:$0x7790];
	[tilespmem:$0x7740] =	vst v16;
	v16 =	vmul.f32 v40, v49;
	v53 =	vperm.xlane v23, v5  }
0x152: {  	v51 =	vperm.xlane v23, v4;
	v52 =	vld [tilespmem:$0x77C0];
	[tilespmem:$0x7730] =	vst v17;
	v17 =	vmul.f32 v38, v47  }
0x153: {  	v50 =	vld [tilespmem:$0x77B0];
	[tilespmem:$0x7760] =	vst v16;
	v16 =	vmul.f32 v44, v53;
	v57 =	vperm.xlane v23, v7  }
0x154: {  	v55 =	vperm.xlane v23, v6;
	v56 =	vld [tilespmem:$0x77E0];
	[tilespmem:$0x7750] =	vst v17;
	v17 =	vmul.f32 v42, v51  }
0x155: {  	v54 =	vld [tilespmem:$0x77D0];
	[tilespmem:$0x7780] =	vst v16;
	v16 =	vmul.f32 v48, v57;
	v61 =	vperm.xlane v23, v9  }
0x156: {  	v59 =	vperm.xlane v23, v8;
	v60 =	vld [tilespmem:$0x7800];
	[tilespmem:$0x7770] =	vst v17;
	v17 =	vmul.f32 v46, v55  }
0x157: {  	v31 =	vperm.xlane v23, v11;
	v58 =	vld [tilespmem:$0x77F0];
	[tilespmem:$0x77A0] =	vst v16;
	v16 =	vmul.f32 v52, v61  }
0x158: {  	v22 =	vld [tilespmem:$0x7520];
	v63 =	vperm.xlane v23, v10;
	[tilespmem:$0x7790] =	vst v17;
	v17 =	vmul.f32 v50, v59  }
0x159: {  	v62 =	vld [tilespmem:$0x7810];
	v34 =	vperm.xlane v23, v13;
	[tilespmem:$0x77C0] =	vst v16;
	v16 =	vmul.f32 v56, v31  }
0x15a: {  	v32 =	vperm.xlane v23, v12;
	v35 =	vld [tilespmem:$0x7840];
	[tilespmem:$0x77B0] =	vst v17;
	v17 =	vmul.f32 v54, v63  }
0x15b: {  	v33 =	vld [tilespmem:$0x7830];
	v38 =	vperm.xlane v23, v15;
	[tilespmem:$0x77E0] =	vst v16;
	v16 =	vmul.f32 v60, v34  }
0x15c: {  	v36 =	vperm.xlane v23, v14;
	v39 =	vld [tilespmem:$0x7860];
	[tilespmem:$0x77D0] =	vst v17;
	v17 =	vmul.f32 v58, v32  }
0x15d: {  	v37 =	vld [tilespmem:$0x7850];
	v42 =	vperm.xlane v24, v1;
	[tilespmem:$0x7800] =	vst v16;
	v16 =	vmul.f32 v30, v38  }
0x15e: {  	v40 =	vperm.xlane v24, v0;
	v43 =	vld [tilespmem:$0x7880];
	[tilespmem:$0x77F0] =	vst v17;
	v17 =	vmul.f32 v62, v36  }
0x15f: {  	v41 =	vld [tilespmem:$0x7870];
	v46 =	vperm.xlane v24, v3;
	[tilespmem:$0x7820] =	vst v16;
	v16 =	vmul.f32 v35, v42  }
0x160: {  	v44 =	vperm.xlane v24, v2;
	v47 =	vld [tilespmem:$0x78A0];
	[tilespmem:$0x7810] =	vst v17;
	v17 =	vmul.f32 v33, v40  }
0x161: {  	v45 =	vld [tilespmem:$0x7890];
	v50 =	vperm.xlane v24, v5;
	[tilespmem:$0x7840] =	vst v16;
	v16 =	vmul.f32 v39, v46  }
0x162: {  	v48 =	vperm.xlane v24, v4;
	v51 =	vld [tilespmem:$0x78C0];
	[tilespmem:$0x7830] =	vst v17;
	v17 =	vmul.f32 v37, v44  }
0x163: {  	v49 =	vld [tilespmem:$0x78B0];
	v54 =	vperm.xlane v24, v7;
	[tilespmem:$0x7860] =	vst v16;
	v16 =	vmul.f32 v43, v50  }
0x164: {  	v52 =	vperm.xlane v24, v6;
	v55 =	vld [tilespmem:$0x78E0];
	[tilespmem:$0x7850] =	vst v17;
	v17 =	vmul.f32 v41, v48  }
0x165: {  	v53 =	vld [tilespmem:$0x78D0];
	v58 =	vperm.xlane v24, v9;
	[tilespmem:$0x7880] =	vst v16;
	v16 =	vmul.f32 v47, v54  }
0x166: {  	v56 =	vperm.xlane v24, v8;
	v59 =	vld [tilespmem:$0x7900];
	[tilespmem:$0x7870] =	vst v17;
	v17 =	vmul.f32 v45, v52  }
0x167: {  	v57 =	vld [tilespmem:$0x78F0];
	v62 =	vperm.xlane v24, v11;
	[tilespmem:$0x78A0] =	vst v16;
	v16 =	vmul.f32 v51, v58  }
0x168: {  	v28 =	vld [tilespmem:$0x7920];
	v60 =	vperm.xlane v24, v10;
	[tilespmem:$0x7890] =	vst v17;
	v17 =	vmul.f32 v49, v56  }
0x169: {  	v29 =	vperm.xlane v24, v13;
	v61 =	vld [tilespmem:$0x7910];
	[tilespmem:$0x78C0] =	vst v16;
	v16 =	vmul.f32 v55, v62  }
0x16a: {  	v63 =	vperm.xlane v24, v12;
	v32 =	vld [tilespmem:$0x7940];
	[tilespmem:$0x78B0] =	vst v17;
	v17 =	vmul.f32 v53, v60  }
0x16b: {  	v30 =	vld [tilespmem:$0x7930];
	v33 =	vperm.xlane v24, v15;
	[tilespmem:$0x78E0] =	vst v16;
	v16 =	vmul.f32 v59, v29  }
0x16c: {  	v31 =	vperm.xlane v24, v14;
	v36 =	vld [tilespmem:$0x7960];
	[tilespmem:$0x78D0] =	vst v17;
	v17 =	vmul.f32 v57, v63  }
0x16d: {  	v34 =	vld [tilespmem:$0x7950];
	v37 =	vperm.xlane v22, v1;
	[tilespmem:$0x7900] =	vst v16;
	v16 =	vmul.f32 v28, v33  }
0x16e: {  	v35 =	vperm.xlane v22, v0;
	v40 =	vld [tilespmem:$0x7980];
	[tilespmem:$0x78F0] =	vst v17;
	v17 =	vmul.f32 v61, v31  }
0x16f: {  	v38 =	vld [tilespmem:$0x7970];
	v41 =	vperm.xlane v22, v3;
	[tilespmem:$0x7920] =	vst v16;
	v16 =	vmul.f32 v32, v37  }
0x170: {  	v39 =	vperm.xlane v22, v2;
	v44 =	vld [tilespmem:$0x79A0];
	[tilespmem:$0x7910] =	vst v17;
	v17 =	vmul.f32 v30, v35  }
0x171: {  	v42 =	vld [tilespmem:$0x7990];
	v45 =	vperm.xlane v22, v5;
	[tilespmem:$0x7940] =	vst v16;
	v16 =	vmul.f32 v36, v41  }
0x172: {  	v43 =	vperm.xlane v22, v4;
	v48 =	vld [tilespmem:$0x79C0];
	[tilespmem:$0x7930] =	vst v17;
	v17 =	vmul.f32 v34, v39  }
0x173: {  	v46 =	vld [tilespmem:$0x79B0];
	v49 =	vperm.xlane v22, v7;
	[tilespmem:$0x7960] =	vst v16;
	v16 =	vmul.f32 v40, v45  }
0x174: {  	v47 =	vperm.xlane v22, v6;
	v52 =	vld [tilespmem:$0x79E0];
	[tilespmem:$0x7950] =	vst v17;
	v17 =	vmul.f32 v38, v43  }
0x175: {  	v50 =	vld [tilespmem:$0x79D0];
	v53 =	vperm.xlane v22, v9;
	[tilespmem:$0x7980] =	vst v16;
	v16 =	vmul.f32 v44, v49  }
0x176: {  	v51 =	vperm.xlane v22, v8;
	v56 =	vld [tilespmem:$0x7A00];
	[tilespmem:$0x7970] =	vst v17;
	v17 =	vmul.f32 v42, v47  }
0x177: {  	v54 =	vld [tilespmem:$0x79F0];
	v57 =	vperm.xlane v22, v11;
	[tilespmem:$0x79A0] =	vst v16;
	v16 =	vmul.f32 v48, v53  }
0x178: {  	v55 =	vperm.xlane v22, v10;
	v60 =	vld [tilespmem:$0x7A20];
	[tilespmem:$0x7990] =	vst v17;
	v17 =	vmul.f32 v46, v51  }
0x179: {  	v58 =	vld [tilespmem:$0x7A10];
	v61 =	vperm.xlane v22, v13;
	[tilespmem:$0x79C0] =	vst v16;
	v16 =	vmul.f32 v52, v57  }
0x17a: {  	v59 =	vperm.xlane v22, v12;
	[tilespmem:$0x79B0] =	vst v17;
	v17 =	vmul.f32 v50, v55  }
0x17b: {  	v63 =	vperm.xlane v22, v15;
	[tilespmem:$0x79E0] =	vst v16;
	v16 =	vmul.f32 v56, v61  }
0x17c: {  	v62 =	vperm.xlane v22, v14;
	[tilespmem:$0x79D0] =	vst v17;
	v17 =	vmul.f32 v54, v59  }
0x17d: {  	[tilespmem:$0x7A00] =	vst v16;
	v16 =	vmul.f32 v60, v63  }
0x17e: {  	[tilespmem:$0x79F0] =	vst v17;
	v17 =	vmul.f32 v58, v62  }
0x17f: {  	[tilespmem:$0x7A20] =	vst v16  }
0x180: {  	[tilespmem:$0x7A10] =	vst v17  }
0x181: {  	[spmem:s1] =	stream.indirect.scatter.add.f32 [tilespmem:s15], [sflag:$0x3], $0x10, s19, s14, $0xb8;
	[tilespmem:$0xA640] =	vst v63  }
0x182: {  	_ =	swait.ge [sflag:s10], $0x500  }
0x183: {  	[sflag:s10] =	ssyncset.done $0x0  }
0x184: {  	s20 =	sadd.s32 $0x1, s20;
	[sflag:s10] =	ssyncadd.s32 $0xFFFFFB00  }
0x185: {  	s21 =	simm.s32 @!p0 $0x1C03;
	p1 =	sne.s32 s20, s9;
	[bflag:$0x0] =	sbarrier.arrive $0xFFFF  }
0x186: {  	[hbm:s8], [sflag:s21] =	dma.local @!p0 [spmem:s13], $0x4E20  }
.Ltmp1:
0x187: {  	_ = 	snop;
	(pc) =	sbr.rel @p1 .LBB2_1-.Ltmp1, $4  }
0x188: {  	s21 =	simm.s32 @!p0 $0x3  }
0x189: {  	_ =	swait.ge @!p0 [sflag:s21], $0x4E20  }
0x18a: {  	[sflag:s21] =	ssyncset.done @!p0 $0x0  }
0x18b: {  	[sflag:s21] =	ssyncadd.s32 @!p0 $0xFFFFB1E0  }
0x18c: {  	_ =	sfence.sel $0x180000  }
0x18d: {  	[bflag:$0x0] =	sbarrier.arrive $0xFFFF  }
0x18e: {  	_ =	strace $0x9000004A  }
0x18f: {  	s0 =	sadd.s32 @!p0 $0x100000, s0;
	[bflag:$0x2] =	sbarrier.arrive $0xFFFF  }
0x190: {  	[sflag:s0] =	ssyncadd.tile.s32 @!p0 $0x1;
	_ =	shalt  }
.Lfunc_end2:
_tile_overlayer_lowered:
.L_overlay_start_2:
0x191: {  	(tag) =	ssettag $0x2  }
0x192: {  	s0 =	rddreg [dreg:$0x0];
	s2 =	stileid.u32  }
0x193: {  	s1 =	rddreg [dreg:$0x1];
	p0 =	sne.s32 s2, $0x0  }
0x194: {  	s3 =	rddreg [dreg:$0x2];
	[bflag:$0x3] =	sbarrier.arrive $0xFFFF;
	s2 =	simm.s32 @!p0 $0x1C03  }
0x195: {  	[timem:s3], [sflag:s2] =	dma.local @!p0 [hbm:s0], s1  }
0x196: {  	s0 =	simm.s32 @!p0 $0x3  }
0x197: {  	_ =	swait.ge @!p0 [sflag:s0], s1  }
0x198: {  	s1 =	ssub.s32 @!p0 $0x0, s1;
	[sflag:s0] =	ssyncset.done @!p0 $0x0  }
0x199: {  	[sflag:s0] =	ssyncadd.s32 @!p0 s1  }
0x19a: {  	[bflag:$0x3] =	sbarrier.arrive $0xFFFF  }
0x19b: {  	_ =	shalt  }

</sc_bundles>
